<compile_context>
chip_gen: v7x
topology: tpu7x:2x2x1
jax: 0.10.2.dev20260603
libtpu: 0.0.44.dev20260713+nightly
codegen_flags: <defaults>
</compile_context>

<pallas_src>
import jax
import jax.numpy as jnp
from jax import lax
from jax.experimental import pallas as pl
from jax.experimental.pallas import tpu as pltpu
from jax.experimental.pallas import tpu_sc as plsc

N = 10000
E = 320000
D_IN = 128
HID = 64
D = 64
HALF = 32
NS = 16
L = 16
R = 632
NSTR = NS * R
CH = 128
NCH = 160
GRP = 4
NGRP = NCH // GRP
ROWBYTES = CH * HALF * 4
EPT = NCH * CH
E_PAD = NS * EPT
SINK = N
ALPHA = 0.9
ROWB = 2000

SUBS = ((0, 128), (128, 128), (256, 128), (384, 128), (512, 120))


def _rsqrt16(d):
    xi = lax.bitcast_convert_type(d, jnp.int32)
    yi = jnp.int32(0x5F3759DF) - (xi >> 1)
    y = lax.bitcast_convert_type(yi, jnp.float32)
    for _ in range(3):
        y = y * (1.5 - 0.5 * d * y * y)
    return y


def _sc_body(src_hbm, dst_hbm, h_hbm, deg_hbm, out_hbm,
             q_sh, acc_sh,
             sidx0, didx0, sidx1, didx1, sidx2, didx2, sidx3, didx3,
             rows0, rows1,
             z_v,
             g_v, s_v, is_v, a_v, q_v,
             si0, si1, si2, si3, gs0, gs1, gs2, gs3, ss0, ss1, ss2, ss3):
    c = lax.axis_index("c")
    s = lax.axis_index("s")
    node_base = s * R
    h_base = c * NSTR + node_base
    ebase = s * EPT

    rows = (rows0, rows1)
    sidxs = (sidx0, sidx1, sidx2, sidx3)
    didxs = (didx0, didx1, didx2, didx3)
    isems = (si0, si1, si2, si3)
    gsems = (gs0, gs1, gs2, gs3)
    ssems = (ss0, ss1, ss2, ss3)

    def fetch_idx(g, slot):
        pltpu.async_copy(src_hbm.at[pl.ds(ebase + g * GRP * CH, GRP * CH)],
                         sidxs[slot], isems[slot])
        pltpu.async_copy(dst_hbm.at[pl.ds(ebase + g * GRP * CH, GRP * CH)],
                         didxs[slot], isems[slot])

    def drain_idx(slot):
        pltpu.make_async_copy(src_hbm.at[pl.ds(0, GRP * CH)], sidxs[slot],
                              isems[slot]).wait()
        pltpu.make_async_copy(src_hbm.at[pl.ds(0, GRP * CH)], didxs[slot],
                              isems[slot]).wait()

    def drain_scatter(b):
        pltpu.make_async_copy(h_hbm.at[pl.ds(0, GRP * CH)], rows[b],
                              ssems[b]).wait()

    zeros16 = jnp.zeros((L,), jnp.float32)

    def init_row(i, _):
        z_v[i, pl.ds(0, L)] = zeros16
        z_v[i, pl.ds(L, L)] = zeros16
        return ()
    lax.fori_loop(0, CH, init_row, ())

    for off, sz in SUBS:
        pltpu.sync_copy(z_v.at[pl.ds(0, sz)], acc_sh.at[pl.ds(node_base + off, sz)])

    pltpu.sync_copy(deg_hbm.at[pl.ds(h_base, R)], s_v)

    def const_body(i, _):
        d = s_v[i, :] + 1.0
        is_v[i, :] = _rsqrt16(d)
        s_v[i, :] = ALPHA / d
        return ()
    lax.fori_loop(0, R, const_body, ())

    for off, sz in SUBS:
        pltpu.sync_copy(h_hbm.at[pl.ds(h_base + off, sz)], q_v.at[pl.ds(0, sz)])

        def h_body(i, _, off=off):
            isr = is_v[off + i, :]
            lo = q_v[i, pl.ds(0, L)] * isr
            hi = q_v[i, pl.ds(L, L)] * isr
            q_v[i, pl.ds(0, L)] = lo
            q_v[i, pl.ds(L, L)] = hi
            g_v[off + i, pl.ds(0, L)] = lo * (1.0 - ALPHA)
            g_v[off + i, pl.ds(L, L)] = hi * (1.0 - ALPHA)
            return ()
        lax.fori_loop(0, sz, h_body, ())
        pltpu.sync_copy(q_v.at[pl.ds(0, sz)], q_sh.at[pl.ds(node_base + off, sz)])
    plsc.subcore_barrier()

    def iter_body(t, _):
        for b in range(2):
            pltpu.async_copy(q_sh.at[pl.ds(0, GRP * CH)], rows[b], ssems[b])
        fetch_idx(0, 0)
        fetch_idx(1, 1)

        def edge_body(k, _):
            for j in range(4):
                g = 4 * k + j
                b = j % 2
                drain_idx(j)
                drain_scatter(b)
                d = pltpu.async_copy(q_sh.at[sidxs[j]], rows[b], gsems[b])
                fetch_idx(g + 2, (j + 2) % 4)
                d.wait()
                pltpu.async_copy(rows[b], acc_sh.at[didxs[j]],
                                 ssems[b], add=True)
            return ()
        lax.fori_loop(0, NGRP // 4, edge_body, ())
        for slot in range(2):
            drain_idx(slot)
        for b in range(2):
            drain_scatter(b)
        plsc.subcore_barrier()

        bufs = ((a_v, q_v, gs0, gs1), (rows0, rows1, gs2, gs3))
        pf = {}
        wq = {}
        wz = []

        def prefetch(i):
            off, sz = SUBS[i]
            av, qv, sa, sq = bufs[i % 2]
            pf[i] = (
                pltpu.async_copy(acc_sh.at[pl.ds(node_base + off, sz)],
                                 av.at[pl.ds(0, sz)], sa),
                pltpu.async_copy(q_sh.at[pl.ds(node_base + off, sz)],
                                 qv.at[pl.ds(0, sz)], sq))

        prefetch(0)
        for i, (off, sz) in enumerate(SUBS):
            av, qv, _, _ = bufs[i % 2]
            if i >= 1:
                wq[i - 1].wait()
            if i + 1 < len(SUBS):
                prefetch(i + 1)
            pf[i][0].wait()
            pf[i][1].wait()

            def comb_body(i2, _, off=off, av=av, qv=qv):
                sr = s_v[off + i2, :]
                av[i2, pl.ds(0, L)] = sr * (av[i2, pl.ds(0, L)] + qv[i2, pl.ds(0, L)]) + g_v[off + i2, pl.ds(0, L)]
                av[i2, pl.ds(L, L)] = sr * (av[i2, pl.ds(L, L)] + qv[i2, pl.ds(L, L)]) + g_v[off + i2, pl.ds(L, L)]
                return ()
            lax.fori_loop(0, sz, comb_body, ())
            wq[i] = pltpu.async_copy(av.at[pl.ds(0, sz)],
                                     q_sh.at[pl.ds(node_base + off, sz)], ss0)
            wz.append(pltpu.async_copy(z_v.at[pl.ds(0, sz)],
                                       acc_sh.at[pl.ds(node_base + off, sz)], ss1))
        wq[len(SUBS) - 1].wait()
        for d in wz:
            d.wait()
        plsc.subcore_barrier()
        return ()
    lax.fori_loop(0, 10, iter_body, ())

    for off, sz in SUBS:
        pltpu.sync_copy(q_sh.at[pl.ds(node_base + off, sz)], a_v.at[pl.ds(0, sz)])

        def out_body(i, _, off=off):
            isr = is_v[off + i, :]
            a_v[i, pl.ds(0, L)] = a_v[i, pl.ds(0, L)] / isr
            a_v[i, pl.ds(L, L)] = a_v[i, pl.ds(L, L)] / isr
            return ()
        lax.fori_loop(0, sz, out_body, ())
        pltpu.sync_copy(a_v.at[pl.ds(0, sz)], out_hbm.at[pl.ds(h_base + off, sz)])


def _deg_body(dst_hbm, deg_out, deg_sh, didx_v, ones_v, z16_v, sem):
    c = lax.axis_index("c")
    s = lax.axis_index("s")
    node_base = s * R
    ebase = s * EPT
    ones16 = jnp.ones((L,), jnp.float32)
    zeros16 = jnp.zeros((L,), jnp.float32)

    def init_row(i, _):
        ones_v[i, :] = ones16
        z16_v[i % CH, :] = zeros16
        return ()
    lax.fori_loop(0, GRP * CH, init_row, ())
    for off, sz in SUBS:
        pltpu.sync_copy(z16_v.at[pl.ds(0, sz)], deg_sh.at[pl.ds(node_base + off, sz)])
    plsc.subcore_barrier()

    def deg_body(g, _):
        pltpu.async_copy(dst_hbm.at[pl.ds(ebase + g * GRP * CH, GRP * CH)],
                         didx_v, sem).wait()
        pltpu.sync_copy(ones_v, deg_sh.at[didx_v], add=True)
        return ()
    lax.fori_loop(0, NGRP, deg_body, ())
    plsc.subcore_barrier()
    pltpu.sync_copy(deg_sh.at[pl.ds(node_base, R)],
                    deg_out.at[pl.ds(c * NSTR + node_base, R)])


_deg = pl.kernel(
    _deg_body,
    out_type=jax.ShapeDtypeStruct((2 * NSTR, L), jnp.float32),
    mesh=plsc.VectorSubcoreMesh(core_axis_name="c", subcore_axis_name="s"),
    compiler_params=pltpu.CompilerParams(use_tc_tiling_on_sc=False),
    scratch_types=[
        pltpu.VMEM_SHARED((NSTR, L), jnp.float32),
        pltpu.VMEM((GRP * CH,), jnp.int32),
        pltpu.VMEM((GRP * CH, L), jnp.float32),
        pltpu.VMEM((CH, L), jnp.float32),
        pltpu.SemaphoreType.DMA,
    ],
)


_sc_prop = pl.kernel(
    _sc_body,
    out_type=jax.ShapeDtypeStruct((2 * NSTR, HALF), jnp.float32),
    mesh=plsc.VectorSubcoreMesh(core_axis_name="c", subcore_axis_name="s"),
    compiler_params=pltpu.CompilerParams(use_tc_tiling_on_sc=False),
    scratch_types=[
        pltpu.VMEM_SHARED((NSTR, HALF), jnp.float32),
        pltpu.VMEM_SHARED((NSTR, HALF), jnp.float32),
        pltpu.VMEM((GRP * CH,), jnp.int32),
        pltpu.VMEM((GRP * CH,), jnp.int32),
        pltpu.VMEM((GRP * CH,), jnp.int32),
        pltpu.VMEM((GRP * CH,), jnp.int32),
        pltpu.VMEM((GRP * CH,), jnp.int32),
        pltpu.VMEM((GRP * CH,), jnp.int32),
        pltpu.VMEM((GRP * CH,), jnp.int32),
        pltpu.VMEM((GRP * CH,), jnp.int32),
        pltpu.VMEM((GRP * CH, HALF), jnp.float32),
        pltpu.VMEM((GRP * CH, HALF), jnp.float32),
        pltpu.VMEM((CH, HALF), jnp.float32),
        pltpu.VMEM((R, HALF), jnp.float32),
        pltpu.VMEM((R, L), jnp.float32),
        pltpu.VMEM((R, L), jnp.float32),
        pltpu.VMEM((CH, HALF), jnp.float32),
        pltpu.VMEM((CH, HALF), jnp.float32),
        pltpu.SemaphoreType.DMA,
        pltpu.SemaphoreType.DMA,
        pltpu.SemaphoreType.DMA,
        pltpu.SemaphoreType.DMA,
        pltpu.SemaphoreType.DMA,
        pltpu.SemaphoreType.DMA,
        pltpu.SemaphoreType.DMA,
        pltpu.SemaphoreType.DMA,
        pltpu.SemaphoreType.DMA,
        pltpu.SemaphoreType.DMA,
        pltpu.SemaphoreType.DMA,
        pltpu.SemaphoreType.DMA,
    ],
)


def _mlp_body(x_ref, w1_ref, b1_ref, w2_ref, b2_ref, o_ref):
    h1 = jnp.maximum(
        jnp.dot(x_ref[...], w1_ref[...], preferred_element_type=jnp.float32)
        + b1_ref[...], 0.0)
    o_ref[...] = jnp.maximum(
        jnp.dot(h1, w2_ref[...], preferred_element_type=jnp.float32)
        + b2_ref[...], 0.0)


_mlp = pl.pallas_call(
    _mlp_body,
    grid=(N // ROWB,),
    in_specs=[
        pl.BlockSpec((ROWB, D_IN), lambda i: (i, 0)),
        pl.BlockSpec((D_IN, HID), lambda i: (0, 0)),
        pl.BlockSpec((1, HID), lambda i: (0, 0)),
        pl.BlockSpec((HID, D), lambda i: (0, 0)),
        pl.BlockSpec((1, D), lambda i: (0, 0)),
    ],
    out_specs=pl.BlockSpec((ROWB, D), lambda i: (i, 0)),
    out_shape=jax.ShapeDtypeStruct((N, D), jnp.float32),
)


def _softmax_body(x_ref, o_ref):
    x = x_ref[...]
    m = jnp.max(x, axis=1, keepdims=True)
    e = jnp.exp(x - m)
    o_ref[...] = e / jnp.sum(e, axis=1, keepdims=True)


_softmax = pl.pallas_call(
    _softmax_body,
    grid=(N // ROWB,),
    in_specs=[pl.BlockSpec((ROWB, D), lambda i: (i, 0))],
    out_specs=pl.BlockSpec((ROWB, D), lambda i: (i, 0)),
    out_shape=jax.ShapeDtypeStruct((N, D), jnp.float32),
)


def kernel(features, edge_index, W1, b1, W2, b2):
    h = _mlp(features, W1, b1.reshape(1, HID), W2, b2.reshape(1, D))
    hp = jnp.pad(h, ((0, NSTR - N), (0, 0)))
    h2 = jnp.concatenate([hp[:, :HALF], hp[:, HALF:]], axis=0)
    src = edge_index[0].astype(jnp.int32)
    dst = edge_index[1].astype(jnp.int32)
    pad = jnp.full((E_PAD + 3 * GRP * CH - E,), SINK, jnp.int32)
    src1 = jnp.concatenate([src, pad])
    dst1 = jnp.concatenate([dst, pad])
    deg2 = _deg(dst1)
    p2 = _sc_prop(src1, dst1, h2, deg2)
    p = jnp.concatenate([p2[:N], p2[NSTR:NSTR + N]], axis=1)
    return _softmax(p)

# --- scband reference (transcript-rebuilt; emitter-appended) ---
"""Pipeline reference for scband-appnp-30897994727892 (READ-ONLY COPY).

The authoritative reference and input builder live on the scoring server;
editing this copy changes nothing except your own understanding.
"""

import jax, jax.numpy as jnp
import numpy as np

N = 10000
E = 320000
D_IN = 128
HID = 64
D_OUT = 64


def setup_inputs(seed: int = 0) -> dict:
    key = jax.random.key(seed)
    k1, k2, k3, k4 = jax.random.split(key, 4)
    features = jax.random.normal(k1, (N, D_IN), dtype=jnp.float32)
    edge_index = jax.random.randint(k2, (2, E), 0, N)
    W1 = jax.random.normal(k3, (D_IN, HID), dtype=jnp.float32) * 0.05
    b1 = jnp.zeros((HID,), dtype=jnp.float32)
    W2 = jax.random.normal(k4, (HID, D_OUT), dtype=jnp.float32) * 0.05
    b2 = jnp.zeros((D_OUT,), dtype=jnp.float32)
    return {"features": features, "edge_index": edge_index, "W1": W1, "b1": b1, "W2": W2, "b2": b2}


def reference(features, edge_index, W1, b1, W2, b2):
    # MLP (eval mode: dropout is identity)
    h = jax.nn.relu(features @ W1 + b1)
    h = jax.nn.relu(h @ W2 + b2)
    # pygrank PageRank(alpha=0.9, renormalize=True, max_iters=10):
    # renormalization trick -> add self-loops, symmetric normalization
    # A_hat = D^{-1/2} (A + I) D^{-1/2}; p_{t+1} = alpha * A_hat p_t + (1-alpha) * h
    src = edge_index[0]
    dst = edge_index[1]
    n = features.shape[0]
    deg = jnp.zeros((n,), dtype=jnp.float32).at[dst].add(1.0) + 1.0
    inv_sqrt_deg = 1.0 / jnp.sqrt(deg)
    norm = inv_sqrt_deg[src] * inv_sqrt_deg[dst]
    self_norm = (1.0 / deg)[:, None]
    alpha = 0.9
    p = h
    for _ in range(10):
        msg = p[src] * norm[:, None]
        agg = jnp.zeros_like(p).at[dst].add(msg) + p * self_norm
        p = alpha * agg + (1.0 - alpha) * h
    return jax.nn.softmax(p, axis=1)

if __name__ == "__main__":
    import jax
    _d = setup_inputs()
    print(jax.jit(kernel)(*tuple(_d.values())))

</pallas_src>

<mosaic_0001>
#map = affine_map<(d0, d1) -> (0)>
#map1 = affine_map<(d0, d1) -> (0, 0)>
module attributes {stable_mosaic.version = 14 : i64} {
  func.func @_deg_body(%arg0: i32, %arg1: i32, %arg2: memref<329216xi32, #tpu.memory_space<hbm>>, %arg3: memref<20224x16xf32, #tpu.memory_space<hbm>>, %arg4: memref<10112x16xf32, #tpu.memory_space<vmem_shared>>, %arg5: memref<512xi32, #tpu.memory_space<vmem>>, %arg6: memref<512x16xf32, #tpu.memory_space<vmem>>, %arg7: memref<128x16xf32, #tpu.memory_space<vmem>>, %arg8: memref<!tpu.dma_semaphore, #tpu.memory_space<semaphore_mem>>) attributes {dimension_semantics = [#tpu.dimension_semantics<core_parallel>, #tpu.dimension_semantics<subcore_parallel>], iteration_bounds = array<i64: 2, 16>, scalar_prefetch = 0 : i64, scratch_operands = 5 : i64, tpu.core_type = #tpu.core_type<sc_vector_subcore>, window_params = [{transform_indices = #map}, {transform_indices = #map1}]} {
    %mul3A = arith.constant 632 : i32
    %mul3A_0 = arith.muli %arg1, %mul3A : i32
    %mul3A_1 = arith.constant 20480 : i32
    %mul3A_2 = arith.muli %arg1, %mul3A_1 : i32
    %broadcast_in_dim3A = arith.constant 1.000000e+00 : f32
    %broadcast_in_dim3A_3 = vector.broadcast %broadcast_in_dim3A : f32 to vector<16xf32>
    %broadcast_in_dim3A_4 = arith.constant 0.000000e+00 : f32
    %broadcast_in_dim3A_5 = vector.broadcast %broadcast_in_dim3A_4 : f32 to vector<16xf32>
    %scan3A = arith.constant 0 : i32
    %scan3A_6 = arith.constant 512 : i32
    %scan3A_7 = arith.addi %scan3A, %scan3A_6 : i32
    %scan3A_8 = arith.constant 1 : i32
    scf.for %scan3A_28 = %scan3A to %scan3A_7 step %scan3A_8  : i32 {
      %swap3A = arith.index_cast %scan3A_28 : i32 to index
      %swap3A_29 = arith.constant 0 : index
      %swap3A_30 = tpu.vector_load %arg6[%swap3A, %swap3A_29] {strides = array<i32>} : memref<512x16xf32, #tpu.memory_space<vmem>>, vector<1x16xf32>,
      %swap3A_31 = vector.shape_cast %swap3A_30 : vector<1x16xf32> to vector<16xf32>
      %swap3A_32 = vector.shape_cast %broadcast_in_dim3A_3 : vector<16xf32> to vector<1x16xf32>
      tpu.vector_store %arg6[%swap3A, %swap3A_29], %swap3A_32 {strides = array<i32>} : memref<512x16xf32, #tpu.memory_space<vmem>>, vector<1x16xf32>,
      %jit3A = arith.constant 128 : i32
      %eq3A = arith.constant 0 : i32
      %eq3A_33 = arith.cmpi eq, %jit3A, %eq3A : i32
      %jit3A_34 = arith.constant 1 : i32
      %select_n3A = arith.select %eq3A_33, %jit3A_34, %jit3A : i32
      %rem3A = arith.remsi %scan3A_28, %select_n3A : i32
      %ne3A = arith.constant 0 : i32
      %ne3A_35 = arith.cmpi ne, %rem3A, %ne3A : i32
      %lt3A = arith.constant 0 : i32
      %lt3A_36 = arith.cmpi slt, %rem3A, %lt3A : i32
      %lt3A_37 = arith.constant 0 : i32
      %lt3A_38 = arith.cmpi slt, %select_n3A, %lt3A_37 : i32
      %ne3A_39 = arith.xori %lt3A_36, %lt3A_38 : i1
      %and3A = arith.andi %ne3A_39, %ne3A_35 : i1
      %add3A_40 = arith.addi %rem3A, %select_n3A : i32
      %select_n3A_41 = arith.select %and3A, %add3A_40, %rem3A : i32
      %swap3A_42 = arith.index_cast %select_n3A_41 : i32 to index
      %swap3A_43 = arith.constant 0 : index
      %swap3A_44 = tpu.vector_load %arg7[%swap3A_42, %swap3A_43] {strides = array<i32>} : memref<128x16xf32, #tpu.memory_space<vmem>>, vector<1x16xf32>,
      %swap3A_45 = vector.shape_cast %swap3A_44 : vector<1x16xf32> to vector<16xf32>
      %swap3A_46 = vector.shape_cast %broadcast_in_dim3A_5 : vector<16xf32> to vector<1x16xf32>
      tpu.vector_store %arg7[%swap3A_42, %swap3A_43], %swap3A_46 {strides = array<i32>} : memref<128x16xf32, #tpu.memory_space<vmem>>, vector<1x16xf32>,
    }
    %scan3A_9 = arith.constant 512 : i32
    %add3A = arith.constant 0 : i32
    %add3A_10 = arith.addi %mul3A_0, %add3A : i32
    "tpu.region"() ({
      %run_scoped3A = tpu.sem_alloc : memref<!tpu.dma_semaphore, #tpu.memory_space<semaphore_mem>>
      %dma_start3A = arith.constant 0 : i32
      %dma_start3A_28 = arith.constant 0 : i32
      %dma_start3A_29 = tpu.memref_slice %arg7[%dma_start3A, %dma_start3A_28] : memref<128x16xf32, #tpu.memory_space<vmem>> -> memref<128x16xf32, #tpu.memory_space<vmem>>
      %dma_start3A_30 = arith.constant 0 : i32
      %dma_start3A_31 = tpu.memref_slice %arg4[%add3A_10, %dma_start3A_30] : memref<10112x16xf32, #tpu.memory_space<vmem_shared>> -> memref<128x16xf32, #tpu.memory_space<vmem_shared>>
      %dma_start3A_32 = arith.constant 0 : i32
      %dma_start3A_33 = tpu.memref_slice %arg4[%add3A_10, %dma_start3A_32] : memref<10112x16xf32, #tpu.memory_space<vmem_shared>> -> memref<128x16xf32, #tpu.memory_space<vmem_shared>>
      %dma_start3A_34 = arith.constant 0 : i32
      %dma_start3A_35 = arith.constant 0 : i32
      %dma_start3A_36 = tpu.memref_slice %arg7[%dma_start3A_34, %dma_start3A_35] : memref<128x16xf32, #tpu.memory_space<vmem>> -> memref<128x16xf32, #tpu.memory_space<vmem>>
      tpu.enqueue_dma source(%dma_start3A_36 : memref<128x16xf32, #tpu.memory_space<vmem>>) target(%dma_start3A_33 : memref<128x16xf32, #tpu.memory_space<vmem_shared>>) target_semaphore(%run_scoped3A : memref<!tpu.dma_semaphore, #tpu.memory_space<semaphore_mem>>)
      %dma_wait3A = arith.constant 0 : i32
      %dma_wait3A_37 = arith.constant 0 : i32
      %dma_wait3A_38 = tpu.memref_slice %arg7[%dma_wait3A, %dma_wait3A_37] : memref<128x16xf32, #tpu.memory_space<vmem>> -> memref<128x16xf32, #tpu.memory_space<vmem>>
      %dma_wait3A_39 = arith.constant 0 : i32
      %dma_wait3A_40 = tpu.memref_slice %arg4[%add3A_10, %dma_wait3A_39] : memref<10112x16xf32, #tpu.memory_space<vmem_shared>> -> memref<128x16xf32, #tpu.memory_space<vmem_shared>>
      %dma_wait3A_41 = arith.constant 0 : i32
      %dma_wait3A_42 = tpu.memref_slice %arg4[%add3A_10, %dma_wait3A_41] : memref<10112x16xf32, #tpu.memory_space<vmem_shared>> -> memref<128x16xf32, #tpu.memory_space<vmem_shared>>
      %dma_wait3A_43 = arith.constant 0 : i32
      %dma_wait3A_44 = arith.constant 0 : i32
      %dma_wait3A_45 = tpu.memref_slice %arg7[%dma_wait3A_43, %dma_wait3A_44] : memref<128x16xf32, #tpu.memory_space<vmem>> -> memref<128x16xf32, #tpu.memory_space<vmem>>
      tpu.wait_dma2 semaphore(%run_scoped3A : memref<!tpu.dma_semaphore, #tpu.memory_space<semaphore_mem>>) src(%dma_wait3A_45 : memref<128x16xf32, #tpu.memory_space<vmem>>) dst(%dma_wait3A_42 : memref<128x16xf32, #tpu.memory_space<vmem_shared>>)
      tpu.yield
    }) : () -> ()
    %add3A_11 = arith.constant 128 : i32
    %add3A_12 = arith.addi %mul3A_0, %add3A_11 : i32
    "tpu.region"() ({
      %run_scoped3A = tpu.sem_alloc : memref<!tpu.dma_semaphore, #tpu.memory_space<semaphore_mem>>
      %dma_start3A = arith.constant 0 : i32
      %dma_start3A_28 = arith.constant 0 : i32
      %dma_start3A_29 = tpu.memref_slice %arg7[%dma_start3A, %dma_start3A_28] : memref<128x16xf32, #tpu.memory_space<vmem>> -> memref<128x16xf32, #tpu.memory_space<vmem>>
      %dma_start3A_30 = arith.constant 0 : i32
      %dma_start3A_31 = tpu.memref_slice %arg4[%add3A_12, %dma_start3A_30] : memref<10112x16xf32, #tpu.memory_space<vmem_shared>> -> memref<128x16xf32, #tpu.memory_space<vmem_shared>>
      %dma_start3A_32 = arith.constant 0 : i32
      %dma_start3A_33 = tpu.memref_slice %arg4[%add3A_12, %dma_start3A_32] : memref<10112x16xf32, #tpu.memory_space<vmem_shared>> -> memref<128x16xf32, #tpu.memory_space<vmem_shared>>
      %dma_start3A_34 = arith.constant 0 : i32
      %dma_start3A_35 = arith.constant 0 : i32
      %dma_start3A_36 = tpu.memref_slice %arg7[%dma_start3A_34, %dma_start3A_35] : memref<128x16xf32, #tpu.memory_space<vmem>> -> memref<128x16xf32, #tpu.memory_space<vmem>>
      tpu.enqueue_dma source(%dma_start3A_36 : memref<128x16xf32, #tpu.memory_space<vmem>>) target(%dma_start3A_33 : memref<128x16xf32, #tpu.memory_space<vmem_shared>>) target_semaphore(%run_scoped3A : memref<!tpu.dma_semaphore, #tpu.memory_space<semaphore_mem>>)
      %dma_wait3A = arith.constant 0 : i32
      %dma_wait3A_37 = arith.constant 0 : i32
      %dma_wait3A_38 = tpu.memref_slice %arg7[%dma_wait3A, %dma_wait3A_37] : memref<128x16xf32, #tpu.memory_space<vmem>> -> memref<128x16xf32, #tpu.memory_space<vmem>>
      %dma_wait3A_39 = arith.constant 0 : i32
      %dma_wait3A_40 = tpu.memref_slice %arg4[%add3A_12, %dma_wait3A_39] : memref<10112x16xf32, #tpu.memory_space<vmem_shared>> -> memref<128x16xf32, #tpu.memory_space<vmem_shared>>
      %dma_wait3A_41 = arith.constant 0 : i32
      %dma_wait3A_42 = tpu.memref_slice %arg4[%add3A_12, %dma_wait3A_41] : memref<10112x16xf32, #tpu.memory_space<vmem_shared>> -> memref<128x16xf32, #tpu.memory_space<vmem_shared>>
      %dma_wait3A_43 = arith.constant 0 : i32
      %dma_wait3A_44 = arith.constant 0 : i32
      %dma_wait3A_45 = tpu.memref_slice %arg7[%dma_wait3A_43, %dma_wait3A_44] : memref<128x16xf32, #tpu.memory_space<vmem>> -> memref<128x16xf32, #tpu.memory_space<vmem>>
      tpu.wait_dma2 semaphore(%run_scoped3A : memref<!tpu.dma_semaphore, #tpu.memory_space<semaphore_mem>>) src(%dma_wait3A_45 : memref<128x16xf32, #tpu.memory_space<vmem>>) dst(%dma_wait3A_42 : memref<128x16xf32, #tpu.memory_space<vmem_shared>>)
      tpu.yield
    }) : () -> ()
    %add3A_13 = arith.constant 256 : i32
    %add3A_14 = arith.addi %mul3A_0, %add3A_13 : i32
    "tpu.region"() ({
      %run_scoped3A = tpu.sem_alloc : memref<!tpu.dma_semaphore, #tpu.memory_space<semaphore_mem>>
      %dma_start3A = arith.constant 0 : i32
      %dma_start3A_28 = arith.constant 0 : i32
      %dma_start3A_29 = tpu.memref_slice %arg7[%dma_start3A, %dma_start3A_28] : memref<128x16xf32, #tpu.memory_space<vmem>> -> memref<128x16xf32, #tpu.memory_space<vmem>>
      %dma_start3A_30 = arith.constant 0 : i32
      %dma_start3A_31 = tpu.memref_slice %arg4[%add3A_14, %dma_start3A_30] : memref<10112x16xf32, #tpu.memory_space<vmem_shared>> -> memref<128x16xf32, #tpu.memory_space<vmem_shared>>
      %dma_start3A_32 = arith.constant 0 : i32
      %dma_start3A_33 = tpu.memref_slice %arg4[%add3A_14, %dma_start3A_32] : memref<10112x16xf32, #tpu.memory_space<vmem_shared>> -> memref<128x16xf32, #tpu.memory_space<vmem_shared>>
      %dma_start3A_34 = arith.constant 0 : i32
      %dma_start3A_35 = arith.constant 0 : i32
      %dma_start3A_36 = tpu.memref_slice %arg7[%dma_start3A_34, %dma_start3A_35] : memref<128x16xf32, #tpu.memory_space<vmem>> -> memref<128x16xf32, #tpu.memory_space<vmem>>
      tpu.enqueue_dma source(%dma_start3A_36 : memref<128x16xf32, #tpu.memory_space<vmem>>) target(%dma_start3A_33 : memref<128x16xf32, #tpu.memory_space<vmem_shared>>) target_semaphore(%run_scoped3A : memref<!tpu.dma_semaphore, #tpu.memory_space<semaphore_mem>>)
      %dma_wait3A = arith.constant 0 : i32
      %dma_wait3A_37 = arith.constant 0 : i32
      %dma_wait3A_38 = tpu.memref_slice %arg7[%dma_wait3A, %dma_wait3A_37] : memref<128x16xf32, #tpu.memory_space<vmem>> -> memref<128x16xf32, #tpu.memory_space<vmem>>
      %dma_wait3A_39 = arith.constant 0 : i32
      %dma_wait3A_40 = tpu.memref_slice %arg4[%add3A_14, %dma_wait3A_39] : memref<10112x16xf32, #tpu.memory_space<vmem_shared>> -> memref<128x16xf32, #tpu.memory_space<vmem_shared>>
      %dma_wait3A_41 = arith.constant 0 : i32
      %dma_wait3A_42 = tpu.memref_slice %arg4[%add3A_14, %dma_wait3A_41] : memref<10112x16xf32, #tpu.memory_space<vmem_shared>> -> memref<128x16xf32, #tpu.memory_space<vmem_shared>>
      %dma_wait3A_43 = arith.constant 0 : i32
      %dma_wait3A_44 = arith.constant 0 : i32
      %dma_wait3A_45 = tpu.memref_slice %arg7[%dma_wait3A_43, %dma_wait3A_44] : memref<128x16xf32, #tpu.memory_space<vmem>> -> memref<128x16xf32, #tpu.memory_space<vmem>>
      tpu.wait_dma2 semaphore(%run_scoped3A : memref<!tpu.dma_semaphore, #tpu.memory_space<semaphore_mem>>) src(%dma_wait3A_45 : memref<128x16xf32, #tpu.memory_space<vmem>>) dst(%dma_wait3A_42 : memref<128x16xf32, #tpu.memory_space<vmem_shared>>)
      tpu.yield
    }) : () -> ()
    %add3A_15 = arith.constant 384 : i32
    %add3A_16 = arith.addi %mul3A_0, %add3A_15 : i32
    "tpu.region"() ({
      %run_scoped3A = tpu.sem_alloc : memref<!tpu.dma_semaphore, #tpu.memory_space<semaphore_mem>>
      %dma_start3A = arith.constant 0 : i32
      %dma_start3A_28 = arith.constant 0 : i32
      %dma_start3A_29 = tpu.memref_slice %arg7[%dma_start3A, %dma_start3A_28] : memref<128x16xf32, #tpu.memory_space<vmem>> -> memref<128x16xf32, #tpu.memory_space<vmem>>
      %dma_start3A_30 = arith.constant 0 : i32
      %dma_start3A_31 = tpu.memref_slice %arg4[%add3A_16, %dma_start3A_30] : memref<10112x16xf32, #tpu.memory_space<vmem_shared>> -> memref<128x16xf32, #tpu.memory_space<vmem_shared>>
      %dma_start3A_32 = arith.constant 0 : i32
      %dma_start3A_33 = tpu.memref_slice %arg4[%add3A_16, %dma_start3A_32] : memref<10112x16xf32, #tpu.memory_space<vmem_shared>> -> memref<128x16xf32, #tpu.memory_space<vmem_shared>>
      %dma_start3A_34 = arith.constant 0 : i32
      %dma_start3A_35 = arith.constant 0 : i32
      %dma_start3A_36 = tpu.memref_slice %arg7[%dma_start3A_34, %dma_start3A_35] : memref<128x16xf32, #tpu.memory_space<vmem>> -> memref<128x16xf32, #tpu.memory_space<vmem>>
      tpu.enqueue_dma source(%dma_start3A_36 : memref<128x16xf32, #tpu.memory_space<vmem>>) target(%dma_start3A_33 : memref<128x16xf32, #tpu.memory_space<vmem_shared>>) target_semaphore(%run_scoped3A : memref<!tpu.dma_semaphore, #tpu.memory_space<semaphore_mem>>)
      %dma_wait3A = arith.constant 0 : i32
      %dma_wait3A_37 = arith.constant 0 : i32
      %dma_wait3A_38 = tpu.memref_slice %arg7[%dma_wait3A, %dma_wait3A_37] : memref<128x16xf32, #tpu.memory_space<vmem>> -> memref<128x16xf32, #tpu.memory_space<vmem>>
      %dma_wait3A_39 = arith.constant 0 : i32
      %dma_wait3A_40 = tpu.memref_slice %arg4[%add3A_16, %dma_wait3A_39] : memref<10112x16xf32, #tpu.memory_space<vmem_shared>> -> memref<128x16xf32, #tpu.memory_space<vmem_shared>>
      %dma_wait3A_41 = arith.constant 0 : i32
      %dma_wait3A_42 = tpu.memref_slice %arg4[%add3A_16, %dma_wait3A_41] : memref<10112x16xf32, #tpu.memory_space<vmem_shared>> -> memref<128x16xf32, #tpu.memory_space<vmem_shared>>
      %dma_wait3A_43 = arith.constant 0 : i32
      %dma_wait3A_44 = arith.constant 0 : i32
      %dma_wait3A_45 = tpu.memref_slice %arg7[%dma_wait3A_43, %dma_wait3A_44] : memref<128x16xf32, #tpu.memory_space<vmem>> -> memref<128x16xf32, #tpu.memory_space<vmem>>
      tpu.wait_dma2 semaphore(%run_scoped3A : memref<!tpu.dma_semaphore, #tpu.memory_space<semaphore_mem>>) src(%dma_wait3A_45 : memref<128x16xf32, #tpu.memory_space<vmem>>) dst(%dma_wait3A_42 : memref<128x16xf32, #tpu.memory_space<vmem_shared>>)
      tpu.yield
    }) : () -> ()
    %add3A_17 = arith.constant 512 : i32
    %add3A_18 = arith.addi %mul3A_0, %add3A_17 : i32
    "tpu.region"() ({
      %run_scoped3A = tpu.sem_alloc : memref<!tpu.dma_semaphore, #tpu.memory_space<semaphore_mem>>
      %dma_start3A = arith.constant 0 : i32
      %dma_start3A_28 = arith.constant 0 : i32
      %dma_start3A_29 = tpu.memref_slice %arg7[%dma_start3A, %dma_start3A_28] : memref<128x16xf32, #tpu.memory_space<vmem>> -> memref<120x16xf32, #tpu.memory_space<vmem>>
      %dma_start3A_30 = arith.constant 0 : i32
      %dma_start3A_31 = tpu.memref_slice %arg4[%add3A_18, %dma_start3A_30] : memref<10112x16xf32, #tpu.memory_space<vmem_shared>> -> memref<120x16xf32, #tpu.memory_space<vmem_shared>>
      %dma_start3A_32 = arith.constant 0 : i32
      %dma_start3A_33 = tpu.memref_slice %arg4[%add3A_18, %dma_start3A_32] : memref<10112x16xf32, #tpu.memory_space<vmem_shared>> -> memref<120x16xf32, #tpu.memory_space<vmem_shared>>
      %dma_start3A_34 = arith.constant 0 : i32
      %dma_start3A_35 = arith.constant 0 : i32
      %dma_start3A_36 = tpu.memref_slice %arg7[%dma_start3A_34, %dma_start3A_35] : memref<128x16xf32, #tpu.memory_space<vmem>> -> memref<120x16xf32, #tpu.memory_space<vmem>>
      tpu.enqueue_dma source(%dma_start3A_36 : memref<120x16xf32, #tpu.memory_space<vmem>>) target(%dma_start3A_33 : memref<120x16xf32, #tpu.memory_space<vmem_shared>>) target_semaphore(%run_scoped3A : memref<!tpu.dma_semaphore, #tpu.memory_space<semaphore_mem>>)
      %dma_wait3A = arith.constant 0 : i32
      %dma_wait3A_37 = arith.constant 0 : i32
      %dma_wait3A_38 = tpu.memref_slice %arg7[%dma_wait3A, %dma_wait3A_37] : memref<128x16xf32, #tpu.memory_space<vmem>> -> memref<120x16xf32, #tpu.memory_space<vmem>>
      %dma_wait3A_39 = arith.constant 0 : i32
      %dma_wait3A_40 = tpu.memref_slice %arg4[%add3A_18, %dma_wait3A_39] : memref<10112x16xf32, #tpu.memory_space<vmem_shared>> -> memref<120x16xf32, #tpu.memory_space<vmem_shared>>
      %dma_wait3A_41 = arith.constant 0 : i32
      %dma_wait3A_42 = tpu.memref_slice %arg4[%add3A_18, %dma_wait3A_41] : memref<10112x16xf32, #tpu.memory_space<vmem_shared>> -> memref<120x16xf32, #tpu.memory_space<vmem_shared>>
      %dma_wait3A_43 = arith.constant 0 : i32
      %dma_wait3A_44 = arith.constant 0 : i32
      %dma_wait3A_45 = tpu.memref_slice %arg7[%dma_wait3A_43, %dma_wait3A_44] : memref<128x16xf32, #tpu.memory_space<vmem>> -> memref<120x16xf32, #tpu.memory_space<vmem>>
      tpu.wait_dma2 semaphore(%run_scoped3A : memref<!tpu.dma_semaphore, #tpu.memory_space<semaphore_mem>>) src(%dma_wait3A_45 : memref<120x16xf32, #tpu.memory_space<vmem>>) dst(%dma_wait3A_42 : memref<120x16xf32, #tpu.memory_space<vmem_shared>>)
      tpu.yield
    }) : () -> ()
    %barrier3A = arith.constant 0 : index
    tpu.barrier barrier_id(%barrier3A)
    %scan3A_19 = arith.constant 0 : i32
    %scan3A_20 = arith.constant 40 : i32
    %scan3A_21 = arith.addi %scan3A_19, %scan3A_20 : i32
    %scan3A_22 = arith.constant 1 : i32
    scf.for %scan3A_28 = %scan3A_19 to %scan3A_21 step %scan3A_22  : i32 {
      %mul3A_29 = arith.constant 4 : i32
      %mul3A_30 = arith.muli %scan3A_28, %mul3A_29 : i32
      %mul3A_31 = arith.constant 128 : i32
      %mul3A_32 = arith.muli %mul3A_30, %mul3A_31 : i32
      %add3A_33 = arith.addi %mul3A_2, %mul3A_32 : i32
      %dma_start3A = tpu.memref_slice %arg2[%add3A_33] : memref<329216xi32, #tpu.memory_space<hbm>> -> memref<512xi32, #tpu.memory_space<hbm>>
      %dma_start3A_34 = tpu.memref_slice %arg2[%add3A_33] : memref<329216xi32, #tpu.memory_space<hbm>> -> memref<512xi32, #tpu.memory_space<hbm>>
      tpu.enqueue_dma source(%dma_start3A_34 : memref<512xi32, #tpu.memory_space<hbm>>) target(%arg5 : memref<512xi32, #tpu.memory_space<vmem>>) target_semaphore(%arg8 : memref<!tpu.dma_semaphore, #tpu.memory_space<semaphore_mem>>)
      %dma_wait3A = tpu.memref_slice %arg2[%add3A_33] : memref<329216xi32, #tpu.memory_space<hbm>> -> memref<512xi32, #tpu.memory_space<hbm>>
      %dma_wait3A_35 = tpu.memref_slice %arg2[%add3A_33] : memref<329216xi32, #tpu.memory_space<hbm>> -> memref<512xi32, #tpu.memory_space<hbm>>
      tpu.wait_dma2 semaphore(%arg8 : memref<!tpu.dma_semaphore, #tpu.memory_space<semaphore_mem>>) src(%dma_wait3A_35 : memref<512xi32, #tpu.memory_space<hbm>>) dst(%arg5 : memref<512xi32, #tpu.memory_space<vmem>>)
      "tpu.region"() ({
        %run_scoped3A = tpu.sem_alloc : memref<!tpu.dma_semaphore, #tpu.memory_space<semaphore_mem>>
        %dma_start3A_36 = arith.constant 0 : i32
        %dma_start3A_37 = arith.constant 0 : i32
        %dma_start3A_38 = tpu.memref_slice %arg4[%dma_start3A_36, %dma_start3A_37] : memref<10112x16xf32, #tpu.memory_space<vmem_shared>> -> memref<10112x16xf32, #tpu.memory_space<vmem_shared>>
        tpu.enqueue_indirect_dma source(%arg6 : memref<512x16xf32, #tpu.memory_space<vmem>>) target(%dma_start3A_38 : memref<10112x16xf32, #tpu.memory_space<vmem_shared>>) offsets(%arg5 : memref<512xi32, #tpu.memory_space<vmem>>) semaphore(%run_scoped3A : memref<!tpu.dma_semaphore, #tpu.memory_space<semaphore_mem>>) {add = true}
        %dma_wait3A_39 = arith.constant 0 : i32
        %dma_wait3A_40 = arith.constant 0 : i32
        %dma_wait3A_41 = tpu.memref_slice %arg4[%dma_wait3A_39, %dma_wait3A_40] : memref<10112x16xf32, #tpu.memory_space<vmem_shared>> -> memref<10112x16xf32, #tpu.memory_space<vmem_shared>>
        tpu.wait_indirect_dma semaphore(%run_scoped3A : memref<!tpu.dma_semaphore, #tpu.memory_space<semaphore_mem>>) src(%arg6 : memref<512x16xf32, #tpu.memory_space<vmem>>) dst(%dma_wait3A_41 : memref<10112x16xf32, #tpu.memory_space<vmem_shared>>)
        tpu.yield
      }) : () -> ()
    }
    %scan3A_23 = arith.constant 40 : i32
    %barrier3A_24 = arith.constant 0 : index
    tpu.barrier barrier_id(%barrier3A_24)
    %mul3A_25 = arith.constant 10112 : i32
    %mul3A_26 = arith.muli %arg0, %mul3A_25 : i32
    %add3A_27 = arith.addi %mul3A_26, %mul3A_0 : i32
    "tpu.region"() ({
      %run_scoped3A = tpu.sem_alloc : memref<!tpu.dma_semaphore, #tpu.memory_space<semaphore_mem>>
      %dma_start3A = arith.constant 0 : i32
      %dma_start3A_28 = tpu.memref_slice %arg3[%add3A_27, %dma_start3A] : memref<20224x16xf32, #tpu.memory_space<hbm>> -> memref<632x16xf32, #tpu.memory_space<hbm>>
      %dma_start3A_29 = arith.constant 0 : i32
      %dma_start3A_30 = tpu.memref_slice %arg4[%mul3A_0, %dma_start3A_29] : memref<10112x16xf32, #tpu.memory_space<vmem_shared>> -> memref<632x16xf32, #tpu.memory_space<vmem_shared>>
      tpu.enqueue_dma source(%dma_start3A_30 : memref<632x16xf32, #tpu.memory_space<vmem_shared>>) target(%dma_start3A_28 : memref<632x16xf32, #tpu.memory_space<hbm>>) target_semaphore(%run_scoped3A : memref<!tpu.dma_semaphore, #tpu.memory_space<semaphore_mem>>)
      %dma_wait3A = arith.constant 0 : i32
      %dma_wait3A_31 = tpu.memref_slice %arg3[%add3A_27, %dma_wait3A] : memref<20224x16xf32, #tpu.memory_space<hbm>> -> memref<632x16xf32, #tpu.memory_space<hbm>>
      %dma_wait3A_32 = arith.constant 0 : i32
      %dma_wait3A_33 = tpu.memref_slice %arg4[%mul3A_0, %dma_wait3A_32] : memref<10112x16xf32, #tpu.memory_space<vmem_shared>> -> memref<632x16xf32, #tpu.memory_space<vmem_shared>>
      tpu.wait_dma2 semaphore(%run_scoped3A : memref<!tpu.dma_semaphore, #tpu.memory_space<semaphore_mem>>) src(%dma_wait3A_33 : memref<632x16xf32, #tpu.memory_space<vmem_shared>>) dst(%dma_wait3A_31 : memref<632x16xf32, #tpu.memory_space<hbm>>)
      tpu.yield
    }) : () -> ()
    return
  }
}

#map = affine_map<(d0, d1) -> (0)>
#map1 = affine_map<(d0, d1) -> (0, 0)>
module attributes {stable_mosaic.version = 14 : i64} {
  func.func @_sc_body(%arg0: i32, %arg1: i32, %arg2: memref<329216xi32, #tpu.memory_space<hbm>>, %arg3: memref<329216xi32, #tpu.memory_space<hbm>>, %arg4: memref<20224x32xf32, #tpu.memory_space<hbm>>, %arg5: memref<20224x16xf32, #tpu.memory_space<hbm>>, %arg6: memref<20224x32xf32, #tpu.memory_space<hbm>>, %arg7: memref<10112x32xf32, #tpu.memory_space<vmem_shared>>, %arg8: memref<10112x32xf32, #tpu.memory_space<vmem_shared>>, %arg9: memref<512xi32, #tpu.memory_space<vmem>>, %arg10: memref<512xi32, #tpu.memory_space<vmem>>, %arg11: memref<512xi32, #tpu.memory_space<vmem>>, %arg12: memref<512xi32, #tpu.memory_space<vmem>>, %arg13: memref<512xi32, #tpu.memory_space<vmem>>, %arg14: memref<512xi32, #tpu.memory_space<vmem>>, %arg15: memref<512xi32, #tpu.memory_space<vmem>>, %arg16: memref<512xi32, #tpu.memory_space<vmem>>, %arg17: memref<512x32xf32, #tpu.memory_space<vmem>>, %arg18: memref<512x32xf32, #tpu.memory_space<vmem>>, %arg19: memref<128x32xf32, #tpu.memory_space<vmem>>, %arg20: memref<632x32xf32, #tpu.memory_space<vmem>>, %arg21: memref<632x16xf32, #tpu.memory_space<vmem>>, %arg22: memref<632x16xf32, #tpu.memory_space<vmem>>, %arg23: memref<128x32xf32, #tpu.memory_space<vmem>>, %arg24: memref<128x32xf32, #tpu.memory_space<vmem>>, %arg25: memref<!tpu.dma_semaphore, #tpu.memory_space<semaphore_mem>>, %arg26: memref<!tpu.dma_semaphore, #tpu.memory_space<semaphore_mem>>, %arg27: memref<!tpu.dma_semaphore, #tpu.memory_space<semaphore_mem>>, %arg28: memref<!tpu.dma_semaphore, #tpu.memory_space<semaphore_mem>>, %arg29: memref<!tpu.dma_semaphore, #tpu.memory_space<semaphore_mem>>, %arg30: memref<!tpu.dma_semaphore, #tpu.memory_space<semaphore_mem>>, %arg31: memref<!tpu.dma_semaphore, #tpu.memory_space<semaphore_mem>>, %arg32: memref<!tpu.dma_semaphore, #tpu.memory_space<semaphore_mem>>, %arg33: memref<!tpu.dma_semaphore, #tpu.memory_space<semaphore_mem>>, %arg34: memref<!tpu.dma_semaphore, #tpu.memory_space<semaphore_mem>>, %arg35: memref<!tpu.dma_semaphore, #tpu.memory_space<semaphore_mem>>, %arg36: memref<!tpu.dma_semaphore, #tpu.memory_space<semaphore_mem>>) attributes {dimension_semantics = [#tpu.dimension_semantics<core_parallel>, #tpu.dimension_semantics<subcore_parallel>], iteration_bounds = array<i64: 2, 16>, scalar_prefetch = 0 : i64, scratch_operands = 30 : i64, tpu.core_type = #tpu.core_type<sc_vector_subcore>, window_params = [{transform_indices = #map}, {transform_indices = #map}, {transform_indices = #map1}, {transform_indices = #map1}, {transform_indices = #map1}]} {
    %mul3A = arith.constant 632 : i32
    %mul3A_0 = arith.muli %arg1, %mul3A : i32
    %mul3A_1 = arith.constant 10112 : i32
    %mul3A_2 = arith.muli %arg0, %mul3A_1 : i32
    %add3A = arith.addi %mul3A_2, %mul3A_0 : i32
    %mul3A_3 = arith.constant 20480 : i32
    %mul3A_4 = arith.muli %arg1, %mul3A_3 : i32
    %broadcast_in_dim3A = arith.constant 0.000000e+00 : f32
    %broadcast_in_dim3A_5 = vector.broadcast %broadcast_in_dim3A : f32 to vector<16xf32>
    %scan3A = arith.constant 0 : i32
    %scan3A_6 = arith.constant 128 : i32
    %scan3A_7 = arith.addi %scan3A, %scan3A_6 : i32
    %scan3A_8 = arith.constant 1 : i32
    scf.for %scan3A_120 = %scan3A to %scan3A_7 step %scan3A_8  : i32 {
      %swap3A = arith.index_cast %scan3A_120 : i32 to index
      %swap3A_121 = arith.constant 0 : index
      %swap3A_122 = tpu.vector_load %arg19[%swap3A, %swap3A_121] {strides = array<i32>} : memref<128x32xf32, #tpu.memory_space<vmem>>, vector<1x16xf32>,
      %swap3A_123 = vector.shape_cast %swap3A_122 : vector<1x16xf32> to vector<16xf32>
      %swap3A_124 = vector.shape_cast %broadcast_in_dim3A_5 : vector<16xf32> to vector<1x16xf32>
      tpu.vector_store %arg19[%swap3A, %swap3A_121], %swap3A_124 {strides = array<i32>} : memref<128x32xf32, #tpu.memory_space<vmem>>, vector<1x16xf32>,
      %swap3A_125 = arith.index_cast %scan3A_120 : i32 to index
      %swap3A_126 = arith.constant 16 : index
      %swap3A_127 = tpu.vector_load %arg19[%swap3A_125, %swap3A_126] {strides = array<i32>} : memref<128x32xf32, #tpu.memory_space<vmem>>, vector<1x16xf32>,
      %swap3A_128 = vector.shape_cast %swap3A_127 : vector<1x16xf32> to vector<16xf32>
      %swap3A_129 = vector.shape_cast %broadcast_in_dim3A_5 : vector<16xf32> to vector<1x16xf32>
      tpu.vector_store %arg19[%swap3A_125, %swap3A_126], %swap3A_129 {strides = array<i32>} : memref<128x32xf32, #tpu.memory_space<vmem>>, vector<1x16xf32>,
    }
    %scan3A_9 = arith.constant 128 : i32
    %add3A_10 = arith.constant 0 : i32
    %add3A_11 = arith.addi %mul3A_0, %add3A_10 : i32
    "tpu.region"() ({
      %run_scoped3A = tpu.sem_alloc : memref<!tpu.dma_semaphore, #tpu.memory_space<semaphore_mem>>
      %dma_start3A = arith.constant 0 : i32
      %dma_start3A_120 = arith.constant 0 : i32
      %dma_start3A_121 = tpu.memref_slice %arg19[%dma_start3A, %dma_start3A_120] : memref<128x32xf32, #tpu.memory_space<vmem>> -> memref<128x32xf32, #tpu.memory_space<vmem>>
      %dma_start3A_122 = arith.constant 0 : i32
      %dma_start3A_123 = tpu.memref_slice %arg8[%add3A_11, %dma_start3A_122] : memref<10112x32xf32, #tpu.memory_space<vmem_shared>> -> memref<128x32xf32, #tpu.memory_space<vmem_shared>>
      %dma_start3A_124 = arith.constant 0 : i32
      %dma_start3A_125 = tpu.memref_slice %arg8[%add3A_11, %dma_start3A_124] : memref<10112x32xf32, #tpu.memory_space<vmem_shared>> -> memref<128x32xf32, #tpu.memory_space<vmem_shared>>
      %dma_start3A_126 = arith.constant 0 : i32
      %dma_start3A_127 = arith.constant 0 : i32
      %dma_start3A_128 = tpu.memref_slice %arg19[%dma_start3A_126, %dma_start3A_127] : memref<128x32xf32, #tpu.memory_space<vmem>> -> memref<128x32xf32, #tpu.memory_space<vmem>>
      tpu.enqueue_dma source(%dma_start3A_128 : memref<128x32xf32, #tpu.memory_space<vmem>>) target(%dma_start3A_125 : memref<128x32xf32, #tpu.memory_space<vmem_shared>>) target_semaphore(%run_scoped3A : memref<!tpu.dma_semaphore, #tpu.memory_space<semaphore_mem>>)
      %dma_wait3A = arith.constant 0 : i32
      %dma_wait3A_129 = arith.constant 0 : i32
      %dma_wait3A_130 = tpu.memref_slice %arg19[%dma_wait3A, %dma_wait3A_129] : memref<128x32xf32, #tpu.memory_space<vmem>> -> memref<128x32xf32, #tpu.memory_space<vmem>>
      %dma_wait3A_131 = arith.constant 0 : i32
      %dma_wait3A_132 = tpu.memref_slice %arg8[%add3A_11, %dma_wait3A_131] : memref<10112x32xf32, #tpu.memory_space<vmem_shared>> -> memref<128x32xf32, #tpu.memory_space<vmem_shared>>
      %dma_wait3A_133 = arith.constant 0 : i32
      %dma_wait3A_134 = tpu.memref_slice %arg8[%add3A_11, %dma_wait3A_133] : memref<10112x32xf32, #tpu.memory_space<vmem_shared>> -> memref<128x32xf32, #tpu.memory_space<vmem_shared>>
      %dma_wait3A_135 = arith.constant 0 : i32
      %dma_wait3A_136 = arith.constant 0 : i32
      %dma_wait3A_137 = tpu.memref_slice %arg19[%dma_wait3A_135, %dma_wait3A_136] : memref<128x32xf32, #tpu.memory_space<vmem>> -> memref<128x32xf32, #tpu.memory_space<vmem>>
      tpu.wait_dma2 semaphore(%run_scoped3A : memref<!tpu.dma_semaphore, #tpu.memory_space<semaphore_mem>>) src(%dma_wait3A_137 : memref<128x32xf32, #tpu.memory_space<vmem>>) dst(%dma_wait3A_134 : memref<128x32xf32, #tpu.memory_space<vmem_shared>>)
      tpu.yield
    }) : () -> ()
    %add3A_12 = arith.constant 128 : i32
    %add3A_13 = arith.addi %mul3A_0, %add3A_12 : i32
    "tpu.region"() ({
      %run_scoped3A = tpu.sem_alloc : memref<!tpu.dma_semaphore, #tpu.memory_space<semaphore_mem>>
      %dma_start3A = arith.constant 0 : i32
      %dma_start3A_120 = arith.constant 0 : i32
      %dma_start3A_121 = tpu.memref_slice %arg19[%dma_start3A, %dma_start3A_120] : memref<128x32xf32, #tpu.memory_space<vmem>> -> memref<128x32xf32, #tpu.memory_space<vmem>>
      %dma_start3A_122 = arith.constant 0 : i32
      %dma_start3A_123 = tpu.memref_slice %arg8[%add3A_13, %dma_start3A_122] : memref<10112x32xf32, #tpu.memory_space<vmem_shared>> -> memref<128x32xf32, #tpu.memory_space<vmem_shared>>
      %dma_start3A_124 = arith.constant 0 : i32
      %dma_start3A_125 = tpu.memref_slice %arg8[%add3A_13, %dma_start3A_124] : memref<10112x32xf32, #tpu.memory_space<vmem_shared>> -> memref<128x32xf32, #tpu.memory_space<vmem_shared>>
      %dma_start3A_126 = arith.constant 0 : i32
      %dma_start3A_127 = arith.constant 0 : i32
      %dma_start3A_128 = tpu.memref_slice %arg19[%dma_start3A_126, %dma_start3A_127] : memref<128x32xf32, #tpu.memory_space<vmem>> -> memref<128x32xf32, #tpu.memory_space<vmem>>
      tpu.enqueue_dma source(%dma_start3A_128 : memref<128x32xf32, #tpu.memory_space<vmem>>) target(%dma_start3A_125 : memref<128x32xf32, #tpu.memory_space<vmem_shared>>) target_semaphore(%run_scoped3A : memref<!tpu.dma_semaphore, #tpu.memory_space<semaphore_mem>>)
      %dma_wait3A = arith.constant 0 : i32
      %dma_wait3A_129 = arith.constant 0 : i32
      %dma_wait3A_130 = tpu.memref_slice %arg19[%dma_wait3A, %dma_wait3A_129] : memref<128x32xf32, #tpu.memory_space<vmem>> -> memref<128x32xf32, #tpu.memory_space<vmem>>
      %dma_wait3A_131 = arith.constant 0 : i32
      %dma_wait3A_132 = tpu.memref_slice %arg8[%add3A_13, %dma_wait3A_131] : memref<10112x32xf32, #tpu.memory_space<vmem_shared>> -> memref<128x32xf32, #tpu.memory_space<vmem_shared>>
      %dma_wait3A_133 = arith.constant 0 : i32
      %dma_wait3A_134 = tpu.memref_slice %arg8[%add3A_13, %dma_wait3A_133] : memref<10112x32xf32, #tpu.memory_space<vmem_shared>> -> memref<128x32xf32, #tpu.memory_space<vmem_shared>>
      %dma_wait3A_135 = arith.constant 0 : i32
      %dma_wait3A_136 = arith.constant 0 : i32
      %dma_wait3A_137 = tpu.memref_slice %arg19[%dma_wait3A_135, %dma_wait3A_136] : memref<128x32xf32, #tpu.memory_space<vmem>> -> memref<128x32xf32, #tpu.memory_space<vmem>>
      tpu.wait_dma2 semaphore(%run_scoped3A : memref<!tpu.dma_semaphore, #tpu.memory_space<semaphore_mem>>) src(%dma_wait3A_137 : memref<128x32xf32, #tpu.memory_space<vmem>>) dst(%dma_wait3A_134 : memref<128x32xf32, #tpu.memory_space<vmem_shared>>)
      tpu.yield
    }) : () -> ()
    %add3A_14 = arith.constant 256 : i32
    %add3A_15 = arith.addi %mul3A_0, %add3A_14 : i32
    "tpu.region"() ({
      %run_scoped3A = tpu.sem_alloc : memref<!tpu.dma_semaphore, #tpu.memory_space<semaphore_mem>>
      %dma_start3A = arith.constant 0 : i32
      %dma_start3A_120 = arith.constant 0 : i32
      %dma_start3A_121 = tpu.memref_slice %arg19[%dma_start3A, %dma_start3A_120] : memref<128x32xf32, #tpu.memory_space<vmem>> -> memref<128x32xf32, #tpu.memory_space<vmem>>
      %dma_start3A_122 = arith.constant 0 : i32
      %dma_start3A_123 = tpu.memref_slice %arg8[%add3A_15, %dma_start3A_122] : memref<10112x32xf32, #tpu.memory_space<vmem_shared>> -> memref<128x32xf32, #tpu.memory_space<vmem_shared>>
      %dma_start3A_124 = arith.constant 0 : i32
      %dma_start3A_125 = tpu.memref_slice %arg8[%add3A_15, %dma_start3A_124] : memref<10112x32xf32, #tpu.memory_space<vmem_shared>> -> memref<128x32xf32, #tpu.memory_space<vmem_shared>>
      %dma_start3A_126 = arith.constant 0 : i32
      %dma_start3A_127 = arith.constant 0 : i32
      %dma_start3A_128 = tpu.memref_slice %arg19[%dma_start3A_126, %dma_start3A_127] : memref<128x32xf32, #tpu.memory_space<vmem>> -> memref<128x32xf32, #tpu.memory_space<vmem>>
      tpu.enqueue_dma source(%dma_start3A_128 : memref<128x32xf32, #tpu.memory_space<vmem>>) target(%dma_start3A_125 : memref<128x32xf32, #tpu.memory_space<vmem_shared>>) target_semaphore(%run_scoped3A : memref<!tpu.dma_semaphore, #tpu.memory_space<semaphore_mem>>)
      %dma_wait3A = arith.constant 0 : i32
      %dma_wait3A_129 = arith.constant 0 : i32
      %dma_wait3A_130 = tpu.memref_slice %arg19[%dma_wait3A, %dma_wait3A_129] : memref<128x32xf32, #tpu.memory_space<vmem>> -> memref<128x32xf32, #tpu.memory_space<vmem>>
      %dma_wait3A_131 = arith.constant 0 : i32
      %dma_wait3A_132 = tpu.memref_slice %arg8[%add3A_15, %dma_wait3A_131] : memref<10112x32xf32, #tpu.memory_space<vmem_shared>> -> memref<128x32xf32, #tpu.memory_space<vmem_shared>>
      %dma_wait3A_133 = arith.constant 0 : i32
      %dma_wait3A_134 = tpu.memref_slice %arg8[%add3A_15, %dma_wait3A_133] : memref<10112x32xf32, #tpu.memory_space<vmem_shared>> -> memref<128x32xf32, #tpu.memory_space<vmem_shared>>
      %dma_wait3A_135 = arith.constant 0 : i32
      %dma_wait3A_136 = arith.constant 0 : i32
      %dma_wait3A_137 = tpu.memref_slice %arg19[%dma_wait3A_135, %dma_wait3A_136] : memref<128x32xf32, #tpu.memory_space<vmem>> -> memref<128x32xf32, #tpu.memory_space<vmem>>
      tpu.wait_dma2 semaphore(%run_scoped3A : memref<!tpu.dma_semaphore, #tpu.memory_space<semaphore_mem>>) src(%dma_wait3A_137 : memref<128x32xf32, #tpu.memory_space<vmem>>) dst(%dma_wait3A_134 : memref<128x32xf32, #tpu.memory_space<vmem_shared>>)
      tpu.yield
    }) : () -> ()
    %add3A_16 = arith.constant 384 : i32
    %add3A_17 = arith.addi %mul3A_0, %add3A_16 : i32
    "tpu.region"() ({
      %run_scoped3A = tpu.sem_alloc : memref<!tpu.dma_semaphore, #tpu.memory_space<semaphore_mem>>
      %dma_start3A = arith.constant 0 : i32
      %dma_start3A_120 = arith.constant 0 : i32
      %dma_start3A_121 = tpu.memref_slice %arg19[%dma_start3A, %dma_start3A_120] : memref<128x32xf32, #tpu.memory_space<vmem>> -> memref<128x32xf32, #tpu.memory_space<vmem>>
      %dma_start3A_122 = arith.constant 0 : i32
      %dma_start3A_123 = tpu.memref_slice %arg8[%add3A_17, %dma_start3A_122] : memref<10112x32xf32, #tpu.memory_space<vmem_shared>> -> memref<128x32xf32, #tpu.memory_space<vmem_shared>>
      %dma_start3A_124 = arith.constant 0 : i32
      %dma_start3A_125 = tpu.memref_slice %arg8[%add3A_17, %dma_start3A_124] : memref<10112x32xf32, #tpu.memory_space<vmem_shared>> -> memref<128x32xf32, #tpu.memory_space<vmem_shared>>
      %dma_start3A_126 = arith.constant 0 : i32
      %dma_start3A_127 = arith.constant 0 : i32
      %dma_start3A_128 = tpu.memref_slice %arg19[%dma_start3A_126, %dma_start3A_127] : memref<128x32xf32, #tpu.memory_space<vmem>> -> memref<128x32xf32, #tpu.memory_space<vmem>>
      tpu.enqueue_dma source(%dma_start3A_128 : memref<128x32xf32, #tpu.memory_space<vmem>>) target(%dma_start3A_125 : memref<128x32xf32, #tpu.memory_space<vmem_shared>>) target_semaphore(%run_scoped3A : memref<!tpu.dma_semaphore, #tpu.memory_space<semaphore_mem>>)
      %dma_wait3A = arith.constant 0 : i32
      %dma_wait3A_129 = arith.constant 0 : i32
      %dma_wait3A_130 = tpu.memref_slice %arg19[%dma_wait3A, %dma_wait3A_129] : memref<128x32xf32, #tpu.memory_space<vmem>> -> memref<128x32xf32, #tpu.memory_space<vmem>>
      %dma_wait3A_131 = arith.constant 0 : i32
      %dma_wait3A_132 = tpu.memref_slice %arg8[%add3A_17, %dma_wait3A_131] : memref<10112x32xf32, #tpu.memory_space<vmem_shared>> -> memref<128x32xf32, #tpu.memory_space<vmem_shared>>
      %dma_wait3A_133 = arith.constant 0 : i32
      %dma_wait3A_134 = tpu.memref_slice %arg8[%add3A_17, %dma_wait3A_133] : memref<10112x32xf32, #tpu.memory_space<vmem_shared>> -> memref<128x32xf32, #tpu.memory_space<vmem_shared>>
      %dma_wait3A_135 = arith.constant 0 : i32
      %dma_wait3A_136 = arith.constant 0 : i32
      %dma_wait3A_137 = tpu.memref_slice %arg19[%dma_wait3A_135, %dma_wait3A_136] : memref<128x32xf32, #tpu.memory_space<vmem>> -> memref<128x32xf32, #tpu.memory_space<vmem>>
      tpu.wait_dma2 semaphore(%run_scoped3A : memref<!tpu.dma_semaphore, #tpu.memory_space<semaphore_mem>>) src(%dma_wait3A_137 : memref<128x32xf32, #tpu.memory_space<vmem>>) dst(%dma_wait3A_134 : memref<128x32xf32, #tpu.memory_space<vmem_shared>>)
      tpu.yield
    }) : () -> ()
    %add3A_18 = arith.constant 512 : i32
    %add3A_19 = arith.addi %mul3A_0, %add3A_18 : i32
    "tpu.region"() ({
      %run_scoped3A = tpu.sem_alloc : memref<!tpu.dma_semaphore, #tpu.memory_space<semaphore_mem>>
      %dma_start3A = arith.constant 0 : i32
      %dma_start3A_120 = arith.constant 0 : i32
      %dma_start3A_121 = tpu.memref_slice %arg19[%dma_start3A, %dma_start3A_120] : memref<128x32xf32, #tpu.memory_space<vmem>> -> memref<120x32xf32, #tpu.memory_space<vmem>>
      %dma_start3A_122 = arith.constant 0 : i32
      %dma_start3A_123 = tpu.memref_slice %arg8[%add3A_19, %dma_start3A_122] : memref<10112x32xf32, #tpu.memory_space<vmem_shared>> -> memref<120x32xf32, #tpu.memory_space<vmem_shared>>
      %dma_start3A_124 = arith.constant 0 : i32
      %dma_start3A_125 = tpu.memref_slice %arg8[%add3A_19, %dma_start3A_124] : memref<10112x32xf32, #tpu.memory_space<vmem_shared>> -> memref<120x32xf32, #tpu.memory_space<vmem_shared>>
      %dma_start3A_126 = arith.constant 0 : i32
      %dma_start3A_127 = arith.constant 0 : i32
      %dma_start3A_128 = tpu.memref_slice %arg19[%dma_start3A_126, %dma_start3A_127] : memref<128x32xf32, #tpu.memory_space<vmem>> -> memref<120x32xf32, #tpu.memory_space<vmem>>
      tpu.enqueue_dma source(%dma_start3A_128 : memref<120x32xf32, #tpu.memory_space<vmem>>) target(%dma_start3A_125 : memref<120x32xf32, #tpu.memory_space<vmem_shared>>) target_semaphore(%run_scoped3A : memref<!tpu.dma_semaphore, #tpu.memory_space<semaphore_mem>>)
      %dma_wait3A = arith.constant 0 : i32
      %dma_wait3A_129 = arith.constant 0 : i32
      %dma_wait3A_130 = tpu.memref_slice %arg19[%dma_wait3A, %dma_wait3A_129] : memref<128x32xf32, #tpu.memory_space<vmem>> -> memref<120x32xf32, #tpu.memory_space<vmem>>
      %dma_wait3A_131 = arith.constant 0 : i32
      %dma_wait3A_132 = tpu.memref_slice %arg8[%add3A_19, %dma_wait3A_131] : memref<10112x32xf32, #tpu.memory_space<vmem_shared>> -> memref<120x32xf32, #tpu.memory_space<vmem_shared>>
      %dma_wait3A_133 = arith.constant 0 : i32
      %dma_wait3A_134 = tpu.memref_slice %arg8[%add3A_19, %dma_wait3A_133] : memref<10112x32xf32, #tpu.memory_space<vmem_shared>> -> memref<120x32xf32, #tpu.memory_space<vmem_shared>>
      %dma_wait3A_135 = arith.constant 0 : i32
      %dma_wait3A_136 = arith.constant 0 : i32
      %dma_wait3A_137 = tpu.memref_slice %arg19[%dma_wait3A_135, %dma_wait3A_136] : memref<128x32xf32, #tpu.memory_space<vmem>> -> memref<120x32xf32, #tpu.memory_space<vmem>>
      tpu.wait_dma2 semaphore(%run_scoped3A : memref<!tpu.dma_semaphore, #tpu.memory_space<semaphore_mem>>) src(%dma_wait3A_137 : memref<120x32xf32, #tpu.memory_space<vmem>>) dst(%dma_wait3A_134 : memref<120x32xf32, #tpu.memory_space<vmem_shared>>)
      tpu.yield
    }) : () -> ()
    "tpu.region"() ({
      %run_scoped3A = tpu.sem_alloc : memref<!tpu.dma_semaphore, #tpu.memory_space<semaphore_mem>>
      %dma_start3A = arith.constant 0 : i32
      %dma_start3A_120 = tpu.memref_slice %arg5[%add3A, %dma_start3A] : memref<20224x16xf32, #tpu.memory_space<hbm>> -> memref<632x16xf32, #tpu.memory_space<hbm>>
      %dma_start3A_121 = arith.constant 0 : i32
      %dma_start3A_122 = tpu.memref_slice %arg5[%add3A, %dma_start3A_121] : memref<20224x16xf32, #tpu.memory_space<hbm>> -> memref<632x16xf32, #tpu.memory_space<hbm>>
      tpu.enqueue_dma source(%dma_start3A_122 : memref<632x16xf32, #tpu.memory_space<hbm>>) target(%arg21 : memref<632x16xf32, #tpu.memory_space<vmem>>) target_semaphore(%run_scoped3A : memref<!tpu.dma_semaphore, #tpu.memory_space<semaphore_mem>>)
      %dma_wait3A = arith.constant 0 : i32
      %dma_wait3A_123 = tpu.memref_slice %arg5[%add3A, %dma_wait3A] : memref<20224x16xf32, #tpu.memory_space<hbm>> -> memref<632x16xf32, #tpu.memory_space<hbm>>
      %dma_wait3A_124 = arith.constant 0 : i32
      %dma_wait3A_125 = tpu.memref_slice %arg5[%add3A, %dma_wait3A_124] : memref<20224x16xf32, #tpu.memory_space<hbm>> -> memref<632x16xf32, #tpu.memory_space<hbm>>
      tpu.wait_dma2 semaphore(%run_scoped3A : memref<!tpu.dma_semaphore, #tpu.memory_space<semaphore_mem>>) src(%dma_wait3A_125 : memref<632x16xf32, #tpu.memory_space<hbm>>) dst(%arg21 : memref<632x16xf32, #tpu.memory_space<vmem>>)
      tpu.yield
    }) : () -> ()
    %scan3A_20 = arith.constant 0 : i32
    %scan3A_21 = arith.constant 632 : i32
    %scan3A_22 = arith.addi %scan3A_20, %scan3A_21 : i32
    %scan3A_23 = arith.constant 1 : i32
    scf.for %scan3A_120 = %scan3A_20 to %scan3A_22 step %scan3A_23  : i32 {
      %get3A = arith.index_cast %scan3A_120 : i32 to index
      %get3A_121 = arith.constant 0 : index
      %get3A_122 = tpu.vector_load %arg21[%get3A, %get3A_121] {strides = array<i32>} : memref<632x16xf32, #tpu.memory_space<vmem>>, vector<1x16xf32>,
      %get3A_123 = vector.shape_cast %get3A_122 : vector<1x16xf32> to vector<16xf32>
      %add3A_124 = arith.constant 1.000000e+00 : f32
      %add3A_125 = vector.broadcast %add3A_124 : f32 to vector<16xf32>
      %add3A_126 = arith.addf %get3A_123, %add3A_125 : vector<16xf32>
      %bitcast_convert_type3A = tpu.bitcast %add3A_126 : vector<16xf32> -> vector<16xi32>
      %shift_right_arithmetic3A = arith.constant 1 : i32
      %shift_right_arithmetic3A_127 = vector.broadcast %shift_right_arithmetic3A : i32 to vector<16xi32>
      %shift_right_arithmetic3A_128 = arith.shrsi %bitcast_convert_type3A, %shift_right_arithmetic3A_127 : vector<16xi32>
      %sub3A = arith.constant 1597463007 : i32
      %sub3A_129 = vector.broadcast %sub3A : i32 to vector<16xi32>
      %sub3A_130 = arith.subi %sub3A_129, %shift_right_arithmetic3A_128 : vector<16xi32>
      %bitcast_convert_type3A_131 = tpu.bitcast %sub3A_130 : vector<16xi32> -> vector<16xf32>
      %mul3A_132 = arith.constant 5.000000e-01 : f32
      %mul3A_133 = vector.broadcast %mul3A_132 : f32 to vector<16xf32>
      %mul3A_134 = arith.mulf %mul3A_133, %add3A_126 : vector<16xf32>
      %mul3A_135 = arith.mulf %mul3A_134, %bitcast_convert_type3A_131 : vector<16xf32>
      %mul3A_136 = arith.mulf %mul3A_135, %bitcast_convert_type3A_131 : vector<16xf32>
      %sub3A_137 = arith.constant 1.500000e+00 : f32
      %sub3A_138 = vector.broadcast %sub3A_137 : f32 to vector<16xf32>
      %sub3A_139 = arith.subf %sub3A_138, %mul3A_136 : vector<16xf32>
      %mul3A_140 = arith.mulf %bitcast_convert_type3A_131, %sub3A_139 : vector<16xf32>
      %mul3A_141 = arith.constant 5.000000e-01 : f32
      %mul3A_142 = vector.broadcast %mul3A_141 : f32 to vector<16xf32>
      %mul3A_143 = arith.mulf %mul3A_142, %add3A_126 : vector<16xf32>
      %mul3A_144 = arith.mulf %mul3A_143, %mul3A_140 : vector<16xf32>
      %mul3A_145 = arith.mulf %mul3A_144, %mul3A_140 : vector<16xf32>
      %sub3A_146 = arith.constant 1.500000e+00 : f32
      %sub3A_147 = vector.broadcast %sub3A_146 : f32 to vector<16xf32>
      %sub3A_148 = arith.subf %sub3A_147, %mul3A_145 : vector<16xf32>
      %mul3A_149 = arith.mulf %mul3A_140, %sub3A_148 : vector<16xf32>
      %mul3A_150 = arith.constant 5.000000e-01 : f32
      %mul3A_151 = vector.broadcast %mul3A_150 : f32 to vector<16xf32>
      %mul3A_152 = arith.mulf %mul3A_151, %add3A_126 : vector<16xf32>
      %mul3A_153 = arith.mulf %mul3A_152, %mul3A_149 : vector<16xf32>
      %mul3A_154 = arith.mulf %mul3A_153, %mul3A_149 : vector<16xf32>
      %sub3A_155 = arith.constant 1.500000e+00 : f32
      %sub3A_156 = vector.broadcast %sub3A_155 : f32 to vector<16xf32>
      %sub3A_157 = arith.subf %sub3A_156, %mul3A_154 : vector<16xf32>
      %mul3A_158 = arith.mulf %mul3A_149, %sub3A_157 : vector<16xf32>
      %swap3A = arith.index_cast %scan3A_120 : i32 to index
      %swap3A_159 = arith.constant 0 : index
      %swap3A_160 = tpu.vector_load %arg22[%swap3A, %swap3A_159] {strides = array<i32>} : memref<632x16xf32, #tpu.memory_space<vmem>>, vector<1x16xf32>,
      %swap3A_161 = vector.shape_cast %swap3A_160 : vector<1x16xf32> to vector<16xf32>
      %swap3A_162 = vector.shape_cast %mul3A_158 : vector<16xf32> to vector<1x16xf32>
      tpu.vector_store %arg22[%swap3A, %swap3A_159], %swap3A_162 {strides = array<i32>} : memref<632x16xf32, #tpu.memory_space<vmem>>, vector<1x16xf32>,
      %div3A = arith.constant 0.899999976 : f32
      %div3A_163 = vector.broadcast %div3A : f32 to vector<16xf32>
      %div3A_164 = arith.divf %div3A_163, %add3A_126 : vector<16xf32>
      %swap3A_165 = arith.index_cast %scan3A_120 : i32 to index
      %swap3A_166 = arith.constant 0 : index
      %swap3A_167 = tpu.vector_load %arg21[%swap3A_165, %swap3A_166] {strides = array<i32>} : memref<632x16xf32, #tpu.memory_space<vmem>>, vector<1x16xf32>,
      %swap3A_168 = vector.shape_cast %swap3A_167 : vector<1x16xf32> to vector<16xf32>
      %swap3A_169 = vector.shape_cast %div3A_164 : vector<16xf32> to vector<1x16xf32>
      tpu.vector_store %arg21[%swap3A_165, %swap3A_166], %swap3A_169 {strides = array<i32>} : memref<632x16xf32, #tpu.memory_space<vmem>>, vector<1x16xf32>,
    }
    %scan3A_24 = arith.constant 632 : i32
    %add3A_25 = arith.constant 0 : i32
    %add3A_26 = arith.addi %add3A, %add3A_25 : i32
    "tpu.region"() ({
      %run_scoped3A = tpu.sem_alloc : memref<!tpu.dma_semaphore, #tpu.memory_space<semaphore_mem>>
      %dma_start3A = arith.constant 0 : i32
      %dma_start3A_120 = arith.constant 0 : i32
      %dma_start3A_121 = tpu.memref_slice %arg24[%dma_start3A, %dma_start3A_120] : memref<128x32xf32, #tpu.memory_space<vmem>> -> memref<128x32xf32, #tpu.memory_space<vmem>>
      %dma_start3A_122 = arith.constant 0 : i32
      %dma_start3A_123 = tpu.memref_slice %arg4[%add3A_26, %dma_start3A_122] : memref<20224x32xf32, #tpu.memory_space<hbm>> -> memref<128x32xf32, #tpu.memory_space<hbm>>
      %dma_start3A_124 = arith.constant 0 : i32
      %dma_start3A_125 = arith.constant 0 : i32
      %dma_start3A_126 = tpu.memref_slice %arg24[%dma_start3A_124, %dma_start3A_125] : memref<128x32xf32, #tpu.memory_space<vmem>> -> memref<128x32xf32, #tpu.memory_space<vmem>>
      %dma_start3A_127 = arith.constant 0 : i32
      %dma_start3A_128 = tpu.memref_slice %arg4[%add3A_26, %dma_start3A_127] : memref<20224x32xf32, #tpu.memory_space<hbm>> -> memref<128x32xf32, #tpu.memory_space<hbm>>
      tpu.enqueue_dma source(%dma_start3A_128 : memref<128x32xf32, #tpu.memory_space<hbm>>) target(%dma_start3A_126 : memref<128x32xf32, #tpu.memory_space<vmem>>) target_semaphore(%run_scoped3A : memref<!tpu.dma_semaphore, #tpu.memory_space<semaphore_mem>>)
      %dma_wait3A = arith.constant 0 : i32
      %dma_wait3A_129 = arith.constant 0 : i32
      %dma_wait3A_130 = tpu.memref_slice %arg24[%dma_wait3A, %dma_wait3A_129] : memref<128x32xf32, #tpu.memory_space<vmem>> -> memref<128x32xf32, #tpu.memory_space<vmem>>
      %dma_wait3A_131 = arith.constant 0 : i32
      %dma_wait3A_132 = tpu.memref_slice %arg4[%add3A_26, %dma_wait3A_131] : memref<20224x32xf32, #tpu.memory_space<hbm>> -> memref<128x32xf32, #tpu.memory_space<hbm>>
      %dma_wait3A_133 = arith.constant 0 : i32
      %dma_wait3A_134 = arith.constant 0 : i32
      %dma_wait3A_135 = tpu.memref_slice %arg24[%dma_wait3A_133, %dma_wait3A_134] : memref<128x32xf32, #tpu.memory_space<vmem>> -> memref<128x32xf32, #tpu.memory_space<vmem>>
      %dma_wait3A_136 = arith.constant 0 : i32
      %dma_wait3A_137 = tpu.memref_slice %arg4[%add3A_26, %dma_wait3A_136] : memref<20224x32xf32, #tpu.memory_space<hbm>> -> memref<128x32xf32, #tpu.memory_space<hbm>>
      tpu.wait_dma2 semaphore(%run_scoped3A : memref<!tpu.dma_semaphore, #tpu.memory_space<semaphore_mem>>) src(%dma_wait3A_137 : memref<128x32xf32, #tpu.memory_space<hbm>>) dst(%dma_wait3A_135 : memref<128x32xf32, #tpu.memory_space<vmem>>)
      tpu.yield
    }) : () -> ()
    %scan3A_27 = arith.constant 0 : i32
    %scan3A_28 = arith.constant 128 : i32
    %scan3A_29 = arith.addi %scan3A_27, %scan3A_28 : i32
    %scan3A_30 = arith.constant 1 : i32
    scf.for %scan3A_120 = %scan3A_27 to %scan3A_29 step %scan3A_30  : i32 {
      %add3A_121 = arith.constant 0 : i32
      %add3A_122 = arith.addi %add3A_121, %scan3A_120 : i32
      %get3A = arith.index_cast %add3A_122 : i32 to index
      %get3A_123 = arith.constant 0 : index
      %get3A_124 = tpu.vector_load %arg22[%get3A, %get3A_123] {strides = array<i32>} : memref<632x16xf32, #tpu.memory_space<vmem>>, vector<1x16xf32>,
      %get3A_125 = vector.shape_cast %get3A_124 : vector<1x16xf32> to vector<16xf32>
      %get3A_126 = arith.index_cast %scan3A_120 : i32 to index
      %get3A_127 = arith.constant 0 : index
      %get3A_128 = tpu.vector_load %arg24[%get3A_126, %get3A_127] {strides = array<i32>} : memref<128x32xf32, #tpu.memory_space<vmem>>, vector<1x16xf32>,
      %get3A_129 = vector.shape_cast %get3A_128 : vector<1x16xf32> to vector<16xf32>
      %mul3A_130 = arith.mulf %get3A_129, %get3A_125 : vector<16xf32>
      %get3A_131 = arith.index_cast %scan3A_120 : i32 to index
      %get3A_132 = arith.constant 16 : index
      %get3A_133 = tpu.vector_load %arg24[%get3A_131, %get3A_132] {strides = array<i32>} : memref<128x32xf32, #tpu.memory_space<vmem>>, vector<1x16xf32>,
      %get3A_134 = vector.shape_cast %get3A_133 : vector<1x16xf32> to vector<16xf32>
      %mul3A_135 = arith.mulf %get3A_134, %get3A_125 : vector<16xf32>
      %swap3A = arith.index_cast %scan3A_120 : i32 to index
      %swap3A_136 = arith.constant 0 : index
      %swap3A_137 = tpu.vector_load %arg24[%swap3A, %swap3A_136] {strides = array<i32>} : memref<128x32xf32, #tpu.memory_space<vmem>>, vector<1x16xf32>,
      %swap3A_138 = vector.shape_cast %swap3A_137 : vector<1x16xf32> to vector<16xf32>
      %swap3A_139 = vector.shape_cast %mul3A_130 : vector<16xf32> to vector<1x16xf32>
      tpu.vector_store %arg24[%swap3A, %swap3A_136], %swap3A_139 {strides = array<i32>} : memref<128x32xf32, #tpu.memory_space<vmem>>, vector<1x16xf32>,
      %swap3A_140 = arith.index_cast %scan3A_120 : i32 to index
      %swap3A_141 = arith.constant 16 : index
      %swap3A_142 = tpu.vector_load %arg24[%swap3A_140, %swap3A_141] {strides = array<i32>} : memref<128x32xf32, #tpu.memory_space<vmem>>, vector<1x16xf32>,
      %swap3A_143 = vector.shape_cast %swap3A_142 : vector<1x16xf32> to vector<16xf32>
      %swap3A_144 = vector.shape_cast %mul3A_135 : vector<16xf32> to vector<1x16xf32>
      tpu.vector_store %arg24[%swap3A_140, %swap3A_141], %swap3A_144 {strides = array<i32>} : memref<128x32xf32, #tpu.memory_space<vmem>>, vector<1x16xf32>,
      %mul3A_145 = arith.constant 1.000000e-01 : f32
      %mul3A_146 = vector.broadcast %mul3A_145 : f32 to vector<16xf32>
      %mul3A_147 = arith.mulf %mul3A_130, %mul3A_146 : vector<16xf32>
      %add3A_148 = arith.constant 0 : i32
      %add3A_149 = arith.addi %add3A_148, %scan3A_120 : i32
      %swap3A_150 = arith.index_cast %add3A_149 : i32 to index
      %swap3A_151 = arith.constant 0 : index
      %swap3A_152 = tpu.vector_load %arg20[%swap3A_150, %swap3A_151] {strides = array<i32>} : memref<632x32xf32, #tpu.memory_space<vmem>>, vector<1x16xf32>,
      %swap3A_153 = vector.shape_cast %swap3A_152 : vector<1x16xf32> to vector<16xf32>
      %swap3A_154 = vector.shape_cast %mul3A_147 : vector<16xf32> to vector<1x16xf32>
      tpu.vector_store %arg20[%swap3A_150, %swap3A_151], %swap3A_154 {strides = array<i32>} : memref<632x32xf32, #tpu.memory_space<vmem>>, vector<1x16xf32>,
      %mul3A_155 = arith.constant 1.000000e-01 : f32
      %mul3A_156 = vector.broadcast %mul3A_155 : f32 to vector<16xf32>
      %mul3A_157 = arith.mulf %mul3A_135, %mul3A_156 : vector<16xf32>
      %add3A_158 = arith.constant 0 : i32
      %add3A_159 = arith.addi %add3A_158, %scan3A_120 : i32
      %swap3A_160 = arith.index_cast %add3A_159 : i32 to index
      %swap3A_161 = arith.constant 16 : index
      %swap3A_162 = tpu.vector_load %arg20[%swap3A_160, %swap3A_161] {strides = array<i32>} : memref<632x32xf32, #tpu.memory_space<vmem>>, vector<1x16xf32>,
      %swap3A_163 = vector.shape_cast %swap3A_162 : vector<1x16xf32> to vector<16xf32>
      %swap3A_164 = vector.shape_cast %mul3A_157 : vector<16xf32> to vector<1x16xf32>
      tpu.vector_store %arg20[%swap3A_160, %swap3A_161], %swap3A_164 {strides = array<i32>} : memref<632x32xf32, #tpu.memory_space<vmem>>, vector<1x16xf32>,
    }
    %scan3A_31 = arith.constant 128 : i32
    %add3A_32 = arith.constant 0 : i32
    %add3A_33 = arith.addi %mul3A_0, %add3A_32 : i32
    "tpu.region"() ({
      %run_scoped3A = tpu.sem_alloc : memref<!tpu.dma_semaphore, #tpu.memory_space<semaphore_mem>>
      %dma_start3A = arith.constant 0 : i32
      %dma_start3A_120 = arith.constant 0 : i32
      %dma_start3A_121 = tpu.memref_slice %arg24[%dma_start3A, %dma_start3A_120] : memref<128x32xf32, #tpu.memory_space<vmem>> -> memref<128x32xf32, #tpu.memory_space<vmem>>
      %dma_start3A_122 = arith.constant 0 : i32
      %dma_start3A_123 = tpu.memref_slice %arg7[%add3A_33, %dma_start3A_122] : memref<10112x32xf32, #tpu.memory_space<vmem_shared>> -> memref<128x32xf32, #tpu.memory_space<vmem_shared>>
      %dma_start3A_124 = arith.constant 0 : i32
      %dma_start3A_125 = tpu.memref_slice %arg7[%add3A_33, %dma_start3A_124] : memref<10112x32xf32, #tpu.memory_space<vmem_shared>> -> memref<128x32xf32, #tpu.memory_space<vmem_shared>>
      %dma_start3A_126 = arith.constant 0 : i32
      %dma_start3A_127 = arith.constant 0 : i32
      %dma_start3A_128 = tpu.memref_slice %arg24[%dma_start3A_126, %dma_start3A_127] : memref<128x32xf32, #tpu.memory_space<vmem>> -> memref<128x32xf32, #tpu.memory_space<vmem>>
      tpu.enqueue_dma source(%dma_start3A_128 : memref<128x32xf32, #tpu.memory_space<vmem>>) target(%dma_start3A_125 : memref<128x32xf32, #tpu.memory_space<vmem_shared>>) target_semaphore(%run_scoped3A : memref<!tpu.dma_semaphore, #tpu.memory_space<semaphore_mem>>)
      %dma_wait3A = arith.constant 0 : i32
      %dma_wait3A_129 = arith.constant 0 : i32
      %dma_wait3A_130 = tpu.memref_slice %arg24[%dma_wait3A, %dma_wait3A_129] : memref<128x32xf32, #tpu.memory_space<vmem>> -> memref<128x32xf32, #tpu.memory_space<vmem>>
      %dma_wait3A_131 = arith.constant 0 : i32
      %dma_wait3A_132 = tpu.memref_slice %arg7[%add3A_33, %dma_wait3A_131] : memref<10112x32xf32, #tpu.memory_space<vmem_shared>> -> memref<128x32xf32, #tpu.memory_space<vmem_shared>>
      %dma_wait3A_133 = arith.constant 0 : i32
      %dma_wait3A_134 = tpu.memref_slice %arg7[%add3A_33, %dma_wait3A_133] : memref<10112x32xf32, #tpu.memory_space<vmem_shared>> -> memref<128x32xf32, #tpu.memory_space<vmem_shared>>
      %dma_wait3A_135 = arith.constant 0 : i32
      %dma_wait3A_136 = arith.constant 0 : i32
      %dma_wait3A_137 = tpu.memref_slice %arg24[%dma_wait3A_135, %dma_wait3A_136] : memref<128x32xf32, #tpu.memory_space<vmem>> -> memref<128x32xf32, #tpu.memory_space<vmem>>
      tpu.wait_dma2 semaphore(%run_scoped3A : memref<!tpu.dma_semaphore, #tpu.memory_space<semaphore_mem>>) src(%dma_wait3A_137 : memref<128x32xf32, #tpu.memory_space<vmem>>) dst(%dma_wait3A_134 : memref<128x32xf32, #tpu.memory_space<vmem_shared>>)
      tpu.yield
    }) : () -> ()
    %add3A_34 = arith.constant 128 : i32
    %add3A_35 = arith.addi %add3A, %add3A_34 : i32
    "tpu.region"() ({
      %run_scoped3A = tpu.sem_alloc : memref<!tpu.dma_semaphore, #tpu.memory_space<semaphore_mem>>
      %dma_start3A = arith.constant 0 : i32
      %dma_start3A_120 = arith.constant 0 : i32
      %dma_start3A_121 = tpu.memref_slice %arg24[%dma_start3A, %dma_start3A_120] : memref<128x32xf32, #tpu.memory_space<vmem>> -> memref<128x32xf32, #tpu.memory_space<vmem>>
      %dma_start3A_122 = arith.constant 0 : i32
      %dma_start3A_123 = tpu.memref_slice %arg4[%add3A_35, %dma_start3A_122] : memref<20224x32xf32, #tpu.memory_space<hbm>> -> memref<128x32xf32, #tpu.memory_space<hbm>>
      %dma_start3A_124 = arith.constant 0 : i32
      %dma_start3A_125 = arith.constant 0 : i32
      %dma_start3A_126 = tpu.memref_slice %arg24[%dma_start3A_124, %dma_start3A_125] : memref<128x32xf32, #tpu.memory_space<vmem>> -> memref<128x32xf32, #tpu.memory_space<vmem>>
      %dma_start3A_127 = arith.constant 0 : i32
      %dma_start3A_128 = tpu.memref_slice %arg4[%add3A_35, %dma_start3A_127] : memref<20224x32xf32, #tpu.memory_space<hbm>> -> memref<128x32xf32, #tpu.memory_space<hbm>>
      tpu.enqueue_dma source(%dma_start3A_128 : memref<128x32xf32, #tpu.memory_space<hbm>>) target(%dma_start3A_126 : memref<128x32xf32, #tpu.memory_space<vmem>>) target_semaphore(%run_scoped3A : memref<!tpu.dma_semaphore, #tpu.memory_space<semaphore_mem>>)
      %dma_wait3A = arith.constant 0 : i32
      %dma_wait3A_129 = arith.constant 0 : i32
      %dma_wait3A_130 = tpu.memref_slice %arg24[%dma_wait3A, %dma_wait3A_129] : memref<128x32xf32, #tpu.memory_space<vmem>> -> memref<128x32xf32, #tpu.memory_space<vmem>>
      %dma_wait3A_131 = arith.constant 0 : i32
      %dma_wait3A_132 = tpu.memref_slice %arg4[%add3A_35, %dma_wait3A_131] : memref<20224x32xf32, #tpu.memory_space<hbm>> -> memref<128x32xf32, #tpu.memory_space<hbm>>
      %dma_wait3A_133 = arith.constant 0 : i32
      %dma_wait3A_134 = arith.constant 0 : i32
      %dma_wait3A_135 = tpu.memref_slice %arg24[%dma_wait3A_133, %dma_wait3A_134] : memref<128x32xf32, #tpu.memory_space<vmem>> -> memref<128x32xf32, #tpu.memory_space<vmem>>
      %dma_wait3A_136 = arith.constant 0 : i32
      %dma_wait3A_137 = tpu.memref_slice %arg4[%add3A_35, %dma_wait3A_136] : memref<20224x32xf32, #tpu.memory_space<hbm>> -> memref<128x32xf32, #tpu.memory_space<hbm>>
      tpu.wait_dma2 semaphore(%run_scoped3A : memref<!tpu.dma_semaphore, #tpu.memory_space<semaphore_mem>>) src(%dma_wait3A_137 : memref<128x32xf32, #tpu.memory_space<hbm>>) dst(%dma_wait3A_135 : memref<128x32xf32, #tpu.memory_space<vmem>>)
      tpu.yield
    }) : () -> ()
    %scan3A_36 = arith.constant 0 : i32
    %scan3A_37 = arith.constant 128 : i32
    %scan3A_38 = arith.addi %scan3A_36, %scan3A_37 : i32
    %scan3A_39 = arith.constant 1 : i32
    scf.for %scan3A_120 = %scan3A_36 to %scan3A_38 step %scan3A_39  : i32 {
      %add3A_121 = arith.constant 128 : i32
      %add3A_122 = arith.addi %add3A_121, %scan3A_120 : i32
      %get3A = arith.index_cast %add3A_122 : i32 to index
      %get3A_123 = arith.constant 0 : index
      %get3A_124 = tpu.vector_load %arg22[%get3A, %get3A_123] {strides = array<i32>} : memref<632x16xf32, #tpu.memory_space<vmem>>, vector<1x16xf32>,
      %get3A_125 = vector.shape_cast %get3A_124 : vector<1x16xf32> to vector<16xf32>
      %get3A_126 = arith.index_cast %scan3A_120 : i32 to index
      %get3A_127 = arith.constant 0 : index
      %get3A_128 = tpu.vector_load %arg24[%get3A_126, %get3A_127] {strides = array<i32>} : memref<128x32xf32, #tpu.memory_space<vmem>>, vector<1x16xf32>,
      %get3A_129 = vector.shape_cast %get3A_128 : vector<1x16xf32> to vector<16xf32>
      %mul3A_130 = arith.mulf %get3A_129, %get3A_125 : vector<16xf32>
      %get3A_131 = arith.index_cast %scan3A_120 : i32 to index
      %get3A_132 = arith.constant 16 : index
      %get3A_133 = tpu.vector_load %arg24[%get3A_131, %get3A_132] {strides = array<i32>} : memref<128x32xf32, #tpu.memory_space<vmem>>, vector<1x16xf32>,
      %get3A_134 = vector.shape_cast %get3A_133 : vector<1x16xf32> to vector<16xf32>
      %mul3A_135 = arith.mulf %get3A_134, %get3A_125 : vector<16xf32>
      %swap3A = arith.index_cast %scan3A_120 : i32 to index
      %swap3A_136 = arith.constant 0 : index
      %swap3A_137 = tpu.vector_load %arg24[%swap3A, %swap3A_136] {strides = array<i32>} : memref<128x32xf32, #tpu.memory_space<vmem>>, vector<1x16xf32>,
      %swap3A_138 = vector.shape_cast %swap3A_137 : vector<1x16xf32> to vector<16xf32>
      %swap3A_139 = vector.shape_cast %mul3A_130 : vector<16xf32> to vector<1x16xf32>
      tpu.vector_store %arg24[%swap3A, %swap3A_136], %swap3A_139 {strides = array<i32>} : memref<128x32xf32, #tpu.memory_space<vmem>>, vector<1x16xf32>,
      %swap3A_140 = arith.index_cast %scan3A_120 : i32 to index
      %swap3A_141 = arith.constant 16 : index
      %swap3A_142 = tpu.vector_load %arg24[%swap3A_140, %swap3A_141] {strides = array<i32>} : memref<128x32xf32, #tpu.memory_space<vmem>>, vector<1x16xf32>,
      %swap3A_143 = vector.shape_cast %swap3A_142 : vector<1x16xf32> to vector<16xf32>
      %swap3A_144 = vector.shape_cast %mul3A_135 : vector<16xf32> to vector<1x16xf32>
      tpu.vector_store %arg24[%swap3A_140, %swap3A_141], %swap3A_144 {strides = array<i32>} : memref<128x32xf32, #tpu.memory_space<vmem>>, vector<1x16xf32>,
      %mul3A_145 = arith.constant 1.000000e-01 : f32
      %mul3A_146 = vector.broadcast %mul3A_145 : f32 to vector<16xf32>
      %mul3A_147 = arith.mulf %mul3A_130, %mul3A_146 : vector<16xf32>
      %add3A_148 = arith.constant 128 : i32
      %add3A_149 = arith.addi %add3A_148, %scan3A_120 : i32
      %swap3A_150 = arith.index_cast %add3A_149 : i32 to index
      %swap3A_151 = arith.constant 0 : index
      %swap3A_152 = tpu.vector_load %arg20[%swap3A_150, %swap3A_151] {strides = array<i32>} : memref<632x32xf32, #tpu.memory_space<vmem>>, vector<1x16xf32>,
      %swap3A_153 = vector.shape_cast %swap3A_152 : vector<1x16xf32> to vector<16xf32>
      %swap3A_154 = vector.shape_cast %mul3A_147 : vector<16xf32> to vector<1x16xf32>
      tpu.vector_store %arg20[%swap3A_150, %swap3A_151], %swap3A_154 {strides = array<i32>} : memref<632x32xf32, #tpu.memory_space<vmem>>, vector<1x16xf32>,
      %mul3A_155 = arith.constant 1.000000e-01 : f32
      %mul3A_156 = vector.broadcast %mul3A_155 : f32 to vector<16xf32>
      %mul3A_157 = arith.mulf %mul3A_135, %mul3A_156 : vector<16xf32>
      %add3A_158 = arith.constant 128 : i32
      %add3A_159 = arith.addi %add3A_158, %scan3A_120 : i32
      %swap3A_160 = arith.index_cast %add3A_159 : i32 to index
      %swap3A_161 = arith.constant 16 : index
      %swap3A_162 = tpu.vector_load %arg20[%swap3A_160, %swap3A_161] {strides = array<i32>} : memref<632x32xf32, #tpu.memory_space<vmem>>, vector<1x16xf32>,
      %swap3A_163 = vector.shape_cast %swap3A_162 : vector<1x16xf32> to vector<16xf32>
      %swap3A_164 = vector.shape_cast %mul3A_157 : vector<16xf32> to vector<1x16xf32>
      tpu.vector_store %arg20[%swap3A_160, %swap3A_161], %swap3A_164 {strides = array<i32>} : memref<632x32xf32, #tpu.memory_space<vmem>>, vector<1x16xf32>,
    }
    %scan3A_40 = arith.constant 128 : i32
    %add3A_41 = arith.constant 128 : i32
    %add3A_42 = arith.addi %mul3A_0, %add3A_41 : i32
    "tpu.region"() ({
      %run_scoped3A = tpu.sem_alloc : memref<!tpu.dma_semaphore, #tpu.memory_space<semaphore_mem>>
      %dma_start3A = arith.constant 0 : i32
      %dma_start3A_120 = arith.constant 0 : i32
      %dma_start3A_121 = tpu.memref_slice %arg24[%dma_start3A, %dma_start3A_120] : memref<128x32xf32, #tpu.memory_space<vmem>> -> memref<128x32xf32, #tpu.memory_space<vmem>>
      %dma_start3A_122 = arith.constant 0 : i32
      %dma_start3A_123 = tpu.memref_slice %arg7[%add3A_42, %dma_start3A_122] : memref<10112x32xf32, #tpu.memory_space<vmem_shared>> -> memref<128x32xf32, #tpu.memory_space<vmem_shared>>
      %dma_start3A_124 = arith.constant 0 : i32
      %dma_start3A_125 = tpu.memref_slice %arg7[%add3A_42, %dma_start3A_124] : memref<10112x32xf32, #tpu.memory_space<vmem_shared>> -> memref<128x32xf32, #tpu.memory_space<vmem_shared>>
      %dma_start3A_126 = arith.constant 0 : i32
      %dma_start3A_127 = arith.constant 0 : i32
      %dma_start3A_128 = tpu.memref_slice %arg24[%dma_start3A_126, %dma_start3A_127] : memref<128x32xf32, #tpu.memory_space<vmem>> -> memref<128x32xf32, #tpu.memory_space<vmem>>
      tpu.enqueue_dma source(%dma_start3A_128 : memref<128x32xf32, #tpu.memory_space<vmem>>) target(%dma_start3A_125 : memref<128x32xf32, #tpu.memory_space<vmem_shared>>) target_semaphore(%run_scoped3A : memref<!tpu.dma_semaphore, #tpu.memory_space<semaphore_mem>>)
      %dma_wait3A = arith.constant 0 : i32
      %dma_wait3A_129 = arith.constant 0 : i32
      %dma_wait3A_130 = tpu.memref_slice %arg24[%dma_wait3A, %dma_wait3A_129] : memref<128x32xf32, #tpu.memory_space<vmem>> -> memref<128x32xf32, #tpu.memory_space<vmem>>
      %dma_wait3A_131 = arith.constant 0 : i32
      %dma_wait3A_132 = tpu.memref_slice %arg7[%add3A_42, %dma_wait3A_131] : memref<10112x32xf32, #tpu.memory_space<vmem_shared>> -> memref<128x32xf32, #tpu.memory_space<vmem_shared>>
      %dma_wait3A_133 = arith.constant 0 : i32
      %dma_wait3A_134 = tpu.memref_slice %arg7[%add3A_42, %dma_wait3A_133] : memref<10112x32xf32, #tpu.memory_space<vmem_shared>> -> memref<128x32xf32, #tpu.memory_space<vmem_shared>>
      %dma_wait3A_135 = arith.constant 0 : i32
      %dma_wait3A_136 = arith.constant 0 : i32
      %dma_wait3A_137 = tpu.memref_slice %arg24[%dma_wait3A_135, %dma_wait3A_136] : memref<128x32xf32, #tpu.memory_space<vmem>> -> memref<128x32xf32, #tpu.memory_space<vmem>>
      tpu.wait_dma2 semaphore(%run_scoped3A : memref<!tpu.dma_semaphore, #tpu.memory_space<semaphore_mem>>) src(%dma_wait3A_137 : memref<128x32xf32, #tpu.memory_space<vmem>>) dst(%dma_wait3A_134 : memref<128x32xf32, #tpu.memory_space<vmem_shared>>)
      tpu.yield
    }) : () -> ()
    %add3A_43 = arith.constant 256 : i32
    %add3A_44 = arith.addi %add3A, %add3A_43 : i32
    "tpu.region"() ({
      %run_scoped3A = tpu.sem_alloc : memref<!tpu.dma_semaphore, #tpu.memory_space<semaphore_mem>>
      %dma_start3A = arith.constant 0 : i32
      %dma_start3A_120 = arith.constant 0 : i32
      %dma_start3A_121 = tpu.memref_slice %arg24[%dma_start3A, %dma_start3A_120] : memref<128x32xf32, #tpu.memory_space<vmem>> -> memref<128x32xf32, #tpu.memory_space<vmem>>
      %dma_start3A_122 = arith.constant 0 : i32
      %dma_start3A_123 = tpu.memref_slice %arg4[%add3A_44, %dma_start3A_122] : memref<20224x32xf32, #tpu.memory_space<hbm>> -> memref<128x32xf32, #tpu.memory_space<hbm>>
      %dma_start3A_124 = arith.constant 0 : i32
      %dma_start3A_125 = arith.constant 0 : i32
      %dma_start3A_126 = tpu.memref_slice %arg24[%dma_start3A_124, %dma_start3A_125] : memref<128x32xf32, #tpu.memory_space<vmem>> -> memref<128x32xf32, #tpu.memory_space<vmem>>
      %dma_start3A_127 = arith.constant 0 : i32
      %dma_start3A_128 = tpu.memref_slice %arg4[%add3A_44, %dma_start3A_127] : memref<20224x32xf32, #tpu.memory_space<hbm>> -> memref<128x32xf32, #tpu.memory_space<hbm>>
      tpu.enqueue_dma source(%dma_start3A_128 : memref<128x32xf32, #tpu.memory_space<hbm>>) target(%dma_start3A_126 : memref<128x32xf32, #tpu.memory_space<vmem>>) target_semaphore(%run_scoped3A : memref<!tpu.dma_semaphore, #tpu.memory_space<semaphore_mem>>)
      %dma_wait3A = arith.constant 0 : i32
      %dma_wait3A_129 = arith.constant 0 : i32
      %dma_wait3A_130 = tpu.memref_slice %arg24[%dma_wait3A, %dma_wait3A_129] : memref<128x32xf32, #tpu.memory_space<vmem>> -> memref<128x32xf32, #tpu.memory_space<vmem>>
      %dma_wait3A_131 = arith.constant 0 : i32
      %dma_wait3A_132 = tpu.memref_slice %arg4[%add3A_44, %dma_wait3A_131] : memref<20224x32xf32, #tpu.memory_space<hbm>> -> memref<128x32xf32, #tpu.memory_space<hbm>>
      %dma_wait3A_133 = arith.constant 0 : i32
      %dma_wait3A_134 = arith.constant 0 : i32
      %dma_wait3A_135 = tpu.memref_slice %arg24[%dma_wait3A_133, %dma_wait3A_134] : memref<128x32xf32, #tpu.memory_space<vmem>> -> memref<128x32xf32, #tpu.memory_space<vmem>>
      %dma_wait3A_136 = arith.constant 0 : i32
      %dma_wait3A_137 = tpu.memref_slice %arg4[%add3A_44, %dma_wait3A_136] : memref<20224x32xf32, #tpu.memory_space<hbm>> -> memref<128x32xf32, #tpu.memory_space<hbm>>
      tpu.wait_dma2 semaphore(%run_scoped3A : memref<!tpu.dma_semaphore, #tpu.memory_space<semaphore_mem>>) src(%dma_wait3A_137 : memref<128x32xf32, #tpu.memory_space<hbm>>) dst(%dma_wait3A_135 : memref<128x32xf32, #tpu.memory_space<vmem>>)
      tpu.yield
    }) : () -> ()
    %scan3A_45 = arith.constant 0 : i32
    %scan3A_46 = arith.constant 128 : i32
    %scan3A_47 = arith.addi %scan3A_45, %scan3A_46 : i32
    %scan3A_48 = arith.constant 1 : i32
    scf.for %scan3A_120 = %scan3A_45 to %scan3A_47 step %scan3A_48  : i32 {
      %add3A_121 = arith.constant 256 : i32
      %add3A_122 = arith.addi %add3A_121, %scan3A_120 : i32
      %get3A = arith.index_cast %add3A_122 : i32 to index
      %get3A_123 = arith.constant 0 : index
      %get3A_124 = tpu.vector_load %arg22[%get3A, %get3A_123] {strides = array<i32>} : memref<632x16xf32, #tpu.memory_space<vmem>>, vector<1x16xf32>,
      %get3A_125 = vector.shape_cast %get3A_124 : vector<1x16xf32> to vector<16xf32>
      %get3A_126 = arith.index_cast %scan3A_120 : i32 to index
      %get3A_127 = arith.constant 0 : index
      %get3A_128 = tpu.vector_load %arg24[%get3A_126, %get3A_127] {strides = array<i32>} : memref<128x32xf32, #tpu.memory_space<vmem>>, vector<1x16xf32>,
      %get3A_129 = vector.shape_cast %get3A_128 : vector<1x16xf32> to vector<16xf32>
      %mul3A_130 = arith.mulf %get3A_129, %get3A_125 : vector<16xf32>
      %get3A_131 = arith.index_cast %scan3A_120 : i32 to index
      %get3A_132 = arith.constant 16 : index
      %get3A_133 = tpu.vector_load %arg24[%get3A_131, %get3A_132] {strides = array<i32>} : memref<128x32xf32, #tpu.memory_space<vmem>>, vector<1x16xf32>,
      %get3A_134 = vector.shape_cast %get3A_133 : vector<1x16xf32> to vector<16xf32>
      %mul3A_135 = arith.mulf %get3A_134, %get3A_125 : vector<16xf32>
      %swap3A = arith.index_cast %scan3A_120 : i32 to index
      %swap3A_136 = arith.constant 0 : index
      %swap3A_137 = tpu.vector_load %arg24[%swap3A, %swap3A_136] {strides = array<i32>} : memref<128x32xf32, #tpu.memory_space<vmem>>, vector<1x16xf32>,
      %swap3A_138 = vector.shape_cast %swap3A_137 : vector<1x16xf32> to vector<16xf32>
      %swap3A_139 = vector.shape_cast %mul3A_130 : vector<16xf32> to vector<1x16xf32>
      tpu.vector_store %arg24[%swap3A, %swap3A_136], %swap3A_139 {strides = array<i32>} : memref<128x32xf32, #tpu.memory_space<vmem>>, vector<1x16xf32>,
      %swap3A_140 = arith.index_cast %scan3A_120 : i32 to index
      %swap3A_141 = arith.constant 16 : index
      %swap3A_142 = tpu.vector_load %arg24[%swap3A_140, %swap3A_141] {strides = array<i32>} : memref<128x32xf32, #tpu.memory_space<vmem>>, vector<1x16xf32>,
      %swap3A_143 = vector.shape_cast %swap3A_142 : vector<1x16xf32> to vector<16xf32>
      %swap3A_144 = vector.shape_cast %mul3A_135 : vector<16xf32> to vector<1x16xf32>
      tpu.vector_store %arg24[%swap3A_140, %swap3A_141], %swap3A_144 {strides = array<i32>} : memref<128x32xf32, #tpu.memory_space<vmem>>, vector<1x16xf32>,
      %mul3A_145 = arith.constant 1.000000e-01 : f32
      %mul3A_146 = vector.broadcast %mul3A_145 : f32 to vector<16xf32>
      %mul3A_147 = arith.mulf %mul3A_130, %mul3A_146 : vector<16xf32>
      %add3A_148 = arith.constant 256 : i32
      %add3A_149 = arith.addi %add3A_148, %scan3A_120 : i32
      %swap3A_150 = arith.index_cast %add3A_149 : i32 to index
      %swap3A_151 = arith.constant 0 : index
      %swap3A_152 = tpu.vector_load %arg20[%swap3A_150, %swap3A_151] {strides = array<i32>} : memref<632x32xf32, #tpu.memory_space<vmem>>, vector<1x16xf32>,
      %swap3A_153 = vector.shape_cast %swap3A_152 : vector<1x16xf32> to vector<16xf32>
      %swap3A_154 = vector.shape_cast %mul3A_147 : vector<16xf32> to vector<1x16xf32>
      tpu.vector_store %arg20[%swap3A_150, %swap3A_151], %swap3A_154 {strides = array<i32>} : memref<632x32xf32, #tpu.memory_space<vmem>>, vector<1x16xf32>,
      %mul3A_155 = arith.constant 1.000000e-01 : f32
      %mul3A_156 = vector.broadcast %mul3A_155 : f32 to vector<16xf32>
      %mul3A_157 = arith.mulf %mul3A_135, %mul3A_156 : vector<16xf32>
      %add3A_158 = arith.constant 256 : i32
      %add3A_159 = arith.addi %add3A_158, %scan3A_120 : i32
      %swap3A_160 = arith.index_cast %add3A_159 : i32 to index
      %swap3A_161 = arith.constant 16 : index
      %swap3A_162 = tpu.vector_load %arg20[%swap3A_160, %swap3A_161] {strides = array<i32>} : memref<632x32xf32, #tpu.memory_space<vmem>>, vector<1x16xf32>,
      %swap3A_163 = vector.shape_cast %swap3A_162 : vector<1x16xf32> to vector<16xf32>
      %swap3A_164 = vector.shape_cast %mul3A_157 : vector<16xf32> to vector<1x16xf32>
      tpu.vector_store %arg20[%swap3A_160, %swap3A_161], %swap3A_164 {strides = array<i32>} : memref<632x32xf32, #tpu.memory_space<vmem>>, vector<1x16xf32>,
    }
    %scan3A_49 = arith.constant 128 : i32
    %add3A_50 = arith.constant 256 : i32
    %add3A_51 = arith.addi %mul3A_0, %add3A_50 : i32
    "tpu.region"() ({
      %run_scoped3A = tpu.sem_alloc : memref<!tpu.dma_semaphore, #tpu.memory_space<semaphore_mem>>
      %dma_start3A = arith.constant 0 : i32
      %dma_start3A_120 = arith.constant 0 : i32
      %dma_start3A_121 = tpu.memref_slice %arg24[%dma_start3A, %dma_start3A_120] : memref<128x32xf32, #tpu.memory_space<vmem>> -> memref<128x32xf32, #tpu.memory_space<vmem>>
      %dma_start3A_122 = arith.constant 0 : i32
      %dma_start3A_123 = tpu.memref_slice %arg7[%add3A_51, %dma_start3A_122] : memref<10112x32xf32, #tpu.memory_space<vmem_shared>> -> memref<128x32xf32, #tpu.memory_space<vmem_shared>>
      %dma_start3A_124 = arith.constant 0 : i32
      %dma_start3A_125 = tpu.memref_slice %arg7[%add3A_51, %dma_start3A_124] : memref<10112x32xf32, #tpu.memory_space<vmem_shared>> -> memref<128x32xf32, #tpu.memory_space<vmem_shared>>
      %dma_start3A_126 = arith.constant 0 : i32
      %dma_start3A_127 = arith.constant 0 : i32
      %dma_start3A_128 = tpu.memref_slice %arg24[%dma_start3A_126, %dma_start3A_127] : memref<128x32xf32, #tpu.memory_space<vmem>> -> memref<128x32xf32, #tpu.memory_space<vmem>>
      tpu.enqueue_dma source(%dma_start3A_128 : memref<128x32xf32, #tpu.memory_space<vmem>>) target(%dma_start3A_125 : memref<128x32xf32, #tpu.memory_space<vmem_shared>>) target_semaphore(%run_scoped3A : memref<!tpu.dma_semaphore, #tpu.memory_space<semaphore_mem>>)
      %dma_wait3A = arith.constant 0 : i32
      %dma_wait3A_129 = arith.constant 0 : i32
      %dma_wait3A_130 = tpu.memref_slice %arg24[%dma_wait3A, %dma_wait3A_129] : memref<128x32xf32, #tpu.memory_space<vmem>> -> memref<128x32xf32, #tpu.memory_space<vmem>>
      %dma_wait3A_131 = arith.constant 0 : i32
      %dma_wait3A_132 = tpu.memref_slice %arg7[%add3A_51, %dma_wait3A_131] : memref<10112x32xf32, #tpu.memory_space<vmem_shared>> -> memref<128x32xf32, #tpu.memory_space<vmem_shared>>
      %dma_wait3A_133 = arith.constant 0 : i32
      %dma_wait3A_134 = tpu.memref_slice %arg7[%add3A_51, %dma_wait3A_133] : memref<10112x32xf32, #tpu.memory_space<vmem_shared>> -> memref<128x32xf32, #tpu.memory_space<vmem_shared>>
      %dma_wait3A_135 = arith.constant 0 : i32
      %dma_wait3A_136 = arith.constant 0 : i32
      %dma_wait3A_137 = tpu.memref_slice %arg24[%dma_wait3A_135, %dma_wait3A_136] : memref<128x32xf32, #tpu.memory_space<vmem>> -> memref<128x32xf32, #tpu.memory_space<vmem>>
      tpu.wait_dma2 semaphore(%run_scoped3A : memref<!tpu.dma_semaphore, #tpu.memory_space<semaphore_mem>>) src(%dma_wait3A_137 : memref<128x32xf32, #tpu.memory_space<vmem>>) dst(%dma_wait3A_134 : memref<128x32xf32, #tpu.memory_space<vmem_shared>>)
      tpu.yield
    }) : () -> ()
    %add3A_52 = arith.constant 384 : i32
    %add3A_53 = arith.addi %add3A, %add3A_52 : i32
    "tpu.region"() ({
      %run_scoped3A = tpu.sem_alloc : memref<!tpu.dma_semaphore, #tpu.memory_space<semaphore_mem>>
      %dma_start3A = arith.constant 0 : i32
      %dma_start3A_120 = arith.constant 0 : i32
      %dma_start3A_121 = tpu.memref_slice %arg24[%dma_start3A, %dma_start3A_120] : memref<128x32xf32, #tpu.memory_space<vmem>> -> memref<128x32xf32, #tpu.memory_space<vmem>>
      %dma_start3A_122 = arith.constant 0 : i32
      %dma_start3A_123 = tpu.memref_slice %arg4[%add3A_53, %dma_start3A_122] : memref<20224x32xf32, #tpu.memory_space<hbm>> -> memref<128x32xf32, #tpu.memory_space<hbm>>
      %dma_start3A_124 = arith.constant 0 : i32
      %dma_start3A_125 = arith.constant 0 : i32
      %dma_start3A_126 = tpu.memref_slice %arg24[%dma_start3A_124, %dma_start3A_125] : memref<128x32xf32, #tpu.memory_space<vmem>> -> memref<128x32xf32, #tpu.memory_space<vmem>>
      %dma_start3A_127 = arith.constant 0 : i32
      %dma_start3A_128 = tpu.memref_slice %arg4[%add3A_53, %dma_start3A_127] : memref<20224x32xf32, #tpu.memory_space<hbm>> -> memref<128x32xf32, #tpu.memory_space<hbm>>
      tpu.enqueue_dma source(%dma_start3A_128 : memref<128x32xf32, #tpu.memory_space<hbm>>) target(%dma_start3A_126 : memref<128x32xf32, #tpu.memory_space<vmem>>) target_semaphore(%run_scoped3A : memref<!tpu.dma_semaphore, #tpu.memory_space<semaphore_mem>>)
      %dma_wait3A = arith.constant 0 : i32
      %dma_wait3A_129 = arith.constant 0 : i32
      %dma_wait3A_130 = tpu.memref_slice %arg24[%dma_wait3A, %dma_wait3A_129] : memref<128x32xf32, #tpu.memory_space<vmem>> -> memref<128x32xf32, #tpu.memory_space<vmem>>
      %dma_wait3A_131 = arith.constant 0 : i32
      %dma_wait3A_132 = tpu.memref_slice %arg4[%add3A_53, %dma_wait3A_131] : memref<20224x32xf32, #tpu.memory_space<hbm>> -> memref<128x32xf32, #tpu.memory_space<hbm>>
      %dma_wait3A_133 = arith.constant 0 : i32
      %dma_wait3A_134 = arith.constant 0 : i32
      %dma_wait3A_135 = tpu.memref_slice %arg24[%dma_wait3A_133, %dma_wait3A_134] : memref<128x32xf32, #tpu.memory_space<vmem>> -> memref<128x32xf32, #tpu.memory_space<vmem>>
      %dma_wait3A_136 = arith.constant 0 : i32
      %dma_wait3A_137 = tpu.memref_slice %arg4[%add3A_53, %dma_wait3A_136] : memref<20224x32xf32, #tpu.memory_space<hbm>> -> memref<128x32xf32, #tpu.memory_space<hbm>>
      tpu.wait_dma2 semaphore(%run_scoped3A : memref<!tpu.dma_semaphore, #tpu.memory_space<semaphore_mem>>) src(%dma_wait3A_137 : memref<128x32xf32, #tpu.memory_space<hbm>>) dst(%dma_wait3A_135 : memref<128x32xf32, #tpu.memory_space<vmem>>)
      tpu.yield
    }) : () -> ()
    %scan3A_54 = arith.constant 0 : i32
    %scan3A_55 = arith.constant 128 : i32
    %scan3A_56 = arith.addi %scan3A_54, %scan3A_55 : i32
    %scan3A_57 = arith.constant 1 : i32
    scf.for %scan3A_120 = %scan3A_54 to %scan3A_56 step %scan3A_57  : i32 {
      %add3A_121 = arith.constant 384 : i32
      %add3A_122 = arith.addi %add3A_121, %scan3A_120 : i32
      %get3A = arith.index_cast %add3A_122 : i32 to index
      %get3A_123 = arith.constant 0 : index
      %get3A_124 = tpu.vector_load %arg22[%get3A, %get3A_123] {strides = array<i32>} : memref<632x16xf32, #tpu.memory_space<vmem>>, vector<1x16xf32>,
      %get3A_125 = vector.shape_cast %get3A_124 : vector<1x16xf32> to vector<16xf32>
      %get3A_126 = arith.index_cast %scan3A_120 : i32 to index
      %get3A_127 = arith.constant 0 : index
      %get3A_128 = tpu.vector_load %arg24[%get3A_126, %get3A_127] {strides = array<i32>} : memref<128x32xf32, #tpu.memory_space<vmem>>, vector<1x16xf32>,
      %get3A_129 = vector.shape_cast %get3A_128 : vector<1x16xf32> to vector<16xf32>
      %mul3A_130 = arith.mulf %get3A_129, %get3A_125 : vector<16xf32>
      %get3A_131 = arith.index_cast %scan3A_120 : i32 to index
      %get3A_132 = arith.constant 16 : index
      %get3A_133 = tpu.vector_load %arg24[%get3A_131, %get3A_132] {strides = array<i32>} : memref<128x32xf32, #tpu.memory_space<vmem>>, vector<1x16xf32>,
      %get3A_134 = vector.shape_cast %get3A_133 : vector<1x16xf32> to vector<16xf32>
      %mul3A_135 = arith.mulf %get3A_134, %get3A_125 : vector<16xf32>
      %swap3A = arith.index_cast %scan3A_120 : i32 to index
      %swap3A_136 = arith.constant 0 : index
      %swap3A_137 = tpu.vector_load %arg24[%swap3A, %swap3A_136] {strides = array<i32>} : memref<128x32xf32, #tpu.memory_space<vmem>>, vector<1x16xf32>,
      %swap3A_138 = vector.shape_cast %swap3A_137 : vector<1x16xf32> to vector<16xf32>
      %swap3A_139 = vector.shape_cast %mul3A_130 : vector<16xf32> to vector<1x16xf32>
      tpu.vector_store %arg24[%swap3A, %swap3A_136], %swap3A_139 {strides = array<i32>} : memref<128x32xf32, #tpu.memory_space<vmem>>, vector<1x16xf32>,
      %swap3A_140 = arith.index_cast %scan3A_120 : i32 to index
      %swap3A_141 = arith.constant 16 : index
      %swap3A_142 = tpu.vector_load %arg24[%swap3A_140, %swap3A_141] {strides = array<i32>} : memref<128x32xf32, #tpu.memory_space<vmem>>, vector<1x16xf32>,
      %swap3A_143 = vector.shape_cast %swap3A_142 : vector<1x16xf32> to vector<16xf32>
      %swap3A_144 = vector.shape_cast %mul3A_135 : vector<16xf32> to vector<1x16xf32>
      tpu.vector_store %arg24[%swap3A_140, %swap3A_141], %swap3A_144 {strides = array<i32>} : memref<128x32xf32, #tpu.memory_space<vmem>>, vector<1x16xf32>,
      %mul3A_145 = arith.constant 1.000000e-01 : f32
      %mul3A_146 = vector.broadcast %mul3A_145 : f32 to vector<16xf32>
      %mul3A_147 = arith.mulf %mul3A_130, %mul3A_146 : vector<16xf32>
      %add3A_148 = arith.constant 384 : i32
      %add3A_149 = arith.addi %add3A_148, %scan3A_120 : i32
      %swap3A_150 = arith.index_cast %add3A_149 : i32 to index
      %swap3A_151 = arith.constant 0 : index
      %swap3A_152 = tpu.vector_load %arg20[%swap3A_150, %swap3A_151] {strides = array<i32>} : memref<632x32xf32, #tpu.memory_space<vmem>>, vector<1x16xf32>,
      %swap3A_153 = vector.shape_cast %swap3A_152 : vector<1x16xf32> to vector<16xf32>
      %swap3A_154 = vector.shape_cast %mul3A_147 : vector<16xf32> to vector<1x16xf32>
      tpu.vector_store %arg20[%swap3A_150, %swap3A_151], %swap3A_154 {strides = array<i32>} : memref<632x32xf32, #tpu.memory_space<vmem>>, vector<1x16xf32>,
      %mul3A_155 = arith.constant 1.000000e-01 : f32
      %mul3A_156 = vector.broadcast %mul3A_155 : f32 to vector<16xf32>
      %mul3A_157 = arith.mulf %mul3A_135, %mul3A_156 : vector<16xf32>
      %add3A_158 = arith.constant 384 : i32
      %add3A_159 = arith.addi %add3A_158, %scan3A_120 : i32
      %swap3A_160 = arith.index_cast %add3A_159 : i32 to index
      %swap3A_161 = arith.constant 16 : index
      %swap3A_162 = tpu.vector_load %arg20[%swap3A_160, %swap3A_161] {strides = array<i32>} : memref<632x32xf32, #tpu.memory_space<vmem>>, vector<1x16xf32>,
      %swap3A_163 = vector.shape_cast %swap3A_162 : vector<1x16xf32> to vector<16xf32>
      %swap3A_164 = vector.shape_cast %mul3A_157 : vector<16xf32> to vector<1x16xf32>
      tpu.vector_store %arg20[%swap3A_160, %swap3A_161], %swap3A_164 {strides = array<i32>} : memref<632x32xf32, #tpu.memory_space<vmem>>, vector<1x16xf32>,
    }
    %scan3A_58 = arith.constant 128 : i32
    %add3A_59 = arith.constant 384 : i32
    %add3A_60 = arith.addi %mul3A_0, %add3A_59 : i32
    "tpu.region"() ({
      %run_scoped3A = tpu.sem_alloc : memref<!tpu.dma_semaphore, #tpu.memory_space<semaphore_mem>>
      %dma_start3A = arith.constant 0 : i32
      %dma_start3A_120 = arith.constant 0 : i32
      %dma_start3A_121 = tpu.memref_slice %arg24[%dma_start3A, %dma_start3A_120] : memref<128x32xf32, #tpu.memory_space<vmem>> -> memref<128x32xf32, #tpu.memory_space<vmem>>
      %dma_start3A_122 = arith.constant 0 : i32
      %dma_start3A_123 = tpu.memref_slice %arg7[%add3A_60, %dma_start3A_122] : memref<10112x32xf32, #tpu.memory_space<vmem_shared>> -> memref<128x32xf32, #tpu.memory_space<vmem_shared>>
      %dma_start3A_124 = arith.constant 0 : i32
      %dma_start3A_125 = tpu.memref_slice %arg7[%add3A_60, %dma_start3A_124] : memref<10112x32xf32, #tpu.memory_space<vmem_shared>> -> memref<128x32xf32, #tpu.memory_space<vmem_shared>>
      %dma_start3A_126 = arith.constant 0 : i32
      %dma_start3A_127 = arith.constant 0 : i32
      %dma_start3A_128 = tpu.memref_slice %arg24[%dma_start3A_126, %dma_start3A_127] : memref<128x32xf32, #tpu.memory_space<vmem>> -> memref<128x32xf32, #tpu.memory_space<vmem>>
      tpu.enqueue_dma source(%dma_start3A_128 : memref<128x32xf32, #tpu.memory_space<vmem>>) target(%dma_start3A_125 : memref<128x32xf32, #tpu.memory_space<vmem_shared>>) target_semaphore(%run_scoped3A : memref<!tpu.dma_semaphore, #tpu.memory_space<semaphore_mem>>)
      %dma_wait3A = arith.constant 0 : i32
      %dma_wait3A_129 = arith.constant 0 : i32
      %dma_wait3A_130 = tpu.memref_slice %arg24[%dma_wait3A, %dma_wait3A_129] : memref<128x32xf32, #tpu.memory_space<vmem>> -> memref<128x32xf32, #tpu.memory_space<vmem>>
      %dma_wait3A_131 = arith.constant 0 : i32
      %dma_wait3A_132 = tpu.memref_slice %arg7[%add3A_60, %dma_wait3A_131] : memref<10112x32xf32, #tpu.memory_space<vmem_shared>> -> memref<128x32xf32, #tpu.memory_space<vmem_shared>>
      %dma_wait3A_133 = arith.constant 0 : i32
      %dma_wait3A_134 = tpu.memref_slice %arg7[%add3A_60, %dma_wait3A_133] : memref<10112x32xf32, #tpu.memory_space<vmem_shared>> -> memref<128x32xf32, #tpu.memory_space<vmem_shared>>
      %dma_wait3A_135 = arith.constant 0 : i32
      %dma_wait3A_136 = arith.constant 0 : i32
      %dma_wait3A_137 = tpu.memref_slice %arg24[%dma_wait3A_135, %dma_wait3A_136] : memref<128x32xf32, #tpu.memory_space<vmem>> -> memref<128x32xf32, #tpu.memory_space<vmem>>
      tpu.wait_dma2 semaphore(%run_scoped3A : memref<!tpu.dma_semaphore, #tpu.memory_space<semaphore_mem>>) src(%dma_wait3A_137 : memref<128x32xf32, #tpu.memory_space<vmem>>) dst(%dma_wait3A_134 : memref<128x32xf32, #tpu.memory_space<vmem_shared>>)
      tpu.yield
    }) : () -> ()
    %add3A_61 = arith.constant 512 : i32
    %add3A_62 = arith.addi %add3A, %add3A_61 : i32
    "tpu.region"() ({
      %run_scoped3A = tpu.sem_alloc : memref<!tpu.dma_semaphore, #tpu.memory_space<semaphore_mem>>
      %dma_start3A = arith.constant 0 : i32
      %dma_start3A_120 = arith.constant 0 : i32
      %dma_start3A_121 = tpu.memref_slice %arg24[%dma_start3A, %dma_start3A_120] : memref<128x32xf32, #tpu.memory_space<vmem>> -> memref<120x32xf32, #tpu.memory_space<vmem>>
      %dma_start3A_122 = arith.constant 0 : i32
      %dma_start3A_123 = tpu.memref_slice %arg4[%add3A_62, %dma_start3A_122] : memref<20224x32xf32, #tpu.memory_space<hbm>> -> memref<120x32xf32, #tpu.memory_space<hbm>>
      %dma_start3A_124 = arith.constant 0 : i32
      %dma_start3A_125 = arith.constant 0 : i32
      %dma_start3A_126 = tpu.memref_slice %arg24[%dma_start3A_124, %dma_start3A_125] : memref<128x32xf32, #tpu.memory_space<vmem>> -> memref<120x32xf32, #tpu.memory_space<vmem>>
      %dma_start3A_127 = arith.constant 0 : i32
      %dma_start3A_128 = tpu.memref_slice %arg4[%add3A_62, %dma_start3A_127] : memref<20224x32xf32, #tpu.memory_space<hbm>> -> memref<120x32xf32, #tpu.memory_space<hbm>>
      tpu.enqueue_dma source(%dma_start3A_128 : memref<120x32xf32, #tpu.memory_space<hbm>>) target(%dma_start3A_126 : memref<120x32xf32, #tpu.memory_space<vmem>>) target_semaphore(%run_scoped3A : memref<!tpu.dma_semaphore, #tpu.memory_space<semaphore_mem>>)
      %dma_wait3A = arith.constant 0 : i32
      %dma_wait3A_129 = arith.constant 0 : i32
      %dma_wait3A_130 = tpu.memref_slice %arg24[%dma_wait3A, %dma_wait3A_129] : memref<128x32xf32, #tpu.memory_space<vmem>> -> memref<120x32xf32, #tpu.memory_space<vmem>>
      %dma_wait3A_131 = arith.constant 0 : i32
      %dma_wait3A_132 = tpu.memref_slice %arg4[%add3A_62, %dma_wait3A_131] : memref<20224x32xf32, #tpu.memory_space<hbm>> -> memref<120x32xf32, #tpu.memory_space<hbm>>
      %dma_wait3A_133 = arith.constant 0 : i32
      %dma_wait3A_134 = arith.constant 0 : i32
      %dma_wait3A_135 = tpu.memref_slice %arg24[%dma_wait3A_133, %dma_wait3A_134] : memref<128x32xf32, #tpu.memory_space<vmem>> -> memref<120x32xf32, #tpu.memory_space<vmem>>
      %dma_wait3A_136 = arith.constant 0 : i32
      %dma_wait3A_137 = tpu.memref_slice %arg4[%add3A_62, %dma_wait3A_136] : memref<20224x32xf32, #tpu.memory_space<hbm>> -> memref<120x32xf32, #tpu.memory_space<hbm>>
      tpu.wait_dma2 semaphore(%run_scoped3A : memref<!tpu.dma_semaphore, #tpu.memory_space<semaphore_mem>>) src(%dma_wait3A_137 : memref<120x32xf32, #tpu.memory_space<hbm>>) dst(%dma_wait3A_135 : memref<120x32xf32, #tpu.memory_space<vmem>>)
      tpu.yield
    }) : () -> ()
    %scan3A_63 = arith.constant 0 : i32
    %scan3A_64 = arith.constant 120 : i32
    %scan3A_65 = arith.addi %scan3A_63, %scan3A_64 : i32
    %scan3A_66 = arith.constant 1 : i32
    scf.for %scan3A_120 = %scan3A_63 to %scan3A_65 step %scan3A_66  : i32 {
      %add3A_121 = arith.constant 512 : i32
      %add3A_122 = arith.addi %add3A_121, %scan3A_120 : i32
      %get3A = arith.index_cast %add3A_122 : i32 to index
      %get3A_123 = arith.constant 0 : index
      %get3A_124 = tpu.vector_load %arg22[%get3A, %get3A_123] {strides = array<i32>} : memref<632x16xf32, #tpu.memory_space<vmem>>, vector<1x16xf32>,
      %get3A_125 = vector.shape_cast %get3A_124 : vector<1x16xf32> to vector<16xf32>
      %get3A_126 = arith.index_cast %scan3A_120 : i32 to index
      %get3A_127 = arith.constant 0 : index
      %get3A_128 = tpu.vector_load %arg24[%get3A_126, %get3A_127] {strides = array<i32>} : memref<128x32xf32, #tpu.memory_space<vmem>>, vector<1x16xf32>,
      %get3A_129 = vector.shape_cast %get3A_128 : vector<1x16xf32> to vector<16xf32>
      %mul3A_130 = arith.mulf %get3A_129, %get3A_125 : vector<16xf32>
      %get3A_131 = arith.index_cast %scan3A_120 : i32 to index
      %get3A_132 = arith.constant 16 : index
      %get3A_133 = tpu.vector_load %arg24[%get3A_131, %get3A_132] {strides = array<i32>} : memref<128x32xf32, #tpu.memory_space<vmem>>, vector<1x16xf32>,
      %get3A_134 = vector.shape_cast %get3A_133 : vector<1x16xf32> to vector<16xf32>
      %mul3A_135 = arith.mulf %get3A_134, %get3A_125 : vector<16xf32>
      %swap3A = arith.index_cast %scan3A_120 : i32 to index
      %swap3A_136 = arith.constant 0 : index
      %swap3A_137 = tpu.vector_load %arg24[%swap3A, %swap3A_136] {strides = array<i32>} : memref<128x32xf32, #tpu.memory_space<vmem>>, vector<1x16xf32>,
      %swap3A_138 = vector.shape_cast %swap3A_137 : vector<1x16xf32> to vector<16xf32>
      %swap3A_139 = vector.shape_cast %mul3A_130 : vector<16xf32> to vector<1x16xf32>
      tpu.vector_store %arg24[%swap3A, %swap3A_136], %swap3A_139 {strides = array<i32>} : memref<128x32xf32, #tpu.memory_space<vmem>>, vector<1x16xf32>,
      %swap3A_140 = arith.index_cast %scan3A_120 : i32 to index
      %swap3A_141 = arith.constant 16 : index
      %swap3A_142 = tpu.vector_load %arg24[%swap3A_140, %swap3A_141] {strides = array<i32>} : memref<128x32xf32, #tpu.memory_space<vmem>>, vector<1x16xf32>,
      %swap3A_143 = vector.shape_cast %swap3A_142 : vector<1x16xf32> to vector<16xf32>
      %swap3A_144 = vector.shape_cast %mul3A_135 : vector<16xf32> to vector<1x16xf32>
      tpu.vector_store %arg24[%swap3A_140, %swap3A_141], %swap3A_144 {strides = array<i32>} : memref<128x32xf32, #tpu.memory_space<vmem>>, vector<1x16xf32>,
      %mul3A_145 = arith.constant 1.000000e-01 : f32
      %mul3A_146 = vector.broadcast %mul3A_145 : f32 to vector<16xf32>
      %mul3A_147 = arith.mulf %mul3A_130, %mul3A_146 : vector<16xf32>
      %add3A_148 = arith.constant 512 : i32
      %add3A_149 = arith.addi %add3A_148, %scan3A_120 : i32
      %swap3A_150 = arith.index_cast %add3A_149 : i32 to index
      %swap3A_151 = arith.constant 0 : index
      %swap3A_152 = tpu.vector_load %arg20[%swap3A_150, %swap3A_151] {strides = array<i32>} : memref<632x32xf32, #tpu.memory_space<vmem>>, vector<1x16xf32>,
      %swap3A_153 = vector.shape_cast %swap3A_152 : vector<1x16xf32> to vector<16xf32>
      %swap3A_154 = vector.shape_cast %mul3A_147 : vector<16xf32> to vector<1x16xf32>
      tpu.vector_store %arg20[%swap3A_150, %swap3A_151], %swap3A_154 {strides = array<i32>} : memref<632x32xf32, #tpu.memory_space<vmem>>, vector<1x16xf32>,
      %mul3A_155 = arith.constant 1.000000e-01 : f32
      %mul3A_156 = vector.broadcast %mul3A_155 : f32 to vector<16xf32>
      %mul3A_157 = arith.mulf %mul3A_135, %mul3A_156 : vector<16xf32>
      %add3A_158 = arith.constant 512 : i32
      %add3A_159 = arith.addi %add3A_158, %scan3A_120 : i32
      %swap3A_160 = arith.index_cast %add3A_159 : i32 to index
      %swap3A_161 = arith.constant 16 : index
      %swap3A_162 = tpu.vector_load %arg20[%swap3A_160, %swap3A_161] {strides = array<i32>} : memref<632x32xf32, #tpu.memory_space<vmem>>, vector<1x16xf32>,
      %swap3A_163 = vector.shape_cast %swap3A_162 : vector<1x16xf32> to vector<16xf32>
      %swap3A_164 = vector.shape_cast %mul3A_157 : vector<16xf32> to vector<1x16xf32>
      tpu.vector_store %arg20[%swap3A_160, %swap3A_161], %swap3A_164 {strides = array<i32>} : memref<632x32xf32, #tpu.memory_space<vmem>>, vector<1x16xf32>,
    }
    %scan3A_67 = arith.constant 120 : i32
    %add3A_68 = arith.constant 512 : i32
    %add3A_69 = arith.addi %mul3A_0, %add3A_68 : i32
    "tpu.region"() ({
      %run_scoped3A = tpu.sem_alloc : memref<!tpu.dma_semaphore, #tpu.memory_space<semaphore_mem>>
      %dma_start3A = arith.constant 0 : i32
      %dma_start3A_120 = arith.constant 0 : i32
      %dma_start3A_121 = tpu.memref_slice %arg24[%dma_start3A, %dma_start3A_120] : memref<128x32xf32, #tpu.memory_space<vmem>> -> memref<120x32xf32, #tpu.memory_space<vmem>>
      %dma_start3A_122 = arith.constant 0 : i32
      %dma_start3A_123 = tpu.memref_slice %arg7[%add3A_69, %dma_start3A_122] : memref<10112x32xf32, #tpu.memory_space<vmem_shared>> -> memref<120x32xf32, #tpu.memory_space<vmem_shared>>
      %dma_start3A_124 = arith.constant 0 : i32
      %dma_start3A_125 = tpu.memref_slice %arg7[%add3A_69, %dma_start3A_124] : memref<10112x32xf32, #tpu.memory_space<vmem_shared>> -> memref<120x32xf32, #tpu.memory_space<vmem_shared>>
      %dma_start3A_126 = arith.constant 0 : i32
      %dma_start3A_127 = arith.constant 0 : i32
      %dma_start3A_128 = tpu.memref_slice %arg24[%dma_start3A_126, %dma_start3A_127] : memref<128x32xf32, #tpu.memory_space<vmem>> -> memref<120x32xf32, #tpu.memory_space<vmem>>
      tpu.enqueue_dma source(%dma_start3A_128 : memref<120x32xf32, #tpu.memory_space<vmem>>) target(%dma_start3A_125 : memref<120x32xf32, #tpu.memory_space<vmem_shared>>) target_semaphore(%run_scoped3A : memref<!tpu.dma_semaphore, #tpu.memory_space<semaphore_mem>>)
      %dma_wait3A = arith.constant 0 : i32
      %dma_wait3A_129 = arith.constant 0 : i32
      %dma_wait3A_130 = tpu.memref_slice %arg24[%dma_wait3A, %dma_wait3A_129] : memref<128x32xf32, #tpu.memory_space<vmem>> -> memref<120x32xf32, #tpu.memory_space<vmem>>
      %dma_wait3A_131 = arith.constant 0 : i32
      %dma_wait3A_132 = tpu.memref_slice %arg7[%add3A_69, %dma_wait3A_131] : memref<10112x32xf32, #tpu.memory_space<vmem_shared>> -> memref<120x32xf32, #tpu.memory_space<vmem_shared>>
      %dma_wait3A_133 = arith.constant 0 : i32
      %dma_wait3A_134 = tpu.memref_slice %arg7[%add3A_69, %dma_wait3A_133] : memref<10112x32xf32, #tpu.memory_space<vmem_shared>> -> memref<120x32xf32, #tpu.memory_space<vmem_shared>>
      %dma_wait3A_135 = arith.constant 0 : i32
      %dma_wait3A_136 = arith.constant 0 : i32
      %dma_wait3A_137 = tpu.memref_slice %arg24[%dma_wait3A_135, %dma_wait3A_136] : memref<128x32xf32, #tpu.memory_space<vmem>> -> memref<120x32xf32, #tpu.memory_space<vmem>>
      tpu.wait_dma2 semaphore(%run_scoped3A : memref<!tpu.dma_semaphore, #tpu.memory_space<semaphore_mem>>) src(%dma_wait3A_137 : memref<120x32xf32, #tpu.memory_space<vmem>>) dst(%dma_wait3A_134 : memref<120x32xf32, #tpu.memory_space<vmem_shared>>)
      tpu.yield
    }) : () -> ()
    %barrier3A = arith.constant 0 : index
    tpu.barrier barrier_id(%barrier3A)
    %scan3A_70 = arith.constant 0 : i32
    %scan3A_71 = arith.constant 10 : i32
    %scan3A_72 = arith.addi %scan3A_70, %scan3A_71 : i32
    %scan3A_73 = arith.constant 1 : i32
    scf.for %scan3A_120 = %scan3A_70 to %scan3A_72 step %scan3A_73  : i32 {
      %dma_start3A = arith.constant 0 : i32
      %dma_start3A_121 = arith.constant 0 : i32
      %dma_start3A_122 = tpu.memref_slice %arg7[%dma_start3A, %dma_start3A_121] : memref<10112x32xf32, #tpu.memory_space<vmem_shared>> -> memref<512x32xf32, #tpu.memory_space<vmem_shared>>
      %dma_start3A_123 = arith.constant 0 : i32
      %dma_start3A_124 = arith.constant 0 : i32
      %dma_start3A_125 = tpu.memref_slice %arg7[%dma_start3A_123, %dma_start3A_124] : memref<10112x32xf32, #tpu.memory_space<vmem_shared>> -> memref<512x32xf32, #tpu.memory_space<vmem_shared>>
      tpu.enqueue_dma source(%dma_start3A_125 : memref<512x32xf32, #tpu.memory_space<vmem_shared>>) target(%arg17 : memref<512x32xf32, #tpu.memory_space<vmem>>) target_semaphore(%arg33 : memref<!tpu.dma_semaphore, #tpu.memory_space<semaphore_mem>>)
      %dma_start3A_126 = arith.constant 0 : i32
      %dma_start3A_127 = arith.constant 0 : i32
      %dma_start3A_128 = tpu.memref_slice %arg7[%dma_start3A_126, %dma_start3A_127] : memref<10112x32xf32, #tpu.memory_space<vmem_shared>> -> memref<512x32xf32, #tpu.memory_space<vmem_shared>>
      %dma_start3A_129 = arith.constant 0 : i32
      %dma_start3A_130 = arith.constant 0 : i32
      %dma_start3A_131 = tpu.memref_slice %arg7[%dma_start3A_129, %dma_start3A_130] : memref<10112x32xf32, #tpu.memory_space<vmem_shared>> -> memref<512x32xf32, #tpu.memory_space<vmem_shared>>
      tpu.enqueue_dma source(%dma_start3A_131 : memref<512x32xf32, #tpu.memory_space<vmem_shared>>) target(%arg18 : memref<512x32xf32, #tpu.memory_space<vmem>>) target_semaphore(%arg34 : memref<!tpu.dma_semaphore, #tpu.memory_space<semaphore_mem>>)
      %add3A_132 = arith.constant 0 : i32
      %add3A_133 = arith.addi %mul3A_4, %add3A_132 : i32
      %dma_start3A_134 = tpu.memref_slice %arg2[%add3A_133] : memref<329216xi32, #tpu.memory_space<hbm>> -> memref<512xi32, #tpu.memory_space<hbm>>
      %dma_start3A_135 = tpu.memref_slice %arg2[%add3A_133] : memref<329216xi32, #tpu.memory_space<hbm>> -> memref<512xi32, #tpu.memory_space<hbm>>
      tpu.enqueue_dma source(%dma_start3A_135 : memref<512xi32, #tpu.memory_space<hbm>>) target(%arg9 : memref<512xi32, #tpu.memory_space<vmem>>) target_semaphore(%arg25 : memref<!tpu.dma_semaphore, #tpu.memory_space<semaphore_mem>>)
      %add3A_136 = arith.constant 0 : i32
      %add3A_137 = arith.addi %mul3A_4, %add3A_136 : i32
      %dma_start3A_138 = tpu.memref_slice %arg3[%add3A_137] : memref<329216xi32, #tpu.memory_space<hbm>> -> memref<512xi32, #tpu.memory_space<hbm>>
      %dma_start3A_139 = tpu.memref_slice %arg3[%add3A_137] : memref<329216xi32, #tpu.memory_space<hbm>> -> memref<512xi32, #tpu.memory_space<hbm>>
      tpu.enqueue_dma source(%dma_start3A_139 : memref<512xi32, #tpu.memory_space<hbm>>) target(%arg10 : memref<512xi32, #tpu.memory_space<vmem>>) target_semaphore(%arg25 : memref<!tpu.dma_semaphore, #tpu.memory_space<semaphore_mem>>)
      %add3A_140 = arith.constant 512 : i32
      %add3A_141 = arith.addi %mul3A_4, %add3A_140 : i32
      %dma_start3A_142 = tpu.memref_slice %arg2[%add3A_141] : memref<329216xi32, #tpu.memory_space<hbm>> -> memref<512xi32, #tpu.memory_space<hbm>>
      %dma_start3A_143 = tpu.memref_slice %arg2[%add3A_141] : memref<329216xi32, #tpu.memory_space<hbm>> -> memref<512xi32, #tpu.memory_space<hbm>>
      tpu.enqueue_dma source(%dma_start3A_143 : memref<512xi32, #tpu.memory_space<hbm>>) target(%arg11 : memref<512xi32, #tpu.memory_space<vmem>>) target_semaphore(%arg26 : memref<!tpu.dma_semaphore, #tpu.memory_space<semaphore_mem>>)
      %add3A_144 = arith.constant 512 : i32
      %add3A_145 = arith.addi %mul3A_4, %add3A_144 : i32
      %dma_start3A_146 = tpu.memref_slice %arg3[%add3A_145] : memref<329216xi32, #tpu.memory_space<hbm>> -> memref<512xi32, #tpu.memory_space<hbm>>
      %dma_start3A_147 = tpu.memref_slice %arg3[%add3A_145] : memref<329216xi32, #tpu.memory_space<hbm>> -> memref<512xi32, #tpu.memory_space<hbm>>
      tpu.enqueue_dma source(%dma_start3A_147 : memref<512xi32, #tpu.memory_space<hbm>>) target(%arg12 : memref<512xi32, #tpu.memory_space<vmem>>) target_semaphore(%arg26 : memref<!tpu.dma_semaphore, #tpu.memory_space<semaphore_mem>>)
      %scan3A_148 = arith.constant 0 : i32
      %scan3A_149 = arith.constant 10 : i32
      %scan3A_150 = arith.addi %scan3A_148, %scan3A_149 : i32
      %scan3A_151 = arith.constant 1 : i32
      scf.for %scan3A_647 = %scan3A_148 to %scan3A_150 step %scan3A_151  : i32 {
        %mul3A_648 = arith.constant 4 : i32
        %mul3A_649 = arith.muli %mul3A_648, %scan3A_647 : i32
        %add3A_650 = arith.constant 0 : i32
        %add3A_651 = arith.addi %mul3A_649, %add3A_650 : i32
        %dma_wait3A_652 = arith.constant 0 : i32
        %dma_wait3A_653 = tpu.memref_slice %arg2[%dma_wait3A_652] : memref<329216xi32, #tpu.memory_space<hbm>> -> memref<512xi32, #tpu.memory_space<hbm>>
        %dma_wait3A_654 = arith.constant 0 : i32
        %dma_wait3A_655 = tpu.memref_slice %arg2[%dma_wait3A_654] : memref<329216xi32, #tpu.memory_space<hbm>> -> memref<512xi32, #tpu.memory_space<hbm>>
        tpu.wait_dma2 semaphore(%arg25 : memref<!tpu.dma_semaphore, #tpu.memory_space<semaphore_mem>>) src(%dma_wait3A_655 : memref<512xi32, #tpu.memory_space<hbm>>) dst(%arg9 : memref<512xi32, #tpu.memory_space<vmem>>)
        %dma_wait3A_656 = arith.constant 0 : i32
        %dma_wait3A_657 = tpu.memref_slice %arg2[%dma_wait3A_656] : memref<329216xi32, #tpu.memory_space<hbm>> -> memref<512xi32, #tpu.memory_space<hbm>>
        %dma_wait3A_658 = arith.constant 0 : i32
        %dma_wait3A_659 = tpu.memref_slice %arg2[%dma_wait3A_658] : memref<329216xi32, #tpu.memory_space<hbm>> -> memref<512xi32, #tpu.memory_space<hbm>>
        tpu.wait_dma2 semaphore(%arg25 : memref<!tpu.dma_semaphore, #tpu.memory_space<semaphore_mem>>) src(%dma_wait3A_659 : memref<512xi32, #tpu.memory_space<hbm>>) dst(%arg10 : memref<512xi32, #tpu.memory_space<vmem>>)
        %dma_wait3A_660 = arith.constant 0 : i32
        %dma_wait3A_661 = arith.constant 0 : i32
        %dma_wait3A_662 = tpu.memref_slice %arg4[%dma_wait3A_660, %dma_wait3A_661] : memref<20224x32xf32, #tpu.memory_space<hbm>> -> memref<512x32xf32, #tpu.memory_space<hbm>>
        %dma_wait3A_663 = arith.constant 0 : i32
        %dma_wait3A_664 = arith.constant 0 : i32
        %dma_wait3A_665 = tpu.memref_slice %arg4[%dma_wait3A_663, %dma_wait3A_664] : memref<20224x32xf32, #tpu.memory_space<hbm>> -> memref<512x32xf32, #tpu.memory_space<hbm>>
        tpu.wait_dma2 semaphore(%arg33 : memref<!tpu.dma_semaphore, #tpu.memory_space<semaphore_mem>>) src(%dma_wait3A_665 : memref<512x32xf32, #tpu.memory_space<hbm>>) dst(%arg17 : memref<512x32xf32, #tpu.memory_space<vmem>>)
        %dma_start3A_666 = arith.constant 0 : i32
        %dma_start3A_667 = arith.constant 0 : i32
        %dma_start3A_668 = tpu.memref_slice %arg7[%dma_start3A_666, %dma_start3A_667] : memref<10112x32xf32, #tpu.memory_space<vmem_shared>> -> memref<10112x32xf32, #tpu.memory_space<vmem_shared>>
        tpu.enqueue_indirect_dma source(%dma_start3A_668 : memref<10112x32xf32, #tpu.memory_space<vmem_shared>>) target(%arg17 : memref<512x32xf32, #tpu.memory_space<vmem>>) offsets(%arg9 : memref<512xi32, #tpu.memory_space<vmem>>) semaphore(%arg29 : memref<!tpu.dma_semaphore, #tpu.memory_space<semaphore_mem>>)
        %add3A_669 = arith.constant 2 : i32
        %add3A_670 = arith.addi %add3A_651, %add3A_669 : i32
        %mul3A_671 = arith.constant 4 : i32
        %mul3A_672 = arith.muli %add3A_670, %mul3A_671 : i32
        %mul3A_673 = arith.constant 128 : i32
        %mul3A_674 = arith.muli %mul3A_672, %mul3A_673 : i32
        %add3A_675 = arith.addi %mul3A_4, %mul3A_674 : i32
        %dma_start3A_676 = tpu.memref_slice %arg2[%add3A_675] : memref<329216xi32, #tpu.memory_space<hbm>> -> memref<512xi32, #tpu.memory_space<hbm>>
        %dma_start3A_677 = tpu.memref_slice %arg2[%add3A_675] : memref<329216xi32, #tpu.memory_space<hbm>> -> memref<512xi32, #tpu.memory_space<hbm>>
        tpu.enqueue_dma source(%dma_start3A_677 : memref<512xi32, #tpu.memory_space<hbm>>) target(%arg13 : memref<512xi32, #tpu.memory_space<vmem>>) target_semaphore(%arg27 : memref<!tpu.dma_semaphore, #tpu.memory_space<semaphore_mem>>)
        %mul3A_678 = arith.constant 4 : i32
        %mul3A_679 = arith.muli %add3A_670, %mul3A_678 : i32
        %mul3A_680 = arith.constant 128 : i32
        %mul3A_681 = arith.muli %mul3A_679, %mul3A_680 : i32
        %add3A_682 = arith.addi %mul3A_4, %mul3A_681 : i32
        %dma_start3A_683 = tpu.memref_slice %arg3[%add3A_682] : memref<329216xi32, #tpu.memory_space<hbm>> -> memref<512xi32, #tpu.memory_space<hbm>>
        %dma_start3A_684 = tpu.memref_slice %arg3[%add3A_682] : memref<329216xi32, #tpu.memory_space<hbm>> -> memref<512xi32, #tpu.memory_space<hbm>>
        tpu.enqueue_dma source(%dma_start3A_684 : memref<512xi32, #tpu.memory_space<hbm>>) target(%arg14 : memref<512xi32, #tpu.memory_space<vmem>>) target_semaphore(%arg27 : memref<!tpu.dma_semaphore, #tpu.memory_space<semaphore_mem>>)
        %dma_wait3A_685 = arith.constant 0 : i32
        %dma_wait3A_686 = arith.constant 0 : i32
        %dma_wait3A_687 = tpu.memref_slice %arg7[%dma_wait3A_685, %dma_wait3A_686] : memref<10112x32xf32, #tpu.memory_space<vmem_shared>> -> memref<10112x32xf32, #tpu.memory_space<vmem_shared>>
        tpu.wait_indirect_dma semaphore(%arg29 : memref<!tpu.dma_semaphore, #tpu.memory_space<semaphore_mem>>) src(%dma_wait3A_687 : memref<10112x32xf32, #tpu.memory_space<vmem_shared>>) dst(%arg17 : memref<512x32xf32, #tpu.memory_space<vmem>>)
        %dma_start3A_688 = arith.constant 0 : i32
        %dma_start3A_689 = arith.constant 0 : i32
        %dma_start3A_690 = tpu.memref_slice %arg8[%dma_start3A_688, %dma_start3A_689] : memref<10112x32xf32, #tpu.memory_space<vmem_shared>> -> memref<10112x32xf32, #tpu.memory_space<vmem_shared>>
        tpu.enqueue_indirect_dma source(%arg17 : memref<512x32xf32, #tpu.memory_space<vmem>>) target(%dma_start3A_690 : memref<10112x32xf32, #tpu.memory_space<vmem_shared>>) offsets(%arg10 : memref<512xi32, #tpu.memory_space<vmem>>) semaphore(%arg33 : memref<!tpu.dma_semaphore, #tpu.memory_space<semaphore_mem>>) {add = true}
        %mul3A_691 = arith.constant 4 : i32
        %mul3A_692 = arith.muli %mul3A_691, %scan3A_647 : i32
        %add3A_693 = arith.constant 1 : i32
        %add3A_694 = arith.addi %mul3A_692, %add3A_693 : i32
        %dma_wait3A_695 = arith.constant 0 : i32
        %dma_wait3A_696 = tpu.memref_slice %arg2[%dma_wait3A_695] : memref<329216xi32, #tpu.memory_space<hbm>> -> memref<512xi32, #tpu.memory_space<hbm>>
        %dma_wait3A_697 = arith.constant 0 : i32
        %dma_wait3A_698 = tpu.memref_slice %arg2[%dma_wait3A_697] : memref<329216xi32, #tpu.memory_space<hbm>> -> memref<512xi32, #tpu.memory_space<hbm>>
        tpu.wait_dma2 semaphore(%arg26 : memref<!tpu.dma_semaphore, #tpu.memory_space<semaphore_mem>>) src(%dma_wait3A_698 : memref<512xi32, #tpu.memory_space<hbm>>) dst(%arg11 : memref<512xi32, #tpu.memory_space<vmem>>)
        %dma_wait3A_699 = arith.constant 0 : i32
        %dma_wait3A_700 = tpu.memref_slice %arg2[%dma_wait3A_699] : memref<329216xi32, #tpu.memory_space<hbm>> -> memref<512xi32, #tpu.memory_space<hbm>>
        %dma_wait3A_701 = arith.constant 0 : i32
        %dma_wait3A_702 = tpu.memref_slice %arg2[%dma_wait3A_701] : memref<329216xi32, #tpu.memory_space<hbm>> -> memref<512xi32, #tpu.memory_space<hbm>>
        tpu.wait_dma2 semaphore(%arg26 : memref<!tpu.dma_semaphore, #tpu.memory_space<semaphore_mem>>) src(%dma_wait3A_702 : memref<512xi32, #tpu.memory_space<hbm>>) dst(%arg12 : memref<512xi32, #tpu.memory_space<vmem>>)
        %dma_wait3A_703 = arith.constant 0 : i32
        %dma_wait3A_704 = arith.constant 0 : i32
        %dma_wait3A_705 = tpu.memref_slice %arg4[%dma_wait3A_703, %dma_wait3A_704] : memref<20224x32xf32, #tpu.memory_space<hbm>> -> memref<512x32xf32, #tpu.memory_space<hbm>>
        %dma_wait3A_706 = arith.constant 0 : i32
        %dma_wait3A_707 = arith.constant 0 : i32
        %dma_wait3A_708 = tpu.memref_slice %arg4[%dma_wait3A_706, %dma_wait3A_707] : memref<20224x32xf32, #tpu.memory_space<hbm>> -> memref<512x32xf32, #tpu.memory_space<hbm>>
        tpu.wait_dma2 semaphore(%arg34 : memref<!tpu.dma_semaphore, #tpu.memory_space<semaphore_mem>>) src(%dma_wait3A_708 : memref<512x32xf32, #tpu.memory_space<hbm>>) dst(%arg18 : memref<512x32xf32, #tpu.memory_space<vmem>>)
        %dma_start3A_709 = arith.constant 0 : i32
        %dma_start3A_710 = arith.constant 0 : i32
        %dma_start3A_711 = tpu.memref_slice %arg7[%dma_start3A_709, %dma_start3A_710] : memref<10112x32xf32, #tpu.memory_space<vmem_shared>> -> memref<10112x32xf32, #tpu.memory_space<vmem_shared>>
        tpu.enqueue_indirect_dma source(%dma_start3A_711 : memref<10112x32xf32, #tpu.memory_space<vmem_shared>>) target(%arg18 : memref<512x32xf32, #tpu.memory_space<vmem>>) offsets(%arg11 : memref<512xi32, #tpu.memory_space<vmem>>) semaphore(%arg30 : memref<!tpu.dma_semaphore, #tpu.memory_space<semaphore_mem>>)
        %add3A_712 = arith.constant 2 : i32
        %add3A_713 = arith.addi %add3A_694, %add3A_712 : i32
        %mul3A_714 = arith.constant 4 : i32
        %mul3A_715 = arith.muli %add3A_713, %mul3A_714 : i32
        %mul3A_716 = arith.constant 128 : i32
        %mul3A_717 = arith.muli %mul3A_715, %mul3A_716 : i32
        %add3A_718 = arith.addi %mul3A_4, %mul3A_717 : i32
        %dma_start3A_719 = tpu.memref_slice %arg2[%add3A_718] : memref<329216xi32, #tpu.memory_space<hbm>> -> memref<512xi32, #tpu.memory_space<hbm>>
        %dma_start3A_720 = tpu.memref_slice %arg2[%add3A_718] : memref<329216xi32, #tpu.memory_space<hbm>> -> memref<512xi32, #tpu.memory_space<hbm>>
        tpu.enqueue_dma source(%dma_start3A_720 : memref<512xi32, #tpu.memory_space<hbm>>) target(%arg15 : memref<512xi32, #tpu.memory_space<vmem>>) target_semaphore(%arg28 : memref<!tpu.dma_semaphore, #tpu.memory_space<semaphore_mem>>)
        %mul3A_721 = arith.constant 4 : i32
        %mul3A_722 = arith.muli %add3A_713, %mul3A_721 : i32
        %mul3A_723 = arith.constant 128 : i32
        %mul3A_724 = arith.muli %mul3A_722, %mul3A_723 : i32
        %add3A_725 = arith.addi %mul3A_4, %mul3A_724 : i32
        %dma_start3A_726 = tpu.memref_slice %arg3[%add3A_725] : memref<329216xi32, #tpu.memory_space<hbm>> -> memref<512xi32, #tpu.memory_space<hbm>>
        %dma_start3A_727 = tpu.memref_slice %arg3[%add3A_725] : memref<329216xi32, #tpu.memory_space<hbm>> -> memref<512xi32, #tpu.memory_space<hbm>>
        tpu.enqueue_dma source(%dma_start3A_727 : memref<512xi32, #tpu.memory_space<hbm>>) target(%arg16 : memref<512xi32, #tpu.memory_space<vmem>>) target_semaphore(%arg28 : memref<!tpu.dma_semaphore, #tpu.memory_space<semaphore_mem>>)
        %dma_wait3A_728 = arith.constant 0 : i32
        %dma_wait3A_729 = arith.constant 0 : i32
        %dma_wait3A_730 = tpu.memref_slice %arg7[%dma_wait3A_728, %dma_wait3A_729] : memref<10112x32xf32, #tpu.memory_space<vmem_shared>> -> memref<10112x32xf32, #tpu.memory_space<vmem_shared>>
        tpu.wait_indirect_dma semaphore(%arg30 : memref<!tpu.dma_semaphore, #tpu.memory_space<semaphore_mem>>) src(%dma_wait3A_730 : memref<10112x32xf32, #tpu.memory_space<vmem_shared>>) dst(%arg18 : memref<512x32xf32, #tpu.memory_space<vmem>>)
        %dma_start3A_731 = arith.constant 0 : i32
        %dma_start3A_732 = arith.constant 0 : i32
        %dma_start3A_733 = tpu.memref_slice %arg8[%dma_start3A_731, %dma_start3A_732] : memref<10112x32xf32, #tpu.memory_space<vmem_shared>> -> memref<10112x32xf32, #tpu.memory_space<vmem_shared>>
        tpu.enqueue_indirect_dma source(%arg18 : memref<512x32xf32, #tpu.memory_space<vmem>>) target(%dma_start3A_733 : memref<10112x32xf32, #tpu.memory_space<vmem_shared>>) offsets(%arg12 : memref<512xi32, #tpu.memory_space<vmem>>) semaphore(%arg34 : memref<!tpu.dma_semaphore, #tpu.memory_space<semaphore_mem>>) {add = true}
        %mul3A_734 = arith.constant 4 : i32
        %mul3A_735 = arith.muli %mul3A_734, %scan3A_647 : i32
        %add3A_736 = arith.constant 2 : i32
        %add3A_737 = arith.addi %mul3A_735, %add3A_736 : i32
        %dma_wait3A_738 = arith.constant 0 : i32
        %dma_wait3A_739 = tpu.memref_slice %arg2[%dma_wait3A_738] : memref<329216xi32, #tpu.memory_space<hbm>> -> memref<512xi32, #tpu.memory_space<hbm>>
        %dma_wait3A_740 = arith.constant 0 : i32
        %dma_wait3A_741 = tpu.memref_slice %arg2[%dma_wait3A_740] : memref<329216xi32, #tpu.memory_space<hbm>> -> memref<512xi32, #tpu.memory_space<hbm>>
        tpu.wait_dma2 semaphore(%arg27 : memref<!tpu.dma_semaphore, #tpu.memory_space<semaphore_mem>>) src(%dma_wait3A_741 : memref<512xi32, #tpu.memory_space<hbm>>) dst(%arg13 : memref<512xi32, #tpu.memory_space<vmem>>)
        %dma_wait3A_742 = arith.constant 0 : i32
        %dma_wait3A_743 = tpu.memref_slice %arg2[%dma_wait3A_742] : memref<329216xi32, #tpu.memory_space<hbm>> -> memref<512xi32, #tpu.memory_space<hbm>>
        %dma_wait3A_744 = arith.constant 0 : i32
        %dma_wait3A_745 = tpu.memref_slice %arg2[%dma_wait3A_744] : memref<329216xi32, #tpu.memory_space<hbm>> -> memref<512xi32, #tpu.memory_space<hbm>>
        tpu.wait_dma2 semaphore(%arg27 : memref<!tpu.dma_semaphore, #tpu.memory_space<semaphore_mem>>) src(%dma_wait3A_745 : memref<512xi32, #tpu.memory_space<hbm>>) dst(%arg14 : memref<512xi32, #tpu.memory_space<vmem>>)
        %dma_wait3A_746 = arith.constant 0 : i32
        %dma_wait3A_747 = arith.constant 0 : i32
        %dma_wait3A_748 = tpu.memref_slice %arg4[%dma_wait3A_746, %dma_wait3A_747] : memref<20224x32xf32, #tpu.memory_space<hbm>> -> memref<512x32xf32, #tpu.memory_space<hbm>>
        %dma_wait3A_749 = arith.constant 0 : i32
        %dma_wait3A_750 = arith.constant 0 : i32
        %dma_wait3A_751 = tpu.memref_slice %arg4[%dma_wait3A_749, %dma_wait3A_750] : memref<20224x32xf32, #tpu.memory_space<hbm>> -> memref<512x32xf32, #tpu.memory_space<hbm>>
        tpu.wait_dma2 semaphore(%arg33 : memref<!tpu.dma_semaphore, #tpu.memory_space<semaphore_mem>>) src(%dma_wait3A_751 : memref<512x32xf32, #tpu.memory_space<hbm>>) dst(%arg17 : memref<512x32xf32, #tpu.memory_space<vmem>>)
        %dma_start3A_752 = arith.constant 0 : i32
        %dma_start3A_753 = arith.constant 0 : i32
        %dma_start3A_754 = tpu.memref_slice %arg7[%dma_start3A_752, %dma_start3A_753] : memref<10112x32xf32, #tpu.memory_space<vmem_shared>> -> memref<10112x32xf32, #tpu.memory_space<vmem_shared>>
        tpu.enqueue_indirect_dma source(%dma_start3A_754 : memref<10112x32xf32, #tpu.memory_space<vmem_shared>>) target(%arg17 : memref<512x32xf32, #tpu.memory_space<vmem>>) offsets(%arg13 : memref<512xi32, #tpu.memory_space<vmem>>) semaphore(%arg29 : memref<!tpu.dma_semaphore, #tpu.memory_space<semaphore_mem>>)
        %add3A_755 = arith.constant 2 : i32
        %add3A_756 = arith.addi %add3A_737, %add3A_755 : i32
        %mul3A_757 = arith.constant 4 : i32
        %mul3A_758 = arith.muli %add3A_756, %mul3A_757 : i32
        %mul3A_759 = arith.constant 128 : i32
        %mul3A_760 = arith.muli %mul3A_758, %mul3A_759 : i32
        %add3A_761 = arith.addi %mul3A_4, %mul3A_760 : i32
        %dma_start3A_762 = tpu.memref_slice %arg2[%add3A_761] : memref<329216xi32, #tpu.memory_space<hbm>> -> memref<512xi32, #tpu.memory_space<hbm>>
        %dma_start3A_763 = tpu.memref_slice %arg2[%add3A_761] : memref<329216xi32, #tpu.memory_space<hbm>> -> memref<512xi32, #tpu.memory_space<hbm>>
        tpu.enqueue_dma source(%dma_start3A_763 : memref<512xi32, #tpu.memory_space<hbm>>) target(%arg9 : memref<512xi32, #tpu.memory_space<vmem>>) target_semaphore(%arg25 : memref<!tpu.dma_semaphore, #tpu.memory_space<semaphore_mem>>)
        %mul3A_764 = arith.constant 4 : i32
        %mul3A_765 = arith.muli %add3A_756, %mul3A_764 : i32
        %mul3A_766 = arith.constant 128 : i32
        %mul3A_767 = arith.muli %mul3A_765, %mul3A_766 : i32
        %add3A_768 = arith.addi %mul3A_4, %mul3A_767 : i32
        %dma_start3A_769 = tpu.memref_slice %arg3[%add3A_768] : memref<329216xi32, #tpu.memory_space<hbm>> -> memref<512xi32, #tpu.memory_space<hbm>>
        %dma_start3A_770 = tpu.memref_slice %arg3[%add3A_768] : memref<329216xi32, #tpu.memory_space<hbm>> -> memref<512xi32, #tpu.memory_space<hbm>>
        tpu.enqueue_dma source(%dma_start3A_770 : memref<512xi32, #tpu.memory_space<hbm>>) target(%arg10 : memref<512xi32, #tpu.memory_space<vmem>>) target_semaphore(%arg25 : memref<!tpu.dma_semaphore, #tpu.memory_space<semaphore_mem>>)
        %dma_wait3A_771 = arith.constant 0 : i32
        %dma_wait3A_772 = arith.constant 0 : i32
        %dma_wait3A_773 = tpu.memref_slice %arg7[%dma_wait3A_771, %dma_wait3A_772] : memref<10112x32xf32, #tpu.memory_space<vmem_shared>> -> memref<10112x32xf32, #tpu.memory_space<vmem_shared>>
        tpu.wait_indirect_dma semaphore(%arg29 : memref<!tpu.dma_semaphore, #tpu.memory_space<semaphore_mem>>) src(%dma_wait3A_773 : memref<10112x32xf32, #tpu.memory_space<vmem_shared>>) dst(%arg17 : memref<512x32xf32, #tpu.memory_space<vmem>>)
        %dma_start3A_774 = arith.constant 0 : i32
        %dma_start3A_775 = arith.constant 0 : i32
        %dma_start3A_776 = tpu.memref_slice %arg8[%dma_start3A_774, %dma_start3A_775] : memref<10112x32xf32, #tpu.memory_space<vmem_shared>> -> memref<10112x32xf32, #tpu.memory_space<vmem_shared>>
        tpu.enqueue_indirect_dma source(%arg17 : memref<512x32xf32, #tpu.memory_space<vmem>>) target(%dma_start3A_776 : memref<10112x32xf32, #tpu.memory_space<vmem_shared>>) offsets(%arg14 : memref<512xi32, #tpu.memory_space<vmem>>) semaphore(%arg33 : memref<!tpu.dma_semaphore, #tpu.memory_space<semaphore_mem>>) {add = true}
        %mul3A_777 = arith.constant 4 : i32
        %mul3A_778 = arith.muli %mul3A_777, %scan3A_647 : i32
        %add3A_779 = arith.constant 3 : i32
        %add3A_780 = arith.addi %mul3A_778, %add3A_779 : i32
        %dma_wait3A_781 = arith.constant 0 : i32
        %dma_wait3A_782 = tpu.memref_slice %arg2[%dma_wait3A_781] : memref<329216xi32, #tpu.memory_space<hbm>> -> memref<512xi32, #tpu.memory_space<hbm>>
        %dma_wait3A_783 = arith.constant 0 : i32
        %dma_wait3A_784 = tpu.memref_slice %arg2[%dma_wait3A_783] : memref<329216xi32, #tpu.memory_space<hbm>> -> memref<512xi32, #tpu.memory_space<hbm>>
        tpu.wait_dma2 semaphore(%arg28 : memref<!tpu.dma_semaphore, #tpu.memory_space<semaphore_mem>>) src(%dma_wait3A_784 : memref<512xi32, #tpu.memory_space<hbm>>) dst(%arg15 : memref<512xi32, #tpu.memory_space<vmem>>)
        %dma_wait3A_785 = arith.constant 0 : i32
        %dma_wait3A_786 = tpu.memref_slice %arg2[%dma_wait3A_785] : memref<329216xi32, #tpu.memory_space<hbm>> -> memref<512xi32, #tpu.memory_space<hbm>>
        %dma_wait3A_787 = arith.constant 0 : i32
        %dma_wait3A_788 = tpu.memref_slice %arg2[%dma_wait3A_787] : memref<329216xi32, #tpu.memory_space<hbm>> -> memref<512xi32, #tpu.memory_space<hbm>>
        tpu.wait_dma2 semaphore(%arg28 : memref<!tpu.dma_semaphore, #tpu.memory_space<semaphore_mem>>) src(%dma_wait3A_788 : memref<512xi32, #tpu.memory_space<hbm>>) dst(%arg16 : memref<512xi32, #tpu.memory_space<vmem>>)
        %dma_wait3A_789 = arith.constant 0 : i32
        %dma_wait3A_790 = arith.constant 0 : i32
        %dma_wait3A_791 = tpu.memref_slice %arg4[%dma_wait3A_789, %dma_wait3A_790] : memref<20224x32xf32, #tpu.memory_space<hbm>> -> memref<512x32xf32, #tpu.memory_space<hbm>>
        %dma_wait3A_792 = arith.constant 0 : i32
        %dma_wait3A_793 = arith.constant 0 : i32
        %dma_wait3A_794 = tpu.memref_slice %arg4[%dma_wait3A_792, %dma_wait3A_793] : memref<20224x32xf32, #tpu.memory_space<hbm>> -> memref<512x32xf32, #tpu.memory_space<hbm>>
        tpu.wait_dma2 semaphore(%arg34 : memref<!tpu.dma_semaphore, #tpu.memory_space<semaphore_mem>>) src(%dma_wait3A_794 : memref<512x32xf32, #tpu.memory_space<hbm>>) dst(%arg18 : memref<512x32xf32, #tpu.memory_space<vmem>>)
        %dma_start3A_795 = arith.constant 0 : i32
        %dma_start3A_796 = arith.constant 0 : i32
        %dma_start3A_797 = tpu.memref_slice %arg7[%dma_start3A_795, %dma_start3A_796] : memref<10112x32xf32, #tpu.memory_space<vmem_shared>> -> memref<10112x32xf32, #tpu.memory_space<vmem_shared>>
        tpu.enqueue_indirect_dma source(%dma_start3A_797 : memref<10112x32xf32, #tpu.memory_space<vmem_shared>>) target(%arg18 : memref<512x32xf32, #tpu.memory_space<vmem>>) offsets(%arg15 : memref<512xi32, #tpu.memory_space<vmem>>) semaphore(%arg30 : memref<!tpu.dma_semaphore, #tpu.memory_space<semaphore_mem>>)
        %add3A_798 = arith.constant 2 : i32
        %add3A_799 = arith.addi %add3A_780, %add3A_798 : i32
        %mul3A_800 = arith.constant 4 : i32
        %mul3A_801 = arith.muli %add3A_799, %mul3A_800 : i32
        %mul3A_802 = arith.constant 128 : i32
        %mul3A_803 = arith.muli %mul3A_801, %mul3A_802 : i32
        %add3A_804 = arith.addi %mul3A_4, %mul3A_803 : i32
        %dma_start3A_805 = tpu.memref_slice %arg2[%add3A_804] : memref<329216xi32, #tpu.memory_space<hbm>> -> memref<512xi32, #tpu.memory_space<hbm>>
        %dma_start3A_806 = tpu.memref_slice %arg2[%add3A_804] : memref<329216xi32, #tpu.memory_space<hbm>> -> memref<512xi32, #tpu.memory_space<hbm>>
        tpu.enqueue_dma source(%dma_start3A_806 : memref<512xi32, #tpu.memory_space<hbm>>) target(%arg11 : memref<512xi32, #tpu.memory_space<vmem>>) target_semaphore(%arg26 : memref<!tpu.dma_semaphore, #tpu.memory_space<semaphore_mem>>)
        %mul3A_807 = arith.constant 4 : i32
        %mul3A_808 = arith.muli %add3A_799, %mul3A_807 : i32
        %mul3A_809 = arith.constant 128 : i32
        %mul3A_810 = arith.muli %mul3A_808, %mul3A_809 : i32
        %add3A_811 = arith.addi %mul3A_4, %mul3A_810 : i32
        %dma_start3A_812 = tpu.memref_slice %arg3[%add3A_811] : memref<329216xi32, #tpu.memory_space<hbm>> -> memref<512xi32, #tpu.memory_space<hbm>>
        %dma_start3A_813 = tpu.memref_slice %arg3[%add3A_811] : memref<329216xi32, #tpu.memory_space<hbm>> -> memref<512xi32, #tpu.memory_space<hbm>>
        tpu.enqueue_dma source(%dma_start3A_813 : memref<512xi32, #tpu.memory_space<hbm>>) target(%arg12 : memref<512xi32, #tpu.memory_space<vmem>>) target_semaphore(%arg26 : memref<!tpu.dma_semaphore, #tpu.memory_space<semaphore_mem>>)
        %dma_wait3A_814 = arith.constant 0 : i32
        %dma_wait3A_815 = arith.constant 0 : i32
        %dma_wait3A_816 = tpu.memref_slice %arg7[%dma_wait3A_814, %dma_wait3A_815] : memref<10112x32xf32, #tpu.memory_space<vmem_shared>> -> memref<10112x32xf32, #tpu.memory_space<vmem_shared>>
        tpu.wait_indirect_dma semaphore(%arg30 : memref<!tpu.dma_semaphore, #tpu.memory_space<semaphore_mem>>) src(%dma_wait3A_816 : memref<10112x32xf32, #tpu.memory_space<vmem_shared>>) dst(%arg18 : memref<512x32xf32, #tpu.memory_space<vmem>>)
        %dma_start3A_817 = arith.constant 0 : i32
        %dma_start3A_818 = arith.constant 0 : i32
        %dma_start3A_819 = tpu.memref_slice %arg8[%dma_start3A_817, %dma_start3A_818] : memref<10112x32xf32, #tpu.memory_space<vmem_shared>> -> memref<10112x32xf32, #tpu.memory_space<vmem_shared>>
        tpu.enqueue_indirect_dma source(%arg18 : memref<512x32xf32, #tpu.memory_space<vmem>>) target(%dma_start3A_819 : memref<10112x32xf32, #tpu.memory_space<vmem_shared>>) offsets(%arg16 : memref<512xi32, #tpu.memory_space<vmem>>) semaphore(%arg34 : memref<!tpu.dma_semaphore, #tpu.memory_space<semaphore_mem>>) {add = true}
      }
      %scan3A_152 = arith.constant 10 : i32
      %dma_wait3A = arith.constant 0 : i32
      %dma_wait3A_153 = tpu.memref_slice %arg2[%dma_wait3A] : memref<329216xi32, #tpu.memory_space<hbm>> -> memref<512xi32, #tpu.memory_space<hbm>>
      %dma_wait3A_154 = arith.constant 0 : i32
      %dma_wait3A_155 = tpu.memref_slice %arg2[%dma_wait3A_154] : memref<329216xi32, #tpu.memory_space<hbm>> -> memref<512xi32, #tpu.memory_space<hbm>>
      tpu.wait_dma2 semaphore(%arg25 : memref<!tpu.dma_semaphore, #tpu.memory_space<semaphore_mem>>) src(%dma_wait3A_155 : memref<512xi32, #tpu.memory_space<hbm>>) dst(%arg9 : memref<512xi32, #tpu.memory_space<vmem>>)
      %dma_wait3A_156 = arith.constant 0 : i32
      %dma_wait3A_157 = tpu.memref_slice %arg2[%dma_wait3A_156] : memref<329216xi32, #tpu.memory_space<hbm>> -> memref<512xi32, #tpu.memory_space<hbm>>
      %dma_wait3A_158 = arith.constant 0 : i32
      %dma_wait3A_159 = tpu.memref_slice %arg2[%dma_wait3A_158] : memref<329216xi32, #tpu.memory_space<hbm>> -> memref<512xi32, #tpu.memory_space<hbm>>
      tpu.wait_dma2 semaphore(%arg25 : memref<!tpu.dma_semaphore, #tpu.memory_space<semaphore_mem>>) src(%dma_wait3A_159 : memref<512xi32, #tpu.memory_space<hbm>>) dst(%arg10 : memref<512xi32, #tpu.memory_space<vmem>>)
      %dma_wait3A_160 = arith.constant 0 : i32
      %dma_wait3A_161 = tpu.memref_slice %arg2[%dma_wait3A_160] : memref<329216xi32, #tpu.memory_space<hbm>> -> memref<512xi32, #tpu.memory_space<hbm>>
      %dma_wait3A_162 = arith.constant 0 : i32
      %dma_wait3A_163 = tpu.memref_slice %arg2[%dma_wait3A_162] : memref<329216xi32, #tpu.memory_space<hbm>> -> memref<512xi32, #tpu.memory_space<hbm>>
      tpu.wait_dma2 semaphore(%arg26 : memref<!tpu.dma_semaphore, #tpu.memory_space<semaphore_mem>>) src(%dma_wait3A_163 : memref<512xi32, #tpu.memory_space<hbm>>) dst(%arg11 : memref<512xi32, #tpu.memory_space<vmem>>)
      %dma_wait3A_164 = arith.constant 0 : i32
      %dma_wait3A_165 = tpu.memref_slice %arg2[%dma_wait3A_164] : memref<329216xi32, #tpu.memory_space<hbm>> -> memref<512xi32, #tpu.memory_space<hbm>>
      %dma_wait3A_166 = arith.constant 0 : i32
      %dma_wait3A_167 = tpu.memref_slice %arg2[%dma_wait3A_166] : memref<329216xi32, #tpu.memory_space<hbm>> -> memref<512xi32, #tpu.memory_space<hbm>>
      tpu.wait_dma2 semaphore(%arg26 : memref<!tpu.dma_semaphore, #tpu.memory_space<semaphore_mem>>) src(%dma_wait3A_167 : memref<512xi32, #tpu.memory_space<hbm>>) dst(%arg12 : memref<512xi32, #tpu.memory_space<vmem>>)
      %dma_wait3A_168 = arith.constant 0 : i32
      %dma_wait3A_169 = arith.constant 0 : i32
      %dma_wait3A_170 = tpu.memref_slice %arg4[%dma_wait3A_168, %dma_wait3A_169] : memref<20224x32xf32, #tpu.memory_space<hbm>> -> memref<512x32xf32, #tpu.memory_space<hbm>>
      %dma_wait3A_171 = arith.constant 0 : i32
      %dma_wait3A_172 = arith.constant 0 : i32
      %dma_wait3A_173 = tpu.memref_slice %arg4[%dma_wait3A_171, %dma_wait3A_172] : memref<20224x32xf32, #tpu.memory_space<hbm>> -> memref<512x32xf32, #tpu.memory_space<hbm>>
      tpu.wait_dma2 semaphore(%arg33 : memref<!tpu.dma_semaphore, #tpu.memory_space<semaphore_mem>>) src(%dma_wait3A_173 : memref<512x32xf32, #tpu.memory_space<hbm>>) dst(%arg17 : memref<512x32xf32, #tpu.memory_space<vmem>>)
      %dma_wait3A_174 = arith.constant 0 : i32
      %dma_wait3A_175 = arith.constant 0 : i32
      %dma_wait3A_176 = tpu.memref_slice %arg4[%dma_wait3A_174, %dma_wait3A_175] : memref<20224x32xf32, #tpu.memory_space<hbm>> -> memref<512x32xf32, #tpu.memory_space<hbm>>
      %dma_wait3A_177 = arith.constant 0 : i32
      %dma_wait3A_178 = arith.constant 0 : i32
      %dma_wait3A_179 = tpu.memref_slice %arg4[%dma_wait3A_177, %dma_wait3A_178] : memref<20224x32xf32, #tpu.memory_space<hbm>> -> memref<512x32xf32, #tpu.memory_space<hbm>>
      tpu.wait_dma2 semaphore(%arg34 : memref<!tpu.dma_semaphore, #tpu.memory_space<semaphore_mem>>) src(%dma_wait3A_179 : memref<512x32xf32, #tpu.memory_space<hbm>>) dst(%arg18 : memref<512x32xf32, #tpu.memory_space<vmem>>)
      %barrier3A_180 = arith.constant 0 : index
      tpu.barrier barrier_id(%barrier3A_180)
      %add3A_181 = arith.constant 0 : i32
      %add3A_182 = arith.addi %mul3A_0, %add3A_181 : i32
      %dma_start3A_183 = arith.constant 0 : i32
      %dma_start3A_184 = arith.constant 0 : i32
      %dma_start3A_185 = tpu.memref_slice %arg23[%dma_start3A_183, %dma_start3A_184] : memref<128x32xf32, #tpu.memory_space<vmem>> -> memref<128x32xf32, #tpu.memory_space<vmem>>
      %dma_start3A_186 = arith.constant 0 : i32
      %dma_start3A_187 = tpu.memref_slice %arg8[%add3A_182, %dma_start3A_186] : memref<10112x32xf32, #tpu.memory_space<vmem_shared>> -> memref<128x32xf32, #tpu.memory_space<vmem_shared>>
      %dma_start3A_188 = arith.constant 0 : i32
      %dma_start3A_189 = arith.constant 0 : i32
      %dma_start3A_190 = tpu.memref_slice %arg23[%dma_start3A_188, %dma_start3A_189] : memref<128x32xf32, #tpu.memory_space<vmem>> -> memref<128x32xf32, #tpu.memory_space<vmem>>
      %dma_start3A_191 = arith.constant 0 : i32
      %dma_start3A_192 = tpu.memref_slice %arg8[%add3A_182, %dma_start3A_191] : memref<10112x32xf32, #tpu.memory_space<vmem_shared>> -> memref<128x32xf32, #tpu.memory_space<vmem_shared>>
      tpu.enqueue_dma source(%dma_start3A_192 : memref<128x32xf32, #tpu.memory_space<vmem_shared>>) target(%dma_start3A_190 : memref<128x32xf32, #tpu.memory_space<vmem>>) target_semaphore(%arg29 : memref<!tpu.dma_semaphore, #tpu.memory_space<semaphore_mem>>)
      %add3A_193 = arith.constant 0 : i32
      %add3A_194 = arith.addi %mul3A_0, %add3A_193 : i32
      %dma_start3A_195 = arith.constant 0 : i32
      %dma_start3A_196 = arith.constant 0 : i32
      %dma_start3A_197 = tpu.memref_slice %arg24[%dma_start3A_195, %dma_start3A_196] : memref<128x32xf32, #tpu.memory_space<vmem>> -> memref<128x32xf32, #tpu.memory_space<vmem>>
      %dma_start3A_198 = arith.constant 0 : i32
      %dma_start3A_199 = tpu.memref_slice %arg7[%add3A_194, %dma_start3A_198] : memref<10112x32xf32, #tpu.memory_space<vmem_shared>> -> memref<128x32xf32, #tpu.memory_space<vmem_shared>>
      %dma_start3A_200 = arith.constant 0 : i32
      %dma_start3A_201 = arith.constant 0 : i32
      %dma_start3A_202 = tpu.memref_slice %arg24[%dma_start3A_200, %dma_start3A_201] : memref<128x32xf32, #tpu.memory_space<vmem>> -> memref<128x32xf32, #tpu.memory_space<vmem>>
      %dma_start3A_203 = arith.constant 0 : i32
      %dma_start3A_204 = tpu.memref_slice %arg7[%add3A_194, %dma_start3A_203] : memref<10112x32xf32, #tpu.memory_space<vmem_shared>> -> memref<128x32xf32, #tpu.memory_space<vmem_shared>>
      tpu.enqueue_dma source(%dma_start3A_204 : memref<128x32xf32, #tpu.memory_space<vmem_shared>>) target(%dma_start3A_202 : memref<128x32xf32, #tpu.memory_space<vmem>>) target_semaphore(%arg30 : memref<!tpu.dma_semaphore, #tpu.memory_space<semaphore_mem>>)
      %add3A_205 = arith.constant 128 : i32
      %add3A_206 = arith.addi %mul3A_0, %add3A_205 : i32
      %dma_start3A_207 = arith.constant 0 : i32
      %dma_start3A_208 = arith.constant 0 : i32
      %dma_start3A_209 = tpu.memref_slice %arg17[%dma_start3A_207, %dma_start3A_208] : memref<512x32xf32, #tpu.memory_space<vmem>> -> memref<128x32xf32, #tpu.memory_space<vmem>>
      %dma_start3A_210 = arith.constant 0 : i32
      %dma_start3A_211 = tpu.memref_slice %arg8[%add3A_206, %dma_start3A_210] : memref<10112x32xf32, #tpu.memory_space<vmem_shared>> -> memref<128x32xf32, #tpu.memory_space<vmem_shared>>
      %dma_start3A_212 = arith.constant 0 : i32
      %dma_start3A_213 = arith.constant 0 : i32
      %dma_start3A_214 = tpu.memref_slice %arg17[%dma_start3A_212, %dma_start3A_213] : memref<512x32xf32, #tpu.memory_space<vmem>> -> memref<128x32xf32, #tpu.memory_space<vmem>>
      %dma_start3A_215 = arith.constant 0 : i32
      %dma_start3A_216 = tpu.memref_slice %arg8[%add3A_206, %dma_start3A_215] : memref<10112x32xf32, #tpu.memory_space<vmem_shared>> -> memref<128x32xf32, #tpu.memory_space<vmem_shared>>
      tpu.enqueue_dma source(%dma_start3A_216 : memref<128x32xf32, #tpu.memory_space<vmem_shared>>) target(%dma_start3A_214 : memref<128x32xf32, #tpu.memory_space<vmem>>) target_semaphore(%arg31 : memref<!tpu.dma_semaphore, #tpu.memory_space<semaphore_mem>>)
      %add3A_217 = arith.constant 128 : i32
      %add3A_218 = arith.addi %mul3A_0, %add3A_217 : i32
      %dma_start3A_219 = arith.constant 0 : i32
      %dma_start3A_220 = arith.constant 0 : i32
      %dma_start3A_221 = tpu.memref_slice %arg18[%dma_start3A_219, %dma_start3A_220] : memref<512x32xf32, #tpu.memory_space<vmem>> -> memref<128x32xf32, #tpu.memory_space<vmem>>
      %dma_start3A_222 = arith.constant 0 : i32
      %dma_start3A_223 = tpu.memref_slice %arg7[%add3A_218, %dma_start3A_222] : memref<10112x32xf32, #tpu.memory_space<vmem_shared>> -> memref<128x32xf32, #tpu.memory_space<vmem_shared>>
      %dma_start3A_224 = arith.constant 0 : i32
      %dma_start3A_225 = arith.constant 0 : i32
      %dma_start3A_226 = tpu.memref_slice %arg18[%dma_start3A_224, %dma_start3A_225] : memref<512x32xf32, #tpu.memory_space<vmem>> -> memref<128x32xf32, #tpu.memory_space<vmem>>
      %dma_start3A_227 = arith.constant 0 : i32
      %dma_start3A_228 = tpu.memref_slice %arg7[%add3A_218, %dma_start3A_227] : memref<10112x32xf32, #tpu.memory_space<vmem_shared>> -> memref<128x32xf32, #tpu.memory_space<vmem_shared>>
      tpu.enqueue_dma source(%dma_start3A_228 : memref<128x32xf32, #tpu.memory_space<vmem_shared>>) target(%dma_start3A_226 : memref<128x32xf32, #tpu.memory_space<vmem>>) target_semaphore(%arg32 : memref<!tpu.dma_semaphore, #tpu.memory_space<semaphore_mem>>)
      %dma_wait3A_229 = arith.constant 0 : i32
      %dma_wait3A_230 = arith.constant 0 : i32
      %dma_wait3A_231 = tpu.memref_slice %arg23[%dma_wait3A_229, %dma_wait3A_230] : memref<128x32xf32, #tpu.memory_space<vmem>> -> memref<128x32xf32, #tpu.memory_space<vmem>>
      %dma_wait3A_232 = arith.constant 0 : i32
      %dma_wait3A_233 = tpu.memref_slice %arg8[%add3A_182, %dma_wait3A_232] : memref<10112x32xf32, #tpu.memory_space<vmem_shared>> -> memref<128x32xf32, #tpu.memory_space<vmem_shared>>
      %dma_wait3A_234 = arith.constant 0 : i32
      %dma_wait3A_235 = arith.constant 0 : i32
      %dma_wait3A_236 = tpu.memref_slice %arg23[%dma_wait3A_234, %dma_wait3A_235] : memref<128x32xf32, #tpu.memory_space<vmem>> -> memref<128x32xf32, #tpu.memory_space<vmem>>
      %dma_wait3A_237 = arith.constant 0 : i32
      %dma_wait3A_238 = tpu.memref_slice %arg8[%add3A_182, %dma_wait3A_237] : memref<10112x32xf32, #tpu.memory_space<vmem_shared>> -> memref<128x32xf32, #tpu.memory_space<vmem_shared>>
      tpu.wait_dma2 semaphore(%arg29 : memref<!tpu.dma_semaphore, #tpu.memory_space<semaphore_mem>>) src(%dma_wait3A_238 : memref<128x32xf32, #tpu.memory_space<vmem_shared>>) dst(%dma_wait3A_236 : memref<128x32xf32, #tpu.memory_space<vmem>>)
      %dma_wait3A_239 = arith.constant 0 : i32
      %dma_wait3A_240 = arith.constant 0 : i32
      %dma_wait3A_241 = tpu.memref_slice %arg24[%dma_wait3A_239, %dma_wait3A_240] : memref<128x32xf32, #tpu.memory_space<vmem>> -> memref<128x32xf32, #tpu.memory_space<vmem>>
      %dma_wait3A_242 = arith.constant 0 : i32
      %dma_wait3A_243 = tpu.memref_slice %arg7[%add3A_194, %dma_wait3A_242] : memref<10112x32xf32, #tpu.memory_space<vmem_shared>> -> memref<128x32xf32, #tpu.memory_space<vmem_shared>>
      %dma_wait3A_244 = arith.constant 0 : i32
      %dma_wait3A_245 = arith.constant 0 : i32
      %dma_wait3A_246 = tpu.memref_slice %arg24[%dma_wait3A_244, %dma_wait3A_245] : memref<128x32xf32, #tpu.memory_space<vmem>> -> memref<128x32xf32, #tpu.memory_space<vmem>>
      %dma_wait3A_247 = arith.constant 0 : i32
      %dma_wait3A_248 = tpu.memref_slice %arg7[%add3A_194, %dma_wait3A_247] : memref<10112x32xf32, #tpu.memory_space<vmem_shared>> -> memref<128x32xf32, #tpu.memory_space<vmem_shared>>
      tpu.wait_dma2 semaphore(%arg30 : memref<!tpu.dma_semaphore, #tpu.memory_space<semaphore_mem>>) src(%dma_wait3A_248 : memref<128x32xf32, #tpu.memory_space<vmem_shared>>) dst(%dma_wait3A_246 : memref<128x32xf32, #tpu.memory_space<vmem>>)
      %scan3A_249 = arith.constant 0 : i32
      %scan3A_250 = arith.constant 128 : i32
      %scan3A_251 = arith.addi %scan3A_249, %scan3A_250 : i32
      %scan3A_252 = arith.constant 1 : i32
      scf.for %scan3A_647 = %scan3A_249 to %scan3A_251 step %scan3A_252  : i32 {
        %add3A_648 = arith.constant 0 : i32
        %add3A_649 = arith.addi %add3A_648, %scan3A_647 : i32
        %get3A = arith.index_cast %add3A_649 : i32 to index
        %get3A_650 = arith.constant 0 : index
        %get3A_651 = tpu.vector_load %arg21[%get3A, %get3A_650] {strides = array<i32>} : memref<632x16xf32, #tpu.memory_space<vmem>>, vector<1x16xf32>,
        %get3A_652 = vector.shape_cast %get3A_651 : vector<1x16xf32> to vector<16xf32>
        %get3A_653 = arith.index_cast %scan3A_647 : i32 to index
        %get3A_654 = arith.constant 0 : index
        %get3A_655 = tpu.vector_load %arg23[%get3A_653, %get3A_654] {strides = array<i32>} : memref<128x32xf32, #tpu.memory_space<vmem>>, vector<1x16xf32>,
        %get3A_656 = vector.shape_cast %get3A_655 : vector<1x16xf32> to vector<16xf32>
        %get3A_657 = arith.index_cast %scan3A_647 : i32 to index
        %get3A_658 = arith.constant 0 : index
        %get3A_659 = tpu.vector_load %arg24[%get3A_657, %get3A_658] {strides = array<i32>} : memref<128x32xf32, #tpu.memory_space<vmem>>, vector<1x16xf32>,
        %get3A_660 = vector.shape_cast %get3A_659 : vector<1x16xf32> to vector<16xf32>
        %add3A_661 = arith.addf %get3A_656, %get3A_660 : vector<16xf32>
        %mul3A_662 = arith.mulf %get3A_652, %add3A_661 : vector<16xf32>
        %add3A_663 = arith.constant 0 : i32
        %add3A_664 = arith.addi %add3A_663, %scan3A_647 : i32
        %get3A_665 = arith.index_cast %add3A_664 : i32 to index
        %get3A_666 = arith.constant 0 : index
        %get3A_667 = tpu.vector_load %arg20[%get3A_665, %get3A_666] {strides = array<i32>} : memref<632x32xf32, #tpu.memory_space<vmem>>, vector<1x16xf32>,
        %get3A_668 = vector.shape_cast %get3A_667 : vector<1x16xf32> to vector<16xf32>
        %add3A_669 = arith.addf %mul3A_662, %get3A_668 : vector<16xf32>
        %swap3A = arith.index_cast %scan3A_647 : i32 to index
        %swap3A_670 = arith.constant 0 : index
        %swap3A_671 = tpu.vector_load %arg23[%swap3A, %swap3A_670] {strides = array<i32>} : memref<128x32xf32, #tpu.memory_space<vmem>>, vector<1x16xf32>,
        %swap3A_672 = vector.shape_cast %swap3A_671 : vector<1x16xf32> to vector<16xf32>
        %swap3A_673 = vector.shape_cast %add3A_669 : vector<16xf32> to vector<1x16xf32>
        tpu.vector_store %arg23[%swap3A, %swap3A_670], %swap3A_673 {strides = array<i32>} : memref<128x32xf32, #tpu.memory_space<vmem>>, vector<1x16xf32>,
        %get3A_674 = arith.index_cast %scan3A_647 : i32 to index
        %get3A_675 = arith.constant 16 : index
        %get3A_676 = tpu.vector_load %arg23[%get3A_674, %get3A_675] {strides = array<i32>} : memref<128x32xf32, #tpu.memory_space<vmem>>, vector<1x16xf32>,
        %get3A_677 = vector.shape_cast %get3A_676 : vector<1x16xf32> to vector<16xf32>
        %get3A_678 = arith.index_cast %scan3A_647 : i32 to index
        %get3A_679 = arith.constant 16 : index
        %get3A_680 = tpu.vector_load %arg24[%get3A_678, %get3A_679] {strides = array<i32>} : memref<128x32xf32, #tpu.memory_space<vmem>>, vector<1x16xf32>,
        %get3A_681 = vector.shape_cast %get3A_680 : vector<1x16xf32> to vector<16xf32>
        %add3A_682 = arith.addf %get3A_677, %get3A_681 : vector<16xf32>
        %mul3A_683 = arith.mulf %get3A_652, %add3A_682 : vector<16xf32>
        %add3A_684 = arith.constant 0 : i32
        %add3A_685 = arith.addi %add3A_684, %scan3A_647 : i32
        %get3A_686 = arith.index_cast %add3A_685 : i32 to index
        %get3A_687 = arith.constant 16 : index
        %get3A_688 = tpu.vector_load %arg20[%get3A_686, %get3A_687] {strides = array<i32>} : memref<632x32xf32, #tpu.memory_space<vmem>>, vector<1x16xf32>,
        %get3A_689 = vector.shape_cast %get3A_688 : vector<1x16xf32> to vector<16xf32>
        %add3A_690 = arith.addf %mul3A_683, %get3A_689 : vector<16xf32>
        %swap3A_691 = arith.index_cast %scan3A_647 : i32 to index
        %swap3A_692 = arith.constant 16 : index
        %swap3A_693 = tpu.vector_load %arg23[%swap3A_691, %swap3A_692] {strides = array<i32>} : memref<128x32xf32, #tpu.memory_space<vmem>>, vector<1x16xf32>,
        %swap3A_694 = vector.shape_cast %swap3A_693 : vector<1x16xf32> to vector<16xf32>
        %swap3A_695 = vector.shape_cast %add3A_690 : vector<16xf32> to vector<1x16xf32>
        tpu.vector_store %arg23[%swap3A_691, %swap3A_692], %swap3A_695 {strides = array<i32>} : memref<128x32xf32, #tpu.memory_space<vmem>>, vector<1x16xf32>,
      }
      %scan3A_253 = arith.constant 128 : i32
      %add3A_254 = arith.constant 0 : i32
      %add3A_255 = arith.addi %mul3A_0, %add3A_254 : i32
      %dma_start3A_256 = arith.constant 0 : i32
      %dma_start3A_257 = arith.constant 0 : i32
      %dma_start3A_258 = tpu.memref_slice %arg23[%dma_start3A_256, %dma_start3A_257] : memref<128x32xf32, #tpu.memory_space<vmem>> -> memref<128x32xf32, #tpu.memory_space<vmem>>
      %dma_start3A_259 = arith.constant 0 : i32
      %dma_start3A_260 = tpu.memref_slice %arg7[%add3A_255, %dma_start3A_259] : memref<10112x32xf32, #tpu.memory_space<vmem_shared>> -> memref<128x32xf32, #tpu.memory_space<vmem_shared>>
      %dma_start3A_261 = arith.constant 0 : i32
      %dma_start3A_262 = tpu.memref_slice %arg7[%add3A_255, %dma_start3A_261] : memref<10112x32xf32, #tpu.memory_space<vmem_shared>> -> memref<128x32xf32, #tpu.memory_space<vmem_shared>>
      %dma_start3A_263 = arith.constant 0 : i32
      %dma_start3A_264 = arith.constant 0 : i32
      %dma_start3A_265 = tpu.memref_slice %arg23[%dma_start3A_263, %dma_start3A_264] : memref<128x32xf32, #tpu.memory_space<vmem>> -> memref<128x32xf32, #tpu.memory_space<vmem>>
      tpu.enqueue_dma source(%dma_start3A_265 : memref<128x32xf32, #tpu.memory_space<vmem>>) target(%dma_start3A_262 : memref<128x32xf32, #tpu.memory_space<vmem_shared>>) target_semaphore(%arg33 : memref<!tpu.dma_semaphore, #tpu.memory_space<semaphore_mem>>)
      %add3A_266 = arith.constant 0 : i32
      %add3A_267 = arith.addi %mul3A_0, %add3A_266 : i32
      %dma_start3A_268 = arith.constant 0 : i32
      %dma_start3A_269 = arith.constant 0 : i32
      %dma_start3A_270 = tpu.memref_slice %arg19[%dma_start3A_268, %dma_start3A_269] : memref<128x32xf32, #tpu.memory_space<vmem>> -> memref<128x32xf32, #tpu.memory_space<vmem>>
      %dma_start3A_271 = arith.constant 0 : i32
      %dma_start3A_272 = tpu.memref_slice %arg8[%add3A_267, %dma_start3A_271] : memref<10112x32xf32, #tpu.memory_space<vmem_shared>> -> memref<128x32xf32, #tpu.memory_space<vmem_shared>>
      %dma_start3A_273 = arith.constant 0 : i32
      %dma_start3A_274 = tpu.memref_slice %arg8[%add3A_267, %dma_start3A_273] : memref<10112x32xf32, #tpu.memory_space<vmem_shared>> -> memref<128x32xf32, #tpu.memory_space<vmem_shared>>
      %dma_start3A_275 = arith.constant 0 : i32
      %dma_start3A_276 = arith.constant 0 : i32
      %dma_start3A_277 = tpu.memref_slice %arg19[%dma_start3A_275, %dma_start3A_276] : memref<128x32xf32, #tpu.memory_space<vmem>> -> memref<128x32xf32, #tpu.memory_space<vmem>>
      tpu.enqueue_dma source(%dma_start3A_277 : memref<128x32xf32, #tpu.memory_space<vmem>>) target(%dma_start3A_274 : memref<128x32xf32, #tpu.memory_space<vmem_shared>>) target_semaphore(%arg34 : memref<!tpu.dma_semaphore, #tpu.memory_space<semaphore_mem>>)
      %dma_wait3A_278 = arith.constant 0 : i32
      %dma_wait3A_279 = arith.constant 0 : i32
      %dma_wait3A_280 = tpu.memref_slice %arg23[%dma_wait3A_278, %dma_wait3A_279] : memref<128x32xf32, #tpu.memory_space<vmem>> -> memref<128x32xf32, #tpu.memory_space<vmem>>
      %dma_wait3A_281 = arith.constant 0 : i32
      %dma_wait3A_282 = tpu.memref_slice %arg7[%add3A_255, %dma_wait3A_281] : memref<10112x32xf32, #tpu.memory_space<vmem_shared>> -> memref<128x32xf32, #tpu.memory_space<vmem_shared>>
      %dma_wait3A_283 = arith.constant 0 : i32
      %dma_wait3A_284 = tpu.memref_slice %arg7[%add3A_255, %dma_wait3A_283] : memref<10112x32xf32, #tpu.memory_space<vmem_shared>> -> memref<128x32xf32, #tpu.memory_space<vmem_shared>>
      %dma_wait3A_285 = arith.constant 0 : i32
      %dma_wait3A_286 = arith.constant 0 : i32
      %dma_wait3A_287 = tpu.memref_slice %arg23[%dma_wait3A_285, %dma_wait3A_286] : memref<128x32xf32, #tpu.memory_space<vmem>> -> memref<128x32xf32, #tpu.memory_space<vmem>>
      tpu.wait_dma2 semaphore(%arg33 : memref<!tpu.dma_semaphore, #tpu.memory_space<semaphore_mem>>) src(%dma_wait3A_287 : memref<128x32xf32, #tpu.memory_space<vmem>>) dst(%dma_wait3A_284 : memref<128x32xf32, #tpu.memory_space<vmem_shared>>)
      %add3A_288 = arith.constant 256 : i32
      %add3A_289 = arith.addi %mul3A_0, %add3A_288 : i32
      %dma_start3A_290 = arith.constant 0 : i32
      %dma_start3A_291 = arith.constant 0 : i32
      %dma_start3A_292 = tpu.memref_slice %arg23[%dma_start3A_290, %dma_start3A_291] : memref<128x32xf32, #tpu.memory_space<vmem>> -> memref<128x32xf32, #tpu.memory_space<vmem>>
      %dma_start3A_293 = arith.constant 0 : i32
      %dma_start3A_294 = tpu.memref_slice %arg8[%add3A_289, %dma_start3A_293] : memref<10112x32xf32, #tpu.memory_space<vmem_shared>> -> memref<128x32xf32, #tpu.memory_space<vmem_shared>>
      %dma_start3A_295 = arith.constant 0 : i32
      %dma_start3A_296 = arith.constant 0 : i32
      %dma_start3A_297 = tpu.memref_slice %arg23[%dma_start3A_295, %dma_start3A_296] : memref<128x32xf32, #tpu.memory_space<vmem>> -> memref<128x32xf32, #tpu.memory_space<vmem>>
      %dma_start3A_298 = arith.constant 0 : i32
      %dma_start3A_299 = tpu.memref_slice %arg8[%add3A_289, %dma_start3A_298] : memref<10112x32xf32, #tpu.memory_space<vmem_shared>> -> memref<128x32xf32, #tpu.memory_space<vmem_shared>>
      tpu.enqueue_dma source(%dma_start3A_299 : memref<128x32xf32, #tpu.memory_space<vmem_shared>>) target(%dma_start3A_297 : memref<128x32xf32, #tpu.memory_space<vmem>>) target_semaphore(%arg29 : memref<!tpu.dma_semaphore, #tpu.memory_space<semaphore_mem>>)
      %add3A_300 = arith.constant 256 : i32
      %add3A_301 = arith.addi %mul3A_0, %add3A_300 : i32
      %dma_start3A_302 = arith.constant 0 : i32
      %dma_start3A_303 = arith.constant 0 : i32
      %dma_start3A_304 = tpu.memref_slice %arg24[%dma_start3A_302, %dma_start3A_303] : memref<128x32xf32, #tpu.memory_space<vmem>> -> memref<128x32xf32, #tpu.memory_space<vmem>>
      %dma_start3A_305 = arith.constant 0 : i32
      %dma_start3A_306 = tpu.memref_slice %arg7[%add3A_301, %dma_start3A_305] : memref<10112x32xf32, #tpu.memory_space<vmem_shared>> -> memref<128x32xf32, #tpu.memory_space<vmem_shared>>
      %dma_start3A_307 = arith.constant 0 : i32
      %dma_start3A_308 = arith.constant 0 : i32
      %dma_start3A_309 = tpu.memref_slice %arg24[%dma_start3A_307, %dma_start3A_308] : memref<128x32xf32, #tpu.memory_space<vmem>> -> memref<128x32xf32, #tpu.memory_space<vmem>>
      %dma_start3A_310 = arith.constant 0 : i32
      %dma_start3A_311 = tpu.memref_slice %arg7[%add3A_301, %dma_start3A_310] : memref<10112x32xf32, #tpu.memory_space<vmem_shared>> -> memref<128x32xf32, #tpu.memory_space<vmem_shared>>
      tpu.enqueue_dma source(%dma_start3A_311 : memref<128x32xf32, #tpu.memory_space<vmem_shared>>) target(%dma_start3A_309 : memref<128x32xf32, #tpu.memory_space<vmem>>) target_semaphore(%arg30 : memref<!tpu.dma_semaphore, #tpu.memory_space<semaphore_mem>>)
      %dma_wait3A_312 = arith.constant 0 : i32
      %dma_wait3A_313 = arith.constant 0 : i32
      %dma_wait3A_314 = tpu.memref_slice %arg17[%dma_wait3A_312, %dma_wait3A_313] : memref<512x32xf32, #tpu.memory_space<vmem>> -> memref<128x32xf32, #tpu.memory_space<vmem>>
      %dma_wait3A_315 = arith.constant 0 : i32
      %dma_wait3A_316 = tpu.memref_slice %arg8[%add3A_206, %dma_wait3A_315] : memref<10112x32xf32, #tpu.memory_space<vmem_shared>> -> memref<128x32xf32, #tpu.memory_space<vmem_shared>>
      %dma_wait3A_317 = arith.constant 0 : i32
      %dma_wait3A_318 = arith.constant 0 : i32
      %dma_wait3A_319 = tpu.memref_slice %arg17[%dma_wait3A_317, %dma_wait3A_318] : memref<512x32xf32, #tpu.memory_space<vmem>> -> memref<128x32xf32, #tpu.memory_space<vmem>>
      %dma_wait3A_320 = arith.constant 0 : i32
      %dma_wait3A_321 = tpu.memref_slice %arg8[%add3A_206, %dma_wait3A_320] : memref<10112x32xf32, #tpu.memory_space<vmem_shared>> -> memref<128x32xf32, #tpu.memory_space<vmem_shared>>
      tpu.wait_dma2 semaphore(%arg31 : memref<!tpu.dma_semaphore, #tpu.memory_space<semaphore_mem>>) src(%dma_wait3A_321 : memref<128x32xf32, #tpu.memory_space<vmem_shared>>) dst(%dma_wait3A_319 : memref<128x32xf32, #tpu.memory_space<vmem>>)
      %dma_wait3A_322 = arith.constant 0 : i32
      %dma_wait3A_323 = arith.constant 0 : i32
      %dma_wait3A_324 = tpu.memref_slice %arg18[%dma_wait3A_322, %dma_wait3A_323] : memref<512x32xf32, #tpu.memory_space<vmem>> -> memref<128x32xf32, #tpu.memory_space<vmem>>
      %dma_wait3A_325 = arith.constant 0 : i32
      %dma_wait3A_326 = tpu.memref_slice %arg7[%add3A_218, %dma_wait3A_325] : memref<10112x32xf32, #tpu.memory_space<vmem_shared>> -> memref<128x32xf32, #tpu.memory_space<vmem_shared>>
      %dma_wait3A_327 = arith.constant 0 : i32
      %dma_wait3A_328 = arith.constant 0 : i32
      %dma_wait3A_329 = tpu.memref_slice %arg18[%dma_wait3A_327, %dma_wait3A_328] : memref<512x32xf32, #tpu.memory_space<vmem>> -> memref<128x32xf32, #tpu.memory_space<vmem>>
      %dma_wait3A_330 = arith.constant 0 : i32
      %dma_wait3A_331 = tpu.memref_slice %arg7[%add3A_218, %dma_wait3A_330] : memref<10112x32xf32, #tpu.memory_space<vmem_shared>> -> memref<128x32xf32, #tpu.memory_space<vmem_shared>>
      tpu.wait_dma2 semaphore(%arg32 : memref<!tpu.dma_semaphore, #tpu.memory_space<semaphore_mem>>) src(%dma_wait3A_331 : memref<128x32xf32, #tpu.memory_space<vmem_shared>>) dst(%dma_wait3A_329 : memref<128x32xf32, #tpu.memory_space<vmem>>)
      %scan3A_332 = arith.constant 0 : i32
      %scan3A_333 = arith.constant 128 : i32
      %scan3A_334 = arith.addi %scan3A_332, %scan3A_333 : i32
      %scan3A_335 = arith.constant 1 : i32
      scf.for %scan3A_647 = %scan3A_332 to %scan3A_334 step %scan3A_335  : i32 {
        %add3A_648 = arith.constant 128 : i32
        %add3A_649 = arith.addi %add3A_648, %scan3A_647 : i32
        %get3A = arith.index_cast %add3A_649 : i32 to index
        %get3A_650 = arith.constant 0 : index
        %get3A_651 = tpu.vector_load %arg21[%get3A, %get3A_650] {strides = array<i32>} : memref<632x16xf32, #tpu.memory_space<vmem>>, vector<1x16xf32>,
        %get3A_652 = vector.shape_cast %get3A_651 : vector<1x16xf32> to vector<16xf32>
        %get3A_653 = arith.index_cast %scan3A_647 : i32 to index
        %get3A_654 = arith.constant 0 : index
        %get3A_655 = tpu.vector_load %arg17[%get3A_653, %get3A_654] {strides = array<i32>} : memref<512x32xf32, #tpu.memory_space<vmem>>, vector<1x16xf32>,
        %get3A_656 = vector.shape_cast %get3A_655 : vector<1x16xf32> to vector<16xf32>
        %get3A_657 = arith.index_cast %scan3A_647 : i32 to index
        %get3A_658 = arith.constant 0 : index
        %get3A_659 = tpu.vector_load %arg18[%get3A_657, %get3A_658] {strides = array<i32>} : memref<512x32xf32, #tpu.memory_space<vmem>>, vector<1x16xf32>,
        %get3A_660 = vector.shape_cast %get3A_659 : vector<1x16xf32> to vector<16xf32>
        %add3A_661 = arith.addf %get3A_656, %get3A_660 : vector<16xf32>
        %mul3A_662 = arith.mulf %get3A_652, %add3A_661 : vector<16xf32>
        %add3A_663 = arith.constant 128 : i32
        %add3A_664 = arith.addi %add3A_663, %scan3A_647 : i32
        %get3A_665 = arith.index_cast %add3A_664 : i32 to index
        %get3A_666 = arith.constant 0 : index
        %get3A_667 = tpu.vector_load %arg20[%get3A_665, %get3A_666] {strides = array<i32>} : memref<632x32xf32, #tpu.memory_space<vmem>>, vector<1x16xf32>,
        %get3A_668 = vector.shape_cast %get3A_667 : vector<1x16xf32> to vector<16xf32>
        %add3A_669 = arith.addf %mul3A_662, %get3A_668 : vector<16xf32>
        %swap3A = arith.index_cast %scan3A_647 : i32 to index
        %swap3A_670 = arith.constant 0 : index
        %swap3A_671 = tpu.vector_load %arg17[%swap3A, %swap3A_670] {strides = array<i32>} : memref<512x32xf32, #tpu.memory_space<vmem>>, vector<1x16xf32>,
        %swap3A_672 = vector.shape_cast %swap3A_671 : vector<1x16xf32> to vector<16xf32>
        %swap3A_673 = vector.shape_cast %add3A_669 : vector<16xf32> to vector<1x16xf32>
        tpu.vector_store %arg17[%swap3A, %swap3A_670], %swap3A_673 {strides = array<i32>} : memref<512x32xf32, #tpu.memory_space<vmem>>, vector<1x16xf32>,
        %get3A_674 = arith.index_cast %scan3A_647 : i32 to index
        %get3A_675 = arith.constant 16 : index
        %get3A_676 = tpu.vector_load %arg17[%get3A_674, %get3A_675] {strides = array<i32>} : memref<512x32xf32, #tpu.memory_space<vmem>>, vector<1x16xf32>,
        %get3A_677 = vector.shape_cast %get3A_676 : vector<1x16xf32> to vector<16xf32>
        %get3A_678 = arith.index_cast %scan3A_647 : i32 to index
        %get3A_679 = arith.constant 16 : index
        %get3A_680 = tpu.vector_load %arg18[%get3A_678, %get3A_679] {strides = array<i32>} : memref<512x32xf32, #tpu.memory_space<vmem>>, vector<1x16xf32>,
        %get3A_681 = vector.shape_cast %get3A_680 : vector<1x16xf32> to vector<16xf32>
        %add3A_682 = arith.addf %get3A_677, %get3A_681 : vector<16xf32>
        %mul3A_683 = arith.mulf %get3A_652, %add3A_682 : vector<16xf32>
        %add3A_684 = arith.constant 128 : i32
        %add3A_685 = arith.addi %add3A_684, %scan3A_647 : i32
        %get3A_686 = arith.index_cast %add3A_685 : i32 to index
        %get3A_687 = arith.constant 16 : index
        %get3A_688 = tpu.vector_load %arg20[%get3A_686, %get3A_687] {strides = array<i32>} : memref<632x32xf32, #tpu.memory_space<vmem>>, vector<1x16xf32>,
        %get3A_689 = vector.shape_cast %get3A_688 : vector<1x16xf32> to vector<16xf32>
        %add3A_690 = arith.addf %mul3A_683, %get3A_689 : vector<16xf32>
        %swap3A_691 = arith.index_cast %scan3A_647 : i32 to index
        %swap3A_692 = arith.constant 16 : index
        %swap3A_693 = tpu.vector_load %arg17[%swap3A_691, %swap3A_692] {strides = array<i32>} : memref<512x32xf32, #tpu.memory_space<vmem>>, vector<1x16xf32>,
        %swap3A_694 = vector.shape_cast %swap3A_693 : vector<1x16xf32> to vector<16xf32>
        %swap3A_695 = vector.shape_cast %add3A_690 : vector<16xf32> to vector<1x16xf32>
        tpu.vector_store %arg17[%swap3A_691, %swap3A_692], %swap3A_695 {strides = array<i32>} : memref<512x32xf32, #tpu.memory_space<vmem>>, vector<1x16xf32>,
      }
      %scan3A_336 = arith.constant 128 : i32
      %add3A_337 = arith.constant 128 : i32
      %add3A_338 = arith.addi %mul3A_0, %add3A_337 : i32
      %dma_start3A_339 = arith.constant 0 : i32
      %dma_start3A_340 = arith.constant 0 : i32
      %dma_start3A_341 = tpu.memref_slice %arg17[%dma_start3A_339, %dma_start3A_340] : memref<512x32xf32, #tpu.memory_space<vmem>> -> memref<128x32xf32, #tpu.memory_space<vmem>>
      %dma_start3A_342 = arith.constant 0 : i32
      %dma_start3A_343 = tpu.memref_slice %arg7[%add3A_338, %dma_start3A_342] : memref<10112x32xf32, #tpu.memory_space<vmem_shared>> -> memref<128x32xf32, #tpu.memory_space<vmem_shared>>
      %dma_start3A_344 = arith.constant 0 : i32
      %dma_start3A_345 = tpu.memref_slice %arg7[%add3A_338, %dma_start3A_344] : memref<10112x32xf32, #tpu.memory_space<vmem_shared>> -> memref<128x32xf32, #tpu.memory_space<vmem_shared>>
      %dma_start3A_346 = arith.constant 0 : i32
      %dma_start3A_347 = arith.constant 0 : i32
      %dma_start3A_348 = tpu.memref_slice %arg17[%dma_start3A_346, %dma_start3A_347] : memref<512x32xf32, #tpu.memory_space<vmem>> -> memref<128x32xf32, #tpu.memory_space<vmem>>
      tpu.enqueue_dma source(%dma_start3A_348 : memref<128x32xf32, #tpu.memory_space<vmem>>) target(%dma_start3A_345 : memref<128x32xf32, #tpu.memory_space<vmem_shared>>) target_semaphore(%arg33 : memref<!tpu.dma_semaphore, #tpu.memory_space<semaphore_mem>>)
      %add3A_349 = arith.constant 128 : i32
      %add3A_350 = arith.addi %mul3A_0, %add3A_349 : i32
      %dma_start3A_351 = arith.constant 0 : i32
      %dma_start3A_352 = arith.constant 0 : i32
      %dma_start3A_353 = tpu.memref_slice %arg19[%dma_start3A_351, %dma_start3A_352] : memref<128x32xf32, #tpu.memory_space<vmem>> -> memref<128x32xf32, #tpu.memory_space<vmem>>
      %dma_start3A_354 = arith.constant 0 : i32
      %dma_start3A_355 = tpu.memref_slice %arg8[%add3A_350, %dma_start3A_354] : memref<10112x32xf32, #tpu.memory_space<vmem_shared>> -> memref<128x32xf32, #tpu.memory_space<vmem_shared>>
      %dma_start3A_356 = arith.constant 0 : i32
      %dma_start3A_357 = tpu.memref_slice %arg8[%add3A_350, %dma_start3A_356] : memref<10112x32xf32, #tpu.memory_space<vmem_shared>> -> memref<128x32xf32, #tpu.memory_space<vmem_shared>>
      %dma_start3A_358 = arith.constant 0 : i32
      %dma_start3A_359 = arith.constant 0 : i32
      %dma_start3A_360 = tpu.memref_slice %arg19[%dma_start3A_358, %dma_start3A_359] : memref<128x32xf32, #tpu.memory_space<vmem>> -> memref<128x32xf32, #tpu.memory_space<vmem>>
      tpu.enqueue_dma source(%dma_start3A_360 : memref<128x32xf32, #tpu.memory_space<vmem>>) target(%dma_start3A_357 : memref<128x32xf32, #tpu.memory_space<vmem_shared>>) target_semaphore(%arg34 : memref<!tpu.dma_semaphore, #tpu.memory_space<semaphore_mem>>)
      %dma_wait3A_361 = arith.constant 0 : i32
      %dma_wait3A_362 = arith.constant 0 : i32
      %dma_wait3A_363 = tpu.memref_slice %arg17[%dma_wait3A_361, %dma_wait3A_362] : memref<512x32xf32, #tpu.memory_space<vmem>> -> memref<128x32xf32, #tpu.memory_space<vmem>>
      %dma_wait3A_364 = arith.constant 0 : i32
      %dma_wait3A_365 = tpu.memref_slice %arg7[%add3A_338, %dma_wait3A_364] : memref<10112x32xf32, #tpu.memory_space<vmem_shared>> -> memref<128x32xf32, #tpu.memory_space<vmem_shared>>
      %dma_wait3A_366 = arith.constant 0 : i32
      %dma_wait3A_367 = tpu.memref_slice %arg7[%add3A_338, %dma_wait3A_366] : memref<10112x32xf32, #tpu.memory_space<vmem_shared>> -> memref<128x32xf32, #tpu.memory_space<vmem_shared>>
      %dma_wait3A_368 = arith.constant 0 : i32
      %dma_wait3A_369 = arith.constant 0 : i32
      %dma_wait3A_370 = tpu.memref_slice %arg17[%dma_wait3A_368, %dma_wait3A_369] : memref<512x32xf32, #tpu.memory_space<vmem>> -> memref<128x32xf32, #tpu.memory_space<vmem>>
      tpu.wait_dma2 semaphore(%arg33 : memref<!tpu.dma_semaphore, #tpu.memory_space<semaphore_mem>>) src(%dma_wait3A_370 : memref<128x32xf32, #tpu.memory_space<vmem>>) dst(%dma_wait3A_367 : memref<128x32xf32, #tpu.memory_space<vmem_shared>>)
      %add3A_371 = arith.constant 384 : i32
      %add3A_372 = arith.addi %mul3A_0, %add3A_371 : i32
      %dma_start3A_373 = arith.constant 0 : i32
      %dma_start3A_374 = arith.constant 0 : i32
      %dma_start3A_375 = tpu.memref_slice %arg17[%dma_start3A_373, %dma_start3A_374] : memref<512x32xf32, #tpu.memory_space<vmem>> -> memref<128x32xf32, #tpu.memory_space<vmem>>
      %dma_start3A_376 = arith.constant 0 : i32
      %dma_start3A_377 = tpu.memref_slice %arg8[%add3A_372, %dma_start3A_376] : memref<10112x32xf32, #tpu.memory_space<vmem_shared>> -> memref<128x32xf32, #tpu.memory_space<vmem_shared>>
      %dma_start3A_378 = arith.constant 0 : i32
      %dma_start3A_379 = arith.constant 0 : i32
      %dma_start3A_380 = tpu.memref_slice %arg17[%dma_start3A_378, %dma_start3A_379] : memref<512x32xf32, #tpu.memory_space<vmem>> -> memref<128x32xf32, #tpu.memory_space<vmem>>
      %dma_start3A_381 = arith.constant 0 : i32
      %dma_start3A_382 = tpu.memref_slice %arg8[%add3A_372, %dma_start3A_381] : memref<10112x32xf32, #tpu.memory_space<vmem_shared>> -> memref<128x32xf32, #tpu.memory_space<vmem_shared>>
      tpu.enqueue_dma source(%dma_start3A_382 : memref<128x32xf32, #tpu.memory_space<vmem_shared>>) target(%dma_start3A_380 : memref<128x32xf32, #tpu.memory_space<vmem>>) target_semaphore(%arg31 : memref<!tpu.dma_semaphore, #tpu.memory_space<semaphore_mem>>)
      %add3A_383 = arith.constant 384 : i32
      %add3A_384 = arith.addi %mul3A_0, %add3A_383 : i32
      %dma_start3A_385 = arith.constant 0 : i32
      %dma_start3A_386 = arith.constant 0 : i32
      %dma_start3A_387 = tpu.memref_slice %arg18[%dma_start3A_385, %dma_start3A_386] : memref<512x32xf32, #tpu.memory_space<vmem>> -> memref<128x32xf32, #tpu.memory_space<vmem>>
      %dma_start3A_388 = arith.constant 0 : i32
      %dma_start3A_389 = tpu.memref_slice %arg7[%add3A_384, %dma_start3A_388] : memref<10112x32xf32, #tpu.memory_space<vmem_shared>> -> memref<128x32xf32, #tpu.memory_space<vmem_shared>>
      %dma_start3A_390 = arith.constant 0 : i32
      %dma_start3A_391 = arith.constant 0 : i32
      %dma_start3A_392 = tpu.memref_slice %arg18[%dma_start3A_390, %dma_start3A_391] : memref<512x32xf32, #tpu.memory_space<vmem>> -> memref<128x32xf32, #tpu.memory_space<vmem>>
      %dma_start3A_393 = arith.constant 0 : i32
      %dma_start3A_394 = tpu.memref_slice %arg7[%add3A_384, %dma_start3A_393] : memref<10112x32xf32, #tpu.memory_space<vmem_shared>> -> memref<128x32xf32, #tpu.memory_space<vmem_shared>>
      tpu.enqueue_dma source(%dma_start3A_394 : memref<128x32xf32, #tpu.memory_space<vmem_shared>>) target(%dma_start3A_392 : memref<128x32xf32, #tpu.memory_space<vmem>>) target_semaphore(%arg32 : memref<!tpu.dma_semaphore, #tpu.memory_space<semaphore_mem>>)
      %dma_wait3A_395 = arith.constant 0 : i32
      %dma_wait3A_396 = arith.constant 0 : i32
      %dma_wait3A_397 = tpu.memref_slice %arg23[%dma_wait3A_395, %dma_wait3A_396] : memref<128x32xf32, #tpu.memory_space<vmem>> -> memref<128x32xf32, #tpu.memory_space<vmem>>
      %dma_wait3A_398 = arith.constant 0 : i32
      %dma_wait3A_399 = tpu.memref_slice %arg8[%add3A_289, %dma_wait3A_398] : memref<10112x32xf32, #tpu.memory_space<vmem_shared>> -> memref<128x32xf32, #tpu.memory_space<vmem_shared>>
      %dma_wait3A_400 = arith.constant 0 : i32
      %dma_wait3A_401 = arith.constant 0 : i32
      %dma_wait3A_402 = tpu.memref_slice %arg23[%dma_wait3A_400, %dma_wait3A_401] : memref<128x32xf32, #tpu.memory_space<vmem>> -> memref<128x32xf32, #tpu.memory_space<vmem>>
      %dma_wait3A_403 = arith.constant 0 : i32
      %dma_wait3A_404 = tpu.memref_slice %arg8[%add3A_289, %dma_wait3A_403] : memref<10112x32xf32, #tpu.memory_space<vmem_shared>> -> memref<128x32xf32, #tpu.memory_space<vmem_shared>>
      tpu.wait_dma2 semaphore(%arg29 : memref<!tpu.dma_semaphore, #tpu.memory_space<semaphore_mem>>) src(%dma_wait3A_404 : memref<128x32xf32, #tpu.memory_space<vmem_shared>>) dst(%dma_wait3A_402 : memref<128x32xf32, #tpu.memory_space<vmem>>)
      %dma_wait3A_405 = arith.constant 0 : i32
      %dma_wait3A_406 = arith.constant 0 : i32
      %dma_wait3A_407 = tpu.memref_slice %arg24[%dma_wait3A_405, %dma_wait3A_406] : memref<128x32xf32, #tpu.memory_space<vmem>> -> memref<128x32xf32, #tpu.memory_space<vmem>>
      %dma_wait3A_408 = arith.constant 0 : i32
      %dma_wait3A_409 = tpu.memref_slice %arg7[%add3A_301, %dma_wait3A_408] : memref<10112x32xf32, #tpu.memory_space<vmem_shared>> -> memref<128x32xf32, #tpu.memory_space<vmem_shared>>
      %dma_wait3A_410 = arith.constant 0 : i32
      %dma_wait3A_411 = arith.constant 0 : i32
      %dma_wait3A_412 = tpu.memref_slice %arg24[%dma_wait3A_410, %dma_wait3A_411] : memref<128x32xf32, #tpu.memory_space<vmem>> -> memref<128x32xf32, #tpu.memory_space<vmem>>
      %dma_wait3A_413 = arith.constant 0 : i32
      %dma_wait3A_414 = tpu.memref_slice %arg7[%add3A_301, %dma_wait3A_413] : memref<10112x32xf32, #tpu.memory_space<vmem_shared>> -> memref<128x32xf32, #tpu.memory_space<vmem_shared>>
      tpu.wait_dma2 semaphore(%arg30 : memref<!tpu.dma_semaphore, #tpu.memory_space<semaphore_mem>>) src(%dma_wait3A_414 : memref<128x32xf32, #tpu.memory_space<vmem_shared>>) dst(%dma_wait3A_412 : memref<128x32xf32, #tpu.memory_space<vmem>>)
      %scan3A_415 = arith.constant 0 : i32
      %scan3A_416 = arith.constant 128 : i32
      %scan3A_417 = arith.addi %scan3A_415, %scan3A_416 : i32
      %scan3A_418 = arith.constant 1 : i32
      scf.for %scan3A_647 = %scan3A_415 to %scan3A_417 step %scan3A_418  : i32 {
        %add3A_648 = arith.constant 256 : i32
        %add3A_649 = arith.addi %add3A_648, %scan3A_647 : i32
        %get3A = arith.index_cast %add3A_649 : i32 to index
        %get3A_650 = arith.constant 0 : index
        %get3A_651 = tpu.vector_load %arg21[%get3A, %get3A_650] {strides = array<i32>} : memref<632x16xf32, #tpu.memory_space<vmem>>, vector<1x16xf32>,
        %get3A_652 = vector.shape_cast %get3A_651 : vector<1x16xf32> to vector<16xf32>
        %get3A_653 = arith.index_cast %scan3A_647 : i32 to index
        %get3A_654 = arith.constant 0 : index
        %get3A_655 = tpu.vector_load %arg23[%get3A_653, %get3A_654] {strides = array<i32>} : memref<128x32xf32, #tpu.memory_space<vmem>>, vector<1x16xf32>,
        %get3A_656 = vector.shape_cast %get3A_655 : vector<1x16xf32> to vector<16xf32>
        %get3A_657 = arith.index_cast %scan3A_647 : i32 to index
        %get3A_658 = arith.constant 0 : index
        %get3A_659 = tpu.vector_load %arg24[%get3A_657, %get3A_658] {strides = array<i32>} : memref<128x32xf32, #tpu.memory_space<vmem>>, vector<1x16xf32>,
        %get3A_660 = vector.shape_cast %get3A_659 : vector<1x16xf32> to vector<16xf32>
        %add3A_661 = arith.addf %get3A_656, %get3A_660 : vector<16xf32>
        %mul3A_662 = arith.mulf %get3A_652, %add3A_661 : vector<16xf32>
        %add3A_663 = arith.constant 256 : i32
        %add3A_664 = arith.addi %add3A_663, %scan3A_647 : i32
        %get3A_665 = arith.index_cast %add3A_664 : i32 to index
        %get3A_666 = arith.constant 0 : index
        %get3A_667 = tpu.vector_load %arg20[%get3A_665, %get3A_666] {strides = array<i32>} : memref<632x32xf32, #tpu.memory_space<vmem>>, vector<1x16xf32>,
        %get3A_668 = vector.shape_cast %get3A_667 : vector<1x16xf32> to vector<16xf32>
        %add3A_669 = arith.addf %mul3A_662, %get3A_668 : vector<16xf32>
        %swap3A = arith.index_cast %scan3A_647 : i32 to index
        %swap3A_670 = arith.constant 0 : index
        %swap3A_671 = tpu.vector_load %arg23[%swap3A, %swap3A_670] {strides = array<i32>} : memref<128x32xf32, #tpu.memory_space<vmem>>, vector<1x16xf32>,
        %swap3A_672 = vector.shape_cast %swap3A_671 : vector<1x16xf32> to vector<16xf32>
        %swap3A_673 = vector.shape_cast %add3A_669 : vector<16xf32> to vector<1x16xf32>
        tpu.vector_store %arg23[%swap3A, %swap3A_670], %swap3A_673 {strides = array<i32>} : memref<128x32xf32, #tpu.memory_space<vmem>>, vector<1x16xf32>,
        %get3A_674 = arith.index_cast %scan3A_647 : i32 to index
        %get3A_675 = arith.constant 16 : index
        %get3A_676 = tpu.vector_load %arg23[%get3A_674, %get3A_675] {strides = array<i32>} : memref<128x32xf32, #tpu.memory_space<vmem>>, vector<1x16xf32>,
        %get3A_677 = vector.shape_cast %get3A_676 : vector<1x16xf32> to vector<16xf32>
        %get3A_678 = arith.index_cast %scan3A_647 : i32 to index
        %get3A_679 = arith.constant 16 : index
        %get3A_680 = tpu.vector_load %arg24[%get3A_678, %get3A_679] {strides = array<i32>} : memref<128x32xf32, #tpu.memory_space<vmem>>, vector<1x16xf32>,
        %get3A_681 = vector.shape_cast %get3A_680 : vector<1x16xf32> to vector<16xf32>
        %add3A_682 = arith.addf %get3A_677, %get3A_681 : vector<16xf32>
        %mul3A_683 = arith.mulf %get3A_652, %add3A_682 : vector<16xf32>
        %add3A_684 = arith.constant 256 : i32
        %add3A_685 = arith.addi %add3A_684, %scan3A_647 : i32
        %get3A_686 = arith.index_cast %add3A_685 : i32 to index
        %get3A_687 = arith.constant 16 : index
        %get3A_688 = tpu.vector_load %arg20[%get3A_686, %get3A_687] {strides = array<i32>} : memref<632x32xf32, #tpu.memory_space<vmem>>, vector<1x16xf32>,
        %get3A_689 = vector.shape_cast %get3A_688 : vector<1x16xf32> to vector<16xf32>
        %add3A_690 = arith.addf %mul3A_683, %get3A_689 : vector<16xf32>
        %swap3A_691 = arith.index_cast %scan3A_647 : i32 to index
        %swap3A_692 = arith.constant 16 : index
        %swap3A_693 = tpu.vector_load %arg23[%swap3A_691, %swap3A_692] {strides = array<i32>} : memref<128x32xf32, #tpu.memory_space<vmem>>, vector<1x16xf32>,
        %swap3A_694 = vector.shape_cast %swap3A_693 : vector<1x16xf32> to vector<16xf32>
        %swap3A_695 = vector.shape_cast %add3A_690 : vector<16xf32> to vector<1x16xf32>
        tpu.vector_store %arg23[%swap3A_691, %swap3A_692], %swap3A_695 {strides = array<i32>} : memref<128x32xf32, #tpu.memory_space<vmem>>, vector<1x16xf32>,
      }
      %scan3A_419 = arith.constant 128 : i32
      %add3A_420 = arith.constant 256 : i32
      %add3A_421 = arith.addi %mul3A_0, %add3A_420 : i32
      %dma_start3A_422 = arith.constant 0 : i32
      %dma_start3A_423 = arith.constant 0 : i32
      %dma_start3A_424 = tpu.memref_slice %arg23[%dma_start3A_422, %dma_start3A_423] : memref<128x32xf32, #tpu.memory_space<vmem>> -> memref<128x32xf32, #tpu.memory_space<vmem>>
      %dma_start3A_425 = arith.constant 0 : i32
      %dma_start3A_426 = tpu.memref_slice %arg7[%add3A_421, %dma_start3A_425] : memref<10112x32xf32, #tpu.memory_space<vmem_shared>> -> memref<128x32xf32, #tpu.memory_space<vmem_shared>>
      %dma_start3A_427 = arith.constant 0 : i32
      %dma_start3A_428 = tpu.memref_slice %arg7[%add3A_421, %dma_start3A_427] : memref<10112x32xf32, #tpu.memory_space<vmem_shared>> -> memref<128x32xf32, #tpu.memory_space<vmem_shared>>
      %dma_start3A_429 = arith.constant 0 : i32
      %dma_start3A_430 = arith.constant 0 : i32
      %dma_start3A_431 = tpu.memref_slice %arg23[%dma_start3A_429, %dma_start3A_430] : memref<128x32xf32, #tpu.memory_space<vmem>> -> memref<128x32xf32, #tpu.memory_space<vmem>>
      tpu.enqueue_dma source(%dma_start3A_431 : memref<128x32xf32, #tpu.memory_space<vmem>>) target(%dma_start3A_428 : memref<128x32xf32, #tpu.memory_space<vmem_shared>>) target_semaphore(%arg33 : memref<!tpu.dma_semaphore, #tpu.memory_space<semaphore_mem>>)
      %add3A_432 = arith.constant 256 : i32
      %add3A_433 = arith.addi %mul3A_0, %add3A_432 : i32
      %dma_start3A_434 = arith.constant 0 : i32
      %dma_start3A_435 = arith.constant 0 : i32
      %dma_start3A_436 = tpu.memref_slice %arg19[%dma_start3A_434, %dma_start3A_435] : memref<128x32xf32, #tpu.memory_space<vmem>> -> memref<128x32xf32, #tpu.memory_space<vmem>>
      %dma_start3A_437 = arith.constant 0 : i32
      %dma_start3A_438 = tpu.memref_slice %arg8[%add3A_433, %dma_start3A_437] : memref<10112x32xf32, #tpu.memory_space<vmem_shared>> -> memref<128x32xf32, #tpu.memory_space<vmem_shared>>
      %dma_start3A_439 = arith.constant 0 : i32
      %dma_start3A_440 = tpu.memref_slice %arg8[%add3A_433, %dma_start3A_439] : memref<10112x32xf32, #tpu.memory_space<vmem_shared>> -> memref<128x32xf32, #tpu.memory_space<vmem_shared>>
      %dma_start3A_441 = arith.constant 0 : i32
      %dma_start3A_442 = arith.constant 0 : i32
      %dma_start3A_443 = tpu.memref_slice %arg19[%dma_start3A_441, %dma_start3A_442] : memref<128x32xf32, #tpu.memory_space<vmem>> -> memref<128x32xf32, #tpu.memory_space<vmem>>
      tpu.enqueue_dma source(%dma_start3A_443 : memref<128x32xf32, #tpu.memory_space<vmem>>) target(%dma_start3A_440 : memref<128x32xf32, #tpu.memory_space<vmem_shared>>) target_semaphore(%arg34 : memref<!tpu.dma_semaphore, #tpu.memory_space<semaphore_mem>>)
      %dma_wait3A_444 = arith.constant 0 : i32
      %dma_wait3A_445 = arith.constant 0 : i32
      %dma_wait3A_446 = tpu.memref_slice %arg23[%dma_wait3A_444, %dma_wait3A_445] : memref<128x32xf32, #tpu.memory_space<vmem>> -> memref<128x32xf32, #tpu.memory_space<vmem>>
      %dma_wait3A_447 = arith.constant 0 : i32
      %dma_wait3A_448 = tpu.memref_slice %arg7[%add3A_421, %dma_wait3A_447] : memref<10112x32xf32, #tpu.memory_space<vmem_shared>> -> memref<128x32xf32, #tpu.memory_space<vmem_shared>>
      %dma_wait3A_449 = arith.constant 0 : i32
      %dma_wait3A_450 = tpu.memref_slice %arg7[%add3A_421, %dma_wait3A_449] : memref<10112x32xf32, #tpu.memory_space<vmem_shared>> -> memref<128x32xf32, #tpu.memory_space<vmem_shared>>
      %dma_wait3A_451 = arith.constant 0 : i32
      %dma_wait3A_452 = arith.constant 0 : i32
      %dma_wait3A_453 = tpu.memref_slice %arg23[%dma_wait3A_451, %dma_wait3A_452] : memref<128x32xf32, #tpu.memory_space<vmem>> -> memref<128x32xf32, #tpu.memory_space<vmem>>
      tpu.wait_dma2 semaphore(%arg33 : memref<!tpu.dma_semaphore, #tpu.memory_space<semaphore_mem>>) src(%dma_wait3A_453 : memref<128x32xf32, #tpu.memory_space<vmem>>) dst(%dma_wait3A_450 : memref<128x32xf32, #tpu.memory_space<vmem_shared>>)
      %add3A_454 = arith.constant 512 : i32
      %add3A_455 = arith.addi %mul3A_0, %add3A_454 : i32
      %dma_start3A_456 = arith.constant 0 : i32
      %dma_start3A_457 = arith.constant 0 : i32
      %dma_start3A_458 = tpu.memref_slice %arg23[%dma_start3A_456, %dma_start3A_457] : memref<128x32xf32, #tpu.memory_space<vmem>> -> memref<120x32xf32, #tpu.memory_space<vmem>>
      %dma_start3A_459 = arith.constant 0 : i32
      %dma_start3A_460 = tpu.memref_slice %arg8[%add3A_455, %dma_start3A_459] : memref<10112x32xf32, #tpu.memory_space<vmem_shared>> -> memref<120x32xf32, #tpu.memory_space<vmem_shared>>
      %dma_start3A_461 = arith.constant 0 : i32
      %dma_start3A_462 = arith.constant 0 : i32
      %dma_start3A_463 = tpu.memref_slice %arg23[%dma_start3A_461, %dma_start3A_462] : memref<128x32xf32, #tpu.memory_space<vmem>> -> memref<120x32xf32, #tpu.memory_space<vmem>>
      %dma_start3A_464 = arith.constant 0 : i32
      %dma_start3A_465 = tpu.memref_slice %arg8[%add3A_455, %dma_start3A_464] : memref<10112x32xf32, #tpu.memory_space<vmem_shared>> -> memref<120x32xf32, #tpu.memory_space<vmem_shared>>
      tpu.enqueue_dma source(%dma_start3A_465 : memref<120x32xf32, #tpu.memory_space<vmem_shared>>) target(%dma_start3A_463 : memref<120x32xf32, #tpu.memory_space<vmem>>) target_semaphore(%arg29 : memref<!tpu.dma_semaphore, #tpu.memory_space<semaphore_mem>>)
      %add3A_466 = arith.constant 512 : i32
      %add3A_467 = arith.addi %mul3A_0, %add3A_466 : i32
      %dma_start3A_468 = arith.constant 0 : i32
      %dma_start3A_469 = arith.constant 0 : i32
      %dma_start3A_470 = tpu.memref_slice %arg24[%dma_start3A_468, %dma_start3A_469] : memref<128x32xf32, #tpu.memory_space<vmem>> -> memref<120x32xf32, #tpu.memory_space<vmem>>
      %dma_start3A_471 = arith.constant 0 : i32
      %dma_start3A_472 = tpu.memref_slice %arg7[%add3A_467, %dma_start3A_471] : memref<10112x32xf32, #tpu.memory_space<vmem_shared>> -> memref<120x32xf32, #tpu.memory_space<vmem_shared>>
      %dma_start3A_473 = arith.constant 0 : i32
      %dma_start3A_474 = arith.constant 0 : i32
      %dma_start3A_475 = tpu.memref_slice %arg24[%dma_start3A_473, %dma_start3A_474] : memref<128x32xf32, #tpu.memory_space<vmem>> -> memref<120x32xf32, #tpu.memory_space<vmem>>
      %dma_start3A_476 = arith.constant 0 : i32
      %dma_start3A_477 = tpu.memref_slice %arg7[%add3A_467, %dma_start3A_476] : memref<10112x32xf32, #tpu.memory_space<vmem_shared>> -> memref<120x32xf32, #tpu.memory_space<vmem_shared>>
      tpu.enqueue_dma source(%dma_start3A_477 : memref<120x32xf32, #tpu.memory_space<vmem_shared>>) target(%dma_start3A_475 : memref<120x32xf32, #tpu.memory_space<vmem>>) target_semaphore(%arg30 : memref<!tpu.dma_semaphore, #tpu.memory_space<semaphore_mem>>)
      %dma_wait3A_478 = arith.constant 0 : i32
      %dma_wait3A_479 = arith.constant 0 : i32
      %dma_wait3A_480 = tpu.memref_slice %arg17[%dma_wait3A_478, %dma_wait3A_479] : memref<512x32xf32, #tpu.memory_space<vmem>> -> memref<128x32xf32, #tpu.memory_space<vmem>>
      %dma_wait3A_481 = arith.constant 0 : i32
      %dma_wait3A_482 = tpu.memref_slice %arg8[%add3A_372, %dma_wait3A_481] : memref<10112x32xf32, #tpu.memory_space<vmem_shared>> -> memref<128x32xf32, #tpu.memory_space<vmem_shared>>
      %dma_wait3A_483 = arith.constant 0 : i32
      %dma_wait3A_484 = arith.constant 0 : i32
      %dma_wait3A_485 = tpu.memref_slice %arg17[%dma_wait3A_483, %dma_wait3A_484] : memref<512x32xf32, #tpu.memory_space<vmem>> -> memref<128x32xf32, #tpu.memory_space<vmem>>
      %dma_wait3A_486 = arith.constant 0 : i32
      %dma_wait3A_487 = tpu.memref_slice %arg8[%add3A_372, %dma_wait3A_486] : memref<10112x32xf32, #tpu.memory_space<vmem_shared>> -> memref<128x32xf32, #tpu.memory_space<vmem_shared>>
      tpu.wait_dma2 semaphore(%arg31 : memref<!tpu.dma_semaphore, #tpu.memory_space<semaphore_mem>>) src(%dma_wait3A_487 : memref<128x32xf32, #tpu.memory_space<vmem_shared>>) dst(%dma_wait3A_485 : memref<128x32xf32, #tpu.memory_space<vmem>>)
      %dma_wait3A_488 = arith.constant 0 : i32
      %dma_wait3A_489 = arith.constant 0 : i32
      %dma_wait3A_490 = tpu.memref_slice %arg18[%dma_wait3A_488, %dma_wait3A_489] : memref<512x32xf32, #tpu.memory_space<vmem>> -> memref<128x32xf32, #tpu.memory_space<vmem>>
      %dma_wait3A_491 = arith.constant 0 : i32
      %dma_wait3A_492 = tpu.memref_slice %arg7[%add3A_384, %dma_wait3A_491] : memref<10112x32xf32, #tpu.memory_space<vmem_shared>> -> memref<128x32xf32, #tpu.memory_space<vmem_shared>>
      %dma_wait3A_493 = arith.constant 0 : i32
      %dma_wait3A_494 = arith.constant 0 : i32
      %dma_wait3A_495 = tpu.memref_slice %arg18[%dma_wait3A_493, %dma_wait3A_494] : memref<512x32xf32, #tpu.memory_space<vmem>> -> memref<128x32xf32, #tpu.memory_space<vmem>>
      %dma_wait3A_496 = arith.constant 0 : i32
      %dma_wait3A_497 = tpu.memref_slice %arg7[%add3A_384, %dma_wait3A_496] : memref<10112x32xf32, #tpu.memory_space<vmem_shared>> -> memref<128x32xf32, #tpu.memory_space<vmem_shared>>
      tpu.wait_dma2 semaphore(%arg32 : memref<!tpu.dma_semaphore, #tpu.memory_space<semaphore_mem>>) src(%dma_wait3A_497 : memref<128x32xf32, #tpu.memory_space<vmem_shared>>) dst(%dma_wait3A_495 : memref<128x32xf32, #tpu.memory_space<vmem>>)
      %scan3A_498 = arith.constant 0 : i32
      %scan3A_499 = arith.constant 128 : i32
      %scan3A_500 = arith.addi %scan3A_498, %scan3A_499 : i32
      %scan3A_501 = arith.constant 1 : i32
      scf.for %scan3A_647 = %scan3A_498 to %scan3A_500 step %scan3A_501  : i32 {
        %add3A_648 = arith.constant 384 : i32
        %add3A_649 = arith.addi %add3A_648, %scan3A_647 : i32
        %get3A = arith.index_cast %add3A_649 : i32 to index
        %get3A_650 = arith.constant 0 : index
        %get3A_651 = tpu.vector_load %arg21[%get3A, %get3A_650] {strides = array<i32>} : memref<632x16xf32, #tpu.memory_space<vmem>>, vector<1x16xf32>,
        %get3A_652 = vector.shape_cast %get3A_651 : vector<1x16xf32> to vector<16xf32>
        %get3A_653 = arith.index_cast %scan3A_647 : i32 to index
        %get3A_654 = arith.constant 0 : index
        %get3A_655 = tpu.vector_load %arg17[%get3A_653, %get3A_654] {strides = array<i32>} : memref<512x32xf32, #tpu.memory_space<vmem>>, vector<1x16xf32>,
        %get3A_656 = vector.shape_cast %get3A_655 : vector<1x16xf32> to vector<16xf32>
        %get3A_657 = arith.index_cast %scan3A_647 : i32 to index
        %get3A_658 = arith.constant 0 : index
        %get3A_659 = tpu.vector_load %arg18[%get3A_657, %get3A_658] {strides = array<i32>} : memref<512x32xf32, #tpu.memory_space<vmem>>, vector<1x16xf32>,
        %get3A_660 = vector.shape_cast %get3A_659 : vector<1x16xf32> to vector<16xf32>
        %add3A_661 = arith.addf %get3A_656, %get3A_660 : vector<16xf32>
        %mul3A_662 = arith.mulf %get3A_652, %add3A_661 : vector<16xf32>
        %add3A_663 = arith.constant 384 : i32
        %add3A_664 = arith.addi %add3A_663, %scan3A_647 : i32
        %get3A_665 = arith.index_cast %add3A_664 : i32 to index
        %get3A_666 = arith.constant 0 : index
        %get3A_667 = tpu.vector_load %arg20[%get3A_665, %get3A_666] {strides = array<i32>} : memref<632x32xf32, #tpu.memory_space<vmem>>, vector<1x16xf32>,
        %get3A_668 = vector.shape_cast %get3A_667 : vector<1x16xf32> to vector<16xf32>
        %add3A_669 = arith.addf %mul3A_662, %get3A_668 : vector<16xf32>
        %swap3A = arith.index_cast %scan3A_647 : i32 to index
        %swap3A_670 = arith.constant 0 : index
        %swap3A_671 = tpu.vector_load %arg17[%swap3A, %swap3A_670] {strides = array<i32>} : memref<512x32xf32, #tpu.memory_space<vmem>>, vector<1x16xf32>,
        %swap3A_672 = vector.shape_cast %swap3A_671 : vector<1x16xf32> to vector<16xf32>
        %swap3A_673 = vector.shape_cast %add3A_669 : vector<16xf32> to vector<1x16xf32>
        tpu.vector_store %arg17[%swap3A, %swap3A_670], %swap3A_673 {strides = array<i32>} : memref<512x32xf32, #tpu.memory_space<vmem>>, vector<1x16xf32>,
        %get3A_674 = arith.index_cast %scan3A_647 : i32 to index
        %get3A_675 = arith.constant 16 : index
        %get3A_676 = tpu.vector_load %arg17[%get3A_674, %get3A_675] {strides = array<i32>} : memref<512x32xf32, #tpu.memory_space<vmem>>, vector<1x16xf32>,
        %get3A_677 = vector.shape_cast %get3A_676 : vector<1x16xf32> to vector<16xf32>
        %get3A_678 = arith.index_cast %scan3A_647 : i32 to index
        %get3A_679 = arith.constant 16 : index
        %get3A_680 = tpu.vector_load %arg18[%get3A_678, %get3A_679] {strides = array<i32>} : memref<512x32xf32, #tpu.memory_space<vmem>>, vector<1x16xf32>,
        %get3A_681 = vector.shape_cast %get3A_680 : vector<1x16xf32> to vector<16xf32>
        %add3A_682 = arith.addf %get3A_677, %get3A_681 : vector<16xf32>
        %mul3A_683 = arith.mulf %get3A_652, %add3A_682 : vector<16xf32>
        %add3A_684 = arith.constant 384 : i32
        %add3A_685 = arith.addi %add3A_684, %scan3A_647 : i32
        %get3A_686 = arith.index_cast %add3A_685 : i32 to index
        %get3A_687 = arith.constant 16 : index
        %get3A_688 = tpu.vector_load %arg20[%get3A_686, %get3A_687] {strides = array<i32>} : memref<632x32xf32, #tpu.memory_space<vmem>>, vector<1x16xf32>,
        %get3A_689 = vector.shape_cast %get3A_688 : vector<1x16xf32> to vector<16xf32>
        %add3A_690 = arith.addf %mul3A_683, %get3A_689 : vector<16xf32>
        %swap3A_691 = arith.index_cast %scan3A_647 : i32 to index
        %swap3A_692 = arith.constant 16 : index
        %swap3A_693 = tpu.vector_load %arg17[%swap3A_691, %swap3A_692] {strides = array<i32>} : memref<512x32xf32, #tpu.memory_space<vmem>>, vector<1x16xf32>,
        %swap3A_694 = vector.shape_cast %swap3A_693 : vector<1x16xf32> to vector<16xf32>
        %swap3A_695 = vector.shape_cast %add3A_690 : vector<16xf32> to vector<1x16xf32>
        tpu.vector_store %arg17[%swap3A_691, %swap3A_692], %swap3A_695 {strides = array<i32>} : memref<512x32xf32, #tpu.memory_space<vmem>>, vector<1x16xf32>,
      }
      %scan3A_502 = arith.constant 128 : i32
      %add3A_503 = arith.constant 384 : i32
      %add3A_504 = arith.addi %mul3A_0, %add3A_503 : i32
      %dma_start3A_505 = arith.constant 0 : i32
      %dma_start3A_506 = arith.constant 0 : i32
      %dma_start3A_507 = tpu.memref_slice %arg17[%dma_start3A_505, %dma_start3A_506] : memref<512x32xf32, #tpu.memory_space<vmem>> -> memref<128x32xf32, #tpu.memory_space<vmem>>
      %dma_start3A_508 = arith.constant 0 : i32
      %dma_start3A_509 = tpu.memref_slice %arg7[%add3A_504, %dma_start3A_508] : memref<10112x32xf32, #tpu.memory_space<vmem_shared>> -> memref<128x32xf32, #tpu.memory_space<vmem_shared>>
      %dma_start3A_510 = arith.constant 0 : i32
      %dma_start3A_511 = tpu.memref_slice %arg7[%add3A_504, %dma_start3A_510] : memref<10112x32xf32, #tpu.memory_space<vmem_shared>> -> memref<128x32xf32, #tpu.memory_space<vmem_shared>>
      %dma_start3A_512 = arith.constant 0 : i32
      %dma_start3A_513 = arith.constant 0 : i32
      %dma_start3A_514 = tpu.memref_slice %arg17[%dma_start3A_512, %dma_start3A_513] : memref<512x32xf32, #tpu.memory_space<vmem>> -> memref<128x32xf32, #tpu.memory_space<vmem>>
      tpu.enqueue_dma source(%dma_start3A_514 : memref<128x32xf32, #tpu.memory_space<vmem>>) target(%dma_start3A_511 : memref<128x32xf32, #tpu.memory_space<vmem_shared>>) target_semaphore(%arg33 : memref<!tpu.dma_semaphore, #tpu.memory_space<semaphore_mem>>)
      %add3A_515 = arith.constant 384 : i32
      %add3A_516 = arith.addi %mul3A_0, %add3A_515 : i32
      %dma_start3A_517 = arith.constant 0 : i32
      %dma_start3A_518 = arith.constant 0 : i32
      %dma_start3A_519 = tpu.memref_slice %arg19[%dma_start3A_517, %dma_start3A_518] : memref<128x32xf32, #tpu.memory_space<vmem>> -> memref<128x32xf32, #tpu.memory_space<vmem>>
      %dma_start3A_520 = arith.constant 0 : i32
      %dma_start3A_521 = tpu.memref_slice %arg8[%add3A_516, %dma_start3A_520] : memref<10112x32xf32, #tpu.memory_space<vmem_shared>> -> memref<128x32xf32, #tpu.memory_space<vmem_shared>>
      %dma_start3A_522 = arith.constant 0 : i32
      %dma_start3A_523 = tpu.memref_slice %arg8[%add3A_516, %dma_start3A_522] : memref<10112x32xf32, #tpu.memory_space<vmem_shared>> -> memref<128x32xf32, #tpu.memory_space<vmem_shared>>
      %dma_start3A_524 = arith.constant 0 : i32
      %dma_start3A_525 = arith.constant 0 : i32
      %dma_start3A_526 = tpu.memref_slice %arg19[%dma_start3A_524, %dma_start3A_525] : memref<128x32xf32, #tpu.memory_space<vmem>> -> memref<128x32xf32, #tpu.memory_space<vmem>>
      tpu.enqueue_dma source(%dma_start3A_526 : memref<128x32xf32, #tpu.memory_space<vmem>>) target(%dma_start3A_523 : memref<128x32xf32, #tpu.memory_space<vmem_shared>>) target_semaphore(%arg34 : memref<!tpu.dma_semaphore, #tpu.memory_space<semaphore_mem>>)
      %dma_wait3A_527 = arith.constant 0 : i32
      %dma_wait3A_528 = arith.constant 0 : i32
      %dma_wait3A_529 = tpu.memref_slice %arg17[%dma_wait3A_527, %dma_wait3A_528] : memref<512x32xf32, #tpu.memory_space<vmem>> -> memref<128x32xf32, #tpu.memory_space<vmem>>
      %dma_wait3A_530 = arith.constant 0 : i32
      %dma_wait3A_531 = tpu.memref_slice %arg7[%add3A_504, %dma_wait3A_530] : memref<10112x32xf32, #tpu.memory_space<vmem_shared>> -> memref<128x32xf32, #tpu.memory_space<vmem_shared>>
      %dma_wait3A_532 = arith.constant 0 : i32
      %dma_wait3A_533 = tpu.memref_slice %arg7[%add3A_504, %dma_wait3A_532] : memref<10112x32xf32, #tpu.memory_space<vmem_shared>> -> memref<128x32xf32, #tpu.memory_space<vmem_shared>>
      %dma_wait3A_534 = arith.constant 0 : i32
      %dma_wait3A_535 = arith.constant 0 : i32
      %dma_wait3A_536 = tpu.memref_slice %arg17[%dma_wait3A_534, %dma_wait3A_535] : memref<512x32xf32, #tpu.memory_space<vmem>> -> memref<128x32xf32, #tpu.memory_space<vmem>>
      tpu.wait_dma2 semaphore(%arg33 : memref<!tpu.dma_semaphore, #tpu.memory_space<semaphore_mem>>) src(%dma_wait3A_536 : memref<128x32xf32, #tpu.memory_space<vmem>>) dst(%dma_wait3A_533 : memref<128x32xf32, #tpu.memory_space<vmem_shared>>)
      %dma_wait3A_537 = arith.constant 0 : i32
      %dma_wait3A_538 = arith.constant 0 : i32
      %dma_wait3A_539 = tpu.memref_slice %arg23[%dma_wait3A_537, %dma_wait3A_538] : memref<128x32xf32, #tpu.memory_space<vmem>> -> memref<120x32xf32, #tpu.memory_space<vmem>>
      %dma_wait3A_540 = arith.constant 0 : i32
      %dma_wait3A_541 = tpu.memref_slice %arg8[%add3A_455, %dma_wait3A_540] : memref<10112x32xf32, #tpu.memory_space<vmem_shared>> -> memref<120x32xf32, #tpu.memory_space<vmem_shared>>
      %dma_wait3A_542 = arith.constant 0 : i32
      %dma_wait3A_543 = arith.constant 0 : i32
      %dma_wait3A_544 = tpu.memref_slice %arg23[%dma_wait3A_542, %dma_wait3A_543] : memref<128x32xf32, #tpu.memory_space<vmem>> -> memref<120x32xf32, #tpu.memory_space<vmem>>
      %dma_wait3A_545 = arith.constant 0 : i32
      %dma_wait3A_546 = tpu.memref_slice %arg8[%add3A_455, %dma_wait3A_545] : memref<10112x32xf32, #tpu.memory_space<vmem_shared>> -> memref<120x32xf32, #tpu.memory_space<vmem_shared>>
      tpu.wait_dma2 semaphore(%arg29 : memref<!tpu.dma_semaphore, #tpu.memory_space<semaphore_mem>>) src(%dma_wait3A_546 : memref<120x32xf32, #tpu.memory_space<vmem_shared>>) dst(%dma_wait3A_544 : memref<120x32xf32, #tpu.memory_space<vmem>>)
      %dma_wait3A_547 = arith.constant 0 : i32
      %dma_wait3A_548 = arith.constant 0 : i32
      %dma_wait3A_549 = tpu.memref_slice %arg24[%dma_wait3A_547, %dma_wait3A_548] : memref<128x32xf32, #tpu.memory_space<vmem>> -> memref<120x32xf32, #tpu.memory_space<vmem>>
      %dma_wait3A_550 = arith.constant 0 : i32
      %dma_wait3A_551 = tpu.memref_slice %arg7[%add3A_467, %dma_wait3A_550] : memref<10112x32xf32, #tpu.memory_space<vmem_shared>> -> memref<120x32xf32, #tpu.memory_space<vmem_shared>>
      %dma_wait3A_552 = arith.constant 0 : i32
      %dma_wait3A_553 = arith.constant 0 : i32
      %dma_wait3A_554 = tpu.memref_slice %arg24[%dma_wait3A_552, %dma_wait3A_553] : memref<128x32xf32, #tpu.memory_space<vmem>> -> memref<120x32xf32, #tpu.memory_space<vmem>>
      %dma_wait3A_555 = arith.constant 0 : i32
      %dma_wait3A_556 = tpu.memref_slice %arg7[%add3A_467, %dma_wait3A_555] : memref<10112x32xf32, #tpu.memory_space<vmem_shared>> -> memref<120x32xf32, #tpu.memory_space<vmem_shared>>
      tpu.wait_dma2 semaphore(%arg30 : memref<!tpu.dma_semaphore, #tpu.memory_space<semaphore_mem>>) src(%dma_wait3A_556 : memref<120x32xf32, #tpu.memory_space<vmem_shared>>) dst(%dma_wait3A_554 : memref<120x32xf32, #tpu.memory_space<vmem>>)
      %scan3A_557 = arith.constant 0 : i32
      %scan3A_558 = arith.constant 120 : i32
      %scan3A_559 = arith.addi %scan3A_557, %scan3A_558 : i32
      %scan3A_560 = arith.constant 1 : i32
      scf.for %scan3A_647 = %scan3A_557 to %scan3A_559 step %scan3A_560  : i32 {
        %add3A_648 = arith.constant 512 : i32
        %add3A_649 = arith.addi %add3A_648, %scan3A_647 : i32
        %get3A = arith.index_cast %add3A_649 : i32 to index
        %get3A_650 = arith.constant 0 : index
        %get3A_651 = tpu.vector_load %arg21[%get3A, %get3A_650] {strides = array<i32>} : memref<632x16xf32, #tpu.memory_space<vmem>>, vector<1x16xf32>,
        %get3A_652 = vector.shape_cast %get3A_651 : vector<1x16xf32> to vector<16xf32>
        %get3A_653 = arith.index_cast %scan3A_647 : i32 to index
        %get3A_654 = arith.constant 0 : index
        %get3A_655 = tpu.vector_load %arg23[%get3A_653, %get3A_654] {strides = array<i32>} : memref<128x32xf32, #tpu.memory_space<vmem>>, vector<1x16xf32>,
        %get3A_656 = vector.shape_cast %get3A_655 : vector<1x16xf32> to vector<16xf32>
        %get3A_657 = arith.index_cast %scan3A_647 : i32 to index
        %get3A_658 = arith.constant 0 : index
        %get3A_659 = tpu.vector_load %arg24[%get3A_657, %get3A_658] {strides = array<i32>} : memref<128x32xf32, #tpu.memory_space<vmem>>, vector<1x16xf32>,
        %get3A_660 = vector.shape_cast %get3A_659 : vector<1x16xf32> to vector<16xf32>
        %add3A_661 = arith.addf %get3A_656, %get3A_660 : vector<16xf32>
        %mul3A_662 = arith.mulf %get3A_652, %add3A_661 : vector<16xf32>
        %add3A_663 = arith.constant 512 : i32
        %add3A_664 = arith.addi %add3A_663, %scan3A_647 : i32
        %get3A_665 = arith.index_cast %add3A_664 : i32 to index
        %get3A_666 = arith.constant 0 : index
        %get3A_667 = tpu.vector_load %arg20[%get3A_665, %get3A_666] {strides = array<i32>} : memref<632x32xf32, #tpu.memory_space<vmem>>, vector<1x16xf32>,
        %get3A_668 = vector.shape_cast %get3A_667 : vector<1x16xf32> to vector<16xf32>
        %add3A_669 = arith.addf %mul3A_662, %get3A_668 : vector<16xf32>
        %swap3A = arith.index_cast %scan3A_647 : i32 to index
        %swap3A_670 = arith.constant 0 : index
        %swap3A_671 = tpu.vector_load %arg23[%swap3A, %swap3A_670] {strides = array<i32>} : memref<128x32xf32, #tpu.memory_space<vmem>>, vector<1x16xf32>,
        %swap3A_672 = vector.shape_cast %swap3A_671 : vector<1x16xf32> to vector<16xf32>
        %swap3A_673 = vector.shape_cast %add3A_669 : vector<16xf32> to vector<1x16xf32>
        tpu.vector_store %arg23[%swap3A, %swap3A_670], %swap3A_673 {strides = array<i32>} : memref<128x32xf32, #tpu.memory_space<vmem>>, vector<1x16xf32>,
        %get3A_674 = arith.index_cast %scan3A_647 : i32 to index
        %get3A_675 = arith.constant 16 : index
        %get3A_676 = tpu.vector_load %arg23[%get3A_674, %get3A_675] {strides = array<i32>} : memref<128x32xf32, #tpu.memory_space<vmem>>, vector<1x16xf32>,
        %get3A_677 = vector.shape_cast %get3A_676 : vector<1x16xf32> to vector<16xf32>
        %get3A_678 = arith.index_cast %scan3A_647 : i32 to index
        %get3A_679 = arith.constant 16 : index
        %get3A_680 = tpu.vector_load %arg24[%get3A_678, %get3A_679] {strides = array<i32>} : memref<128x32xf32, #tpu.memory_space<vmem>>, vector<1x16xf32>,
        %get3A_681 = vector.shape_cast %get3A_680 : vector<1x16xf32> to vector<16xf32>
        %add3A_682 = arith.addf %get3A_677, %get3A_681 : vector<16xf32>
        %mul3A_683 = arith.mulf %get3A_652, %add3A_682 : vector<16xf32>
        %add3A_684 = arith.constant 512 : i32
        %add3A_685 = arith.addi %add3A_684, %scan3A_647 : i32
        %get3A_686 = arith.index_cast %add3A_685 : i32 to index
        %get3A_687 = arith.constant 16 : index
        %get3A_688 = tpu.vector_load %arg20[%get3A_686, %get3A_687] {strides = array<i32>} : memref<632x32xf32, #tpu.memory_space<vmem>>, vector<1x16xf32>,
        %get3A_689 = vector.shape_cast %get3A_688 : vector<1x16xf32> to vector<16xf32>
        %add3A_690 = arith.addf %mul3A_683, %get3A_689 : vector<16xf32>
        %swap3A_691 = arith.index_cast %scan3A_647 : i32 to index
        %swap3A_692 = arith.constant 16 : index
        %swap3A_693 = tpu.vector_load %arg23[%swap3A_691, %swap3A_692] {strides = array<i32>} : memref<128x32xf32, #tpu.memory_space<vmem>>, vector<1x16xf32>,
        %swap3A_694 = vector.shape_cast %swap3A_693 : vector<1x16xf32> to vector<16xf32>
        %swap3A_695 = vector.shape_cast %add3A_690 : vector<16xf32> to vector<1x16xf32>
        tpu.vector_store %arg23[%swap3A_691, %swap3A_692], %swap3A_695 {strides = array<i32>} : memref<128x32xf32, #tpu.memory_space<vmem>>, vector<1x16xf32>,
      }
      %scan3A_561 = arith.constant 120 : i32
      %add3A_562 = arith.constant 512 : i32
      %add3A_563 = arith.addi %mul3A_0, %add3A_562 : i32
      %dma_start3A_564 = arith.constant 0 : i32
      %dma_start3A_565 = arith.constant 0 : i32
      %dma_start3A_566 = tpu.memref_slice %arg23[%dma_start3A_564, %dma_start3A_565] : memref<128x32xf32, #tpu.memory_space<vmem>> -> memref<120x32xf32, #tpu.memory_space<vmem>>
      %dma_start3A_567 = arith.constant 0 : i32
      %dma_start3A_568 = tpu.memref_slice %arg7[%add3A_563, %dma_start3A_567] : memref<10112x32xf32, #tpu.memory_space<vmem_shared>> -> memref<120x32xf32, #tpu.memory_space<vmem_shared>>
      %dma_start3A_569 = arith.constant 0 : i32
      %dma_start3A_570 = tpu.memref_slice %arg7[%add3A_563, %dma_start3A_569] : memref<10112x32xf32, #tpu.memory_space<vmem_shared>> -> memref<120x32xf32, #tpu.memory_space<vmem_shared>>
      %dma_start3A_571 = arith.constant 0 : i32
      %dma_start3A_572 = arith.constant 0 : i32
      %dma_start3A_573 = tpu.memref_slice %arg23[%dma_start3A_571, %dma_start3A_572] : memref<128x32xf32, #tpu.memory_space<vmem>> -> memref<120x32xf32, #tpu.memory_space<vmem>>
      tpu.enqueue_dma source(%dma_start3A_573 : memref<120x32xf32, #tpu.memory_space<vmem>>) target(%dma_start3A_570 : memref<120x32xf32, #tpu.memory_space<vmem_shared>>) target_semaphore(%arg33 : memref<!tpu.dma_semaphore, #tpu.memory_space<semaphore_mem>>)
      %add3A_574 = arith.constant 512 : i32
      %add3A_575 = arith.addi %mul3A_0, %add3A_574 : i32
      %dma_start3A_576 = arith.constant 0 : i32
      %dma_start3A_577 = arith.constant 0 : i32
      %dma_start3A_578 = tpu.memref_slice %arg19[%dma_start3A_576, %dma_start3A_577] : memref<128x32xf32, #tpu.memory_space<vmem>> -> memref<120x32xf32, #tpu.memory_space<vmem>>
      %dma_start3A_579 = arith.constant 0 : i32
      %dma_start3A_580 = tpu.memref_slice %arg8[%add3A_575, %dma_start3A_579] : memref<10112x32xf32, #tpu.memory_space<vmem_shared>> -> memref<120x32xf32, #tpu.memory_space<vmem_shared>>
      %dma_start3A_581 = arith.constant 0 : i32
      %dma_start3A_582 = tpu.memref_slice %arg8[%add3A_575, %dma_start3A_581] : memref<10112x32xf32, #tpu.memory_space<vmem_shared>> -> memref<120x32xf32, #tpu.memory_space<vmem_shared>>
      %dma_start3A_583 = arith.constant 0 : i32
      %dma_start3A_584 = arith.constant 0 : i32
      %dma_start3A_585 = tpu.memref_slice %arg19[%dma_start3A_583, %dma_start3A_584] : memref<128x32xf32, #tpu.memory_space<vmem>> -> memref<120x32xf32, #tpu.memory_space<vmem>>
      tpu.enqueue_dma source(%dma_start3A_585 : memref<120x32xf32, #tpu.memory_space<vmem>>) target(%dma_start3A_582 : memref<120x32xf32, #tpu.memory_space<vmem_shared>>) target_semaphore(%arg34 : memref<!tpu.dma_semaphore, #tpu.memory_space<semaphore_mem>>)
      %dma_wait3A_586 = arith.constant 0 : i32
      %dma_wait3A_587 = arith.constant 0 : i32
      %dma_wait3A_588 = tpu.memref_slice %arg23[%dma_wait3A_586, %dma_wait3A_587] : memref<128x32xf32, #tpu.memory_space<vmem>> -> memref<120x32xf32, #tpu.memory_space<vmem>>
      %dma_wait3A_589 = arith.constant 0 : i32
      %dma_wait3A_590 = tpu.memref_slice %arg7[%add3A_563, %dma_wait3A_589] : memref<10112x32xf32, #tpu.memory_space<vmem_shared>> -> memref<120x32xf32, #tpu.memory_space<vmem_shared>>
      %dma_wait3A_591 = arith.constant 0 : i32
      %dma_wait3A_592 = tpu.memref_slice %arg7[%add3A_563, %dma_wait3A_591] : memref<10112x32xf32, #tpu.memory_space<vmem_shared>> -> memref<120x32xf32, #tpu.memory_space<vmem_shared>>
      %dma_wait3A_593 = arith.constant 0 : i32
      %dma_wait3A_594 = arith.constant 0 : i32
      %dma_wait3A_595 = tpu.memref_slice %arg23[%dma_wait3A_593, %dma_wait3A_594] : memref<128x32xf32, #tpu.memory_space<vmem>> -> memref<120x32xf32, #tpu.memory_space<vmem>>
      tpu.wait_dma2 semaphore(%arg33 : memref<!tpu.dma_semaphore, #tpu.memory_space<semaphore_mem>>) src(%dma_wait3A_595 : memref<120x32xf32, #tpu.memory_space<vmem>>) dst(%dma_wait3A_592 : memref<120x32xf32, #tpu.memory_space<vmem_shared>>)
      %dma_wait3A_596 = arith.constant 0 : i32
      %dma_wait3A_597 = arith.constant 0 : i32
      %dma_wait3A_598 = tpu.memref_slice %arg19[%dma_wait3A_596, %dma_wait3A_597] : memref<128x32xf32, #tpu.memory_space<vmem>> -> memref<128x32xf32, #tpu.memory_space<vmem>>
      %dma_wait3A_599 = arith.constant 0 : i32
      %dma_wait3A_600 = tpu.memref_slice %arg8[%add3A_267, %dma_wait3A_599] : memref<10112x32xf32, #tpu.memory_space<vmem_shared>> -> memref<128x32xf32, #tpu.memory_space<vmem_shared>>
      %dma_wait3A_601 = arith.constant 0 : i32
      %dma_wait3A_602 = tpu.memref_slice %arg8[%add3A_267, %dma_wait3A_601] : memref<10112x32xf32, #tpu.memory_space<vmem_shared>> -> memref<128x32xf32, #tpu.memory_space<vmem_shared>>
      %dma_wait3A_603 = arith.constant 0 : i32
      %dma_wait3A_604 = arith.constant 0 : i32
      %dma_wait3A_605 = tpu.memref_slice %arg19[%dma_wait3A_603, %dma_wait3A_604] : memref<128x32xf32, #tpu.memory_space<vmem>> -> memref<128x32xf32, #tpu.memory_space<vmem>>
      tpu.wait_dma2 semaphore(%arg34 : memref<!tpu.dma_semaphore, #tpu.memory_space<semaphore_mem>>) src(%dma_wait3A_605 : memref<128x32xf32, #tpu.memory_space<vmem>>) dst(%dma_wait3A_602 : memref<128x32xf32, #tpu.memory_space<vmem_shared>>)
      %dma_wait3A_606 = arith.constant 0 : i32
      %dma_wait3A_607 = arith.constant 0 : i32
      %dma_wait3A_608 = tpu.memref_slice %arg19[%dma_wait3A_606, %dma_wait3A_607] : memref<128x32xf32, #tpu.memory_space<vmem>> -> memref<128x32xf32, #tpu.memory_space<vmem>>
      %dma_wait3A_609 = arith.constant 0 : i32
      %dma_wait3A_610 = tpu.memref_slice %arg8[%add3A_350, %dma_wait3A_609] : memref<10112x32xf32, #tpu.memory_space<vmem_shared>> -> memref<128x32xf32, #tpu.memory_space<vmem_shared>>
      %dma_wait3A_611 = arith.constant 0 : i32
      %dma_wait3A_612 = tpu.memref_slice %arg8[%add3A_350, %dma_wait3A_611] : memref<10112x32xf32, #tpu.memory_space<vmem_shared>> -> memref<128x32xf32, #tpu.memory_space<vmem_shared>>
      %dma_wait3A_613 = arith.constant 0 : i32
      %dma_wait3A_614 = arith.constant 0 : i32
      %dma_wait3A_615 = tpu.memref_slice %arg19[%dma_wait3A_613, %dma_wait3A_614] : memref<128x32xf32, #tpu.memory_space<vmem>> -> memref<128x32xf32, #tpu.memory_space<vmem>>
      tpu.wait_dma2 semaphore(%arg34 : memref<!tpu.dma_semaphore, #tpu.memory_space<semaphore_mem>>) src(%dma_wait3A_615 : memref<128x32xf32, #tpu.memory_space<vmem>>) dst(%dma_wait3A_612 : memref<128x32xf32, #tpu.memory_space<vmem_shared>>)
      %dma_wait3A_616 = arith.constant 0 : i32
      %dma_wait3A_617 = arith.constant 0 : i32
      %dma_wait3A_618 = tpu.memref_slice %arg19[%dma_wait3A_616, %dma_wait3A_617] : memref<128x32xf32, #tpu.memory_space<vmem>> -> memref<128x32xf32, #tpu.memory_space<vmem>>
      %dma_wait3A_619 = arith.constant 0 : i32
      %dma_wait3A_620 = tpu.memref_slice %arg8[%add3A_433, %dma_wait3A_619] : memref<10112x32xf32, #tpu.memory_space<vmem_shared>> -> memref<128x32xf32, #tpu.memory_space<vmem_shared>>
      %dma_wait3A_621 = arith.constant 0 : i32
      %dma_wait3A_622 = tpu.memref_slice %arg8[%add3A_433, %dma_wait3A_621] : memref<10112x32xf32, #tpu.memory_space<vmem_shared>> -> memref<128x32xf32, #tpu.memory_space<vmem_shared>>
      %dma_wait3A_623 = arith.constant 0 : i32
      %dma_wait3A_624 = arith.constant 0 : i32
      %dma_wait3A_625 = tpu.memref_slice %arg19[%dma_wait3A_623, %dma_wait3A_624] : memref<128x32xf32, #tpu.memory_space<vmem>> -> memref<128x32xf32, #tpu.memory_space<vmem>>
      tpu.wait_dma2 semaphore(%arg34 : memref<!tpu.dma_semaphore, #tpu.memory_space<semaphore_mem>>) src(%dma_wait3A_625 : memref<128x32xf32, #tpu.memory_space<vmem>>) dst(%dma_wait3A_622 : memref<128x32xf32, #tpu.memory_space<vmem_shared>>)
      %dma_wait3A_626 = arith.constant 0 : i32
      %dma_wait3A_627 = arith.constant 0 : i32
      %dma_wait3A_628 = tpu.memref_slice %arg19[%dma_wait3A_626, %dma_wait3A_627] : memref<128x32xf32, #tpu.memory_space<vmem>> -> memref<128x32xf32, #tpu.memory_space<vmem>>
      %dma_wait3A_629 = arith.constant 0 : i32
      %dma_wait3A_630 = tpu.memref_slice %arg8[%add3A_516, %dma_wait3A_629] : memref<10112x32xf32, #tpu.memory_space<vmem_shared>> -> memref<128x32xf32, #tpu.memory_space<vmem_shared>>
      %dma_wait3A_631 = arith.constant 0 : i32
      %dma_wait3A_632 = tpu.memref_slice %arg8[%add3A_516, %dma_wait3A_631] : memref<10112x32xf32, #tpu.memory_space<vmem_shared>> -> memref<128x32xf32, #tpu.memory_space<vmem_shared>>
      %dma_wait3A_633 = arith.constant 0 : i32
      %dma_wait3A_634 = arith.constant 0 : i32
      %dma_wait3A_635 = tpu.memref_slice %arg19[%dma_wait3A_633, %dma_wait3A_634] : memref<128x32xf32, #tpu.memory_space<vmem>> -> memref<128x32xf32, #tpu.memory_space<vmem>>
      tpu.wait_dma2 semaphore(%arg34 : memref<!tpu.dma_semaphore, #tpu.memory_space<semaphore_mem>>) src(%dma_wait3A_635 : memref<128x32xf32, #tpu.memory_space<vmem>>) dst(%dma_wait3A_632 : memref<128x32xf32, #tpu.memory_space<vmem_shared>>)
      %dma_wait3A_636 = arith.constant 0 : i32
      %dma_wait3A_637 = arith.constant 0 : i32
      %dma_wait3A_638 = tpu.memref_slice %arg19[%dma_wait3A_636, %dma_wait3A_637] : memref<128x32xf32, #tpu.memory_space<vmem>> -> memref<120x32xf32, #tpu.memory_space<vmem>>
      %dma_wait3A_639 = arith.constant 0 : i32
      %dma_wait3A_640 = tpu.memref_slice %arg8[%add3A_575, %dma_wait3A_639] : memref<10112x32xf32, #tpu.memory_space<vmem_shared>> -> memref<120x32xf32, #tpu.memory_space<vmem_shared>>
      %dma_wait3A_641 = arith.constant 0 : i32
      %dma_wait3A_642 = tpu.memref_slice %arg8[%add3A_575, %dma_wait3A_641] : memref<10112x32xf32, #tpu.memory_space<vmem_shared>> -> memref<120x32xf32, #tpu.memory_space<vmem_shared>>
      %dma_wait3A_643 = arith.constant 0 : i32
      %dma_wait3A_644 = arith.constant 0 : i32
      %dma_wait3A_645 = tpu.memref_slice %arg19[%dma_wait3A_643, %dma_wait3A_644] : memref<128x32xf32, #tpu.memory_space<vmem>> -> memref<120x32xf32, #tpu.memory_space<vmem>>
      tpu.wait_dma2 semaphore(%arg34 : memref<!tpu.dma_semaphore, #tpu.memory_space<semaphore_mem>>) src(%dma_wait3A_645 : memref<120x32xf32, #tpu.memory_space<vmem>>) dst(%dma_wait3A_642 : memref<120x32xf32, #tpu.memory_space<vmem_shared>>)
      %barrier3A_646 = arith.constant 0 : index
      tpu.barrier barrier_id(%barrier3A_646)
    }
    %scan3A_74 = arith.constant 10 : i32
    %add3A_75 = arith.constant 0 : i32
    %add3A_76 = arith.addi %mul3A_0, %add3A_75 : i32
    "tpu.region"() ({
      %run_scoped3A = tpu.sem_alloc : memref<!tpu.dma_semaphore, #tpu.memory_space<semaphore_mem>>
      %dma_start3A = arith.constant 0 : i32
      %dma_start3A_120 = arith.constant 0 : i32
      %dma_start3A_121 = tpu.memref_slice %arg23[%dma_start3A, %dma_start3A_120] : memref<128x32xf32, #tpu.memory_space<vmem>> -> memref<128x32xf32, #tpu.memory_space<vmem>>
      %dma_start3A_122 = arith.constant 0 : i32
      %dma_start3A_123 = tpu.memref_slice %arg7[%add3A_76, %dma_start3A_122] : memref<10112x32xf32, #tpu.memory_space<vmem_shared>> -> memref<128x32xf32, #tpu.memory_space<vmem_shared>>
      %dma_start3A_124 = arith.constant 0 : i32
      %dma_start3A_125 = arith.constant 0 : i32
      %dma_start3A_126 = tpu.memref_slice %arg23[%dma_start3A_124, %dma_start3A_125] : memref<128x32xf32, #tpu.memory_space<vmem>> -> memref<128x32xf32, #tpu.memory_space<vmem>>
      %dma_start3A_127 = arith.constant 0 : i32
      %dma_start3A_128 = tpu.memref_slice %arg7[%add3A_76, %dma_start3A_127] : memref<10112x32xf32, #tpu.memory_space<vmem_shared>> -> memref<128x32xf32, #tpu.memory_space<vmem_shared>>
      tpu.enqueue_dma source(%dma_start3A_128 : memref<128x32xf32, #tpu.memory_space<vmem_shared>>) target(%dma_start3A_126 : memref<128x32xf32, #tpu.memory_space<vmem>>) target_semaphore(%run_scoped3A : memref<!tpu.dma_semaphore, #tpu.memory_space<semaphore_mem>>)
      %dma_wait3A = arith.constant 0 : i32
      %dma_wait3A_129 = arith.constant 0 : i32
      %dma_wait3A_130 = tpu.memref_slice %arg23[%dma_wait3A, %dma_wait3A_129] : memref<128x32xf32, #tpu.memory_space<vmem>> -> memref<128x32xf32, #tpu.memory_space<vmem>>
      %dma_wait3A_131 = arith.constant 0 : i32
      %dma_wait3A_132 = tpu.memref_slice %arg7[%add3A_76, %dma_wait3A_131] : memref<10112x32xf32, #tpu.memory_space<vmem_shared>> -> memref<128x32xf32, #tpu.memory_space<vmem_shared>>
      %dma_wait3A_133 = arith.constant 0 : i32
      %dma_wait3A_134 = arith.constant 0 : i32
      %dma_wait3A_135 = tpu.memref_slice %arg23[%dma_wait3A_133, %dma_wait3A_134] : memref<128x32xf32, #tpu.memory_space<vmem>> -> memref<128x32xf32, #tpu.memory_space<vmem>>
      %dma_wait3A_136 = arith.constant 0 : i32
      %dma_wait3A_137 = tpu.memref_slice %arg7[%add3A_76, %dma_wait3A_136] : memref<10112x32xf32, #tpu.memory_space<vmem_shared>> -> memref<128x32xf32, #tpu.memory_space<vmem_shared>>
      tpu.wait_dma2 semaphore(%run_scoped3A : memref<!tpu.dma_semaphore, #tpu.memory_space<semaphore_mem>>) src(%dma_wait3A_137 : memref<128x32xf32, #tpu.memory_space<vmem_shared>>) dst(%dma_wait3A_135 : memref<128x32xf32, #tpu.memory_space<vmem>>)
      tpu.yield
    }) : () -> ()
    %scan3A_77 = arith.constant 0 : i32
    %scan3A_78 = arith.constant 128 : i32
    %scan3A_79 = arith.addi %scan3A_77, %scan3A_78 : i32
    %scan3A_80 = arith.constant 1 : i32
    scf.for %scan3A_120 = %scan3A_77 to %scan3A_79 step %scan3A_80  : i32 {
      %add3A_121 = arith.constant 0 : i32
      %add3A_122 = arith.addi %add3A_121, %scan3A_120 : i32
      %get3A = arith.index_cast %add3A_122 : i32 to index
      %get3A_123 = arith.constant 0 : index
      %get3A_124 = tpu.vector_load %arg22[%get3A, %get3A_123] {strides = array<i32>} : memref<632x16xf32, #tpu.memory_space<vmem>>, vector<1x16xf32>,
      %get3A_125 = vector.shape_cast %get3A_124 : vector<1x16xf32> to vector<16xf32>
      %get3A_126 = arith.index_cast %scan3A_120 : i32 to index
      %get3A_127 = arith.constant 0 : index
      %get3A_128 = tpu.vector_load %arg23[%get3A_126, %get3A_127] {strides = array<i32>} : memref<128x32xf32, #tpu.memory_space<vmem>>, vector<1x16xf32>,
      %get3A_129 = vector.shape_cast %get3A_128 : vector<1x16xf32> to vector<16xf32>
      %div3A = arith.divf %get3A_129, %get3A_125 : vector<16xf32>
      %swap3A = arith.index_cast %scan3A_120 : i32 to index
      %swap3A_130 = arith.constant 0 : index
      %swap3A_131 = tpu.vector_load %arg23[%swap3A, %swap3A_130] {strides = array<i32>} : memref<128x32xf32, #tpu.memory_space<vmem>>, vector<1x16xf32>,
      %swap3A_132 = vector.shape_cast %swap3A_131 : vector<1x16xf32> to vector<16xf32>
      %swap3A_133 = vector.shape_cast %div3A : vector<16xf32> to vector<1x16xf32>
      tpu.vector_store %arg23[%swap3A, %swap3A_130], %swap3A_133 {strides = array<i32>} : memref<128x32xf32, #tpu.memory_space<vmem>>, vector<1x16xf32>,
      %get3A_134 = arith.index_cast %scan3A_120 : i32 to index
      %get3A_135 = arith.constant 16 : index
      %get3A_136 = tpu.vector_load %arg23[%get3A_134, %get3A_135] {strides = array<i32>} : memref<128x32xf32, #tpu.memory_space<vmem>>, vector<1x16xf32>,
      %get3A_137 = vector.shape_cast %get3A_136 : vector<1x16xf32> to vector<16xf32>
      %div3A_138 = arith.divf %get3A_137, %get3A_125 : vector<16xf32>
      %swap3A_139 = arith.index_cast %scan3A_120 : i32 to index
      %swap3A_140 = arith.constant 16 : index
      %swap3A_141 = tpu.vector_load %arg23[%swap3A_139, %swap3A_140] {strides = array<i32>} : memref<128x32xf32, #tpu.memory_space<vmem>>, vector<1x16xf32>,
      %swap3A_142 = vector.shape_cast %swap3A_141 : vector<1x16xf32> to vector<16xf32>
      %swap3A_143 = vector.shape_cast %div3A_138 : vector<16xf32> to vector<1x16xf32>
      tpu.vector_store %arg23[%swap3A_139, %swap3A_140], %swap3A_143 {strides = array<i32>} : memref<128x32xf32, #tpu.memory_space<vmem>>, vector<1x16xf32>,
    }
    %scan3A_81 = arith.constant 128 : i32
    %add3A_82 = arith.constant 0 : i32
    %add3A_83 = arith.addi %add3A, %add3A_82 : i32
    "tpu.region"() ({
      %run_scoped3A = tpu.sem_alloc : memref<!tpu.dma_semaphore, #tpu.memory_space<semaphore_mem>>
      %dma_start3A = arith.constant 0 : i32
      %dma_start3A_120 = arith.constant 0 : i32
      %dma_start3A_121 = tpu.memref_slice %arg23[%dma_start3A, %dma_start3A_120] : memref<128x32xf32, #tpu.memory_space<vmem>> -> memref<128x32xf32, #tpu.memory_space<vmem>>
      %dma_start3A_122 = arith.constant 0 : i32
      %dma_start3A_123 = tpu.memref_slice %arg6[%add3A_83, %dma_start3A_122] : memref<20224x32xf32, #tpu.memory_space<hbm>> -> memref<128x32xf32, #tpu.memory_space<hbm>>
      %dma_start3A_124 = arith.constant 0 : i32
      %dma_start3A_125 = tpu.memref_slice %arg6[%add3A_83, %dma_start3A_124] : memref<20224x32xf32, #tpu.memory_space<hbm>> -> memref<128x32xf32, #tpu.memory_space<hbm>>
      %dma_start3A_126 = arith.constant 0 : i32
      %dma_start3A_127 = arith.constant 0 : i32
      %dma_start3A_128 = tpu.memref_slice %arg23[%dma_start3A_126, %dma_start3A_127] : memref<128x32xf32, #tpu.memory_space<vmem>> -> memref<128x32xf32, #tpu.memory_space<vmem>>
      tpu.enqueue_dma source(%dma_start3A_128 : memref<128x32xf32, #tpu.memory_space<vmem>>) target(%dma_start3A_125 : memref<128x32xf32, #tpu.memory_space<hbm>>) target_semaphore(%run_scoped3A : memref<!tpu.dma_semaphore, #tpu.memory_space<semaphore_mem>>)
      %dma_wait3A = arith.constant 0 : i32
      %dma_wait3A_129 = arith.constant 0 : i32
      %dma_wait3A_130 = tpu.memref_slice %arg23[%dma_wait3A, %dma_wait3A_129] : memref<128x32xf32, #tpu.memory_space<vmem>> -> memref<128x32xf32, #tpu.memory_space<vmem>>
      %dma_wait3A_131 = arith.constant 0 : i32
      %dma_wait3A_132 = tpu.memref_slice %arg6[%add3A_83, %dma_wait3A_131] : memref<20224x32xf32, #tpu.memory_space<hbm>> -> memref<128x32xf32, #tpu.memory_space<hbm>>
      %dma_wait3A_133 = arith.constant 0 : i32
      %dma_wait3A_134 = tpu.memref_slice %arg6[%add3A_83, %dma_wait3A_133] : memref<20224x32xf32, #tpu.memory_space<hbm>> -> memref<128x32xf32, #tpu.memory_space<hbm>>
      %dma_wait3A_135 = arith.constant 0 : i32
      %dma_wait3A_136 = arith.constant 0 : i32
      %dma_wait3A_137 = tpu.memref_slice %arg23[%dma_wait3A_135, %dma_wait3A_136] : memref<128x32xf32, #tpu.memory_space<vmem>> -> memref<128x32xf32, #tpu.memory_space<vmem>>
      tpu.wait_dma2 semaphore(%run_scoped3A : memref<!tpu.dma_semaphore, #tpu.memory_space<semaphore_mem>>) src(%dma_wait3A_137 : memref<128x32xf32, #tpu.memory_space<vmem>>) dst(%dma_wait3A_134 : memref<128x32xf32, #tpu.memory_space<hbm>>)
      tpu.yield
    }) : () -> ()
    %add3A_84 = arith.constant 128 : i32
    %add3A_85 = arith.addi %mul3A_0, %add3A_84 : i32
    "tpu.region"() ({
      %run_scoped3A = tpu.sem_alloc : memref<!tpu.dma_semaphore, #tpu.memory_space<semaphore_mem>>
      %dma_start3A = arith.constant 0 : i32
      %dma_start3A_120 = arith.constant 0 : i32
      %dma_start3A_121 = tpu.memref_slice %arg23[%dma_start3A, %dma_start3A_120] : memref<128x32xf32, #tpu.memory_space<vmem>> -> memref<128x32xf32, #tpu.memory_space<vmem>>
      %dma_start3A_122 = arith.constant 0 : i32
      %dma_start3A_123 = tpu.memref_slice %arg7[%add3A_85, %dma_start3A_122] : memref<10112x32xf32, #tpu.memory_space<vmem_shared>> -> memref<128x32xf32, #tpu.memory_space<vmem_shared>>
      %dma_start3A_124 = arith.constant 0 : i32
      %dma_start3A_125 = arith.constant 0 : i32
      %dma_start3A_126 = tpu.memref_slice %arg23[%dma_start3A_124, %dma_start3A_125] : memref<128x32xf32, #tpu.memory_space<vmem>> -> memref<128x32xf32, #tpu.memory_space<vmem>>
      %dma_start3A_127 = arith.constant 0 : i32
      %dma_start3A_128 = tpu.memref_slice %arg7[%add3A_85, %dma_start3A_127] : memref<10112x32xf32, #tpu.memory_space<vmem_shared>> -> memref<128x32xf32, #tpu.memory_space<vmem_shared>>
      tpu.enqueue_dma source(%dma_start3A_128 : memref<128x32xf32, #tpu.memory_space<vmem_shared>>) target(%dma_start3A_126 : memref<128x32xf32, #tpu.memory_space<vmem>>) target_semaphore(%run_scoped3A : memref<!tpu.dma_semaphore, #tpu.memory_space<semaphore_mem>>)
      %dma_wait3A = arith.constant 0 : i32
      %dma_wait3A_129 = arith.constant 0 : i32
      %dma_wait3A_130 = tpu.memref_slice %arg23[%dma_wait3A, %dma_wait3A_129] : memref<128x32xf32, #tpu.memory_space<vmem>> -> memref<128x32xf32, #tpu.memory_space<vmem>>
      %dma_wait3A_131 = arith.constant 0 : i32
      %dma_wait3A_132 = tpu.memref_slice %arg7[%add3A_85, %dma_wait3A_131] : memref<10112x32xf32, #tpu.memory_space<vmem_shared>> -> memref<128x32xf32, #tpu.memory_space<vmem_shared>>
      %dma_wait3A_133 = arith.constant 0 : i32
      %dma_wait3A_134 = arith.constant 0 : i32
      %dma_wait3A_135 = tpu.memref_slice %arg23[%dma_wait3A_133, %dma_wait3A_134] : memref<128x32xf32, #tpu.memory_space<vmem>> -> memref<128x32xf32, #tpu.memory_space<vmem>>
      %dma_wait3A_136 = arith.constant 0 : i32
      %dma_wait3A_137 = tpu.memref_slice %arg7[%add3A_85, %dma_wait3A_136] : memref<10112x32xf32, #tpu.memory_space<vmem_shared>> -> memref<128x32xf32, #tpu.memory_space<vmem_shared>>
      tpu.wait_dma2 semaphore(%run_scoped3A : memref<!tpu.dma_semaphore, #tpu.memory_space<semaphore_mem>>) src(%dma_wait3A_137 : memref<128x32xf32, #tpu.memory_space<vmem_shared>>) dst(%dma_wait3A_135 : memref<128x32xf32, #tpu.memory_space<vmem>>)
      tpu.yield
    }) : () -> ()
    %scan3A_86 = arith.constant 0 : i32
    %scan3A_87 = arith.constant 128 : i32
    %scan3A_88 = arith.addi %scan3A_86, %scan3A_87 : i32
    %scan3A_89 = arith.constant 1 : i32
    scf.for %scan3A_120 = %scan3A_86 to %scan3A_88 step %scan3A_89  : i32 {
      %add3A_121 = arith.constant 128 : i32
      %add3A_122 = arith.addi %add3A_121, %scan3A_120 : i32
      %get3A = arith.index_cast %add3A_122 : i32 to index
      %get3A_123 = arith.constant 0 : index
      %get3A_124 = tpu.vector_load %arg22[%get3A, %get3A_123] {strides = array<i32>} : memref<632x16xf32, #tpu.memory_space<vmem>>, vector<1x16xf32>,
      %get3A_125 = vector.shape_cast %get3A_124 : vector<1x16xf32> to vector<16xf32>
      %get3A_126 = arith.index_cast %scan3A_120 : i32 to index
      %get3A_127 = arith.constant 0 : index
      %get3A_128 = tpu.vector_load %arg23[%get3A_126, %get3A_127] {strides = array<i32>} : memref<128x32xf32, #tpu.memory_space<vmem>>, vector<1x16xf32>,
      %get3A_129 = vector.shape_cast %get3A_128 : vector<1x16xf32> to vector<16xf32>
      %div3A = arith.divf %get3A_129, %get3A_125 : vector<16xf32>
      %swap3A = arith.index_cast %scan3A_120 : i32 to index
      %swap3A_130 = arith.constant 0 : index
      %swap3A_131 = tpu.vector_load %arg23[%swap3A, %swap3A_130] {strides = array<i32>} : memref<128x32xf32, #tpu.memory_space<vmem>>, vector<1x16xf32>,
      %swap3A_132 = vector.shape_cast %swap3A_131 : vector<1x16xf32> to vector<16xf32>
      %swap3A_133 = vector.shape_cast %div3A : vector<16xf32> to vector<1x16xf32>
      tpu.vector_store %arg23[%swap3A, %swap3A_130], %swap3A_133 {strides = array<i32>} : memref<128x32xf32, #tpu.memory_space<vmem>>, vector<1x16xf32>,
      %get3A_134 = arith.index_cast %scan3A_120 : i32 to index
      %get3A_135 = arith.constant 16 : index
      %get3A_136 = tpu.vector_load %arg23[%get3A_134, %get3A_135] {strides = array<i32>} : memref<128x32xf32, #tpu.memory_space<vmem>>, vector<1x16xf32>,
      %get3A_137 = vector.shape_cast %get3A_136 : vector<1x16xf32> to vector<16xf32>
      %div3A_138 = arith.divf %get3A_137, %get3A_125 : vector<16xf32>
      %swap3A_139 = arith.index_cast %scan3A_120 : i32 to index
      %swap3A_140 = arith.constant 16 : index
      %swap3A_141 = tpu.vector_load %arg23[%swap3A_139, %swap3A_140] {strides = array<i32>} : memref<128x32xf32, #tpu.memory_space<vmem>>, vector<1x16xf32>,
      %swap3A_142 = vector.shape_cast %swap3A_141 : vector<1x16xf32> to vector<16xf32>
      %swap3A_143 = vector.shape_cast %div3A_138 : vector<16xf32> to vector<1x16xf32>
      tpu.vector_store %arg23[%swap3A_139, %swap3A_140], %swap3A_143 {strides = array<i32>} : memref<128x32xf32, #tpu.memory_space<vmem>>, vector<1x16xf32>,
    }
    %scan3A_90 = arith.constant 128 : i32
    %add3A_91 = arith.constant 128 : i32
    %add3A_92 = arith.addi %add3A, %add3A_91 : i32
    "tpu.region"() ({
      %run_scoped3A = tpu.sem_alloc : memref<!tpu.dma_semaphore, #tpu.memory_space<semaphore_mem>>
      %dma_start3A = arith.constant 0 : i32
      %dma_start3A_120 = arith.constant 0 : i32
      %dma_start3A_121 = tpu.memref_slice %arg23[%dma_start3A, %dma_start3A_120] : memref<128x32xf32, #tpu.memory_space<vmem>> -> memref<128x32xf32, #tpu.memory_space<vmem>>
      %dma_start3A_122 = arith.constant 0 : i32
      %dma_start3A_123 = tpu.memref_slice %arg6[%add3A_92, %dma_start3A_122] : memref<20224x32xf32, #tpu.memory_space<hbm>> -> memref<128x32xf32, #tpu.memory_space<hbm>>
      %dma_start3A_124 = arith.constant 0 : i32
      %dma_start3A_125 = tpu.memref_slice %arg6[%add3A_92, %dma_start3A_124] : memref<20224x32xf32, #tpu.memory_space<hbm>> -> memref<128x32xf32, #tpu.memory_space<hbm>>
      %dma_start3A_126 = arith.constant 0 : i32
      %dma_start3A_127 = arith.constant 0 : i32
      %dma_start3A_128 = tpu.memref_slice %arg23[%dma_start3A_126, %dma_start3A_127] : memref<128x32xf32, #tpu.memory_space<vmem>> -> memref<128x32xf32, #tpu.memory_space<vmem>>
      tpu.enqueue_dma source(%dma_start3A_128 : memref<128x32xf32, #tpu.memory_space<vmem>>) target(%dma_start3A_125 : memref<128x32xf32, #tpu.memory_space<hbm>>) target_semaphore(%run_scoped3A : memref<!tpu.dma_semaphore, #tpu.memory_space<semaphore_mem>>)
      %dma_wait3A = arith.constant 0 : i32
      %dma_wait3A_129 = arith.constant 0 : i32
      %dma_wait3A_130 = tpu.memref_slice %arg23[%dma_wait3A, %dma_wait3A_129] : memref<128x32xf32, #tpu.memory_space<vmem>> -> memref<128x32xf32, #tpu.memory_space<vmem>>
      %dma_wait3A_131 = arith.constant 0 : i32
      %dma_wait3A_132 = tpu.memref_slice %arg6[%add3A_92, %dma_wait3A_131] : memref<20224x32xf32, #tpu.memory_space<hbm>> -> memref<128x32xf32, #tpu.memory_space<hbm>>
      %dma_wait3A_133 = arith.constant 0 : i32
      %dma_wait3A_134 = tpu.memref_slice %arg6[%add3A_92, %dma_wait3A_133] : memref<20224x32xf32, #tpu.memory_space<hbm>> -> memref<128x32xf32, #tpu.memory_space<hbm>>
      %dma_wait3A_135 = arith.constant 0 : i32
      %dma_wait3A_136 = arith.constant 0 : i32
      %dma_wait3A_137 = tpu.memref_slice %arg23[%dma_wait3A_135, %dma_wait3A_136] : memref<128x32xf32, #tpu.memory_space<vmem>> -> memref<128x32xf32, #tpu.memory_space<vmem>>
      tpu.wait_dma2 semaphore(%run_scoped3A : memref<!tpu.dma_semaphore, #tpu.memory_space<semaphore_mem>>) src(%dma_wait3A_137 : memref<128x32xf32, #tpu.memory_space<vmem>>) dst(%dma_wait3A_134 : memref<128x32xf32, #tpu.memory_space<hbm>>)
      tpu.yield
    }) : () -> ()
    %add3A_93 = arith.constant 256 : i32
    %add3A_94 = arith.addi %mul3A_0, %add3A_93 : i32
    "tpu.region"() ({
      %run_scoped3A = tpu.sem_alloc : memref<!tpu.dma_semaphore, #tpu.memory_space<semaphore_mem>>
      %dma_start3A = arith.constant 0 : i32
      %dma_start3A_120 = arith.constant 0 : i32
      %dma_start3A_121 = tpu.memref_slice %arg23[%dma_start3A, %dma_start3A_120] : memref<128x32xf32, #tpu.memory_space<vmem>> -> memref<128x32xf32, #tpu.memory_space<vmem>>
      %dma_start3A_122 = arith.constant 0 : i32
      %dma_start3A_123 = tpu.memref_slice %arg7[%add3A_94, %dma_start3A_122] : memref<10112x32xf32, #tpu.memory_space<vmem_shared>> -> memref<128x32xf32, #tpu.memory_space<vmem_shared>>
      %dma_start3A_124 = arith.constant 0 : i32
      %dma_start3A_125 = arith.constant 0 : i32
      %dma_start3A_126 = tpu.memref_slice %arg23[%dma_start3A_124, %dma_start3A_125] : memref<128x32xf32, #tpu.memory_space<vmem>> -> memref<128x32xf32, #tpu.memory_space<vmem>>
      %dma_start3A_127 = arith.constant 0 : i32
      %dma_start3A_128 = tpu.memref_slice %arg7[%add3A_94, %dma_start3A_127] : memref<10112x32xf32, #tpu.memory_space<vmem_shared>> -> memref<128x32xf32, #tpu.memory_space<vmem_shared>>
      tpu.enqueue_dma source(%dma_start3A_128 : memref<128x32xf32, #tpu.memory_space<vmem_shared>>) target(%dma_start3A_126 : memref<128x32xf32, #tpu.memory_space<vmem>>) target_semaphore(%run_scoped3A : memref<!tpu.dma_semaphore, #tpu.memory_space<semaphore_mem>>)
      %dma_wait3A = arith.constant 0 : i32
      %dma_wait3A_129 = arith.constant 0 : i32
      %dma_wait3A_130 = tpu.memref_slice %arg23[%dma_wait3A, %dma_wait3A_129] : memref<128x32xf32, #tpu.memory_space<vmem>> -> memref<128x32xf32, #tpu.memory_space<vmem>>
      %dma_wait3A_131 = arith.constant 0 : i32
      %dma_wait3A_132 = tpu.memref_slice %arg7[%add3A_94, %dma_wait3A_131] : memref<10112x32xf32, #tpu.memory_space<vmem_shared>> -> memref<128x32xf32, #tpu.memory_space<vmem_shared>>
      %dma_wait3A_133 = arith.constant 0 : i32
      %dma_wait3A_134 = arith.constant 0 : i32
      %dma_wait3A_135 = tpu.memref_slice %arg23[%dma_wait3A_133, %dma_wait3A_134] : memref<128x32xf32, #tpu.memory_space<vmem>> -> memref<128x32xf32, #tpu.memory_space<vmem>>
      %dma_wait3A_136 = arith.constant 0 : i32
      %dma_wait3A_137 = tpu.memref_slice %arg7[%add3A_94, %dma_wait3A_136] : memref<10112x32xf32, #tpu.memory_space<vmem_shared>> -> memref<128x32xf32, #tpu.memory_space<vmem_shared>>
      tpu.wait_dma2 semaphore(%run_scoped3A : memref<!tpu.dma_semaphore, #tpu.memory_space<semaphore_mem>>) src(%dma_wait3A_137 : memref<128x32xf32, #tpu.memory_space<vmem_shared>>) dst(%dma_wait3A_135 : memref<128x32xf32, #tpu.memory_space<vmem>>)
      tpu.yield
    }) : () -> ()
    %scan3A_95 = arith.constant 0 : i32
    %scan3A_96 = arith.constant 128 : i32
    %scan3A_97 = arith.addi %scan3A_95, %scan3A_96 : i32
    %scan3A_98 = arith.constant 1 : i32
    scf.for %scan3A_120 = %scan3A_95 to %scan3A_97 step %scan3A_98  : i32 {
      %add3A_121 = arith.constant 256 : i32
      %add3A_122 = arith.addi %add3A_121, %scan3A_120 : i32
      %get3A = arith.index_cast %add3A_122 : i32 to index
      %get3A_123 = arith.constant 0 : index
      %get3A_124 = tpu.vector_load %arg22[%get3A, %get3A_123] {strides = array<i32>} : memref<632x16xf32, #tpu.memory_space<vmem>>, vector<1x16xf32>,
      %get3A_125 = vector.shape_cast %get3A_124 : vector<1x16xf32> to vector<16xf32>
      %get3A_126 = arith.index_cast %scan3A_120 : i32 to index
      %get3A_127 = arith.constant 0 : index
      %get3A_128 = tpu.vector_load %arg23[%get3A_126, %get3A_127] {strides = array<i32>} : memref<128x32xf32, #tpu.memory_space<vmem>>, vector<1x16xf32>,
      %get3A_129 = vector.shape_cast %get3A_128 : vector<1x16xf32> to vector<16xf32>
      %div3A = arith.divf %get3A_129, %get3A_125 : vector<16xf32>
      %swap3A = arith.index_cast %scan3A_120 : i32 to index
      %swap3A_130 = arith.constant 0 : index
      %swap3A_131 = tpu.vector_load %arg23[%swap3A, %swap3A_130] {strides = array<i32>} : memref<128x32xf32, #tpu.memory_space<vmem>>, vector<1x16xf32>,
      %swap3A_132 = vector.shape_cast %swap3A_131 : vector<1x16xf32> to vector<16xf32>
      %swap3A_133 = vector.shape_cast %div3A : vector<16xf32> to vector<1x16xf32>
      tpu.vector_store %arg23[%swap3A, %swap3A_130], %swap3A_133 {strides = array<i32>} : memref<128x32xf32, #tpu.memory_space<vmem>>, vector<1x16xf32>,
      %get3A_134 = arith.index_cast %scan3A_120 : i32 to index
      %get3A_135 = arith.constant 16 : index
      %get3A_136 = tpu.vector_load %arg23[%get3A_134, %get3A_135] {strides = array<i32>} : memref<128x32xf32, #tpu.memory_space<vmem>>, vector<1x16xf32>,
      %get3A_137 = vector.shape_cast %get3A_136 : vector<1x16xf32> to vector<16xf32>
      %div3A_138 = arith.divf %get3A_137, %get3A_125 : vector<16xf32>
      %swap3A_139 = arith.index_cast %scan3A_120 : i32 to index
      %swap3A_140 = arith.constant 16 : index
      %swap3A_141 = tpu.vector_load %arg23[%swap3A_139, %swap3A_140] {strides = array<i32>} : memref<128x32xf32, #tpu.memory_space<vmem>>, vector<1x16xf32>,
      %swap3A_142 = vector.shape_cast %swap3A_141 : vector<1x16xf32> to vector<16xf32>
      %swap3A_143 = vector.shape_cast %div3A_138 : vector<16xf32> to vector<1x16xf32>
      tpu.vector_store %arg23[%swap3A_139, %swap3A_140], %swap3A_143 {strides = array<i32>} : memref<128x32xf32, #tpu.memory_space<vmem>>, vector<1x16xf32>,
    }
    %scan3A_99 = arith.constant 128 : i32
    %add3A_100 = arith.constant 256 : i32
    %add3A_101 = arith.addi %add3A, %add3A_100 : i32
    "tpu.region"() ({
      %run_scoped3A = tpu.sem_alloc : memref<!tpu.dma_semaphore, #tpu.memory_space<semaphore_mem>>
      %dma_start3A = arith.constant 0 : i32
      %dma_start3A_120 = arith.constant 0 : i32
      %dma_start3A_121 = tpu.memref_slice %arg23[%dma_start3A, %dma_start3A_120] : memref<128x32xf32, #tpu.memory_space<vmem>> -> memref<128x32xf32, #tpu.memory_space<vmem>>
      %dma_start3A_122 = arith.constant 0 : i32
      %dma_start3A_123 = tpu.memref_slice %arg6[%add3A_101, %dma_start3A_122] : memref<20224x32xf32, #tpu.memory_space<hbm>> -> memref<128x32xf32, #tpu.memory_space<hbm>>
      %dma_start3A_124 = arith.constant 0 : i32
      %dma_start3A_125 = tpu.memref_slice %arg6[%add3A_101, %dma_start3A_124] : memref<20224x32xf32, #tpu.memory_space<hbm>> -> memref<128x32xf32, #tpu.memory_space<hbm>>
      %dma_start3A_126 = arith.constant 0 : i32
      %dma_start3A_127 = arith.constant 0 : i32
      %dma_start3A_128 = tpu.memref_slice %arg23[%dma_start3A_126, %dma_start3A_127] : memref<128x32xf32, #tpu.memory_space<vmem>> -> memref<128x32xf32, #tpu.memory_space<vmem>>
      tpu.enqueue_dma source(%dma_start3A_128 : memref<128x32xf32, #tpu.memory_space<vmem>>) target(%dma_start3A_125 : memref<128x32xf32, #tpu.memory_space<hbm>>) target_semaphore(%run_scoped3A : memref<!tpu.dma_semaphore, #tpu.memory_space<semaphore_mem>>)
      %dma_wait3A = arith.constant 0 : i32
      %dma_wait3A_129 = arith.constant 0 : i32
      %dma_wait3A_130 = tpu.memref_slice %arg23[%dma_wait3A, %dma_wait3A_129] : memref<128x32xf32, #tpu.memory_space<vmem>> -> memref<128x32xf32, #tpu.memory_space<vmem>>
      %dma_wait3A_131 = arith.constant 0 : i32
      %dma_wait3A_132 = tpu.memref_slice %arg6[%add3A_101, %dma_wait3A_131] : memref<20224x32xf32, #tpu.memory_space<hbm>> -> memref<128x32xf32, #tpu.memory_space<hbm>>
      %dma_wait3A_133 = arith.constant 0 : i32
      %dma_wait3A_134 = tpu.memref_slice %arg6[%add3A_101, %dma_wait3A_133] : memref<20224x32xf32, #tpu.memory_space<hbm>> -> memref<128x32xf32, #tpu.memory_space<hbm>>
      %dma_wait3A_135 = arith.constant 0 : i32
      %dma_wait3A_136 = arith.constant 0 : i32
      %dma_wait3A_137 = tpu.memref_slice %arg23[%dma_wait3A_135, %dma_wait3A_136] : memref<128x32xf32, #tpu.memory_space<vmem>> -> memref<128x32xf32, #tpu.memory_space<vmem>>
      tpu.wait_dma2 semaphore(%run_scoped3A : memref<!tpu.dma_semaphore, #tpu.memory_space<semaphore_mem>>) src(%dma_wait3A_137 : memref<128x32xf32, #tpu.memory_space<vmem>>) dst(%dma_wait3A_134 : memref<128x32xf32, #tpu.memory_space<hbm>>)
      tpu.yield
    }) : () -> ()
    %add3A_102 = arith.constant 384 : i32
    %add3A_103 = arith.addi %mul3A_0, %add3A_102 : i32
    "tpu.region"() ({
      %run_scoped3A = tpu.sem_alloc : memref<!tpu.dma_semaphore, #tpu.memory_space<semaphore_mem>>
      %dma_start3A = arith.constant 0 : i32
      %dma_start3A_120 = arith.constant 0 : i32
      %dma_start3A_121 = tpu.memref_slice %arg23[%dma_start3A, %dma_start3A_120] : memref<128x32xf32, #tpu.memory_space<vmem>> -> memref<128x32xf32, #tpu.memory_space<vmem>>
      %dma_start3A_122 = arith.constant 0 : i32
      %dma_start3A_123 = tpu.memref_slice %arg7[%add3A_103, %dma_start3A_122] : memref<10112x32xf32, #tpu.memory_space<vmem_shared>> -> memref<128x32xf32, #tpu.memory_space<vmem_shared>>
      %dma_start3A_124 = arith.constant 0 : i32
      %dma_start3A_125 = arith.constant 0 : i32
      %dma_start3A_126 = tpu.memref_slice %arg23[%dma_start3A_124, %dma_start3A_125] : memref<128x32xf32, #tpu.memory_space<vmem>> -> memref<128x32xf32, #tpu.memory_space<vmem>>
      %dma_start3A_127 = arith.constant 0 : i32
      %dma_start3A_128 = tpu.memref_slice %arg7[%add3A_103, %dma_start3A_127] : memref<10112x32xf32, #tpu.memory_space<vmem_shared>> -> memref<128x32xf32, #tpu.memory_space<vmem_shared>>
      tpu.enqueue_dma source(%dma_start3A_128 : memref<128x32xf32, #tpu.memory_space<vmem_shared>>) target(%dma_start3A_126 : memref<128x32xf32, #tpu.memory_space<vmem>>) target_semaphore(%run_scoped3A : memref<!tpu.dma_semaphore, #tpu.memory_space<semaphore_mem>>)
      %dma_wait3A = arith.constant 0 : i32
      %dma_wait3A_129 = arith.constant 0 : i32
      %dma_wait3A_130 = tpu.memref_slice %arg23[%dma_wait3A, %dma_wait3A_129] : memref<128x32xf32, #tpu.memory_space<vmem>> -> memref<128x32xf32, #tpu.memory_space<vmem>>
      %dma_wait3A_131 = arith.constant 0 : i32
      %dma_wait3A_132 = tpu.memref_slice %arg7[%add3A_103, %dma_wait3A_131] : memref<10112x32xf32, #tpu.memory_space<vmem_shared>> -> memref<128x32xf32, #tpu.memory_space<vmem_shared>>
      %dma_wait3A_133 = arith.constant 0 : i32
      %dma_wait3A_134 = arith.constant 0 : i32
      %dma_wait3A_135 = tpu.memref_slice %arg23[%dma_wait3A_133, %dma_wait3A_134] : memref<128x32xf32, #tpu.memory_space<vmem>> -> memref<128x32xf32, #tpu.memory_space<vmem>>
      %dma_wait3A_136 = arith.constant 0 : i32
      %dma_wait3A_137 = tpu.memref_slice %arg7[%add3A_103, %dma_wait3A_136] : memref<10112x32xf32, #tpu.memory_space<vmem_shared>> -> memref<128x32xf32, #tpu.memory_space<vmem_shared>>
      tpu.wait_dma2 semaphore(%run_scoped3A : memref<!tpu.dma_semaphore, #tpu.memory_space<semaphore_mem>>) src(%dma_wait3A_137 : memref<128x32xf32, #tpu.memory_space<vmem_shared>>) dst(%dma_wait3A_135 : memref<128x32xf32, #tpu.memory_space<vmem>>)
      tpu.yield
    }) : () -> ()
    %scan3A_104 = arith.constant 0 : i32
    %scan3A_105 = arith.constant 128 : i32
    %scan3A_106 = arith.addi %scan3A_104, %scan3A_105 : i32
    %scan3A_107 = arith.constant 1 : i32
    scf.for %scan3A_120 = %scan3A_104 to %scan3A_106 step %scan3A_107  : i32 {
      %add3A_121 = arith.constant 384 : i32
      %add3A_122 = arith.addi %add3A_121, %scan3A_120 : i32
      %get3A = arith.index_cast %add3A_122 : i32 to index
      %get3A_123 = arith.constant 0 : index
      %get3A_124 = tpu.vector_load %arg22[%get3A, %get3A_123] {strides = array<i32>} : memref<632x16xf32, #tpu.memory_space<vmem>>, vector<1x16xf32>,
      %get3A_125 = vector.shape_cast %get3A_124 : vector<1x16xf32> to vector<16xf32>
      %get3A_126 = arith.index_cast %scan3A_120 : i32 to index
      %get3A_127 = arith.constant 0 : index
      %get3A_128 = tpu.vector_load %arg23[%get3A_126, %get3A_127] {strides = array<i32>} : memref<128x32xf32, #tpu.memory_space<vmem>>, vector<1x16xf32>,
      %get3A_129 = vector.shape_cast %get3A_128 : vector<1x16xf32> to vector<16xf32>
      %div3A = arith.divf %get3A_129, %get3A_125 : vector<16xf32>
      %swap3A = arith.index_cast %scan3A_120 : i32 to index
      %swap3A_130 = arith.constant 0 : index
      %swap3A_131 = tpu.vector_load %arg23[%swap3A, %swap3A_130] {strides = array<i32>} : memref<128x32xf32, #tpu.memory_space<vmem>>, vector<1x16xf32>,
      %swap3A_132 = vector.shape_cast %swap3A_131 : vector<1x16xf32> to vector<16xf32>
      %swap3A_133 = vector.shape_cast %div3A : vector<16xf32> to vector<1x16xf32>
      tpu.vector_store %arg23[%swap3A, %swap3A_130], %swap3A_133 {strides = array<i32>} : memref<128x32xf32, #tpu.memory_space<vmem>>, vector<1x16xf32>,
      %get3A_134 = arith.index_cast %scan3A_120 : i32 to index
      %get3A_135 = arith.constant 16 : index
      %get3A_136 = tpu.vector_load %arg23[%get3A_134, %get3A_135] {strides = array<i32>} : memref<128x32xf32, #tpu.memory_space<vmem>>, vector<1x16xf32>,
      %get3A_137 = vector.shape_cast %get3A_136 : vector<1x16xf32> to vector<16xf32>
      %div3A_138 = arith.divf %get3A_137, %get3A_125 : vector<16xf32>
      %swap3A_139 = arith.index_cast %scan3A_120 : i32 to index
      %swap3A_140 = arith.constant 16 : index
      %swap3A_141 = tpu.vector_load %arg23[%swap3A_139, %swap3A_140] {strides = array<i32>} : memref<128x32xf32, #tpu.memory_space<vmem>>, vector<1x16xf32>,
      %swap3A_142 = vector.shape_cast %swap3A_141 : vector<1x16xf32> to vector<16xf32>
      %swap3A_143 = vector.shape_cast %div3A_138 : vector<16xf32> to vector<1x16xf32>
      tpu.vector_store %arg23[%swap3A_139, %swap3A_140], %swap3A_143 {strides = array<i32>} : memref<128x32xf32, #tpu.memory_space<vmem>>, vector<1x16xf32>,
    }
    %scan3A_108 = arith.constant 128 : i32
    %add3A_109 = arith.constant 384 : i32
    %add3A_110 = arith.addi %add3A, %add3A_109 : i32
    "tpu.region"() ({
      %run_scoped3A = tpu.sem_alloc : memref<!tpu.dma_semaphore, #tpu.memory_space<semaphore_mem>>
      %dma_start3A = arith.constant 0 : i32
      %dma_start3A_120 = arith.constant 0 : i32
      %dma_start3A_121 = tpu.memref_slice %arg23[%dma_start3A, %dma_start3A_120] : memref<128x32xf32, #tpu.memory_space<vmem>> -> memref<128x32xf32, #tpu.memory_space<vmem>>
      %dma_start3A_122 = arith.constant 0 : i32
      %dma_start3A_123 = tpu.memref_slice %arg6[%add3A_110, %dma_start3A_122] : memref<20224x32xf32, #tpu.memory_space<hbm>> -> memref<128x32xf32, #tpu.memory_space<hbm>>
      %dma_start3A_124 = arith.constant 0 : i32
      %dma_start3A_125 = tpu.memref_slice %arg6[%add3A_110, %dma_start3A_124] : memref<20224x32xf32, #tpu.memory_space<hbm>> -> memref<128x32xf32, #tpu.memory_space<hbm>>
      %dma_start3A_126 = arith.constant 0 : i32
      %dma_start3A_127 = arith.constant 0 : i32
      %dma_start3A_128 = tpu.memref_slice %arg23[%dma_start3A_126, %dma_start3A_127] : memref<128x32xf32, #tpu.memory_space<vmem>> -> memref<128x32xf32, #tpu.memory_space<vmem>>
      tpu.enqueue_dma source(%dma_start3A_128 : memref<128x32xf32, #tpu.memory_space<vmem>>) target(%dma_start3A_125 : memref<128x32xf32, #tpu.memory_space<hbm>>) target_semaphore(%run_scoped3A : memref<!tpu.dma_semaphore, #tpu.memory_space<semaphore_mem>>)
      %dma_wait3A = arith.constant 0 : i32
      %dma_wait3A_129 = arith.constant 0 : i32
      %dma_wait3A_130 = tpu.memref_slice %arg23[%dma_wait3A, %dma_wait3A_129] : memref<128x32xf32, #tpu.memory_space<vmem>> -> memref<128x32xf32, #tpu.memory_space<vmem>>
      %dma_wait3A_131 = arith.constant 0 : i32
      %dma_wait3A_132 = tpu.memref_slice %arg6[%add3A_110, %dma_wait3A_131] : memref<20224x32xf32, #tpu.memory_space<hbm>> -> memref<128x32xf32, #tpu.memory_space<hbm>>
      %dma_wait3A_133 = arith.constant 0 : i32
      %dma_wait3A_134 = tpu.memref_slice %arg6[%add3A_110, %dma_wait3A_133] : memref<20224x32xf32, #tpu.memory_space<hbm>> -> memref<128x32xf32, #tpu.memory_space<hbm>>
      %dma_wait3A_135 = arith.constant 0 : i32
      %dma_wait3A_136 = arith.constant 0 : i32
      %dma_wait3A_137 = tpu.memref_slice %arg23[%dma_wait3A_135, %dma_wait3A_136] : memref<128x32xf32, #tpu.memory_space<vmem>> -> memref<128x32xf32, #tpu.memory_space<vmem>>
      tpu.wait_dma2 semaphore(%run_scoped3A : memref<!tpu.dma_semaphore, #tpu.memory_space<semaphore_mem>>) src(%dma_wait3A_137 : memref<128x32xf32, #tpu.memory_space<vmem>>) dst(%dma_wait3A_134 : memref<128x32xf32, #tpu.memory_space<hbm>>)
      tpu.yield
    }) : () -> ()
    %add3A_111 = arith.constant 512 : i32
    %add3A_112 = arith.addi %mul3A_0, %add3A_111 : i32
    "tpu.region"() ({
      %run_scoped3A = tpu.sem_alloc : memref<!tpu.dma_semaphore, #tpu.memory_space<semaphore_mem>>
      %dma_start3A = arith.constant 0 : i32
      %dma_start3A_120 = arith.constant 0 : i32
      %dma_start3A_121 = tpu.memref_slice %arg23[%dma_start3A, %dma_start3A_120] : memref<128x32xf32, #tpu.memory_space<vmem>> -> memref<120x32xf32, #tpu.memory_space<vmem>>
      %dma_start3A_122 = arith.constant 0 : i32
      %dma_start3A_123 = tpu.memref_slice %arg7[%add3A_112, %dma_start3A_122] : memref<10112x32xf32, #tpu.memory_space<vmem_shared>> -> memref<120x32xf32, #tpu.memory_space<vmem_shared>>
      %dma_start3A_124 = arith.constant 0 : i32
      %dma_start3A_125 = arith.constant 0 : i32
      %dma_start3A_126 = tpu.memref_slice %arg23[%dma_start3A_124, %dma_start3A_125] : memref<128x32xf32, #tpu.memory_space<vmem>> -> memref<120x32xf32, #tpu.memory_space<vmem>>
      %dma_start3A_127 = arith.constant 0 : i32
      %dma_start3A_128 = tpu.memref_slice %arg7[%add3A_112, %dma_start3A_127] : memref<10112x32xf32, #tpu.memory_space<vmem_shared>> -> memref<120x32xf32, #tpu.memory_space<vmem_shared>>
      tpu.enqueue_dma source(%dma_start3A_128 : memref<120x32xf32, #tpu.memory_space<vmem_shared>>) target(%dma_start3A_126 : memref<120x32xf32, #tpu.memory_space<vmem>>) target_semaphore(%run_scoped3A : memref<!tpu.dma_semaphore, #tpu.memory_space<semaphore_mem>>)
      %dma_wait3A = arith.constant 0 : i32
      %dma_wait3A_129 = arith.constant 0 : i32
      %dma_wait3A_130 = tpu.memref_slice %arg23[%dma_wait3A, %dma_wait3A_129] : memref<128x32xf32, #tpu.memory_space<vmem>> -> memref<120x32xf32, #tpu.memory_space<vmem>>
      %dma_wait3A_131 = arith.constant 0 : i32
      %dma_wait3A_132 = tpu.memref_slice %arg7[%add3A_112, %dma_wait3A_131] : memref<10112x32xf32, #tpu.memory_space<vmem_shared>> -> memref<120x32xf32, #tpu.memory_space<vmem_shared>>
      %dma_wait3A_133 = arith.constant 0 : i32
      %dma_wait3A_134 = arith.constant 0 : i32
      %dma_wait3A_135 = tpu.memref_slice %arg23[%dma_wait3A_133, %dma_wait3A_134] : memref<128x32xf32, #tpu.memory_space<vmem>> -> memref<120x32xf32, #tpu.memory_space<vmem>>
      %dma_wait3A_136 = arith.constant 0 : i32
      %dma_wait3A_137 = tpu.memref_slice %arg7[%add3A_112, %dma_wait3A_136] : memref<10112x32xf32, #tpu.memory_space<vmem_shared>> -> memref<120x32xf32, #tpu.memory_space<vmem_shared>>
      tpu.wait_dma2 semaphore(%run_scoped3A : memref<!tpu.dma_semaphore, #tpu.memory_space<semaphore_mem>>) src(%dma_wait3A_137 : memref<120x32xf32, #tpu.memory_space<vmem_shared>>) dst(%dma_wait3A_135 : memref<120x32xf32, #tpu.memory_space<vmem>>)
      tpu.yield
    }) : () -> ()
    %scan3A_113 = arith.constant 0 : i32
    %scan3A_114 = arith.constant 120 : i32
    %scan3A_115 = arith.addi %scan3A_113, %scan3A_114 : i32
    %scan3A_116 = arith.constant 1 : i32
    scf.for %scan3A_120 = %scan3A_113 to %scan3A_115 step %scan3A_116  : i32 {
      %add3A_121 = arith.constant 512 : i32
      %add3A_122 = arith.addi %add3A_121, %scan3A_120 : i32
      %get3A = arith.index_cast %add3A_122 : i32 to index
      %get3A_123 = arith.constant 0 : index
      %get3A_124 = tpu.vector_load %arg22[%get3A, %get3A_123] {strides = array<i32>} : memref<632x16xf32, #tpu.memory_space<vmem>>, vector<1x16xf32>,
      %get3A_125 = vector.shape_cast %get3A_124 : vector<1x16xf32> to vector<16xf32>
      %get3A_126 = arith.index_cast %scan3A_120 : i32 to index
      %get3A_127 = arith.constant 0 : index
      %get3A_128 = tpu.vector_load %arg23[%get3A_126, %get3A_127] {strides = array<i32>} : memref<128x32xf32, #tpu.memory_space<vmem>>, vector<1x16xf32>,
      %get3A_129 = vector.shape_cast %get3A_128 : vector<1x16xf32> to vector<16xf32>
      %div3A = arith.divf %get3A_129, %get3A_125 : vector<16xf32>
      %swap3A = arith.index_cast %scan3A_120 : i32 to index
      %swap3A_130 = arith.constant 0 : index
      %swap3A_131 = tpu.vector_load %arg23[%swap3A, %swap3A_130] {strides = array<i32>} : memref<128x32xf32, #tpu.memory_space<vmem>>, vector<1x16xf32>,
      %swap3A_132 = vector.shape_cast %swap3A_131 : vector<1x16xf32> to vector<16xf32>
      %swap3A_133 = vector.shape_cast %div3A : vector<16xf32> to vector<1x16xf32>
      tpu.vector_store %arg23[%swap3A, %swap3A_130], %swap3A_133 {strides = array<i32>} : memref<128x32xf32, #tpu.memory_space<vmem>>, vector<1x16xf32>,
      %get3A_134 = arith.index_cast %scan3A_120 : i32 to index
      %get3A_135 = arith.constant 16 : index
      %get3A_136 = tpu.vector_load %arg23[%get3A_134, %get3A_135] {strides = array<i32>} : memref<128x32xf32, #tpu.memory_space<vmem>>, vector<1x16xf32>,
      %get3A_137 = vector.shape_cast %get3A_136 : vector<1x16xf32> to vector<16xf32>
      %div3A_138 = arith.divf %get3A_137, %get3A_125 : vector<16xf32>
      %swap3A_139 = arith.index_cast %scan3A_120 : i32 to index
      %swap3A_140 = arith.constant 16 : index
      %swap3A_141 = tpu.vector_load %arg23[%swap3A_139, %swap3A_140] {strides = array<i32>} : memref<128x32xf32, #tpu.memory_space<vmem>>, vector<1x16xf32>,
      %swap3A_142 = vector.shape_cast %swap3A_141 : vector<1x16xf32> to vector<16xf32>
      %swap3A_143 = vector.shape_cast %div3A_138 : vector<16xf32> to vector<1x16xf32>
      tpu.vector_store %arg23[%swap3A_139, %swap3A_140], %swap3A_143 {strides = array<i32>} : memref<128x32xf32, #tpu.memory_space<vmem>>, vector<1x16xf32>,
    }
    %scan3A_117 = arith.constant 120 : i32
    %add3A_118 = arith.constant 512 : i32
    %add3A_119 = arith.addi %add3A, %add3A_118 : i32
    "tpu.region"() ({
      %run_scoped3A = tpu.sem_alloc : memref<!tpu.dma_semaphore, #tpu.memory_space<semaphore_mem>>
      %dma_start3A = arith.constant 0 : i32
      %dma_start3A_120 = arith.constant 0 : i32
      %dma_start3A_121 = tpu.memref_slice %arg23[%dma_start3A, %dma_start3A_120] : memref<128x32xf32, #tpu.memory_space<vmem>> -> memref<120x32xf32, #tpu.memory_space<vmem>>
      %dma_start3A_122 = arith.constant 0 : i32
      %dma_start3A_123 = tpu.memref_slice %arg6[%add3A_119, %dma_start3A_122] : memref<20224x32xf32, #tpu.memory_space<hbm>> -> memref<120x32xf32, #tpu.memory_space<hbm>>
      %dma_start3A_124 = arith.constant 0 : i32
      %dma_start3A_125 = tpu.memref_slice %arg6[%add3A_119, %dma_start3A_124] : memref<20224x32xf32, #tpu.memory_space<hbm>> -> memref<120x32xf32, #tpu.memory_space<hbm>>
      %dma_start3A_126 = arith.constant 0 : i32
      %dma_start3A_127 = arith.constant 0 : i32
      %dma_start3A_128 = tpu.memref_slice %arg23[%dma_start3A_126, %dma_start3A_127] : memref<128x32xf32, #tpu.memory_space<vmem>> -> memref<120x32xf32, #tpu.memory_space<vmem>>
      tpu.enqueue_dma source(%dma_start3A_128 : memref<120x32xf32, #tpu.memory_space<vmem>>) target(%dma_start3A_125 : memref<120x32xf32, #tpu.memory_space<hbm>>) target_semaphore(%run_scoped3A : memref<!tpu.dma_semaphore, #tpu.memory_space<semaphore_mem>>)
      %dma_wait3A = arith.constant 0 : i32
      %dma_wait3A_129 = arith.constant 0 : i32
      %dma_wait3A_130 = tpu.memref_slice %arg23[%dma_wait3A, %dma_wait3A_129] : memref<128x32xf32, #tpu.memory_space<vmem>> -> memref<120x32xf32, #tpu.memory_space<vmem>>
      %dma_wait3A_131 = arith.constant 0 : i32
      %dma_wait3A_132 = tpu.memref_slice %arg6[%add3A_119, %dma_wait3A_131] : memref<20224x32xf32, #tpu.memory_space<hbm>> -> memref<120x32xf32, #tpu.memory_space<hbm>>
      %dma_wait3A_133 = arith.constant 0 : i32
      %dma_wait3A_134 = tpu.memref_slice %arg6[%add3A_119, %dma_wait3A_133] : memref<20224x32xf32, #tpu.memory_space<hbm>> -> memref<120x32xf32, #tpu.memory_space<hbm>>
      %dma_wait3A_135 = arith.constant 0 : i32
      %dma_wait3A_136 = arith.constant 0 : i32
      %dma_wait3A_137 = tpu.memref_slice %arg23[%dma_wait3A_135, %dma_wait3A_136] : memref<128x32xf32, #tpu.memory_space<vmem>> -> memref<120x32xf32, #tpu.memory_space<vmem>>
      tpu.wait_dma2 semaphore(%run_scoped3A : memref<!tpu.dma_semaphore, #tpu.memory_space<semaphore_mem>>) src(%dma_wait3A_137 : memref<120x32xf32, #tpu.memory_space<vmem>>) dst(%dma_wait3A_134 : memref<120x32xf32, #tpu.memory_space<hbm>>)
      tpu.yield
    }) : () -> ()
    return
  }
}

module attributes {stable_mosaic.version = 14 : i64} {
  func.func @_mlp_body(%arg0: i32, %arg1: memref<2000x128xf32, #tpu.memory_space<vmem>>, %arg2: memref<128x64xf32, #tpu.memory_space<vmem>>, %arg3: memref<1x64xf32, #tpu.memory_space<vmem>>, %arg4: memref<64x64xf32, #tpu.memory_space<vmem>>, %arg5: memref<1x64xf32, #tpu.memory_space<vmem>>, %arg6: memref<2000x64xf32, #tpu.memory_space<vmem>>) attributes {dimension_semantics = [#tpu.dimension_semantics<arbitrary>], iteration_bounds = array<i64: 5>, scalar_prefetch = 0 : i64, scratch_operands = 0 : i64, tpu.core_type = #tpu.core_type<tc>, window_params = [{transform_indices = @transform_0, window_bounds = array<i64: 2000, 128>}, {pipeline_mode = #tpu.pipeline_mode<synchronous>, transform_indices = @transform_1, window_bounds = array<i64: 128, 64>}, {pipeline_mode = #tpu.pipeline_mode<synchronous>, transform_indices = @transform_2, window_bounds = array<i64: 1, 64>}, {pipeline_mode = #tpu.pipeline_mode<synchronous>, transform_indices = @transform_3, window_bounds = array<i64: 64, 64>}, {pipeline_mode = #tpu.pipeline_mode<synchronous>, transform_indices = @transform_4, window_bounds = array<i64: 1, 64>}, {transform_indices = @transform_5, window_bounds = array<i64: 2000, 64>}]} {
    %get3A = arith.constant 0 : index
    %get3A_0 = arith.constant 0 : index
    %get3A_1 = vector.load %arg1[%get3A, %get3A_0] : memref<2000x128xf32, #tpu.memory_space<vmem>>, vector<2000x128xf32>
    %get3A_2 = arith.constant 0 : index
    %get3A_3 = arith.constant 0 : index
    %get3A_4 = vector.load %arg2[%get3A_2, %get3A_3] : memref<128x64xf32, #tpu.memory_space<vmem>>, vector<128x64xf32>
    %dot_general3A = arith.constant dense<0.000000e+00> : vector<2000x64xf32>
    %dot_general3A_5 = tpu.matmul %get3A_1, %get3A_4, %dot_general3A {dimension_numbers = #tpu.dot_dimension_numbers<[1], [0], [0], [1], [0, 0, 1, 1], [], []>, transpose_lhs_hint = false} : vector<2000x128xf32>, vector<128x64xf32>, vector<2000x64xf32> -> vector<2000x64xf32>
    %get3A_6 = arith.constant 0 : index
    %get3A_7 = arith.constant 0 : index
    %get3A_8 = vector.load %arg3[%get3A_6, %get3A_7] : memref<1x64xf32, #tpu.memory_space<vmem>>, vector<1x64xf32>
    %add3A = vector.broadcast %get3A_8 : vector<1x64xf32> to vector<2000x64xf32>
    %add3A_9 = arith.addf %dot_general3A_5, %add3A : vector<2000x64xf32>
    %max3A = arith.constant 0.000000e+00 : f32
    %max3A_10 = vector.broadcast %max3A : f32 to vector<2000x64xf32>
    %max3A_11 = arith.maximumf %add3A_9, %max3A_10 : vector<2000x64xf32>
    %get3A_12 = arith.constant 0 : index
    %get3A_13 = arith.constant 0 : index
    %get3A_14 = vector.load %arg4[%get3A_12, %get3A_13] : memref<64x64xf32, #tpu.memory_space<vmem>>, vector<64x64xf32>
    %dot_general3A_15 = arith.constant dense<0.000000e+00> : vector<2000x64xf32>
    %dot_general3A_16 = tpu.matmul %max3A_11, %get3A_14, %dot_general3A_15 {dimension_numbers = #tpu.dot_dimension_numbers<[1], [0], [0], [1], [0, 0, 1, 1], [], []>, transpose_lhs_hint = false} : vector<2000x64xf32>, vector<64x64xf32>, vector<2000x64xf32> -> vector<2000x64xf32>
    %get3A_17 = arith.constant 0 : index
    %get3A_18 = arith.constant 0 : index
    %get3A_19 = vector.load %arg5[%get3A_17, %get3A_18] : memref<1x64xf32, #tpu.memory_space<vmem>>, vector<1x64xf32>
    %add3A_20 = vector.broadcast %get3A_19 : vector<1x64xf32> to vector<2000x64xf32>
    %add3A_21 = arith.addf %dot_general3A_16, %add3A_20 : vector<2000x64xf32>
    %max3A_22 = arith.constant 0.000000e+00 : f32
    %max3A_23 = vector.broadcast %max3A_22 : f32 to vector<2000x64xf32>
    %max3A_24 = arith.maximumf %add3A_21, %max3A_23 : vector<2000x64xf32>
    %swap3A = arith.constant 0 : index
    %swap3A_25 = arith.constant 0 : index
    %swap3A_26 = vector.load %arg6[%swap3A, %swap3A_25] : memref<2000x64xf32, #tpu.memory_space<vmem>>, vector<2000x64xf32>
    tpu.vector_store %arg6[%swap3A, %swap3A_25], %max3A_24 {strides = array<i32>} : memref<2000x64xf32, #tpu.memory_space<vmem>>, vector<2000x64xf32>,
    return
  }
  func.func @transform_0(%arg0: i32) -> (i32, i32) {
    %c0_i32 = arith.constant 0 : i32
    %c0_i32_0 = arith.constant 0 : i32
    return %arg0, %c0_i32 : i32, i32
  }
  func.func @transform_1(%arg0: i32) -> (i32, i32) {
    %c0_i32 = arith.constant 0 : i32
    %c0_i32_0 = arith.constant 0 : i32
    %c0_i32_1 = arith.constant 0 : i32
    return %c0_i32, %c0_i32_0 : i32, i32
  }
  func.func @transform_2(%arg0: i32) -> (i32, i32) {
    %c0_i32 = arith.constant 0 : i32
    %c0_i32_0 = arith.constant 0 : i32
    %c0_i32_1 = arith.constant 0 : i32
    return %c0_i32, %c0_i32_0 : i32, i32
  }
  func.func @transform_3(%arg0: i32) -> (i32, i32) {
    %c0_i32 = arith.constant 0 : i32
    %c0_i32_0 = arith.constant 0 : i32
    %c0_i32_1 = arith.constant 0 : i32
    return %c0_i32, %c0_i32_0 : i32, i32
  }
  func.func @transform_4(%arg0: i32) -> (i32, i32) {
    %c0_i32 = arith.constant 0 : i32
    %c0_i32_0 = arith.constant 0 : i32
    %c0_i32_1 = arith.constant 0 : i32
    return %c0_i32, %c0_i32_0 : i32, i32
  }
  func.func @transform_5(%arg0: i32) -> (i32, i32) {
    %c0_i32 = arith.constant 0 : i32
    %c0_i32_0 = arith.constant 0 : i32
    return %arg0, %c0_i32 : i32, i32
  }
}

module attributes {stable_mosaic.version = 14 : i64} {
  func.func @_softmax_body(%arg0: i32, %arg1: memref<2000x64xf32, #tpu.memory_space<vmem>>, %arg2: memref<2000x64xf32, #tpu.memory_space<vmem>>) attributes {dimension_semantics = [#tpu.dimension_semantics<arbitrary>], iteration_bounds = array<i64: 5>, scalar_prefetch = 0 : i64, scratch_operands = 0 : i64, tpu.core_type = #tpu.core_type<tc>, window_params = [{transform_indices = @transform_0, window_bounds = array<i64: 2000, 64>}, {transform_indices = @transform_1, window_bounds = array<i64: 2000, 64>}]} {
    %get3A = arith.constant 0 : index
    %get3A_0 = arith.constant 0 : index
    %get3A_1 = vector.load %arg1[%get3A, %get3A_0] : memref<2000x64xf32, #tpu.memory_space<vmem>>, vector<2000x64xf32>
    %reduce_max3A = arith.constant dense<0xFF800000> : vector<2000xf32>
    %reduce_max3A_2 = vector.multi_reduction <maximumf>, %get3A_1, %reduce_max3A [1] : vector<2000x64xf32> to vector<2000xf32>
    %broadcast_in_dim3A = vector.shape_cast %reduce_max3A_2 : vector<2000xf32> to vector<2000x1xf32>
    %sub3A = vector.broadcast %broadcast_in_dim3A : vector<2000x1xf32> to vector<2000x64xf32>
    %sub3A_3 = arith.subf %get3A_1, %sub3A : vector<2000x64xf32>
    %exp3A = math.exp %sub3A_3 : vector<2000x64xf32>
    %reduce_sum3A = arith.constant dense<0.000000e+00> : vector<2000xf32>
    %reduce_sum3A_4 = vector.multi_reduction <add>, %exp3A, %reduce_sum3A [1] : vector<2000x64xf32> to vector<2000xf32>
    %broadcast_in_dim3A_5 = vector.shape_cast %reduce_sum3A_4 : vector<2000xf32> to vector<2000x1xf32>
    %div3A = vector.broadcast %broadcast_in_dim3A_5 : vector<2000x1xf32> to vector<2000x64xf32>
    %div3A_6 = arith.divf %exp3A, %div3A : vector<2000x64xf32>
    %swap3A = arith.constant 0 : index
    %swap3A_7 = arith.constant 0 : index
    %swap3A_8 = vector.load %arg2[%swap3A, %swap3A_7] : memref<2000x64xf32, #tpu.memory_space<vmem>>, vector<2000x64xf32>
    tpu.vector_store %arg2[%swap3A, %swap3A_7], %div3A_6 {strides = array<i32>} : memref<2000x64xf32, #tpu.memory_space<vmem>>, vector<2000x64xf32>,
    return
  }
  func.func @transform_0(%arg0: i32) -> (i32, i32) {
    %c0_i32 = arith.constant 0 : i32
    %c0_i32_0 = arith.constant 0 : i32
    return %arg0, %c0_i32 : i32, i32
  }
  func.func @transform_1(%arg0: i32) -> (i32, i32) {
    %c0_i32 = arith.constant 0 : i32
    %c0_i32_0 = arith.constant 0 : i32
    return %arg0, %c0_i32 : i32, i32
  }
}

</mosaic_0001>

<sc_bundles>
// kernel: kernel.6.cloned.1.call-start
scs
__scs_entry_jumppad:
0x0: {  	(pc) =	sbr.rel $0x88, $3  }
0x1: {  	(tag) =	ssettag $0x0;
	lr =	simm.s32 $0x1  }
0x2: {  	[smem:$0x3F9B] =	sst lr;
	_ =	strace $0xD0000000  }
0x3: {  	_ = 	snop  }
0x4: {  	_ = 	snop  }
0x5: {  	_ = 	snop  }
0x6: {  	_ = 	snop  }
0x7: {  	_ = 	snop  }
__scs_overlays_trampoline_lowered:
0x8: {  	[smem:$0x3FAA] =	sst s0  }
0x9: {  	[smem:$0x3FAB] =	sst s1  }
0xa: {  	[smem:$0x3FAC] =	sst s2  }
0xb: {  	[smem:$0x3FAD] =	sst s3  }
0xc: {  	[smem:$0x3FAE] =	sst s4  }
0xd: {  	[smem:$0x3FAF] =	sst s5  }
0xe: {  	[smem:$0x3FB0] =	sst s6  }
0xf: {  	[smem:$0x3FB1] =	sst s7  }
0x10: {  	[smem:$0x3FB2] =	sst s8  }
0x11: {  	[smem:$0x3FB3] =	sst s9;
	s0 =	simm.s32 @!p0 $0x0  }
0x12: {  	s1 =	sld [smem:$0x3F99];
	s0 =	simm.s32 @p0 $0x1  }
0x13: {  	[smem:$0x3FB4] =	sst s0;
	s0 =	simm.s32 @!p1 $0x0  }
0x14: {  	s2 =	sld [smem:$0x3F98];
	s0 =	simm.s32 @p1 $0x1  }
0x15: {  	[smem:$0x3FB5] =	sst s0;
	s0 =	simm.s32 @!p2 $0x0  }
0x16: {  	s3 =	sld [smem:$0x3FDB];
	s0 =	simm.s32 @p2 $0x1  }
0x17: {  	s4 =	simm.s32 $0x1BF5;
	[smem:$0x3FB7] =	sst s0  }
0x18: {  	s0 =	sld [smem:$0x3F9A];
	_ =	swait.ge [sflag:s4], $0x0  }
0x19: {  	s7 =	sld [smem:$0x3F9B]  }
0x1a: {  	s8 =	sadd.s32 $0xFFFFE003, lr  }
0x1b: {  	s9 =	sadd.s32 $0xFFFFFEF7, lr;
	s5 =	simm.s32 $0xFFFFFFFF;
	p2 =	slt.u32 s8, $0xFFFFF086  }
0x1c: {  	p1 =	slt.u32 s9, $0xF7A;
	s5 =	simm.s32 @!p2 $0x0  }
0x1d: {  	s5 =	simm.s32 @p1 $0x1;
	p0 =	seq.s32 s7, s2  }
0x1e: {  	s7 =	smul.u32 @!p0 $0xF7A, s2;
	p2 =	seq.s32 @!p0 s5, $0x0  }
0x1f: {  	s9 =	smul.u32 $0xF7A, s1;
	s8 =	simm.s32 @!p0 $0x1BF5;
	p2 =	por !p2, p0  }
0x20: {  	[sflag:s8] =	ssyncset.s32 @!p0 $0xFFFFF086;
	s6 =	sadd.s32 @!p0 s3, s7;
	s7 =	simm.s32 @!p0 $0x108  }
0x21: {  	s3 =	sadd.s32 s3, s9;
	s6 =	sadd.s32 @!p0 $0x88, s6;
	s7 =	simm.s32 @p2 $0x1082  }
0x22: {  	[simem:s7], [sflag:s8] =	dma.local @!p0 [hbm:s6], $0xF7A  }
0x23: {  	s9 =	sor.u32 $0xD0000000, s2;
	s6 =	simm.s32 $0x108;
	_ =	swait.ge @!p0 [sflag:s8], $0x0  }
0x24: {  	s3 =	sadd.s32 $0x88, s3;
	s6 =	simm.s32 @!p1 $0x1082;
	[sflag:s4] =	ssyncset.s32 $0xFFFFF086  }
0x25: {  	[simem:s6], [sflag:s4] =	dma.local [hbm:s3], $0xF7A  }
0x26: {  	[smem:$0x3F9B] =	sst s1;
	(tag) =	ssettag s2;
	_ =	strace s9  }
0x27: {  	s1 =	sld [smem:$0x3FAB]  }
0x28: {  	s2 =	sld [smem:$0x3FAC]  }
0x29: {  	s4 =	sld [smem:$0x3FAE]  }
0x2a: {  	p0 =	seq.s32 s5, $0x0;
	s5 =	sld [smem:$0x3FAF]  }
0x2b: {  	s6 =	sld [smem:$0x3FB0]  }
0x2c: {  	s7 =	sld [smem:$0x3FB1]  }
0x2d: {  	s3 =	simm.s32 $0x108;
	s8 =	sld [smem:$0x3FB2]  }
0x2e: {  	s3 =	simm.s32 @!p0 $0x1082;
	s9 =	sld [smem:$0x3FB3]  }
0x2f: {  	lr =	sadd.s32 s0, s3;
	s0 =	sld [smem:$0x3FAA]  }
0x30: {  	s3 =	sld [smem:$0x3FAD]  }
0x31: {  	[smem:$0x3FB6] =	sst s10  }
0x32: {  	s10 =	sld [smem:$0x3FB4];
	_ =	sdelay $0x3  }
0x33: {  	p0 =	seq.s32 s10, $0x1;
	s10 =	sld [smem:$0x3FB6];
	_ =	sdelay $0x3  }
0x34: {  	[smem:$0x3FB6] =	sst s10  }
0x35: {  	s10 =	sld [smem:$0x3FB5];
	_ =	sdelay $0x3  }
0x36: {  	p1 =	seq.s32 s10, $0x1;
	s10 =	sld [smem:$0x3FB6];
	_ =	sdelay $0x3  }
0x37: {  	[smem:$0x3FB6] =	sst s10  }
0x38: {  	s10 =	sld [smem:$0x3FB7]  }
0x39: {  	_ = 	snop;
	(pc) =	sbr.ind lr, $3  }
0x3a: {  	_ = 	snop  }
0x3b: {  	_ = 	snop  }
0x3c: {  	p2 =	seq.s32 s10, $0x1;
	s10 =	sld [smem:$0x3FB6]  }
0x3d: {  	_ =	shalt  }
0x3e: {  	_ =	shalt  }
0x3f: {  	_ =	shalt  }
0x40: {  	_ =	shalt  }
0x41: {  	_ =	shalt  }
0x42: {  	_ =	shalt  }
0x43: {  	_ =	shalt  }
0x44: {  	_ =	shalt  }
0x45: {  	_ =	shalt  }
0x46: {  	_ =	shalt  }
0x47: {  	_ =	shalt  }
0x48: {  	_ =	shalt  }
0x49: {  	_ =	shalt  }
0x4a: {  	_ =	shalt  }
0x4b: {  	_ =	shalt  }
0x4c: {  	_ =	shalt  }
0x4d: {  	_ =	shalt  }
0x4e: {  	_ =	shalt  }
0x4f: {  	_ =	shalt  }
0x50: {  	_ =	shalt  }
0x51: {  	_ =	shalt  }
0x52: {  	_ =	shalt  }
0x53: {  	_ =	shalt  }
0x54: {  	_ =	shalt  }
0x55: {  	_ =	shalt  }
0x56: {  	_ =	shalt  }
0x57: {  	_ =	shalt  }
0x58: {  	_ =	shalt  }
0x59: {  	_ =	shalt  }
0x5a: {  	_ =	shalt  }
0x5b: {  	_ =	shalt  }
0x5c: {  	_ =	shalt  }
0x5d: {  	_ =	shalt  }
0x5e: {  	_ =	shalt  }
0x5f: {  	_ =	shalt  }
0x60: {  	_ =	shalt  }
0x61: {  	_ =	shalt  }
0x62: {  	_ =	shalt  }
0x63: {  	_ =	shalt  }
0x64: {  	_ =	shalt  }
0x65: {  	_ =	shalt  }
0x66: {  	_ =	shalt  }
0x67: {  	_ =	shalt  }
0x68: {  	_ =	shalt  }
0x69: {  	_ =	shalt  }
0x6a: {  	_ =	shalt  }
0x6b: {  	_ =	shalt  }
0x6c: {  	_ =	shalt  }
0x6d: {  	_ =	shalt  }
0x6e: {  	_ =	shalt  }
0x6f: {  	_ =	shalt  }
0x70: {  	_ =	shalt  }
0x71: {  	_ =	shalt  }
0x72: {  	_ =	shalt  }
0x73: {  	_ =	shalt  }
0x74: {  	_ =	shalt  }
0x75: {  	_ =	shalt  }
0x76: {  	_ =	shalt  }
0x77: {  	_ =	shalt  }
0x78: {  	_ =	shalt  }
0x79: {  	_ =	shalt  }
0x7a: {  	_ =	shalt  }
0x7b: {  	_ =	shalt  }
0x7c: {  	_ =	shalt  }
0x7d: {  	_ =	shalt  }
0x7e: {  	_ =	shalt  }
0x7f: {  	_ =	shalt  }
0x80: {  	_ =	shalt  }
0x81: {  	_ =	shalt  }
0x82: {  	_ =	shalt  }
0x83: {  	_ =	shalt  }
0x84: {  	_ =	shalt  }
0x85: {  	_ =	shalt  }
0x86: {  	_ =	shalt  }
0x87: {  	_ =	shalt  }
.Lfunc_end0:
.L_simem_size_0:
called_computation_lowered:
.L_overlay_start_0:
0x88: {  	s2 =	sld [smem:$0x3FD9]  }
0x89: {  	s3 =	sld [smem:$0x3FFE];
	_ =	sdelay $0x1  }
0x8a: {  	s1 =	srdreg.scid  }
0x8b: {  	s0 =	sand.u32 $0x1, s1  }
0x8c: {  	s16 =	sshll.u32 s0, $0xA;
	s2 =	sadd.s32 s3, s2  }
0x8d: {  	s2 =	sadd.s32 s2, s16  }
0x8e: {  	[smem:$0x3FC2] =	sst s2  }
0x8f: {  	_ = 	snop  }
0x90: {  	(tm) =	ssettm $0x1  }
0x91: {  	s17 =	sld [smem:$0x3FFB];
	_ =	sdelay $0x3  }
0x92: {  	_ =	strace s17  }
0x93: {  	s2 =	sld [smem:$0x3FFC];
	_ =	sdelay $0x3  }
0x94: {  	_ =	strace s2  }
0x95: {  	s2 =	sld [smem:$0x3FFD];
	_ =	sdelay $0x3  }
0x96: {  	_ =	strace s2  }
0x97: {  	_ =	strace $0x8FFFFFFF  }
0x98: {  	s18 =	sld [smem:$0x3FDB];
	_ =	sdelay $0x1  }
0x99: {  	s19 =	simm.s32 $_scs_section_size  }
0x9a: {  	s4 =	simm.s32 $_size__tile_overlayer_lowered;
	s5 =	simm.s32 $_tile_overlayer_lowered  }
0x9b: {  	s22 =	simm.s32 $0x1BFF;
	s21 =	sshll.u32 s5, $0x1;
	s2 =	sadd.s32 s19, s18  }
0x9c: {  	s6 =	simm.s32 $0x0;
	s20 =	sshll.u32 s4, $0x1;
	s4 =	sadd.s32 s21, s2  }
0x9d: {  	[timem:s6], [sflag:s22] =	dma.local [hbm:s4], s20  }
0x9e: {  	_ =	swait.ge [sflag:s22], s20  }
0x9f: {  	s3 =	ssub.s32 $0x0, s20;
	[sflag:s22] =	ssyncset.done $0x0  }
0xa0: {  	[sflag:s22] =	ssyncadd.s32 s3;
	_ =	sdelay $0x1  }
0xa1: {  	s23 =	simm.s32 $0x1B8B  }
0xa2: {  	_ =	swait.ge [sflag:s23], $0x1  }
0xa3: {  	[sflag:s23] =	ssyncset.done $0x0  }
0xa4: {  	s25 =	simm.s32 $0x1B8E;
	s24 =	sld [smem:$0x3FFE];
	[sflag:s23] =	ssyncadd.s32 $0xFFFFFFFF  }
0xa5: {  	s26 =	simm.s32 $execute0_lowered;
	[smem:$0x3FD2] =	sst s25  }
0xa6: {  	s4 =	sshll.u32 s26, $0x1;
	_ =	strace $0x80000046;
	[dreg:$0x1] =	wrdreg $0xFFFFFFFF  }
0xa7: {  	s28 =	simm.s32 $_size_execute0_lowered;
	s2 =	sadd.s32 s2, s4;
	[dreg:$0x0] =	wrdreg $0x0  }
0xa8: {  	s4 =	sshll.u32 s28, $0x1;
	[dreg:$0x2] =	wrdreg s2  }
0xa9: {  	[dreg:$0x3] =	wrdreg s4  }
0xaa: {  	[dreg:$0x4] =	wrdreg $0xC0  }
0xab: {  	_ =	task [dreg:s6], $0x5FFFF  }
0xac: {  	[dreg:$0x1] =	wrdreg $0xFFFFFFFF  }
0xad: {  	[dreg:$0x0] =	wrdreg $0x60  }
0xae: {  	[dreg:$0x2] =	wrdreg s24  }
0xaf: {  	[dreg:$0x3] =	wrdreg $0x0  }
0xb0: {  	[dreg:$0x4] =	wrdreg $0x9  }
0xb1: {  	_ =	task.clear_ibuf [dreg:s6], $0x5FFFF;
	_ =	strace $0x90000046  }
0xb2: {  	s29 =	simm.s32 $0x9;
	_ =	strace $0x80000048  }
0xb3: {  	_ =	swait.ge [sflag:s29], $0x1  }
0xb4: {  	[sflag:s29] =	ssyncadd.s32 $0xFFFFFFFF  }
0xb5: {  	_ =	strace $0x90000048  }
0xb6: {  	_ =	sfence  }
0xb7: {  	s30 =	sld [smem:$0x0];
	_ =	sdelay $0x2  }
0xb8: {  	s31 =	sshll.u32 s1, $0xD;
	s1 =	sshrl.u32 s1, $0x2  }
0xb9: {  	s3 =	sand.u32 $0x4000, s31;
	s1 =	sadd.s32 s1, s30  }
0xba: {  	s0 =	sor.u32 s3, s0;
	s1 =	sshll.u32 s1, $0x11  }
0xbb: {  	s0 =	sor.u32 s1, s0  }
0xbc: {  	s0 =	sadd.s32 $0x8F2B, s0  }
0xbd: {  	[sflag:s0] =	ssyncadd.remote.s32 $0x1  }
0xbe: {  	_ =	sfence.sel $0xFFFF  }
0xbf: {  	[dreg:$0x0] =	wrdreg $0xFFFFFFFF;
	(pc) =	sbr.abs _section_cstart, $3  }
0xc0: {  	[dreg:$0x1] =	wrdreg $0xFFFFFFFF  }
0xc1: {  	_ =	task.clear_ibuf [dreg:s6], $0x2FFFF;
	_ =	strace $0x9FFFFFFF  }
0xc2: {  	(tm) =	ssettm $0x7FFFFFFF  }
0xc3: {  	_ =	shalt  }
tec
execute0_lowered:
.L_overlay_start_1:
0x0: {  	(tag) =	ssettag $0x1  }
0x1: {  	s4 =	rddreg [dreg:$0x0];
	s0 =	stileid.u32  }
0x2: {  	s1 =	srdreg.scid;
	s2 =	rddreg [dreg:$0x1];
	s3 =	simm.s32 $0x0  }
0x3: {  	s12 =	simm.s32 $0x4980;
	s13 =	simm.s32 $0x2;
	s14 =	simm.s32 $0x2780  }
0x4: {  	s15 =	simm.s32 $0x1;
	s16 =	simm.s32 $0x200;
	s5 =	smul.u32 $0xA00, s0  }
0x5: {  	s17 =	simm.s32 $0x2980;
	s20 =	simm.s32 $0x0;
	s7 =	smul.u32 $0x4F0, s0  }
0x6: {  	s6 =	sand.u32 $0x1, s1;
	s1 =	rddreg [dreg:$0x2];
	s9 =	smul.u32 $0x9E00, s0  }
0x7: {  	[smem:$0x7FF] =	sst s3;
	s18 =	sshll.u32 s0, $0x6;
	s8 =	smul.u32 $0x4F00, s6  }
0x8: {  	_ =	strace $0x80000047;
	s6 =	ssub.s32 $0x2, s6;
	s18 =	sor.u32 $0x1C02, s18  }
0x9: {  	s11 =	sadd.s32 s5, s4;
	s29 =	sshrl.u32 s9, $0x2;
	s31 =	sshrl.u32 s6, $0x1  }
0xa: {  	s28 =	sadd.s32 s7, s8;
	s10 =	ssub.s32 s6, s31;
	s11 =	sadd.s32 $0x1400, s11  }
0xb: {  	s30 =	sadd.s32 s28, s4;
	s4 =	sadd.s32 s29, s2;
	s10 =	smax.u32 s10, $0x1  }
0xc: {  	s5 =	sadd.s32 $0x800, s4;
	s6 =	sadd.s32 $0x1000, s4;
	s7 =	sadd.s32 $0x1800, s4  }
0xd: {  	v0 =	vimm.f32 $1.000000000e+00;
	v1 =	vimm.f32 $0.0e+00;
	s8 =	sadd.s32 $0x2000, s4;
	s9 =	sadd.s32 $0xB600, s30;
	s19 =	sshrl.u32 s4, $0x3  }
.LBB2_1:
0xe: {  	s21 =	simm.s32 $0x10;
	[tilespmem:s17+$0x0] =	vst v0;
	s23 =	sand.u32 $0x7F0, s3;
	s22 =	simm.s32 $0x2980  }
.LBB2_2:
0xf: {  	p0 =	sne.s32 s21, $0x1FF0  }
0x10: {  	[tilespmem:s23+$0x4980] =	vst v1;
	s22 =	sadd.s32 $0x10, s22;
	s23 =	smov.u32 s21;
	s21 =	sadd.s32 $0x10, s21  }
.Ltmp0:
0x11: {  	(pc) =	sbr.rel @p0 .LBB2_2-.Ltmp0, $2  }
0x12: {  	_ =	sdelay $0x2  }
0x13: {  	s23 =	sand.u32 $0x7F0, s23;
	[tilespmem:s22+$0x0] =	vst v0  }
0x14: {  	[tilespmem:s23+$0x4980] =	vst v1  }
0x15: {  	[spmem:s4] =	stream.linear.scatter [tilespmem:s12], [sflag:$0x2], $0x800, $0x38;
	[tilespmem:$0x5180] =	vst v63  }
0x16: {  	_ =	swait.ge [sflag:s13], $0x800  }
0x17: {  	[sflag:s13] =	ssyncset.done $0x0  }
0x18: {  	[sflag:s13] =	ssyncadd.s32 $0xFFFFF800  }
0x19: {  	[spmem:s5] =	stream.linear.scatter [tilespmem:s12], [sflag:$0x2], $0x800, $0x38;
	[tilespmem:$0x5180] =	vst v63  }
0x1a: {  	_ =	swait.ge [sflag:s13], $0x800  }
0x1b: {  	[sflag:s13] =	ssyncset.done $0x0  }
0x1c: {  	[sflag:s13] =	ssyncadd.s32 $0xFFFFF800  }
0x1d: {  	[spmem:s6] =	stream.linear.scatter [tilespmem:s12], [sflag:$0x2], $0x800, $0x38;
	[tilespmem:$0x5180] =	vst v63  }
0x1e: {  	_ =	swait.ge [sflag:s13], $0x800  }
0x1f: {  	[sflag:s13] =	ssyncset.done $0x0  }
0x20: {  	[sflag:s13] =	ssyncadd.s32 $0xFFFFF800  }
0x21: {  	[spmem:s7] =	stream.linear.scatter [tilespmem:s12], [sflag:$0x2], $0x800, $0x38;
	[tilespmem:$0x5180] =	vst v63  }
0x22: {  	_ =	swait.ge [sflag:s13], $0x800  }
0x23: {  	[sflag:s13] =	ssyncset.done $0x0  }
0x24: {  	[sflag:s13] =	ssyncadd.s32 $0xFFFFF800  }
0x25: {  	[spmem:s8] =	stream.linear.scatter [tilespmem:s12], [sflag:$0x2], $0x780, $0x38;
	[tilespmem:$0x5180] =	vst v63  }
0x26: {  	_ =	swait.ge [sflag:s13], $0x780  }
0x27: {  	[sflag:s13] =	ssyncset.done $0x0  }
0x28: {  	[sflag:s13] =	ssyncadd.s32 $0xFFFFF880  }
0x29: {  	s21 =	sadd.s32 $0x0, s11;
	[bflag:$0x0] =	sbarrier.arrive $0xFFFF  }
0x2a: {  	[tilespmem:s14], [sflag:$0x1] =	stream.linear.gather [hbm4b:s21+s3], $0x200, $0x38;
	[tilespmem:$0x5180] =	vst v63  }
0x2b: {  	_ =	swait.ge [sflag:s15], $0x200  }
0x2c: {  	[sflag:s15] =	ssyncset.done $0x0  }
0x2d: {  	[sflag:s15] =	ssyncadd.s32 $0xFFFFFE00  }
0x2e: {  	[spmem:s2] =	stream.indirect.scatter.add.f32 [tilespmem:s17], [sflag:$0x2], $0x10, s14, s16, $0xb8;
	[tilespmem:$0x5180] =	vst v63  }
0x2f: {  	_ =	swait.ge [sflag:s13], $0x2000  }
0x30: {  	s22 =	simm.s32 $0x80;
	s21 =	simm.s32 $0x40;
	[sflag:s13] =	ssyncset.done $0x0  }
.LBB2_4:
0x31: {  	s23 =	sadd.s32 s21, s11  }
0x32: {  	[sflag:s13] =	ssyncadd.s32 $0xFFFFE000;
	s21 =	smov.u32 s22;
	s24 =	sadd.s32 $0x40, s22  }
0x33: {  	[tilespmem:s14], [sflag:$0x1] =	stream.linear.gather [hbm4b:s23+s3], $0x200, $0x38;
	[tilespmem:$0x5180] =	vst v63  }
0x34: {  	p0 =	sne.s32 s22, $0x9C0;
	_ =	swait.ge [sflag:s15], $0x200  }
.Ltmp1:
0x35: {  	[sflag:s15] =	ssyncset.done $0x0;
	(pc) =	sbr.rel @p0 .LBB2_4-.Ltmp1, $4  }
0x36: {  	[sflag:s15] =	ssyncadd.s32 $0xFFFFFE00  }
0x37: {  	[spmem:s2] =	stream.indirect.scatter.add.f32 [tilespmem:s17], [sflag:$0x2], $0x10, s14, s16, $0xb8;
	[tilespmem:$0x5180] =	vst v63  }
0x38: {  	_ =	swait.ge [sflag:s13], $0x2000  }
0x39: {  	s22 =	smov.u32 s24;
	[sflag:s13] =	ssyncset.done $0x0  }
0x3a: {  	s21 =	sadd.s32 s21, s11;
	[sflag:s13] =	ssyncadd.s32 $0xFFFFE000  }
0x3b: {  	[tilespmem:s14], [sflag:$0x1] =	stream.linear.gather [hbm4b:s21+s3], $0x200, $0x38;
	[tilespmem:$0x5180] =	vst v63  }
0x3c: {  	_ =	swait.ge [sflag:s15], $0x200  }
0x3d: {  	[sflag:s15] =	ssyncset.done $0x0  }
0x3e: {  	[sflag:s15] =	ssyncadd.s32 $0xFFFFFE00  }
0x3f: {  	[spmem:s2] =	stream.indirect.scatter.add.f32 [tilespmem:s17], [sflag:$0x2], $0x10, s14, s16, $0xb8;
	[tilespmem:$0x5180] =	vst v63  }
0x40: {  	_ =	swait.ge [sflag:s13], $0x2000  }
0x41: {  	s20 =	sadd.s32 $0x1, s20;
	[sflag:s13] =	ssyncset.done $0x0  }
0x42: {  	p0 =	sne.s32 s20, s10;
	[sflag:s13] =	ssyncadd.s32 $0xFFFFE000  }
.Ltmp2:
0x43: {  	[bflag:$0x0] =	sbarrier.arrive $0xFFFF;
	(pc) =	sbr.rel @p0 .LBB2_1-.Ltmp2, $4  }
0x44: {  	[hbm:s9], [sflag:s18] =	dma.local [spmem:s19], $0x4F0  }
0x45: {  	_ =	swait.ge [sflag:s13], $0x4F0  }
0x46: {  	[sflag:s13] =	ssyncset.done $0x0  }
0x47: {  	[sflag:s13] =	ssyncadd.s32 $0xFFFFFB10  }
0x48: {  	_ =	sfence.sel $0x180000  }
0x49: {  	[bflag:$0x0] =	sbarrier.arrive $0xFFFF  }
0x4a: {  	p0 =	sne.s32 s0, $0x0;
	_ =	strace $0x90000047  }
0x4b: {  	s0 =	sadd.s32 @!p0 $0x100000, s1;
	[bflag:$0x2] =	sbarrier.arrive $0xFFFF  }
0x4c: {  	[sflag:s0] =	ssyncadd.tile.s32 @!p0 $0x1;
	_ =	shalt  }
.Lfunc_end2:
_tile_overlayer_lowered:
.L_overlay_start_2:
0x4d: {  	(tag) =	ssettag $0x2  }
0x4e: {  	s0 =	rddreg [dreg:$0x0];
	s2 =	stileid.u32  }
0x4f: {  	s1 =	rddreg [dreg:$0x1];
	p0 =	sne.s32 s2, $0x0  }
0x50: {  	s3 =	rddreg [dreg:$0x2];
	[bflag:$0x3] =	sbarrier.arrive $0xFFFF;
	s2 =	simm.s32 @!p0 $0x1C02  }
0x51: {  	[timem:s3], [sflag:s2] =	dma.local @!p0 [hbm:s0], s1  }
0x52: {  	s0 =	simm.s32 @!p0 $0x2  }
0x53: {  	_ =	swait.ge @!p0 [sflag:s0], s1  }
0x54: {  	s1 =	ssub.s32 @!p0 $0x0, s1;
	[sflag:s0] =	ssyncset.done @!p0 $0x0  }
0x55: {  	[sflag:s0] =	ssyncadd.s32 @!p0 s1  }
0x56: {  	[bflag:$0x3] =	sbarrier.arrive $0xFFFF  }
0x57: {  	_ =	shalt  }

// kernel: kernel.9.cloned.1.call-start
scs
__scs_entry_jumppad:
0x0: {  	(pc) =	sbr.rel $0x88, $3  }
0x1: {  	(tag) =	ssettag $0x0;
	lr =	simm.s32 $0x1  }
0x2: {  	[smem:$0x3F9B] =	sst lr;
	_ =	strace $0xD0000000  }
0x3: {  	_ = 	snop  }
0x4: {  	_ = 	snop  }
0x5: {  	_ = 	snop  }
0x6: {  	_ = 	snop  }
0x7: {  	_ = 	snop  }
__scs_overlays_trampoline_lowered:
0x8: {  	[smem:$0x3FAA] =	sst s0  }
0x9: {  	[smem:$0x3FAB] =	sst s1  }
0xa: {  	[smem:$0x3FAC] =	sst s2  }
0xb: {  	[smem:$0x3FAD] =	sst s3  }
0xc: {  	[smem:$0x3FAE] =	sst s4  }
0xd: {  	[smem:$0x3FAF] =	sst s5  }
0xe: {  	[smem:$0x3FB0] =	sst s6  }
0xf: {  	[smem:$0x3FB1] =	sst s7  }
0x10: {  	[smem:$0x3FB2] =	sst s8  }
0x11: {  	[smem:$0x3FB3] =	sst s9;
	s0 =	simm.s32 @!p0 $0x0  }
0x12: {  	s1 =	sld [smem:$0x3F99];
	s0 =	simm.s32 @p0 $0x1  }
0x13: {  	[smem:$0x3FB4] =	sst s0;
	s0 =	simm.s32 @!p1 $0x0  }
0x14: {  	s2 =	sld [smem:$0x3F98];
	s0 =	simm.s32 @p1 $0x1  }
0x15: {  	[smem:$0x3FB5] =	sst s0;
	s0 =	simm.s32 @!p2 $0x0  }
0x16: {  	s3 =	sld [smem:$0x3FDB];
	s0 =	simm.s32 @p2 $0x1  }
0x17: {  	s4 =	simm.s32 $0x1BF5;
	[smem:$0x3FB7] =	sst s0  }
0x18: {  	s0 =	sld [smem:$0x3F9A];
	_ =	swait.ge [sflag:s4], $0x0  }
0x19: {  	s7 =	sld [smem:$0x3F9B]  }
0x1a: {  	s8 =	sadd.s32 $0xFFFFE003, lr  }
0x1b: {  	s9 =	sadd.s32 $0xFFFFFEF7, lr;
	s5 =	simm.s32 $0xFFFFFFFF;
	p2 =	slt.u32 s8, $0xFFFFF086  }
0x1c: {  	p1 =	slt.u32 s9, $0xF7A;
	s5 =	simm.s32 @!p2 $0x0  }
0x1d: {  	s5 =	simm.s32 @p1 $0x1;
	p0 =	seq.s32 s7, s2  }
0x1e: {  	s7 =	smul.u32 @!p0 $0xF7A, s2;
	p2 =	seq.s32 @!p0 s5, $0x0  }
0x1f: {  	s9 =	smul.u32 $0xF7A, s1;
	s8 =	simm.s32 @!p0 $0x1BF5;
	p2 =	por !p2, p0  }
0x20: {  	[sflag:s8] =	ssyncset.s32 @!p0 $0xFFFFF086;
	s6 =	sadd.s32 @!p0 s3, s7;
	s7 =	simm.s32 @!p0 $0x108  }
0x21: {  	s3 =	sadd.s32 s3, s9;
	s6 =	sadd.s32 @!p0 $0x88, s6;
	s7 =	simm.s32 @p2 $0x1082  }
0x22: {  	[simem:s7], [sflag:s8] =	dma.local @!p0 [hbm:s6], $0xF7A  }
0x23: {  	s9 =	sor.u32 $0xD0000000, s2;
	s6 =	simm.s32 $0x108;
	_ =	swait.ge @!p0 [sflag:s8], $0x0  }
0x24: {  	s3 =	sadd.s32 $0x88, s3;
	s6 =	simm.s32 @!p1 $0x1082;
	[sflag:s4] =	ssyncset.s32 $0xFFFFF086  }
0x25: {  	[simem:s6], [sflag:s4] =	dma.local [hbm:s3], $0xF7A  }
0x26: {  	[smem:$0x3F9B] =	sst s1;
	(tag) =	ssettag s2;
	_ =	strace s9  }
0x27: {  	s1 =	sld [smem:$0x3FAB]  }
0x28: {  	s2 =	sld [smem:$0x3FAC]  }
0x29: {  	s4 =	sld [smem:$0x3FAE]  }
0x2a: {  	p0 =	seq.s32 s5, $0x0;
	s5 =	sld [smem:$0x3FAF]  }
0x2b: {  	s6 =	sld [smem:$0x3FB0]  }
0x2c: {  	s7 =	sld [smem:$0x3FB1]  }
0x2d: {  	s3 =	simm.s32 $0x108;
	s8 =	sld [smem:$0x3FB2]  }
0x2e: {  	s3 =	simm.s32 @!p0 $0x1082;
	s9 =	sld [smem:$0x3FB3]  }
0x2f: {  	lr =	sadd.s32 s0, s3;
	s0 =	sld [smem:$0x3FAA]  }
0x30: {  	s3 =	sld [smem:$0x3FAD]  }
0x31: {  	[smem:$0x3FB6] =	sst s10  }
0x32: {  	s10 =	sld [smem:$0x3FB4];
	_ =	sdelay $0x3  }
0x33: {  	p0 =	seq.s32 s10, $0x1;
	s10 =	sld [smem:$0x3FB6];
	_ =	sdelay $0x3  }
0x34: {  	[smem:$0x3FB6] =	sst s10  }
0x35: {  	s10 =	sld [smem:$0x3FB5];
	_ =	sdelay $0x3  }
0x36: {  	p1 =	seq.s32 s10, $0x1;
	s10 =	sld [smem:$0x3FB6];
	_ =	sdelay $0x3  }
0x37: {  	[smem:$0x3FB6] =	sst s10  }
0x38: {  	s10 =	sld [smem:$0x3FB7]  }
0x39: {  	_ = 	snop;
	(pc) =	sbr.ind lr, $3  }
0x3a: {  	_ = 	snop  }
0x3b: {  	_ = 	snop  }
0x3c: {  	p2 =	seq.s32 s10, $0x1;
	s10 =	sld [smem:$0x3FB6]  }
0x3d: {  	_ =	shalt  }
0x3e: {  	_ =	shalt  }
0x3f: {  	_ =	shalt  }
0x40: {  	_ =	shalt  }
0x41: {  	_ =	shalt  }
0x42: {  	_ =	shalt  }
0x43: {  	_ =	shalt  }
0x44: {  	_ =	shalt  }
0x45: {  	_ =	shalt  }
0x46: {  	_ =	shalt  }
0x47: {  	_ =	shalt  }
0x48: {  	_ =	shalt  }
0x49: {  	_ =	shalt  }
0x4a: {  	_ =	shalt  }
0x4b: {  	_ =	shalt  }
0x4c: {  	_ =	shalt  }
0x4d: {  	_ =	shalt  }
0x4e: {  	_ =	shalt  }
0x4f: {  	_ =	shalt  }
0x50: {  	_ =	shalt  }
0x51: {  	_ =	shalt  }
0x52: {  	_ =	shalt  }
0x53: {  	_ =	shalt  }
0x54: {  	_ =	shalt  }
0x55: {  	_ =	shalt  }
0x56: {  	_ =	shalt  }
0x57: {  	_ =	shalt  }
0x58: {  	_ =	shalt  }
0x59: {  	_ =	shalt  }
0x5a: {  	_ =	shalt  }
0x5b: {  	_ =	shalt  }
0x5c: {  	_ =	shalt  }
0x5d: {  	_ =	shalt  }
0x5e: {  	_ =	shalt  }
0x5f: {  	_ =	shalt  }
0x60: {  	_ =	shalt  }
0x61: {  	_ =	shalt  }
0x62: {  	_ =	shalt  }
0x63: {  	_ =	shalt  }
0x64: {  	_ =	shalt  }
0x65: {  	_ =	shalt  }
0x66: {  	_ =	shalt  }
0x67: {  	_ =	shalt  }
0x68: {  	_ =	shalt  }
0x69: {  	_ =	shalt  }
0x6a: {  	_ =	shalt  }
0x6b: {  	_ =	shalt  }
0x6c: {  	_ =	shalt  }
0x6d: {  	_ =	shalt  }
0x6e: {  	_ =	shalt  }
0x6f: {  	_ =	shalt  }
0x70: {  	_ =	shalt  }
0x71: {  	_ =	shalt  }
0x72: {  	_ =	shalt  }
0x73: {  	_ =	shalt  }
0x74: {  	_ =	shalt  }
0x75: {  	_ =	shalt  }
0x76: {  	_ =	shalt  }
0x77: {  	_ =	shalt  }
0x78: {  	_ =	shalt  }
0x79: {  	_ =	shalt  }
0x7a: {  	_ =	shalt  }
0x7b: {  	_ =	shalt  }
0x7c: {  	_ =	shalt  }
0x7d: {  	_ =	shalt  }
0x7e: {  	_ =	shalt  }
0x7f: {  	_ =	shalt  }
0x80: {  	_ =	shalt  }
0x81: {  	_ =	shalt  }
0x82: {  	_ =	shalt  }
0x83: {  	_ =	shalt  }
0x84: {  	_ =	shalt  }
0x85: {  	_ =	shalt  }
0x86: {  	_ =	shalt  }
0x87: {  	_ =	shalt  }
.Lfunc_end0:
.L_simem_size_0:
called_computation.1_lowered:
.L_overlay_start_0:
0x88: {  	s2 =	sld [smem:$0x3FD9]  }
0x89: {  	s3 =	sld [smem:$0x3FFE];
	_ =	sdelay $0x1  }
0x8a: {  	s1 =	srdreg.scid  }
0x8b: {  	s0 =	sand.u32 $0x1, s1  }
0x8c: {  	s17 =	sshll.u32 s0, $0xA;
	s2 =	sadd.s32 s3, s2  }
0x8d: {  	s2 =	sadd.s32 s2, s17  }
0x8e: {  	[smem:$0x3FC2] =	sst s2  }
0x8f: {  	_ = 	snop  }
0x90: {  	s2 =	sld [smem:$0x3FD0];
	(tm) =	ssettm $0x1  }
0x91: {  	s18 =	sld [smem:$0x3FFB];
	_ =	sdelay $0x3  }
0x92: {  	_ =	strace s18  }
0x93: {  	s3 =	sld [smem:$0x3FFC];
	_ =	sdelay $0x3  }
0x94: {  	_ =	strace s3  }
0x95: {  	s3 =	sld [smem:$0x3FFD];
	_ =	sdelay $0x3  }
0x96: {  	_ =	strace s3  }
0x97: {  	_ =	strace $0x8FFFFFFF  }
0x98: {  	s19 =	sld [smem:$0x3FDB];
	_ =	sdelay $0x1  }
0x99: {  	s4 =	simm.s32 $_scs_section_size  }
0x9a: {  	s5 =	simm.s32 $_size__tile_overlayer_lowered;
	s6 =	simm.s32 $_tile_overlayer_lowered  }
0x9b: {  	s22 =	simm.s32 $0x1BFF;
	s21 =	sshll.u32 s6, $0x1;
	s3 =	sadd.s32 s4, s19  }
0x9c: {  	s7 =	simm.s32 $0x0;
	s20 =	sshll.u32 s5, $0x1;
	s5 =	sadd.s32 s21, s3  }
0x9d: {  	[timem:s7], [sflag:s22] =	dma.local [hbm:s5], s20  }
0x9e: {  	_ =	swait.ge [sflag:s22], s20  }
0x9f: {  	s4 =	ssub.s32 $0x0, s20;
	[sflag:s22] =	ssyncset.done $0x0  }
0xa0: {  	[sflag:s22] =	ssyncadd.s32 s4;
	_ =	sdelay $0x1  }
0xa1: {  	s23 =	simm.s32 $0x1B8B  }
0xa2: {  	_ =	swait.ge [sflag:s23], $0x1  }
0xa3: {  	[sflag:s23] =	ssyncset.done $0x0  }
0xa4: {  	s25 =	simm.s32 $0x1B8E;
	s24 =	sld [smem:$0x3FFE];
	[sflag:s23] =	ssyncadd.s32 $0xFFFFFFFF  }
0xa5: {  	s26 =	simm.s32 $execute0_lowered;
	[smem:$0x3FD2] =	sst s25  }
0xa6: {  	s5 =	sshll.u32 s26, $0x1;
	_ =	strace $0x80000049;
	[dreg:$0x1] =	wrdreg $0xFFFFFFFF  }
0xa7: {  	s28 =	simm.s32 $_size_execute0_lowered;
	s3 =	sadd.s32 s3, s5;
	[dreg:$0x0] =	wrdreg $0x0  }
0xa8: {  	s5 =	sshll.u32 s28, $0x1;
	[dreg:$0x2] =	wrdreg s3  }
0xa9: {  	[dreg:$0x3] =	wrdreg s5  }
0xaa: {  	[dreg:$0x4] =	wrdreg $0xC0  }
0xab: {  	_ =	task [dreg:s7], $0x5FFFF  }
0xac: {  	[dreg:$0x1] =	wrdreg $0xFFFFFFFF  }
0xad: {  	[dreg:$0x0] =	wrdreg $0x60  }
0xae: {  	[dreg:$0x2] =	wrdreg s24  }
0xaf: {  	[dreg:$0x3] =	wrdreg s2  }
0xb0: {  	[dreg:$0x4] =	wrdreg $0x4F000  }
0xb1: {  	[dreg:$0x5] =	wrdreg $0x0  }
0xb2: {  	[dreg:$0x6] =	wrdreg $0x9  }
0xb3: {  	_ =	task.clear_ibuf [dreg:s7], $0x7FFFF;
	_ =	strace $0x90000049  }
0xb4: {  	s29 =	simm.s32 $0x9;
	_ =	strace $0x8000004B  }
0xb5: {  	_ =	swait.ge [sflag:s29], $0x1  }
0xb6: {  	[sflag:s29] =	ssyncadd.s32 $0xFFFFFFFF  }
0xb7: {  	_ =	strace $0x9000004B  }
0xb8: {  	_ =	sfence  }
0xb9: {  	s30 =	sld [smem:$0x0];
	_ =	sdelay $0x2  }
0xba: {  	s31 =	sshll.u32 s1, $0xD;
	s1 =	sshrl.u32 s1, $0x2  }
0xbb: {  	s3 =	sand.u32 $0x4000, s31;
	s1 =	sadd.s32 s1, s30  }
0xbc: {  	s0 =	sor.u32 s3, s0;
	s1 =	sshll.u32 s1, $0x11  }
0xbd: {  	s0 =	sor.u32 s1, s0  }
0xbe: {  	s0 =	sadd.s32 $0x8F2B, s0  }
0xbf: {  	[sflag:s0] =	ssyncadd.remote.s32 $0x1  }
0xc0: {  	_ =	sfence.sel $0xFFFF  }
0xc1: {  	[dreg:$0x0] =	wrdreg $0xFFFFFFFF;
	(pc) =	sbr.abs _section_cstart, $3  }
0xc2: {  	[dreg:$0x1] =	wrdreg $0xFFFFFFFF  }
0xc3: {  	_ =	task.clear_ibuf [dreg:s7], $0x2FFFF;
	_ =	strace $0x9FFFFFFF  }
0xc4: {  	(tm) =	ssettm $0x7FFFFFFF  }
0xc5: {  	_ =	shalt  }
tec
execute0_lowered:
.L_overlay_start_1:
0x0: {  	(tag) =	ssettag $0x1  }
0x1: {  	s0 =	rddreg [dreg:$0x0]  }
0x2: {  	s1 =	rddreg [dreg:$0x1]  }
0x3: {  	s2 =	rddreg [dreg:$0x2]  }
0x4: {  	s4 =	srdreg.scid;
	s17 =	stileid.u32  }
0x5: {  	s3 =	rddreg [dreg:$0x3];
	s6 =	smul.u32 $0x278, s17  }
0x6: {  	s30 =	simm.s32 $0xB;
	s31 =	simm.s32 $0xA800;
	s11 =	smul.u32 $0x4F00, s17  }
0x7: {  	s5 =	sand.u32 $0x1, s4;
	s4 =	simm.s32 $0x0;
	s18 =	smul.u32 $0x5000, s17  }
0x8: {  	s8 =	sadd.s32 $0x15400, s0;
	s24 =	smul.u32 $0xA00, s17;
	[smem:$0x7FF] =	sst s4  }
0x9: {  	s7 =	smul.u32 $0x2780, s5;
	s5 =	ssub.s32 $0x2, s5;
	_ =	strace $0x8000004A  }
0xa: {  	s10 =	sshrl.u32 s5, $0x1;
	s12 =	sadd.s32 s11, s2;
	s17 =	sadd.s32 $0x2000, s11  }
0xb: {  	s6 =	sadd.s32 s6, s7;
	s7 =	sadd.s32 $0x1400, s0;
	s5 =	ssub.s32 s5, s10  }
0xc: {  	[dreg:$0x7] =	wrdreg s12;
	s12 =	sadd.s32 $0x1000, s11;
	s10 =	sshrl.u32 s18, $0x3  }
0xd: {  	s18 =	sadd.s32 $0x3000, s11;
	s9 =	sshll.u32 s6, $0x1;
	s6 =	sshll.u32 s6, $0x2  }
0xe: {  	s23 =	sadd.s32 s8, s10;
	s29 =	sadd.s32 s12, s2;
	s9 =	sadd.s32 s9, s0  }
0xf: {  	s13 =	sadd.s32 s1, s6;
	s19 =	sadd.s32 $0x200, s6;
	[dreg:$0xd] =	wrdreg s23  }
0x10: {  	s14 =	sadd.s32 $0x400, s6;
	[dreg:$0x8] =	wrdreg s13;
	s15 =	sadd.s32 s1, s19  }
0x11: {  	s21 =	sadd.s32 $0x600, s6;
	s20 =	sadd.s32 s1, s14;
	[dreg:$0x9] =	wrdreg s15  }
0x12: {  	s22 =	sadd.s32 $0x800, s6;
	s16 =	sadd.s32 s1, s21;
	[dreg:$0xa] =	wrdreg s20  }
0x13: {  	s0 =	sadd.s32 $0x1F600, s0;
	s1 =	sadd.s32 s1, s22;
	[dreg:$0xb] =	wrdreg s16  }
0x14: {  	s6 =	sadd.s32 s0, s6;
	s25 =	sadd.s32 s0, s19;
	[dreg:$0xc] =	wrdreg s1  }
0x15: {  	s26 =	sadd.s32 s0, s14;
	s28 =	sadd.s32 s0, s21;
	[dreg:$0xe] =	wrdreg s6  }
0x16: {  	s0 =	sadd.s32 s0, s22;
	s13 =	sadd.s32 s7, s10;
	[dreg:$0xf] =	wrdreg s25  }
0x17: {  	s14 =	sor.u32 $0x40, s10;
	s19 =	sadd.s32 $0xB600, s9;
	[dreg:$0x10] =	wrdreg s26  }
0x18: {  	s21 =	sadd.s32 s17, s2;
	s22 =	sadd.s32 s18, s2;
	[dreg:$0x11] =	wrdreg s28  }
0x19: {  	s9 =	simm.s32 $0x9E00;
	s10 =	simm.s32 $0xA000;
	[dreg:$0x12] =	wrdreg s0  }
0x1a: {  	s6 =	sadd.s32 s24, s7;
	[dreg:$0x13] =	wrdreg s13;
	s15 =	sadd.s32 s7, s14  }
0x1b: {  	s0 =	sadd.s32 s8, s14;
	s16 =	sadd.s32 s24, s8;
	[dreg:$0x16] =	wrdreg s19  }
0x1c: {  	s20 =	sadd.s32 $0x4000, s11;
	s26 =	sadd.s32 s11, s3;
	[dreg:$0x17] =	wrdreg s21  }
0x1d: {  	s24 =	sadd.s32 s12, s3;
	s1 =	sadd.s32 s17, s3;
	[dreg:$0x19] =	wrdreg s22  }
0x1e: {  	s28 =	smax.u32 s5, $0x1;
	s7 =	simm.s32 $0xAE00;
	s8 =	simm.s32 $0xEE00  }
0x1f: {  	s12 =	simm.s32 $0xA200;
	s13 =	simm.s32 $0xA400;
	[dreg:$0x5] =	wrdreg s6  }
0x20: {  	s14 =	simm.s32 $0x1;
	s11 =	simm.s32 $0x5;
	[dreg:$0x14] =	wrdreg s15  }
0x21: {  	s17 =	simm.s32 $0x2;
	s19 =	simm.s32 $0xAA00;
	[dreg:$0x15] =	wrdreg s0  }
0x22: {  	s5 =	simm.s32 $0x3;
	s22 =	simm.s32 $0x4;
	[dreg:$0x6] =	wrdreg s16  }
0x23: {  	s21 =	simm.s32 $0x0;
	[dreg:$0x18] =	wrdreg s1;
	s0 =	sadd.s32 s18, s3  }
0x24: {  	s23 =	sadd.s32 s20, s2;
	s25 =	sadd.s32 s20, s3;
	[dreg:$0x1d] =	wrdreg s28  }
0x25: {  	s15 =	simm.s32 $0x9;
	s16 =	simm.s32 $0x200;
	[dreg:$0x1a] =	wrdreg s0  }
0x26: {  	s20 =	simm.s32 $0xA600;
	s18 =	simm.s32 $0xA;
	[dreg:$0x1b] =	wrdreg s23  }
0x27: {  	v0 =	vimm.f32 $0.0e+00;
	s6 =	simm.s32 $0x6;
	[dreg:$0x1c] =	wrdreg s25;
	s0 =	simm.s32 $0xAC00  }
.LBB2_1:
0x28: {  	[dreg:$0x1e] =	wrdreg s21;
	s21 =	simm.s32 $0x80;
	s23 =	simm.s32 $0x0  }
.LBB2_2:
0x29: {  	p0 =	sne.s32 s21, $0x3F80;
	[tilespmem:s23+$0x12E00] =	vst v0;
	s25 =	smov.u32 s21;
	s21 =	sadd.s32 $0x80, s21  }
.Ltmp0:
0x2a: {  	[tilespmem:s23+$0x12E10] =	vst v0;
	(pc) =	sbr.rel @p0 .LBB2_2-.Ltmp0, $2  }
0x2b: {  	_ =	sdelay $0x2  }
0x2c: {  	s23 =	sshra.s32 s25, $0x2  }
0x2d: {  	[tilespmem:s23+$0x12E00] =	vst v0  }
0x2e: {  	[tilespmem:s23+$0x12E10] =	vst v0;
	s1 =	rddreg [dreg:$0x7];
	s21 =	simm.s32 $0x12E00  }
0x2f: {  	[spmem:s1] =	stream.linear.scatter [tilespmem:s21], [sflag:$0xB], $0x1000, $0x38;
	[tilespmem:$0x1FC00] =	vst v63  }
0x30: {  	_ =	swait.ge [sflag:s30], $0x1000  }
0x31: {  	[sflag:s30] =	ssyncset.done $0x0  }
0x32: {  	[sflag:s30] =	ssyncadd.s32 $0xFFFFF000  }
0x33: {  	[spmem:s29] =	stream.linear.scatter [tilespmem:s21], [sflag:$0xB], $0x1000, $0x38;
	[tilespmem:$0x1FC00] =	vst v63  }
0x34: {  	_ =	swait.ge [sflag:s30], $0x1000  }
0x35: {  	[sflag:s30] =	ssyncset.done $0x0  }
0x36: {  	s25 =	rddreg [dreg:$0x17];
	[sflag:s30] =	ssyncadd.s32 $0xFFFFF000  }
0x37: {  	[spmem:s25] =	stream.linear.scatter [tilespmem:s21], [sflag:$0xB], $0x1000, $0x38;
	[tilespmem:$0x1FC00] =	vst v63  }
0x38: {  	_ =	swait.ge [sflag:s30], $0x1000  }
0x39: {  	[sflag:s30] =	ssyncset.done $0x0  }
0x3a: {  	s23 =	rddreg [dreg:$0x19];
	[sflag:s30] =	ssyncadd.s32 $0xFFFFF000  }
0x3b: {  	[spmem:s23] =	stream.linear.scatter [tilespmem:s21], [sflag:$0xB], $0x1000, $0x38;
	[tilespmem:$0x1FC00] =	vst v63  }
0x3c: {  	_ =	swait.ge [sflag:s30], $0x1000  }
0x3d: {  	[sflag:s30] =	ssyncset.done $0x0  }
0x3e: {  	s25 =	rddreg [dreg:$0x1b];
	[sflag:s30] =	ssyncadd.s32 $0xFFFFF000  }
0x3f: {  	[spmem:s25] =	stream.linear.scatter [tilespmem:s21], [sflag:$0xB], $0xF00, $0x38;
	[tilespmem:$0x1FC00] =	vst v63  }
0x40: {  	_ =	swait.ge [sflag:s30], $0xF00  }
0x41: {  	s1 =	simm.s32 $0x0;
	[sflag:s30] =	ssyncset.done $0x0  }
0x42: {  	s25 =	simm.s32 $0x18D00;
	s23 =	rddreg [dreg:$0x16];
	[sflag:s30] =	ssyncadd.s32 $0xFFFFF100  }
0x43: {  	[tilespmem:s25], [sflag:$0xB] =	stream.linear.gather [hbm4b:s23+s1], $0x2780, $0x38;
	[tilespmem:$0x1FC00] =	vst v63  }
0x44: {  	_ =	swait.ge [sflag:s30], $0x2780  }
0x45: {  	[sflag:s30] =	ssyncset.done $0x0  }
0x46: {  	s23 =	simm.s32 $0x0;
	[sflag:s30] =	ssyncadd.s32 $0xFFFFD880  }
0x47: {  	v1 =	vld [tilespmem:s23+$0x18D00];
	_ =	sdelay $0x4  }
0x48: {  	v1 =	vadd.f32 $1.000000000e+00, v1;
	_ =	sdelay $0x1  }
0x49: {  	v2 =	vshra.s32 v1, $0x1;
	v3 =	vmul.f32 $5.000000000e-01, v1  }
0x4a: {  	(erf) = vrcp.f32 v1;
	v1 =	vsub.s32 $0x5F3759DF, v2  }
0x4b: {  	v2 =	vmul.f32 v1, v3;
	_ =	sdelay $0x1  }
0x4c: {  	v2 =	vmul.f32 v1, v2;
	_ =	sdelay $0x1  }
0x4d: {  	v2 =	vsub.f32 $1.500000000e+00, v2;
	_ =	sdelay $0x2  }
0x4e: {  	v1 =	vmul.f32 v1, v2  }
0x4f: {  	v2 =	vpop (erf)  }
0x50: {  	v4 =	vmul.f32 v1, v3;
	v2 =	vmul.f32 $8.999999760e-01, v2;
	_ =	sdelay $0x1  }
0x51: {  	s21 =	simm.s32 $0x10;
	v4 =	vmul.f32 v4, v1;
	[tilespmem:s23+$0x18D00] =	vst v2  }
0x52: {  	v2 =	vld [tilespmem:s21+$0x18D00]  }
0x53: {  	v4 =	vsub.f32 $1.500000000e+00, v4;
	_ =	sdelay $0x1  }
0x54: {  	v1 =	vmul.f32 v4, v1;
	_ =	sdelay $0x1  }
0x55: {  	s28 =	simm.s32 $0xC0;
	s25 =	simm.s32 $0x80;
	v3 =	vmul.f32 v1, v3;
	v2 =	vadd.f32 $1.000000000e+00, v2  }
.LBB2_4:
0x56: {  	p0 =	sne.s32 s28, $0x9DC0  }
0x57: {  	v4 =	vshra.s32 v2, $0x1;
	v5 =	vmul.f32 $5.000000000e-01, v2;
	(erf) = vrcp.f32 v2  }
0x58: {  	v3 =	vmul.f32 v3, v1;
	v2 =	vsub.s32 $0x5F3759DF, v4  }
0x59: {  	v4 =	vmul.f32 v2, v5  }
0x5a: {  	v3 =	vsub.f32 $1.500000000e+00, v3  }
0x5b: {  	v4 =	vmul.f32 v2, v4  }
0x5c: {  	v1 =	vmul.f32 v3, v1  }
0x5d: {  	v3 =	vsub.f32 $1.500000000e+00, v4  }
0x5e: {  	[tilespmem:s23+$0x1B480] =	vst v1;
	s23 =	smov.u32 s21  }
0x5f: {  	v1 =	vmul.f32 v2, v3  }
0x60: {  	v2 =	vpop (erf)  }
0x61: {  	v3 =	vmul.f32 v1, v5;
	v2 =	vmul.f32 $8.999999760e-01, v2;
	_ =	sdelay $0x1  }
0x62: {  	s21 =	sshra.s32 s25, $0x2;
	s25 =	smov.u32 s28;
	v3 =	vmul.f32 v3, v1;
	[tilespmem:s23+$0x18D00] =	vst v2  }
0x63: {  	v2 =	vld [tilespmem:s21+$0x18D00]  }
.Ltmp1:
0x64: {  	v3 =	vsub.f32 $1.500000000e+00, v3;
	(pc) =	sbr.rel @p0 .LBB2_4-.Ltmp1, $3  }
0x65: {  	_ = 	snop  }
0x66: {  	v1 =	vmul.f32 v3, v1;
	_ =	sdelay $0x1  }
0x67: {  	s28 =	sadd.s32 $0x40, s28;
	v2 =	vadd.f32 $1.000000000e+00, v2;
	v3 =	vmul.f32 v1, v5  }
0x68: {  	_ = 	snop  }
0x69: {  	(erf) = vrcp.f32 v2;
	_ =	sdelay $0x2  }
0x6a: {  	v3 =	vmul.f32 v3, v1;
	_ =	sdelay $0x1  }
0x6b: {  	v3 =	vsub.f32 $1.500000000e+00, v3;
	_ =	sdelay $0x3  }
0x6c: {  	v1 =	vmul.f32 v3, v1;
	v3 =	vpop (erf)  }
0x6d: {  	v3 =	vmul.f32 $8.999999760e-01, v3  }
0x6e: {  	[tilespmem:s23+$0x1B480] =	vst v1  }
0x6f: {  	s1 =	sshra.s32 s25, $0x2;
	[tilespmem:s21+$0x18D00] =	vst v3  }
0x70: {  	v1 =	vld [tilespmem:s1+$0x18D00];
	_ =	sdelay $0x2  }
0x71: {  	v3 =	vshra.s32 v2, $0x1;
	v2 =	vmul.f32 $5.000000000e-01, v2  }
0x72: {  	v3 =	vsub.s32 $0x5F3759DF, v3  }
0x73: {  	v4 =	vmul.f32 v3, v2;
	v1 =	vadd.f32 $1.000000000e+00, v1;
	_ =	sdelay $0x1  }
0x74: {  	v4 =	vmul.f32 v3, v4;
	v5 =	vshra.s32 v1, $0x1;
	v6 =	vmul.f32 $5.000000000e-01, v1  }
0x75: {  	v5 =	vsub.s32 $0x5F3759DF, v5  }
0x76: {  	v4 =	vsub.f32 $1.500000000e+00, v4;
	v7 =	vmul.f32 v5, v6;
	_ =	sdelay $0x1  }
0x77: {  	v3 =	vmul.f32 v3, v4;
	v7 =	vmul.f32 v5, v7;
	_ =	sdelay $0x1  }
0x78: {  	v61 =	vmul.f32 v3, v2;
	v60 =	vsub.f32 $1.500000000e+00, v7;
	_ =	sdelay $0x1  }
0x79: {  	v62 =	vmul.f32 v61, v3;
	v4 =	vmul.f32 v5, v60;
	_ =	sdelay $0x1  }
0x7a: {  	v5 =	vsub.f32 $1.500000000e+00, v62;
	v63 =	vmul.f32 v4, v6  }
0x7b: {  	(erf) = vrcp.f32 v1  }
0x7c: {  	v1 =	vmul.f32 v5, v3;
	v7 =	vmul.f32 v63, v4;
	_ =	sdelay $0x1  }
0x7d: {  	v2 =	vmul.f32 v1, v2;
	v3 =	vsub.f32 $1.500000000e+00, v7;
	_ =	sdelay $0x1  }
0x7e: {  	v2 =	vmul.f32 v2, v1;
	v3 =	vmul.f32 v3, v4;
	_ =	sdelay $0x1  }
0x7f: {  	v2 =	vsub.f32 $1.500000000e+00, v2;
	v4 =	vmul.f32 v3, v6;
	_ =	sdelay $0x1  }
0x80: {  	v4 =	vmul.f32 v4, v3;
	_ =	sdelay $0x1  }
0x81: {  	v1 =	vmul.f32 v2, v1;
	v2 =	vpop (erf);
	v4 =	vsub.f32 $1.500000000e+00, v4  }
0x82: {  	v2 =	vmul.f32 $8.999999760e-01, v2  }
0x83: {  	[tilespmem:s21+$0x1B480] =	vst v1;
	v1 =	vmul.f32 v4, v3  }
0x84: {  	[tilespmem:s1+$0x18D00] =	vst v2  }
0x85: {  	s25 =	simm.s32 $0x0;
	s28 =	simm.s32 $0x1EC00;
	[tilespmem:s1+$0x1B480] =	vst v1;
	s1 =	rddreg [dreg:$0x8]  }
0x86: {  	[tilespmem:s28], [sflag:$0xB] =	stream.linear.gather [hbm4b:s1+s25], $0x1000, $0x38;
	[tilespmem:$0x1FC00] =	vst v63  }
0x87: {  	_ =	swait.ge [sflag:s30], $0x1000  }
0x88: {  	[sflag:s30] =	ssyncset.done $0x0  }
0x89: {  	s21 =	simm.s32 $0x0;
	[sflag:s30] =	ssyncadd.s32 $0xFFFFF000  }
0x8a: {  	v1 =	vld [tilespmem:s21+$0x1EC10]  }
0x8b: {  	s23 =	simm.s32 $0x1B480;
	s25 =	simm.s32 $0x80;
	v2 =	vld [tilespmem:s21+$0x1EC00]  }
.LBB2_6:
0x8c: {  	p0 =	sne.s32 s25, $0x3F80;
	v3 =	vld [tilespmem:s23+$0x0];
	_ =	sdelay $0x4  }
0x8d: {  	v2 =	vmul.f32 v2, v3;
	v1 =	vmul.f32 v1, v3  }
.Ltmp2:
0x8e: {  	(pc) =	sbr.rel @p0 .LBB2_6-.Ltmp2, $4  }
0x8f: {  	[tilespmem:s21+$0x1EC00] =	vst v2;
	v2 =	vmul.f32 $1.000000010e-01, v2;
	v3 =	vmul.f32 $1.000000010e-01, v1  }
0x90: {  	s28 =	sshra.s32 s25, $0x2;
	[tilespmem:s21+$0x1EC10] =	vst v1  }
0x91: {  	v1 =	vld [tilespmem:s28+$0x1EC10];
	[tilespmem:s21+$0x13E00] =	vst v2  }
0x92: {  	s25 =	sadd.s32 $0x80, s25;
	s23 =	sadd.s32 $0x10, s23;
	v2 =	vld [tilespmem:s28+$0x1EC00];
	[tilespmem:s21+$0x13E10] =	vst v3;
	s21 =	smov.u32 s28  }
0x93: {  	v3 =	vld [tilespmem:s23+$0x0];
	_ =	sdelay $0x4  }
0x94: {  	v2 =	vmul.f32 v2, v3  }
0x95: {  	v1 =	vmul.f32 v1, v3  }
0x96: {  	[tilespmem:s21+$0x1EC00] =	vst v2;
	v2 =	vmul.f32 $1.000000010e-01, v2  }
0x97: {  	v3 =	vmul.f32 $1.000000010e-01, v1;
	[tilespmem:s21+$0x1EC10] =	vst v1  }
0x98: {  	[tilespmem:s21+$0x13E00] =	vst v2  }
0x99: {  	s25 =	simm.s32 $0x1EC00;
	[tilespmem:s21+$0x13E10] =	vst v3  }
0x9a: {  	[spmem:s26] =	stream.linear.scatter [tilespmem:s25], [sflag:$0xB], $0x1000, $0x38;
	[tilespmem:$0x1FC00] =	vst v63  }
0x9b: {  	_ =	swait.ge [sflag:s30], $0x1000  }
0x9c: {  	[sflag:s30] =	ssyncset.done $0x0  }
0x9d: {  	s28 =	simm.s32 $0x0;
	s1 =	rddreg [dreg:$0x9];
	[sflag:s30] =	ssyncadd.s32 $0xFFFFF000  }
0x9e: {  	[tilespmem:s25], [sflag:$0xB] =	stream.linear.gather [hbm4b:s1+s28], $0x1000, $0x38;
	[tilespmem:$0x1FC00] =	vst v63  }
0x9f: {  	_ =	swait.ge [sflag:s30], $0x1000  }
0xa0: {  	[sflag:s30] =	ssyncset.done $0x0  }
0xa1: {  	s21 =	simm.s32 $0x0;
	[sflag:s30] =	ssyncadd.s32 $0xFFFFF000  }
0xa2: {  	v1 =	vld [tilespmem:s21+$0x1EC10]  }
0xa3: {  	s23 =	simm.s32 $0x1BC80;
	s25 =	simm.s32 $0x80;
	v2 =	vld [tilespmem:s21+$0x1EC00]  }
.LBB2_8:
0xa4: {  	p0 =	sne.s32 s25, $0x3F80;
	v3 =	vld [tilespmem:s23+$0x0];
	_ =	sdelay $0x4  }
0xa5: {  	v2 =	vmul.f32 v2, v3;
	v1 =	vmul.f32 v1, v3  }
.Ltmp3:
0xa6: {  	(pc) =	sbr.rel @p0 .LBB2_8-.Ltmp3, $4  }
0xa7: {  	[tilespmem:s21+$0x1EC00] =	vst v2;
	v2 =	vmul.f32 $1.000000010e-01, v2;
	v3 =	vmul.f32 $1.000000010e-01, v1  }
0xa8: {  	s28 =	sshra.s32 s25, $0x2;
	[tilespmem:s21+$0x1EC10] =	vst v1  }
0xa9: {  	v1 =	vld [tilespmem:s28+$0x1EC10];
	[tilespmem:s21+$0x14E00] =	vst v2  }
0xaa: {  	s25 =	sadd.s32 $0x80, s25;
	s23 =	sadd.s32 $0x10, s23;
	v2 =	vld [tilespmem:s28+$0x1EC00];
	[tilespmem:s21+$0x14E10] =	vst v3;
	s21 =	smov.u32 s28  }
0xab: {  	v3 =	vld [tilespmem:s23+$0x0];
	_ =	sdelay $0x4  }
0xac: {  	v2 =	vmul.f32 v2, v3  }
0xad: {  	v1 =	vmul.f32 v1, v3  }
0xae: {  	[tilespmem:s21+$0x1EC00] =	vst v2;
	v2 =	vmul.f32 $1.000000010e-01, v2  }
0xaf: {  	v3 =	vmul.f32 $1.000000010e-01, v1;
	[tilespmem:s21+$0x1EC10] =	vst v1  }
0xb0: {  	[tilespmem:s21+$0x14E00] =	vst v2  }
0xb1: {  	s25 =	simm.s32 $0x1EC00;
	[tilespmem:s21+$0x14E10] =	vst v3  }
0xb2: {  	[spmem:s24] =	stream.linear.scatter [tilespmem:s25], [sflag:$0xB], $0x1000, $0x38;
	[tilespmem:$0x1FC00] =	vst v63  }
0xb3: {  	_ =	swait.ge [sflag:s30], $0x1000  }
0xb4: {  	[sflag:s30] =	ssyncset.done $0x0  }
0xb5: {  	s28 =	simm.s32 $0x0;
	s1 =	rddreg [dreg:$0xa];
	[sflag:s30] =	ssyncadd.s32 $0xFFFFF000  }
0xb6: {  	[tilespmem:s25], [sflag:$0xB] =	stream.linear.gather [hbm4b:s1+s28], $0x1000, $0x38;
	[tilespmem:$0x1FC00] =	vst v63  }
0xb7: {  	_ =	swait.ge [sflag:s30], $0x1000  }
0xb8: {  	[sflag:s30] =	ssyncset.done $0x0  }
0xb9: {  	s21 =	simm.s32 $0x0;
	[sflag:s30] =	ssyncadd.s32 $0xFFFFF000  }
0xba: {  	v1 =	vld [tilespmem:s21+$0x1EC10]  }
0xbb: {  	s23 =	simm.s32 $0x1C480;
	s25 =	simm.s32 $0x80;
	v2 =	vld [tilespmem:s21+$0x1EC00]  }
.LBB2_10:
0xbc: {  	p0 =	sne.s32 s25, $0x3F80;
	v3 =	vld [tilespmem:s23+$0x0];
	_ =	sdelay $0x4  }
0xbd: {  	v2 =	vmul.f32 v2, v3;
	v1 =	vmul.f32 v1, v3  }
.Ltmp4:
0xbe: {  	(pc) =	sbr.rel @p0 .LBB2_10-.Ltmp4, $4  }
0xbf: {  	[tilespmem:s21+$0x1EC00] =	vst v2;
	v2 =	vmul.f32 $1.000000010e-01, v2;
	v3 =	vmul.f32 $1.000000010e-01, v1  }
0xc0: {  	s28 =	sshra.s32 s25, $0x2;
	[tilespmem:s21+$0x1EC10] =	vst v1  }
0xc1: {  	v1 =	vld [tilespmem:s28+$0x1EC10];
	[tilespmem:s21+$0x15E00] =	vst v2  }
0xc2: {  	s25 =	sadd.s32 $0x80, s25;
	s23 =	sadd.s32 $0x10, s23;
	v2 =	vld [tilespmem:s28+$0x1EC00];
	[tilespmem:s21+$0x15E10] =	vst v3;
	s21 =	smov.u32 s28  }
0xc3: {  	v3 =	vld [tilespmem:s23+$0x0];
	_ =	sdelay $0x4  }
0xc4: {  	v2 =	vmul.f32 v2, v3  }
0xc5: {  	v1 =	vmul.f32 v1, v3  }
0xc6: {  	[tilespmem:s21+$0x1EC00] =	vst v2;
	v2 =	vmul.f32 $1.000000010e-01, v2  }
0xc7: {  	v3 =	vmul.f32 $1.000000010e-01, v1;
	[tilespmem:s21+$0x1EC10] =	vst v1  }
0xc8: {  	[tilespmem:s21+$0x15E00] =	vst v2  }
0xc9: {  	s1 =	rddreg [dreg:$0x18];
	[tilespmem:s21+$0x15E10] =	vst v3;
	s21 =	simm.s32 $0x1EC00  }
0xca: {  	[spmem:s1] =	stream.linear.scatter [tilespmem:s21], [sflag:$0xB], $0x1000, $0x38;
	[tilespmem:$0x1FC00] =	vst v63  }
0xcb: {  	_ =	swait.ge [sflag:s30], $0x1000  }
0xcc: {  	[sflag:s30] =	ssyncset.done $0x0  }
0xcd: {  	s25 =	simm.s32 $0x0;
	s28 =	rddreg [dreg:$0xb];
	[sflag:s30] =	ssyncadd.s32 $0xFFFFF000  }
0xce: {  	[tilespmem:s21], [sflag:$0xB] =	stream.linear.gather [hbm4b:s28+s25], $0x1000, $0x38;
	[tilespmem:$0x1FC00] =	vst v63  }
0xcf: {  	_ =	swait.ge [sflag:s30], $0x1000  }
0xd0: {  	[sflag:s30] =	ssyncset.done $0x0  }
0xd1: {  	s21 =	simm.s32 $0x0;
	[sflag:s30] =	ssyncadd.s32 $0xFFFFF000  }
0xd2: {  	v1 =	vld [tilespmem:s21+$0x1EC10]  }
0xd3: {  	s23 =	simm.s32 $0x1CC80;
	s25 =	simm.s32 $0x80;
	v2 =	vld [tilespmem:s21+$0x1EC00]  }
.LBB2_12:
0xd4: {  	p0 =	sne.s32 s25, $0x3F80;
	v3 =	vld [tilespmem:s23+$0x0];
	_ =	sdelay $0x4  }
0xd5: {  	v2 =	vmul.f32 v2, v3;
	v1 =	vmul.f32 v1, v3  }
.Ltmp5:
0xd6: {  	(pc) =	sbr.rel @p0 .LBB2_12-.Ltmp5, $4  }
0xd7: {  	[tilespmem:s21+$0x1EC00] =	vst v2;
	v2 =	vmul.f32 $1.000000010e-01, v2;
	v3 =	vmul.f32 $1.000000010e-01, v1  }
0xd8: {  	s28 =	sshra.s32 s25, $0x2;
	[tilespmem:s21+$0x1EC10] =	vst v1  }
0xd9: {  	v1 =	vld [tilespmem:s28+$0x1EC10];
	[tilespmem:s21+$0x16E00] =	vst v2  }
0xda: {  	s25 =	sadd.s32 $0x80, s25;
	s23 =	sadd.s32 $0x10, s23;
	v2 =	vld [tilespmem:s28+$0x1EC00];
	[tilespmem:s21+$0x16E10] =	vst v3;
	s21 =	smov.u32 s28  }
0xdb: {  	v3 =	vld [tilespmem:s23+$0x0];
	_ =	sdelay $0x4  }
0xdc: {  	v2 =	vmul.f32 v2, v3  }
0xdd: {  	v1 =	vmul.f32 v1, v3  }
0xde: {  	[tilespmem:s21+$0x1EC00] =	vst v2;
	v2 =	vmul.f32 $1.000000010e-01, v2  }
0xdf: {  	v3 =	vmul.f32 $1.000000010e-01, v1;
	[tilespmem:s21+$0x1EC10] =	vst v1  }
0xe0: {  	[tilespmem:s21+$0x16E00] =	vst v2  }
0xe1: {  	s1 =	rddreg [dreg:$0x1a];
	[tilespmem:s21+$0x16E10] =	vst v3;
	s21 =	simm.s32 $0x1EC00  }
0xe2: {  	[spmem:s1] =	stream.linear.scatter [tilespmem:s21], [sflag:$0xB], $0x1000, $0x38;
	[tilespmem:$0x1FC00] =	vst v63  }
0xe3: {  	_ =	swait.ge [sflag:s30], $0x1000  }
0xe4: {  	[sflag:s30] =	ssyncset.done $0x0  }
0xe5: {  	s25 =	simm.s32 $0x0;
	s28 =	rddreg [dreg:$0xc];
	[sflag:s30] =	ssyncadd.s32 $0xFFFFF000  }
0xe6: {  	[tilespmem:s21], [sflag:$0xB] =	stream.linear.gather [hbm4b:s28+s25], $0xF00, $0x38;
	[tilespmem:$0x1FC00] =	vst v63  }
0xe7: {  	_ =	swait.ge [sflag:s30], $0xF00  }
0xe8: {  	[sflag:s30] =	ssyncset.done $0x0  }
0xe9: {  	s21 =	simm.s32 $0x0;
	[sflag:s30] =	ssyncadd.s32 $0xFFFFF100  }
0xea: {  	v1 =	vld [tilespmem:s21+$0x1EC10]  }
0xeb: {  	s23 =	simm.s32 $0x1D480;
	s25 =	simm.s32 $0x80;
	v2 =	vld [tilespmem:s21+$0x1EC00]  }
.LBB2_14:
0xec: {  	p0 =	sne.s32 s25, $0x3B80;
	v3 =	vld [tilespmem:s23+$0x0];
	_ =	sdelay $0x4  }
0xed: {  	v2 =	vmul.f32 v2, v3;
	v1 =	vmul.f32 v1, v3  }
.Ltmp6:
0xee: {  	(pc) =	sbr.rel @p0 .LBB2_14-.Ltmp6, $4  }
0xef: {  	[tilespmem:s21+$0x1EC00] =	vst v2;
	v2 =	vmul.f32 $1.000000010e-01, v2;
	v3 =	vmul.f32 $1.000000010e-01, v1  }
0xf0: {  	s28 =	sshra.s32 s25, $0x2;
	[tilespmem:s21+$0x1EC10] =	vst v1  }
0xf1: {  	v1 =	vld [tilespmem:s28+$0x1EC10];
	[tilespmem:s21+$0x17E00] =	vst v2  }
0xf2: {  	s25 =	sadd.s32 $0x80, s25;
	s23 =	sadd.s32 $0x10, s23;
	v2 =	vld [tilespmem:s28+$0x1EC00];
	[tilespmem:s21+$0x17E10] =	vst v3;
	s21 =	smov.u32 s28  }
0xf3: {  	v3 =	vld [tilespmem:s23+$0x0];
	_ =	sdelay $0x4  }
0xf4: {  	v2 =	vmul.f32 v2, v3  }
0xf5: {  	v1 =	vmul.f32 v1, v3  }
0xf6: {  	[tilespmem:s21+$0x1EC00] =	vst v2;
	v2 =	vmul.f32 $1.000000010e-01, v2  }
0xf7: {  	v3 =	vmul.f32 $1.000000010e-01, v1;
	[tilespmem:s21+$0x1EC10] =	vst v1  }
0xf8: {  	[tilespmem:s21+$0x17E00] =	vst v2  }
0xf9: {  	s1 =	rddreg [dreg:$0x1c];
	s28 =	simm.s32 $0x1EC00;
	[tilespmem:s21+$0x17E10] =	vst v3  }
0xfa: {  	[spmem:s1] =	stream.linear.scatter [tilespmem:s28], [sflag:$0xB], $0xF00, $0x38;
	[tilespmem:$0x1FC00] =	vst v63  }
0xfb: {  	_ =	swait.ge [sflag:s30], $0xF00  }
0xfc: {  	[sflag:s30] =	ssyncset.done $0x0  }
0xfd: {  	[sflag:s30] =	ssyncadd.s32 $0xFFFFF100  }
0xfe: {  	s23 =	simm.s32 $0x0;
	[bflag:$0x0] =	sbarrier.arrive $0xFFFF  }
.LBB2_16:
0xff: {  	[tilespmem:s7], [sflag:$0x9] =	stream.linear.gather [spmem:s3], $0x4000, $0x38;
	[tilespmem:$0x1FC00] =	vst v63  }
0x100: {  	_ = 	snop  }
0x101: {  	[tilespmem:s8], [sflag:$0xA] =	stream.linear.gather [spmem:s3], $0x4000, $0x38;
	[tilespmem:$0x1FC00] =	vst v63  }
0x102: {  	s21 =	smov.u32 s24;
	s1 =	rddreg [dreg:$0xd];
	s25 =	simm.s32 $0x0  }
0x103: {  	[tilespmem:s9], [sflag:$0x1] =	stream.linear.gather [hbm4b:s1+s25], $0x200, $0x38;
	[tilespmem:$0x1FC00] =	vst v63  }
0x104: {  	s24 =	smov.u32 s29;
	s29 =	smov.u32 s26;
	s26 =	rddreg [dreg:$0x13]  }
0x105: {  	[tilespmem:s10], [sflag:$0x1] =	stream.linear.gather [hbm4b:s26+s25], $0x200, $0x38;
	[tilespmem:$0x1FC00] =	vst v63  }
0x106: {  	s28 =	rddreg [dreg:$0x15]  }
0x107: {  	[tilespmem:s12], [sflag:$0x2] =	stream.linear.gather [hbm4b:s28+s25], $0x200, $0x38;
	[tilespmem:$0x1FC00] =	vst v63  }
0x108: {  	s30 =	rddreg [dreg:$0x14]  }
0x109: {  	[tilespmem:s13], [sflag:$0x2] =	stream.linear.gather [hbm4b:s30+s25], $0x200, $0x38;
	[tilespmem:$0x1FC00] =	vst v63  }
0x10a: {  	_ =	swait.ge [sflag:s14], $0x200  }
0x10b: {  	[sflag:s14] =	ssyncset.done $0x0  }
0x10c: {  	[sflag:s14] =	ssyncadd.s32 $0xFFFFFE00  }
0x10d: {  	_ =	swait.ge [sflag:s14], $0x200  }
0x10e: {  	[sflag:s14] =	ssyncset.done $0x0  }
0x10f: {  	[sflag:s14] =	ssyncadd.s32 $0xFFFFFE00  }
0x110: {  	_ =	swait.ge [sflag:s15], $0x4000  }
0x111: {  	[sflag:s15] =	ssyncset.done $0x0;
	s1 =	rddreg [dreg:$0x6]  }
0x112: {  	s28 =	rddreg [dreg:$0x5];
	[sflag:s15] =	ssyncadd.s32 $0xFFFFC000;
	s25 =	sadd.s32 $0x0, s1  }
0x113: {  	[tilespmem:s7], [sflag:$0x5] =	stream.indirect.gather [spmem:s3], $0x20, s9, s16, $0xb8;
	[tilespmem:$0x1FC00] =	vst v63  }
0x114: {  	s28 =	sadd.s32 $0x0, s28;
	s30 =	sadd.s32 $0x80, s25  }
0x115: {  	[tilespmem:s20], [sflag:$0x3] =	stream.linear.gather [hbm4b:s30+s4], $0x200, $0x38;
	[tilespmem:$0x1FC00] =	vst v63  }
0x116: {  	s26 =	sadd.s32 $0x80, s28  }
0x117: {  	[tilespmem:s31], [sflag:$0x3] =	stream.linear.gather [hbm4b:s26+s4], $0x200, $0x38;
	[tilespmem:$0x1FC00] =	vst v63  }
0x118: {  	_ =	swait.ge [sflag:s11], $0x4000  }
0x119: {  	[sflag:s11] =	ssyncset.done $0x0  }
0x11a: {  	[sflag:s11] =	ssyncadd.s32 $0xFFFFC000  }
0x11b: {  	[spmem:s2] =	stream.indirect.scatter.add.f32 [tilespmem:s7], [sflag:$0x9], $0x20, s10, s16, $0xb8;
	[tilespmem:$0x1FC00] =	vst v63  }
0x11c: {  	_ =	swait.ge [sflag:s17], $0x200  }
0x11d: {  	[sflag:s17] =	ssyncset.done $0x0  }
0x11e: {  	[sflag:s17] =	ssyncadd.s32 $0xFFFFFE00  }
0x11f: {  	_ =	swait.ge [sflag:s17], $0x200  }
0x120: {  	[sflag:s17] =	ssyncset.done $0x0  }
0x121: {  	[sflag:s17] =	ssyncadd.s32 $0xFFFFFE00  }
0x122: {  	_ =	swait.ge [sflag:s18], $0x4000  }
0x123: {  	[sflag:s18] =	ssyncset.done $0x0  }
0x124: {  	[sflag:s18] =	ssyncadd.s32 $0xFFFFC000  }
0x125: {  	[tilespmem:s8], [sflag:$0x6] =	stream.indirect.gather [spmem:s3], $0x20, s12, s16, $0xb8;
	[tilespmem:$0x1FC00] =	vst v63  }
0x126: {  	s1 =	sadd.s32 $0xC0, s25  }
0x127: {  	[tilespmem:s19], [sflag:$0x4] =	stream.linear.gather [hbm4b:s1+s4], $0x200, $0x38;
	[tilespmem:$0x1FC00] =	vst v63  }
0x128: {  	s26 =	sadd.s32 $0xC0, s28  }
0x129: {  	[tilespmem:s0], [sflag:$0x4] =	stream.linear.gather [hbm4b:s26+s4], $0x200, $0x38;
	[tilespmem:$0x1FC00] =	vst v63  }
0x12a: {  	_ =	swait.ge [sflag:s6], $0x4000  }
0x12b: {  	[sflag:s6] =	ssyncset.done $0x0  }
0x12c: {  	[sflag:s6] =	ssyncadd.s32 $0xFFFFC000  }
0x12d: {  	[spmem:s2] =	stream.indirect.scatter.add.f32 [tilespmem:s8], [sflag:$0xA], $0x20, s13, s16, $0xb8;
	[tilespmem:$0x1FC00] =	vst v63  }
0x12e: {  	_ =	swait.ge [sflag:s5], $0x200  }
0x12f: {  	[sflag:s5] =	ssyncset.done $0x0  }
0x130: {  	[sflag:s5] =	ssyncadd.s32 $0xFFFFFE00  }
0x131: {  	_ =	swait.ge [sflag:s5], $0x200  }
0x132: {  	[sflag:s5] =	ssyncset.done $0x0  }
0x133: {  	[sflag:s5] =	ssyncadd.s32 $0xFFFFFE00  }
0x134: {  	_ =	swait.ge [sflag:s15], $0x4000  }
0x135: {  	[sflag:s15] =	ssyncset.done $0x0  }
0x136: {  	[sflag:s15] =	ssyncadd.s32 $0xFFFFC000  }
0x137: {  	[tilespmem:s7], [sflag:$0x5] =	stream.indirect.gather [spmem:s3], $0x20, s20, s16, $0xb8;
	[tilespmem:$0x1FC00] =	vst v63  }
0x138: {  	s1 =	sadd.s32 $0x100, s25  }
0x139: {  	[tilespmem:s9], [sflag:$0x1] =	stream.linear.gather [hbm4b:s1+s4], $0x200, $0x38;
	[tilespmem:$0x1FC00] =	vst v63  }
0x13a: {  	s26 =	sadd.s32 $0x100, s28  }
0x13b: {  	[tilespmem:s10], [sflag:$0x1] =	stream.linear.gather [hbm4b:s26+s4], $0x200, $0x38;
	[tilespmem:$0x1FC00] =	vst v63  }
0x13c: {  	_ =	swait.ge [sflag:s11], $0x4000  }
0x13d: {  	[sflag:s11] =	ssyncset.done $0x0  }
0x13e: {  	[sflag:s11] =	ssyncadd.s32 $0xFFFFC000  }
0x13f: {  	[spmem:s2] =	stream.indirect.scatter.add.f32 [tilespmem:s7], [sflag:$0x9], $0x20, s31, s16, $0xb8;
	[tilespmem:$0x1FC00] =	vst v63  }
0x140: {  	_ =	swait.ge [sflag:s22], $0x200  }
0x141: {  	[sflag:s22] =	ssyncset.done $0x0  }
0x142: {  	[sflag:s22] =	ssyncadd.s32 $0xFFFFFE00  }
0x143: {  	_ =	swait.ge [sflag:s22], $0x200  }
0x144: {  	[sflag:s22] =	ssyncset.done $0x0  }
0x145: {  	[sflag:s22] =	ssyncadd.s32 $0xFFFFFE00  }
0x146: {  	_ =	swait.ge [sflag:s18], $0x4000  }
0x147: {  	[sflag:s18] =	ssyncset.done $0x0  }
0x148: {  	[sflag:s18] =	ssyncadd.s32 $0xFFFFC000  }
0x149: {  	[tilespmem:s8], [sflag:$0x6] =	stream.indirect.gather [spmem:s3], $0x20, s19, s16, $0xb8;
	[tilespmem:$0x1FC00] =	vst v63  }
0x14a: {  	s25 =	sadd.s32 $0x140, s25  }
0x14b: {  	[tilespmem:s12], [sflag:$0x2] =	stream.linear.gather [hbm4b:s25+s4], $0x200, $0x38;
	[tilespmem:$0x1FC00] =	vst v63  }
0x14c: {  	s30 =	sadd.s32 $0x140, s28  }
0x14d: {  	[tilespmem:s13], [sflag:$0x2] =	stream.linear.gather [hbm4b:s30+s4], $0x200, $0x38;
	[tilespmem:$0x1FC00] =	vst v63  }
0x14e: {  	s25 =	simm.s32 $0x100;
	_ =	swait.ge [sflag:s6], $0x4000  }
.LBB2_17:
0x14f: {  	[sflag:s6] =	ssyncset.done $0x0  }
0x150: {  	[sflag:s6] =	ssyncadd.s32 $0xFFFFC000  }
0x151: {  	[spmem:s2] =	stream.indirect.scatter.add.f32 [tilespmem:s8], [sflag:$0xA], $0x20, s0, s16, $0xb8;
	[tilespmem:$0x1FC00] =	vst v63  }
0x152: {  	_ =	swait.ge [sflag:s14], $0x200  }
0x153: {  	[sflag:s14] =	ssyncset.done $0x0  }
0x154: {  	[sflag:s14] =	ssyncadd.s32 $0xFFFFFE00  }
0x155: {  	_ =	swait.ge [sflag:s14], $0x200  }
0x156: {  	[sflag:s14] =	ssyncset.done $0x0  }
0x157: {  	[sflag:s14] =	ssyncadd.s32 $0xFFFFFE00  }
0x158: {  	_ =	swait.ge [sflag:s15], $0x4000  }
0x159: {  	s28 =	smov.u32 s25;
	[sflag:s15] =	ssyncset.done $0x0;
	s30 =	rddreg [dreg:$0x6]  }
0x15a: {  	s1 =	rddreg [dreg:$0x5];
	[sflag:s15] =	ssyncadd.s32 $0xFFFFC000;
	s30 =	sadd.s32 s28, s30  }
0x15b: {  	[tilespmem:s7], [sflag:$0x5] =	stream.indirect.gather [spmem:s3], $0x20, s9, s16, $0xb8;
	[tilespmem:$0x1FC00] =	vst v63  }
0x15c: {  	s28 =	sadd.s32 s28, s1;
	s26 =	sadd.s32 $0x80, s30  }
0x15d: {  	[tilespmem:s20], [sflag:$0x3] =	stream.linear.gather [hbm4b:s26+s4], $0x200, $0x38;
	[tilespmem:$0x1FC00] =	vst v63  }
0x15e: {  	s1 =	sadd.s32 $0x80, s28  }
0x15f: {  	[tilespmem:s31], [sflag:$0x3] =	stream.linear.gather [hbm4b:s1+s4], $0x200, $0x38;
	[tilespmem:$0x1FC00] =	vst v63  }
0x160: {  	_ =	swait.ge [sflag:s11], $0x4000  }
0x161: {  	[sflag:s11] =	ssyncset.done $0x0  }
0x162: {  	[sflag:s11] =	ssyncadd.s32 $0xFFFFC000  }
0x163: {  	[spmem:s2] =	stream.indirect.scatter.add.f32 [tilespmem:s7], [sflag:$0x9], $0x20, s10, s16, $0xb8;
	[tilespmem:$0x1FC00] =	vst v63  }
0x164: {  	_ =	swait.ge [sflag:s17], $0x200  }
0x165: {  	[sflag:s17] =	ssyncset.done $0x0  }
0x166: {  	[sflag:s17] =	ssyncadd.s32 $0xFFFFFE00  }
0x167: {  	_ =	swait.ge [sflag:s17], $0x200  }
0x168: {  	[sflag:s17] =	ssyncset.done $0x0  }
0x169: {  	[sflag:s17] =	ssyncadd.s32 $0xFFFFFE00  }
0x16a: {  	_ =	swait.ge [sflag:s18], $0x4000  }
0x16b: {  	[sflag:s18] =	ssyncset.done $0x0  }
0x16c: {  	[sflag:s18] =	ssyncadd.s32 $0xFFFFC000  }
0x16d: {  	[tilespmem:s8], [sflag:$0x6] =	stream.indirect.gather [spmem:s3], $0x20, s12, s16, $0xb8;
	[tilespmem:$0x1FC00] =	vst v63  }
0x16e: {  	s1 =	sadd.s32 $0xC0, s30  }
0x16f: {  	[tilespmem:s19], [sflag:$0x4] =	stream.linear.gather [hbm4b:s1+s4], $0x200, $0x38;
	[tilespmem:$0x1FC00] =	vst v63  }
0x170: {  	s26 =	sadd.s32 $0xC0, s28  }
0x171: {  	[tilespmem:s0], [sflag:$0x4] =	stream.linear.gather [hbm4b:s26+s4], $0x200, $0x38;
	[tilespmem:$0x1FC00] =	vst v63  }
0x172: {  	_ =	swait.ge [sflag:s6], $0x4000  }
0x173: {  	[sflag:s6] =	ssyncset.done $0x0  }
0x174: {  	[sflag:s6] =	ssyncadd.s32 $0xFFFFC000  }
0x175: {  	[spmem:s2] =	stream.indirect.scatter.add.f32 [tilespmem:s8], [sflag:$0xA], $0x20, s13, s16, $0xb8;
	[tilespmem:$0x1FC00] =	vst v63  }
0x176: {  	_ =	swait.ge [sflag:s5], $0x200  }
0x177: {  	[sflag:s5] =	ssyncset.done $0x0  }
0x178: {  	[sflag:s5] =	ssyncadd.s32 $0xFFFFFE00  }
0x179: {  	_ =	swait.ge [sflag:s5], $0x200  }
0x17a: {  	[sflag:s5] =	ssyncset.done $0x0  }
0x17b: {  	[sflag:s5] =	ssyncadd.s32 $0xFFFFFE00  }
0x17c: {  	_ =	swait.ge [sflag:s15], $0x4000  }
0x17d: {  	[sflag:s15] =	ssyncset.done $0x0  }
0x17e: {  	[sflag:s15] =	ssyncadd.s32 $0xFFFFC000  }
0x17f: {  	[tilespmem:s7], [sflag:$0x5] =	stream.indirect.gather [spmem:s3], $0x20, s20, s16, $0xb8;
	[tilespmem:$0x1FC00] =	vst v63  }
0x180: {  	s1 =	sadd.s32 $0x100, s30  }
0x181: {  	[tilespmem:s9], [sflag:$0x1] =	stream.linear.gather [hbm4b:s1+s4], $0x200, $0x38;
	[tilespmem:$0x1FC00] =	vst v63  }
0x182: {  	s26 =	sadd.s32 $0x100, s28  }
0x183: {  	[tilespmem:s10], [sflag:$0x1] =	stream.linear.gather [hbm4b:s26+s4], $0x200, $0x38;
	[tilespmem:$0x1FC00] =	vst v63  }
0x184: {  	_ =	swait.ge [sflag:s11], $0x4000  }
0x185: {  	[sflag:s11] =	ssyncset.done $0x0  }
0x186: {  	[sflag:s11] =	ssyncadd.s32 $0xFFFFC000  }
0x187: {  	[spmem:s2] =	stream.indirect.scatter.add.f32 [tilespmem:s7], [sflag:$0x9], $0x20, s31, s16, $0xb8;
	[tilespmem:$0x1FC00] =	vst v63  }
0x188: {  	_ =	swait.ge [sflag:s22], $0x200  }
0x189: {  	[sflag:s22] =	ssyncset.done $0x0  }
0x18a: {  	[sflag:s22] =	ssyncadd.s32 $0xFFFFFE00  }
0x18b: {  	_ =	swait.ge [sflag:s22], $0x200  }
0x18c: {  	[sflag:s22] =	ssyncset.done $0x0  }
0x18d: {  	[sflag:s22] =	ssyncadd.s32 $0xFFFFFE00  }
0x18e: {  	_ =	swait.ge [sflag:s18], $0x4000  }
0x18f: {  	[sflag:s18] =	ssyncset.done $0x0  }
0x190: {  	p0 =	sne.s32 s25, $0x900;
	[sflag:s18] =	ssyncadd.s32 $0xFFFFC000  }
0x191: {  	[tilespmem:s8], [sflag:$0x6] =	stream.indirect.gather [spmem:s3], $0x20, s19, s16, $0xb8;
	[tilespmem:$0x1FC00] =	vst v63  }
.Ltmp7:
0x192: {  	s26 =	sadd.s32 $0x140, s30;
	(pc) =	sbr.rel @p0 .LBB2_17-.Ltmp7, $4  }
0x193: {  	[tilespmem:s12], [sflag:$0x2] =	stream.linear.gather [hbm4b:s26+s4], $0x200, $0x38;
	[tilespmem:$0x1FC00] =	vst v63  }
0x194: {  	s30 =	sadd.s32 $0x140, s28  }
0x195: {  	[tilespmem:s13], [sflag:$0x2] =	stream.linear.gather [hbm4b:s30+s4], $0x200, $0x38;
	[tilespmem:$0x1FC00] =	vst v63  }
0x196: {  	s25 =	sadd.s32 $0x100, s25;
	_ =	swait.ge [sflag:s6], $0x4000  }
0x197: {  	[sflag:s6] =	ssyncset.done $0x0  }
0x198: {  	[sflag:s6] =	ssyncadd.s32 $0xFFFFC000  }
0x199: {  	[spmem:s2] =	stream.indirect.scatter.add.f32 [tilespmem:s8], [sflag:$0xA], $0x20, s0, s16, $0xb8;
	[tilespmem:$0x1FC00] =	vst v63  }
0x19a: {  	_ =	swait.ge [sflag:s14], $0x200  }
0x19b: {  	[sflag:s14] =	ssyncset.done $0x0  }
0x19c: {  	[sflag:s14] =	ssyncadd.s32 $0xFFFFFE00  }
0x19d: {  	_ =	swait.ge [sflag:s14], $0x200  }
0x19e: {  	[sflag:s14] =	ssyncset.done $0x0  }
0x19f: {  	[sflag:s14] =	ssyncadd.s32 $0xFFFFFE00  }
0x1a0: {  	_ =	swait.ge [sflag:s17], $0x200  }
0x1a1: {  	[sflag:s17] =	ssyncset.done $0x0  }
0x1a2: {  	[sflag:s17] =	ssyncadd.s32 $0xFFFFFE00  }
0x1a3: {  	_ =	swait.ge [sflag:s17], $0x200  }
0x1a4: {  	[sflag:s17] =	ssyncset.done $0x0  }
0x1a5: {  	[sflag:s17] =	ssyncadd.s32 $0xFFFFFE00  }
0x1a6: {  	_ =	swait.ge [sflag:s15], $0x4000  }
0x1a7: {  	[sflag:s15] =	ssyncset.done $0x0  }
0x1a8: {  	[sflag:s15] =	ssyncadd.s32 $0xFFFFC000  }
0x1a9: {  	_ =	swait.ge [sflag:s18], $0x4000  }
0x1aa: {  	[sflag:s18] =	ssyncset.done $0x0  }
0x1ab: {  	[sflag:s18] =	ssyncadd.s32 $0xFFFFC000  }
0x1ac: {  	[bflag:$0x0] =	sbarrier.arrive $0xFFFF  }
0x1ad: {  	s25 =	simm.s32 $0x1DC00;
	s1 =	rddreg [dreg:$0x7]  }
0x1ae: {  	[tilespmem:s25], [sflag:$0x5] =	stream.linear.gather [spmem:s1], $0x1000, $0x38;
	[tilespmem:$0x1FC00] =	vst v63  }
0x1af: {  	s25 =	simm.s32 $0x1EC00  }
0x1b0: {  	[tilespmem:s25], [sflag:$0x6] =	stream.linear.gather [spmem:s29], $0x1000, $0x38;
	[tilespmem:$0x1FC00] =	vst v63  }
0x1b1: {  	_ = 	snop  }
0x1b2: {  	[tilespmem:s7], [sflag:$0x7] =	stream.linear.gather [spmem:s24], $0x1000, $0x38;
	[tilespmem:$0x1FC00] =	vst v63  }
0x1b3: {  	_ = 	snop  }
0x1b4: {  	[tilespmem:s8], [sflag:$0x8] =	stream.linear.gather [spmem:s21], $0x1000, $0x38;
	[tilespmem:$0x1FC00] =	vst v63  }
0x1b5: {  	_ =	swait.ge [sflag:s11], $0x1000  }
0x1b6: {  	[sflag:s11] =	ssyncset.done $0x0  }
0x1b7: {  	[sflag:s11] =	ssyncadd.s32 $0xFFFFF000  }
0x1b8: {  	_ =	swait.ge [sflag:s6], $0x1000  }
0x1b9: {  	s26 =	smov.u32 s29;
	s29 =	smov.u32 s24;
	[sflag:s6] =	ssyncset.done $0x0  }
0x1ba: {  	s24 =	smov.u32 s21;
	s21 =	simm.s32 $0x0;
	[sflag:s6] =	ssyncadd.s32 $0xFFFFF000  }
0x1bb: {  	v1 =	vld [tilespmem:s21+$0x1EC00]  }
0x1bc: {  	v2 =	vld [tilespmem:s21+$0x1EC10]  }
0x1bd: {  	v3 =	vld [tilespmem:s21+$0x1DC10]  }
0x1be: {  	s28 =	simm.s32 $0x18D00;
	v4 =	vld [tilespmem:s21+$0x1DC00]  }
0x1bf: {  	v5 =	vld [tilespmem:s28+$0x0];
	_ =	sdelay $0x1  }
0x1c0: {  	v6 =	vld [tilespmem:s21+$0x13E10]  }
0x1c1: {  	v2 =	vadd.f32 v2, v3;
	v3 =	vld [tilespmem:s21+$0x13E00]  }
0x1c2: {  	v1 =	vadd.f32 v1, v4  }
0x1c3: {  	v2 =	vmul.f32 v2, v5  }
0x1c4: {  	v4 =	vmul.f32 v1, v5  }
0x1c5: {  	s25 =	simm.s32 $0x20;
	v5 =	vadd.f32 v2, v6  }
0x1c6: {  	v1 =	vld [tilespmem:s25+$0x1EC00];
	v4 =	vadd.f32 v4, v3  }
0x1c7: {  	v2 =	vld [tilespmem:s25+$0x1EC10];
	[tilespmem:s21+$0x1DC10] =	vst v5  }
0x1c8: {  	s30 =	simm.s32 $0x100;
	v3 =	vld [tilespmem:s25+$0x1DC10];
	[tilespmem:s21+$0x1DC00] =	vst v4  }
.LBB2_19:
0x1c9: {  	p0 =	sne.s32 s30, $0x3F80;
	v4 =	vld [tilespmem:s25+$0x1DC00];
	s28 =	sadd.s32 $0x10, s28  }
0x1ca: {  	v5 =	vld [tilespmem:s28+$0x0];
	_ =	sdelay $0x1  }
0x1cb: {  	v6 =	vld [tilespmem:s25+$0x13E10]  }
0x1cc: {  	v7 =	vld [tilespmem:s25+$0x13E00];
	v2 =	vadd.f32 v2, v3  }
0x1cd: {  	v1 =	vadd.f32 v1, v4  }
0x1ce: {  	v2 =	vmul.f32 v2, v5  }
.Ltmp8:
0x1cf: {  	v3 =	vmul.f32 v1, v5;
	(pc) =	sbr.rel @p0 .LBB2_19-.Ltmp8, $4  }
0x1d0: {  	s1 =	sshra.s32 s30, $0x2;
	v4 =	vadd.f32 v2, v6  }
0x1d1: {  	v1 =	vld [tilespmem:s1+$0x1EC00];
	v5 =	vadd.f32 v3, v7  }
0x1d2: {  	v2 =	vld [tilespmem:s1+$0x1EC10];
	[tilespmem:s25+$0x1DC10] =	vst v4  }
0x1d3: {  	s30 =	sadd.s32 $0x80, s30;
	v3 =	vld [tilespmem:s1+$0x1DC10];
	[tilespmem:s25+$0x1DC00] =	vst v5;
	s25 =	smov.u32 s1  }
0x1d4: {  	v4 =	vld [tilespmem:s25+$0x1DC00];
	s1 =	sadd.s32 $0x10, s28  }
0x1d5: {  	v5 =	vld [tilespmem:s1+$0x0];
	_ =	sdelay $0x1  }
0x1d6: {  	v6 =	vld [tilespmem:s25+$0x13E10]  }
0x1d7: {  	v7 =	vld [tilespmem:s25+$0x13E00];
	v2 =	vadd.f32 v2, v3  }
0x1d8: {  	v1 =	vadd.f32 v1, v4  }
0x1d9: {  	v2 =	vmul.f32 v2, v5  }
0x1da: {  	v1 =	vmul.f32 v1, v5  }
0x1db: {  	v2 =	vadd.f32 v2, v6  }
0x1dc: {  	v1 =	vadd.f32 v1, v7  }
0x1dd: {  	[tilespmem:s25+$0x1DC10] =	vst v2  }
0x1de: {  	[tilespmem:s25+$0x1DC00] =	vst v1;
	s25 =	simm.s32 $0x1DC00  }
0x1df: {  	[spmem:s26] =	stream.linear.scatter [tilespmem:s25], [sflag:$0x9], $0x1000, $0x38;
	[tilespmem:$0x1FC00] =	vst v63  }
0x1e0: {  	s21 =	simm.s32 $0x12E00;
	s1 =	rddreg [dreg:$0x7]  }
0x1e1: {  	[spmem:s1] =	stream.linear.scatter [tilespmem:s21], [sflag:$0xA], $0x1000, $0x38;
	[tilespmem:$0x1FC00] =	vst v63  }
0x1e2: {  	_ =	swait.ge [sflag:s15], $0x1000  }
0x1e3: {  	[sflag:s15] =	ssyncset.done $0x0  }
0x1e4: {  	s1 =	rddreg [dreg:$0x17];
	[sflag:s15] =	ssyncadd.s32 $0xFFFFF000  }
0x1e5: {  	[tilespmem:s25], [sflag:$0x5] =	stream.linear.gather [spmem:s1], $0x1000, $0x38;
	[tilespmem:$0x1FC00] =	vst v63  }
0x1e6: {  	s1 =	rddreg [dreg:$0x18];
	s25 =	simm.s32 $0x1EC00  }
0x1e7: {  	[tilespmem:s25], [sflag:$0x6] =	stream.linear.gather [spmem:s1], $0x1000, $0x38;
	[tilespmem:$0x1FC00] =	vst v63  }
0x1e8: {  	s25 =	simm.s32 $0x7  }
0x1e9: {  	_ =	swait.ge [sflag:s25], $0x1000  }
0x1ea: {  	[sflag:s25] =	ssyncset.done $0x0  }
0x1eb: {  	[sflag:s25] =	ssyncadd.s32 $0xFFFFF000;
	s25 =	simm.s32 $0x8  }
0x1ec: {  	_ =	swait.ge [sflag:s25], $0x1000  }
0x1ed: {  	[sflag:s25] =	ssyncset.done $0x0  }
0x1ee: {  	s1 =	simm.s32 $0x0;
	[sflag:s25] =	ssyncadd.s32 $0xFFFFF000  }
0x1ef: {  	v1 =	vld [tilespmem:s1+$0xEE00]  }
0x1f0: {  	v2 =	vld [tilespmem:s1+$0xEE10]  }
0x1f1: {  	v3 =	vld [tilespmem:s1+$0xAE10]  }
0x1f2: {  	s28 =	simm.s32 $0x19500;
	v4 =	vld [tilespmem:s1+$0xAE00]  }
0x1f3: {  	v5 =	vld [tilespmem:s28+$0x0];
	_ =	sdelay $0x1  }
0x1f4: {  	v63 =	vld [tilespmem:s1+$0x14E10]  }
0x1f5: {  	v2 =	vadd.f32 v2, v3;
	v3 =	vld [tilespmem:s1+$0x14E00]  }
0x1f6: {  	v1 =	vadd.f32 v1, v4  }
0x1f7: {  	v2 =	vmul.f32 v2, v5  }
0x1f8: {  	v4 =	vmul.f32 v1, v5  }
0x1f9: {  	s25 =	simm.s32 $0x20;
	v5 =	vadd.f32 v2, v63  }
0x1fa: {  	v1 =	vld [tilespmem:s25+$0xEE00];
	v4 =	vadd.f32 v4, v3  }
0x1fb: {  	v2 =	vld [tilespmem:s25+$0xEE10];
	[tilespmem:s1+$0xAE10] =	vst v5  }
0x1fc: {  	s30 =	simm.s32 $0x100;
	v3 =	vld [tilespmem:s25+$0xAE10];
	[tilespmem:s1+$0xAE00] =	vst v4  }
.LBB2_21:
0x1fd: {  	p0 =	sne.s32 s30, $0x3F80;
	v4 =	vld [tilespmem:s25+$0xAE00];
	s28 =	sadd.s32 $0x10, s28  }
0x1fe: {  	v5 =	vld [tilespmem:s28+$0x0];
	_ =	sdelay $0x1  }
0x1ff: {  	v6 =	vld [tilespmem:s25+$0x14E10]  }
0x200: {  	v7 =	vld [tilespmem:s25+$0x14E00];
	v2 =	vadd.f32 v2, v3  }
0x201: {  	v1 =	vadd.f32 v1, v4  }
0x202: {  	v2 =	vmul.f32 v2, v5  }
.Ltmp9:
0x203: {  	v3 =	vmul.f32 v1, v5;
	(pc) =	sbr.rel @p0 .LBB2_21-.Ltmp9, $4  }
0x204: {  	s1 =	sshra.s32 s30, $0x2;
	v4 =	vadd.f32 v2, v6  }
0x205: {  	v1 =	vld [tilespmem:s1+$0xEE00];
	v5 =	vadd.f32 v3, v7  }
0x206: {  	v2 =	vld [tilespmem:s1+$0xEE10];
	[tilespmem:s25+$0xAE10] =	vst v4  }
0x207: {  	s30 =	sadd.s32 $0x80, s30;
	v3 =	vld [tilespmem:s1+$0xAE10];
	[tilespmem:s25+$0xAE00] =	vst v5;
	s25 =	smov.u32 s1  }
0x208: {  	v4 =	vld [tilespmem:s25+$0xAE00];
	s1 =	sadd.s32 $0x10, s28  }
0x209: {  	v5 =	vld [tilespmem:s1+$0x0];
	_ =	sdelay $0x1  }
0x20a: {  	v6 =	vld [tilespmem:s25+$0x14E10]  }
0x20b: {  	v7 =	vld [tilespmem:s25+$0x14E00];
	v2 =	vadd.f32 v2, v3  }
0x20c: {  	v1 =	vadd.f32 v1, v4  }
0x20d: {  	v2 =	vmul.f32 v2, v5  }
0x20e: {  	v1 =	vmul.f32 v1, v5  }
0x20f: {  	v2 =	vadd.f32 v2, v6  }
0x210: {  	v1 =	vadd.f32 v1, v7  }
0x211: {  	[tilespmem:s25+$0xAE10] =	vst v2  }
0x212: {  	[tilespmem:s25+$0xAE00] =	vst v1  }
0x213: {  	[spmem:s24] =	stream.linear.scatter [tilespmem:s7], [sflag:$0x9], $0x1000, $0x38;
	[tilespmem:$0x1FC00] =	vst v63  }
0x214: {  	_ = 	snop  }
0x215: {  	[spmem:s29] =	stream.linear.scatter [tilespmem:s21], [sflag:$0xA], $0x1000, $0x38;
	[tilespmem:$0x1FC00] =	vst v63  }
0x216: {  	_ =	swait.ge [sflag:s15], $0x1000  }
0x217: {  	[sflag:s15] =	ssyncset.done $0x0  }
0x218: {  	s25 =	rddreg [dreg:$0x19];
	[sflag:s15] =	ssyncadd.s32 $0xFFFFF000  }
0x219: {  	[tilespmem:s7], [sflag:$0x7] =	stream.linear.gather [spmem:s25], $0x1000, $0x38;
	[tilespmem:$0x1FC00] =	vst v63  }
0x21a: {  	s25 =	rddreg [dreg:$0x1a]  }
0x21b: {  	[tilespmem:s8], [sflag:$0x8] =	stream.linear.gather [spmem:s25], $0x1000, $0x38;
	[tilespmem:$0x1FC00] =	vst v63  }
0x21c: {  	_ =	swait.ge [sflag:s11], $0x1000  }
0x21d: {  	[sflag:s11] =	ssyncset.done $0x0  }
0x21e: {  	[sflag:s11] =	ssyncadd.s32 $0xFFFFF000  }
0x21f: {  	_ =	swait.ge [sflag:s6], $0x1000  }
0x220: {  	[sflag:s6] =	ssyncset.done $0x0  }
0x221: {  	s1 =	simm.s32 $0x0;
	[sflag:s6] =	ssyncadd.s32 $0xFFFFF000  }
0x222: {  	v1 =	vld [tilespmem:s1+$0x1EC00]  }
0x223: {  	v2 =	vld [tilespmem:s1+$0x1EC10]  }
0x224: {  	v3 =	vld [tilespmem:s1+$0x1DC10]  }
0x225: {  	s28 =	simm.s32 $0x19D00;
	v4 =	vld [tilespmem:s1+$0x1DC00]  }
0x226: {  	v5 =	vld [tilespmem:s28+$0x0];
	_ =	sdelay $0x1  }
0x227: {  	v63 =	vld [tilespmem:s1+$0x15E10]  }
0x228: {  	v2 =	vadd.f32 v2, v3;
	v3 =	vld [tilespmem:s1+$0x15E00]  }
0x229: {  	v1 =	vadd.f32 v1, v4  }
0x22a: {  	v2 =	vmul.f32 v2, v5  }
0x22b: {  	v4 =	vmul.f32 v1, v5  }
0x22c: {  	s25 =	simm.s32 $0x20;
	v5 =	vadd.f32 v2, v63  }
0x22d: {  	v1 =	vld [tilespmem:s25+$0x1EC00];
	v4 =	vadd.f32 v4, v3  }
0x22e: {  	v2 =	vld [tilespmem:s25+$0x1EC10];
	[tilespmem:s1+$0x1DC10] =	vst v5  }
0x22f: {  	s30 =	simm.s32 $0x100;
	v3 =	vld [tilespmem:s25+$0x1DC10];
	[tilespmem:s1+$0x1DC00] =	vst v4  }
.LBB2_23:
0x230: {  	p0 =	sne.s32 s30, $0x3F80;
	v4 =	vld [tilespmem:s25+$0x1DC00];
	s28 =	sadd.s32 $0x10, s28  }
0x231: {  	v5 =	vld [tilespmem:s28+$0x0];
	_ =	sdelay $0x1  }
0x232: {  	v6 =	vld [tilespmem:s25+$0x15E10]  }
0x233: {  	v7 =	vld [tilespmem:s25+$0x15E00];
	v2 =	vadd.f32 v2, v3  }
0x234: {  	v1 =	vadd.f32 v1, v4  }
0x235: {  	v2 =	vmul.f32 v2, v5  }
.Ltmp10:
0x236: {  	v3 =	vmul.f32 v1, v5;
	(pc) =	sbr.rel @p0 .LBB2_23-.Ltmp10, $4  }
0x237: {  	s1 =	sshra.s32 s30, $0x2;
	v4 =	vadd.f32 v2, v6  }
0x238: {  	v1 =	vld [tilespmem:s1+$0x1EC00];
	v5 =	vadd.f32 v3, v7  }
0x239: {  	v2 =	vld [tilespmem:s1+$0x1EC10];
	[tilespmem:s25+$0x1DC10] =	vst v4  }
0x23a: {  	s30 =	sadd.s32 $0x80, s30;
	v3 =	vld [tilespmem:s1+$0x1DC10];
	[tilespmem:s25+$0x1DC00] =	vst v5;
	s25 =	smov.u32 s1  }
0x23b: {  	v4 =	vld [tilespmem:s25+$0x1DC00];
	s1 =	sadd.s32 $0x10, s28  }
0x23c: {  	v5 =	vld [tilespmem:s1+$0x0];
	_ =	sdelay $0x1  }
0x23d: {  	v6 =	vld [tilespmem:s25+$0x15E10]  }
0x23e: {  	v7 =	vld [tilespmem:s25+$0x15E00];
	v2 =	vadd.f32 v2, v3  }
0x23f: {  	v1 =	vadd.f32 v1, v4  }
0x240: {  	v2 =	vmul.f32 v2, v5  }
0x241: {  	v1 =	vmul.f32 v1, v5  }
0x242: {  	v2 =	vadd.f32 v2, v6  }
0x243: {  	v1 =	vadd.f32 v1, v7  }
0x244: {  	[tilespmem:s25+$0x1DC10] =	vst v2  }
0x245: {  	s1 =	rddreg [dreg:$0x18];
	[tilespmem:s25+$0x1DC00] =	vst v1;
	s25 =	simm.s32 $0x1DC00  }
0x246: {  	[spmem:s1] =	stream.linear.scatter [tilespmem:s25], [sflag:$0x9], $0x1000, $0x38;
	[tilespmem:$0x1FC00] =	vst v63  }
0x247: {  	s1 =	rddreg [dreg:$0x17]  }
0x248: {  	[spmem:s1] =	stream.linear.scatter [tilespmem:s21], [sflag:$0xA], $0x1000, $0x38;
	[tilespmem:$0x1FC00] =	vst v63  }
0x249: {  	_ =	swait.ge [sflag:s15], $0x1000  }
0x24a: {  	[sflag:s15] =	ssyncset.done $0x0  }
0x24b: {  	s1 =	rddreg [dreg:$0x1b];
	[sflag:s15] =	ssyncadd.s32 $0xFFFFF000  }
0x24c: {  	[tilespmem:s25], [sflag:$0x5] =	stream.linear.gather [spmem:s1], $0xF00, $0x38;
	[tilespmem:$0x1FC00] =	vst v63  }
0x24d: {  	s1 =	rddreg [dreg:$0x1c];
	s25 =	simm.s32 $0x1EC00  }
0x24e: {  	[tilespmem:s25], [sflag:$0x6] =	stream.linear.gather [spmem:s1], $0xF00, $0x38;
	[tilespmem:$0x1FC00] =	vst v63  }
0x24f: {  	s25 =	simm.s32 $0x7  }
0x250: {  	_ =	swait.ge [sflag:s25], $0x1000  }
0x251: {  	[sflag:s25] =	ssyncset.done $0x0  }
0x252: {  	[sflag:s25] =	ssyncadd.s32 $0xFFFFF000;
	s25 =	simm.s32 $0x8  }
0x253: {  	_ =	swait.ge [sflag:s25], $0x1000  }
0x254: {  	[sflag:s25] =	ssyncset.done $0x0  }
0x255: {  	s1 =	simm.s32 $0x0;
	[sflag:s25] =	ssyncadd.s32 $0xFFFFF000  }
0x256: {  	v1 =	vld [tilespmem:s1+$0xEE00]  }
0x257: {  	v2 =	vld [tilespmem:s1+$0xEE10]  }
0x258: {  	v3 =	vld [tilespmem:s1+$0xAE10]  }
0x259: {  	s28 =	simm.s32 $0x1A500;
	v4 =	vld [tilespmem:s1+$0xAE00]  }
0x25a: {  	v5 =	vld [tilespmem:s28+$0x0];
	_ =	sdelay $0x1  }
0x25b: {  	v63 =	vld [tilespmem:s1+$0x16E10]  }
0x25c: {  	v2 =	vadd.f32 v2, v3;
	v3 =	vld [tilespmem:s1+$0x16E00]  }
0x25d: {  	v1 =	vadd.f32 v1, v4  }
0x25e: {  	v2 =	vmul.f32 v2, v5  }
0x25f: {  	v4 =	vmul.f32 v1, v5  }
0x260: {  	s25 =	simm.s32 $0x20;
	v5 =	vadd.f32 v2, v63  }
0x261: {  	v1 =	vld [tilespmem:s25+$0xEE00];
	v4 =	vadd.f32 v4, v3  }
0x262: {  	v2 =	vld [tilespmem:s25+$0xEE10];
	[tilespmem:s1+$0xAE10] =	vst v5  }
0x263: {  	s30 =	simm.s32 $0x100;
	v3 =	vld [tilespmem:s25+$0xAE10];
	[tilespmem:s1+$0xAE00] =	vst v4  }
.LBB2_25:
0x264: {  	p0 =	sne.s32 s30, $0x3F80;
	v4 =	vld [tilespmem:s25+$0xAE00];
	s28 =	sadd.s32 $0x10, s28  }
0x265: {  	v5 =	vld [tilespmem:s28+$0x0];
	_ =	sdelay $0x1  }
0x266: {  	v6 =	vld [tilespmem:s25+$0x16E10]  }
0x267: {  	v7 =	vld [tilespmem:s25+$0x16E00];
	v2 =	vadd.f32 v2, v3  }
0x268: {  	v1 =	vadd.f32 v1, v4  }
0x269: {  	v2 =	vmul.f32 v2, v5  }
.Ltmp11:
0x26a: {  	v3 =	vmul.f32 v1, v5;
	(pc) =	sbr.rel @p0 .LBB2_25-.Ltmp11, $4  }
0x26b: {  	s1 =	sshra.s32 s30, $0x2;
	v4 =	vadd.f32 v2, v6  }
0x26c: {  	v1 =	vld [tilespmem:s1+$0xEE00];
	v5 =	vadd.f32 v3, v7  }
0x26d: {  	v2 =	vld [tilespmem:s1+$0xEE10];
	[tilespmem:s25+$0xAE10] =	vst v4  }
0x26e: {  	s30 =	sadd.s32 $0x80, s30;
	v3 =	vld [tilespmem:s1+$0xAE10];
	[tilespmem:s25+$0xAE00] =	vst v5;
	s25 =	smov.u32 s1  }
0x26f: {  	v4 =	vld [tilespmem:s25+$0xAE00];
	s1 =	sadd.s32 $0x10, s28  }
0x270: {  	v5 =	vld [tilespmem:s1+$0x0];
	_ =	sdelay $0x1  }
0x271: {  	v6 =	vld [tilespmem:s25+$0x16E10]  }
0x272: {  	v7 =	vld [tilespmem:s25+$0x16E00];
	v2 =	vadd.f32 v2, v3  }
0x273: {  	v1 =	vadd.f32 v1, v4  }
0x274: {  	v2 =	vmul.f32 v2, v5  }
0x275: {  	v1 =	vmul.f32 v1, v5  }
0x276: {  	v2 =	vadd.f32 v2, v6  }
0x277: {  	v1 =	vadd.f32 v1, v7  }
0x278: {  	[tilespmem:s25+$0xAE10] =	vst v2  }
0x279: {  	[tilespmem:s25+$0xAE00] =	vst v1;
	s25 =	rddreg [dreg:$0x1a]  }
0x27a: {  	[spmem:s25] =	stream.linear.scatter [tilespmem:s7], [sflag:$0x9], $0x1000, $0x38;
	[tilespmem:$0x1FC00] =	vst v63  }
0x27b: {  	s25 =	rddreg [dreg:$0x19]  }
0x27c: {  	[spmem:s25] =	stream.linear.scatter [tilespmem:s21], [sflag:$0xA], $0x1000, $0x38;
	[tilespmem:$0x1FC00] =	vst v63  }
0x27d: {  	_ =	swait.ge [sflag:s15], $0x1000  }
0x27e: {  	[sflag:s15] =	ssyncset.done $0x0  }
0x27f: {  	[sflag:s15] =	ssyncadd.s32 $0xFFFFF000  }
0x280: {  	_ =	swait.ge [sflag:s11], $0xF00  }
0x281: {  	[sflag:s11] =	ssyncset.done $0x0  }
0x282: {  	[sflag:s11] =	ssyncadd.s32 $0xFFFFF100  }
0x283: {  	_ =	swait.ge [sflag:s6], $0xF00  }
0x284: {  	[sflag:s6] =	ssyncset.done $0x0  }
0x285: {  	s1 =	simm.s32 $0x0;
	[sflag:s6] =	ssyncadd.s32 $0xFFFFF100  }
0x286: {  	v1 =	vld [tilespmem:s1+$0x1EC00]  }
0x287: {  	v2 =	vld [tilespmem:s1+$0x1EC10]  }
0x288: {  	v3 =	vld [tilespmem:s1+$0x1DC10]  }
0x289: {  	s28 =	simm.s32 $0x1AD00;
	v4 =	vld [tilespmem:s1+$0x1DC00]  }
0x28a: {  	v5 =	vld [tilespmem:s28+$0x0];
	_ =	sdelay $0x1  }
0x28b: {  	v63 =	vld [tilespmem:s1+$0x17E10]  }
0x28c: {  	v2 =	vadd.f32 v2, v3;
	v3 =	vld [tilespmem:s1+$0x17E00]  }
0x28d: {  	v1 =	vadd.f32 v1, v4  }
0x28e: {  	v2 =	vmul.f32 v2, v5  }
0x28f: {  	v4 =	vmul.f32 v1, v5  }
0x290: {  	s25 =	simm.s32 $0x20;
	v5 =	vadd.f32 v2, v63  }
0x291: {  	v1 =	vld [tilespmem:s25+$0x1EC00];
	v4 =	vadd.f32 v4, v3  }
0x292: {  	v2 =	vld [tilespmem:s25+$0x1EC10];
	[tilespmem:s1+$0x1DC10] =	vst v5  }
0x293: {  	s30 =	simm.s32 $0x100;
	v3 =	vld [tilespmem:s25+$0x1DC10];
	[tilespmem:s1+$0x1DC00] =	vst v4  }
.LBB2_27:
0x294: {  	p0 =	sne.s32 s30, $0x3B80;
	v4 =	vld [tilespmem:s25+$0x1DC00];
	s28 =	sadd.s32 $0x10, s28  }
0x295: {  	v5 =	vld [tilespmem:s28+$0x0];
	_ =	sdelay $0x1  }
0x296: {  	v6 =	vld [tilespmem:s25+$0x17E10]  }
0x297: {  	v7 =	vld [tilespmem:s25+$0x17E00];
	v2 =	vadd.f32 v2, v3  }
0x298: {  	v1 =	vadd.f32 v1, v4  }
0x299: {  	v2 =	vmul.f32 v2, v5  }
.Ltmp12:
0x29a: {  	v3 =	vmul.f32 v1, v5;
	(pc) =	sbr.rel @p0 .LBB2_27-.Ltmp12, $4  }
0x29b: {  	s1 =	sshra.s32 s30, $0x2;
	v4 =	vadd.f32 v2, v6  }
0x29c: {  	v1 =	vld [tilespmem:s1+$0x1EC00];
	v5 =	vadd.f32 v3, v7  }
0x29d: {  	v2 =	vld [tilespmem:s1+$0x1EC10];
	[tilespmem:s25+$0x1DC10] =	vst v4  }
0x29e: {  	s30 =	sadd.s32 $0x80, s30;
	v3 =	vld [tilespmem:s1+$0x1DC10];
	[tilespmem:s25+$0x1DC00] =	vst v5;
	s25 =	smov.u32 s1  }
0x29f: {  	v4 =	vld [tilespmem:s25+$0x1DC00];
	s1 =	sadd.s32 $0x10, s28  }
0x2a0: {  	v5 =	vld [tilespmem:s1+$0x0];
	_ =	sdelay $0x1  }
0x2a1: {  	v6 =	vld [tilespmem:s25+$0x17E10]  }
0x2a2: {  	v7 =	vld [tilespmem:s25+$0x17E00];
	v2 =	vadd.f32 v2, v3  }
0x2a3: {  	v1 =	vadd.f32 v1, v4  }
0x2a4: {  	v2 =	vmul.f32 v2, v5  }
0x2a5: {  	v1 =	vmul.f32 v1, v5  }
0x2a6: {  	v2 =	vadd.f32 v2, v6  }
0x2a7: {  	v1 =	vadd.f32 v1, v7  }
0x2a8: {  	[tilespmem:s25+$0x1DC10] =	vst v2  }
0x2a9: {  	s28 =	simm.s32 $0x1DC00;
	[tilespmem:s25+$0x1DC00] =	vst v1;
	s25 =	rddreg [dreg:$0x1c]  }
0x2aa: {  	[spmem:s25] =	stream.linear.scatter [tilespmem:s28], [sflag:$0x9], $0xF00, $0x38;
	[tilespmem:$0x1FC00] =	vst v63  }
0x2ab: {  	s30 =	rddreg [dreg:$0x1b]  }
0x2ac: {  	[spmem:s30] =	stream.linear.scatter [tilespmem:s21], [sflag:$0xA], $0xF00, $0x38;
	[tilespmem:$0x1FC00] =	vst v63  }
0x2ad: {  	_ =	swait.ge [sflag:s15], $0xF00  }
0x2ae: {  	[sflag:s15] =	ssyncset.done $0x0  }
0x2af: {  	[sflag:s15] =	ssyncadd.s32 $0xFFFFF100  }
0x2b0: {  	_ =	swait.ge [sflag:s18], $0x1000  }
0x2b1: {  	[sflag:s18] =	ssyncset.done $0x0  }
0x2b2: {  	[sflag:s18] =	ssyncadd.s32 $0xFFFFF000  }
0x2b3: {  	_ =	swait.ge [sflag:s18], $0x1000  }
0x2b4: {  	[sflag:s18] =	ssyncset.done $0x0  }
0x2b5: {  	[sflag:s18] =	ssyncadd.s32 $0xFFFFF000  }
0x2b6: {  	_ =	swait.ge [sflag:s18], $0x1000  }
0x2b7: {  	[sflag:s18] =	ssyncset.done $0x0  }
0x2b8: {  	[sflag:s18] =	ssyncadd.s32 $0xFFFFF000  }
0x2b9: {  	_ =	swait.ge [sflag:s18], $0x1000  }
0x2ba: {  	s23 =	sadd.s32 $0x1, s23;
	[sflag:s18] =	ssyncset.done $0x0  }
0x2bb: {  	p0 =	sne.s32 s23, $0xA;
	[sflag:s18] =	ssyncadd.s32 $0xFFFFF000  }
.Ltmp13:
0x2bc: {  	_ =	swait.ge [sflag:s18], $0xF00;
	(pc) =	sbr.rel @p0 .LBB2_16-.Ltmp13, $3  }
0x2bd: {  	[sflag:s18] =	ssyncset.done $0x0  }
0x2be: {  	[sflag:s18] =	ssyncadd.s32 $0xFFFFF100  }
0x2bf: {  	[bflag:$0x0] =	sbarrier.arrive $0xFFFF;
	_ =	sdelay $0x1  }
0x2c0: {  	s1 =	simm.s32 $0x1DC00;
	s30 =	simm.s32 $0xB  }
0x2c1: {  	[tilespmem:s1], [sflag:$0xB] =	stream.linear.gather [spmem:s26], $0x1000, $0x38;
	[tilespmem:$0x1FC00] =	vst v63  }
0x2c2: {  	_ =	swait.ge [sflag:s30], $0x1000  }
0x2c3: {  	[sflag:s30] =	ssyncset.done $0x0  }
0x2c4: {  	s28 =	simm.s32 $0x0;
	[sflag:s30] =	ssyncadd.s32 $0xFFFFF000  }
0x2c5: {  	v1 =	vld [tilespmem:s28+$0x1B480];
	_ =	sdelay $0x4  }
0x2c6: {  	(erf) = vrcp.f32 v1;
	_ =	sdelay $0x3  }
0x2c7: {  	s21 =	simm.s32 $0x1DC10  }
0x2c8: {  	v1 =	vld [tilespmem:s21+$0xFFFFFFF0]  }
0x2c9: {  	v2 =	vld [tilespmem:s21+$0x0];
	_ =	sdelay $0x2  }
0x2ca: {  	v3 =	vpop (erf)  }
0x2cb: {  	v1 =	vmul.f32 v3, v1  }
0x2cc: {  	v2 =	vmul.f32 v2, v3  }
0x2cd: {  	[tilespmem:s21+$0xFFFFFFF0] =	vst v1  }
0x2ce: {  	s25 =	simm.s32 $0x10;
	s23 =	simm.s32 $0x80;
	[tilespmem:s21+$0x0] =	vst v2  }
.LBB2_30:
0x2cf: {  	p0 =	sne.s32 s23, $0x1FC0;
	v1 =	vld [tilespmem:s25+$0x1B480];
	_ =	sdelay $0x4  }
0x2d0: {  	(erf) = vrcp.f32 v1;
	_ =	sdelay $0x2  }
0x2d1: {  	s21 =	sadd.s32 $0x20, s21  }
0x2d2: {  	v1 =	vld [tilespmem:s21+$0xFFFFFFF0]  }
0x2d3: {  	v2 =	vld [tilespmem:s21+$0x0];
	_ =	sdelay $0x3  }
.Ltmp14:
0x2d4: {  	v3 =	vpop (erf);
	(pc) =	sbr.rel @p0 .LBB2_30-.Ltmp14, $3  }
0x2d5: {  	v1 =	vmul.f32 v3, v1;
	v2 =	vmul.f32 v2, v3;
	_ =	sdelay $0x1  }
0x2d6: {  	[tilespmem:s21+$0xFFFFFFF0] =	vst v1  }
0x2d7: {  	s25 =	sshra.s32 s23, $0x2;
	s23 =	sadd.s32 $0x40, s23;
	[tilespmem:s21+$0x0] =	vst v2  }
0x2d8: {  	v1 =	vld [tilespmem:s25+$0x1B480];
	_ =	sdelay $0x4  }
0x2d9: {  	(erf) = vrcp.f32 v1;
	_ =	sdelay $0x3  }
0x2da: {  	s1 =	sadd.s32 $0x20, s21  }
0x2db: {  	v1 =	vld [tilespmem:s1+$0xFFFFFFF0]  }
0x2dc: {  	v2 =	vld [tilespmem:s1+$0x0];
	_ =	sdelay $0x2  }
0x2dd: {  	v3 =	vpop (erf)  }
0x2de: {  	v1 =	vmul.f32 v3, v1  }
0x2df: {  	v2 =	vmul.f32 v2, v3  }
0x2e0: {  	[tilespmem:s1+$0xFFFFFFF0] =	vst v1  }
0x2e1: {  	s21 =	simm.s32 $0x0;
	s25 =	rddreg [dreg:$0xe];
	s23 =	simm.s32 $0x1DC00;
	[tilespmem:s1+$0x0] =	vst v2  }
0x2e2: {  	[hbm4b:s25+s21] =	stream.linear.scatter [tilespmem:s23], [sflag:$0xB], $0x1000, $0x38;
	[tilespmem:$0x1FC00] =	vst v63  }
0x2e3: {  	_ =	swait.ge [sflag:s30], $0x1000  }
0x2e4: {  	[sflag:s30] =	ssyncset.done $0x0  }
0x2e5: {  	[sflag:s30] =	ssyncadd.s32 $0xFFFFF000  }
0x2e6: {  	[tilespmem:s23], [sflag:$0xB] =	stream.linear.gather [spmem:s24], $0x1000, $0x38;
	[tilespmem:$0x1FC00] =	vst v63  }
0x2e7: {  	_ =	swait.ge [sflag:s30], $0x1000  }
0x2e8: {  	[sflag:s30] =	ssyncset.done $0x0  }
0x2e9: {  	s28 =	simm.s32 $0x0;
	[sflag:s30] =	ssyncadd.s32 $0xFFFFF000  }
0x2ea: {  	v1 =	vld [tilespmem:s28+$0x1BC80];
	_ =	sdelay $0x4  }
0x2eb: {  	(erf) = vrcp.f32 v1;
	_ =	sdelay $0x3  }
0x2ec: {  	s21 =	simm.s32 $0x1DC10  }
0x2ed: {  	v1 =	vld [tilespmem:s21+$0xFFFFFFF0]  }
0x2ee: {  	v2 =	vld [tilespmem:s21+$0x0];
	_ =	sdelay $0x2  }
0x2ef: {  	v3 =	vpop (erf)  }
0x2f0: {  	v1 =	vmul.f32 v3, v1  }
0x2f1: {  	v2 =	vmul.f32 v2, v3  }
0x2f2: {  	[tilespmem:s21+$0xFFFFFFF0] =	vst v1  }
0x2f3: {  	s25 =	simm.s32 $0x10;
	s23 =	simm.s32 $0x80;
	[tilespmem:s21+$0x0] =	vst v2  }
.LBB2_32:
0x2f4: {  	p0 =	sne.s32 s23, $0x1FC0;
	v1 =	vld [tilespmem:s25+$0x1BC80];
	_ =	sdelay $0x4  }
0x2f5: {  	(erf) = vrcp.f32 v1;
	_ =	sdelay $0x2  }
0x2f6: {  	s21 =	sadd.s32 $0x20, s21  }
0x2f7: {  	v1 =	vld [tilespmem:s21+$0xFFFFFFF0]  }
0x2f8: {  	v2 =	vld [tilespmem:s21+$0x0];
	_ =	sdelay $0x3  }
.Ltmp15:
0x2f9: {  	v3 =	vpop (erf);
	(pc) =	sbr.rel @p0 .LBB2_32-.Ltmp15, $3  }
0x2fa: {  	v1 =	vmul.f32 v3, v1;
	v2 =	vmul.f32 v2, v3;
	_ =	sdelay $0x1  }
0x2fb: {  	[tilespmem:s21+$0xFFFFFFF0] =	vst v1  }
0x2fc: {  	s25 =	sshra.s32 s23, $0x2;
	s23 =	sadd.s32 $0x40, s23;
	[tilespmem:s21+$0x0] =	vst v2  }
0x2fd: {  	v1 =	vld [tilespmem:s25+$0x1BC80];
	_ =	sdelay $0x4  }
0x2fe: {  	(erf) = vrcp.f32 v1;
	_ =	sdelay $0x3  }
0x2ff: {  	s1 =	sadd.s32 $0x20, s21  }
0x300: {  	v1 =	vld [tilespmem:s1+$0xFFFFFFF0]  }
0x301: {  	v2 =	vld [tilespmem:s1+$0x0];
	_ =	sdelay $0x2  }
0x302: {  	v3 =	vpop (erf)  }
0x303: {  	v1 =	vmul.f32 v3, v1  }
0x304: {  	v2 =	vmul.f32 v2, v3  }
0x305: {  	[tilespmem:s1+$0xFFFFFFF0] =	vst v1  }
0x306: {  	s25 =	simm.s32 $0x0;
	s28 =	rddreg [dreg:$0xf];
	s23 =	simm.s32 $0x1DC00;
	[tilespmem:s1+$0x0] =	vst v2  }
0x307: {  	[hbm4b:s28+s25] =	stream.linear.scatter [tilespmem:s23], [sflag:$0xB], $0x1000, $0x38;
	[tilespmem:$0x1FC00] =	vst v63  }
0x308: {  	_ =	swait.ge [sflag:s30], $0x1000  }
0x309: {  	[sflag:s30] =	ssyncset.done $0x0  }
0x30a: {  	s25 =	rddreg [dreg:$0x18];
	[sflag:s30] =	ssyncadd.s32 $0xFFFFF000  }
0x30b: {  	[tilespmem:s23], [sflag:$0xB] =	stream.linear.gather [spmem:s25], $0x1000, $0x38;
	[tilespmem:$0x1FC00] =	vst v63  }
0x30c: {  	_ =	swait.ge [sflag:s30], $0x1000  }
0x30d: {  	[sflag:s30] =	ssyncset.done $0x0  }
0x30e: {  	s28 =	simm.s32 $0x0;
	[sflag:s30] =	ssyncadd.s32 $0xFFFFF000  }
0x30f: {  	v1 =	vld [tilespmem:s28+$0x1C480];
	_ =	sdelay $0x4  }
0x310: {  	(erf) = vrcp.f32 v1;
	_ =	sdelay $0x3  }
0x311: {  	s21 =	simm.s32 $0x1DC10  }
0x312: {  	v1 =	vld [tilespmem:s21+$0xFFFFFFF0]  }
0x313: {  	v2 =	vld [tilespmem:s21+$0x0];
	_ =	sdelay $0x2  }
0x314: {  	v3 =	vpop (erf)  }
0x315: {  	v1 =	vmul.f32 v3, v1  }
0x316: {  	v2 =	vmul.f32 v2, v3  }
0x317: {  	[tilespmem:s21+$0xFFFFFFF0] =	vst v1  }
0x318: {  	s25 =	simm.s32 $0x10;
	s23 =	simm.s32 $0x80;
	[tilespmem:s21+$0x0] =	vst v2  }
.LBB2_34:
0x319: {  	p0 =	sne.s32 s23, $0x1FC0;
	v1 =	vld [tilespmem:s25+$0x1C480];
	_ =	sdelay $0x4  }
0x31a: {  	(erf) = vrcp.f32 v1;
	_ =	sdelay $0x2  }
0x31b: {  	s21 =	sadd.s32 $0x20, s21  }
0x31c: {  	v1 =	vld [tilespmem:s21+$0xFFFFFFF0]  }
0x31d: {  	v2 =	vld [tilespmem:s21+$0x0];
	_ =	sdelay $0x3  }
.Ltmp16:
0x31e: {  	v3 =	vpop (erf);
	(pc) =	sbr.rel @p0 .LBB2_34-.Ltmp16, $3  }
0x31f: {  	v1 =	vmul.f32 v3, v1;
	v2 =	vmul.f32 v2, v3;
	_ =	sdelay $0x1  }
0x320: {  	[tilespmem:s21+$0xFFFFFFF0] =	vst v1  }
0x321: {  	s25 =	sshra.s32 s23, $0x2;
	s23 =	sadd.s32 $0x40, s23;
	[tilespmem:s21+$0x0] =	vst v2  }
0x322: {  	v1 =	vld [tilespmem:s25+$0x1C480];
	_ =	sdelay $0x4  }
0x323: {  	(erf) = vrcp.f32 v1;
	_ =	sdelay $0x3  }
0x324: {  	s1 =	sadd.s32 $0x20, s21  }
0x325: {  	v1 =	vld [tilespmem:s1+$0xFFFFFFF0]  }
0x326: {  	v2 =	vld [tilespmem:s1+$0x0];
	_ =	sdelay $0x2  }
0x327: {  	v3 =	vpop (erf)  }
0x328: {  	v1 =	vmul.f32 v3, v1  }
0x329: {  	v2 =	vmul.f32 v2, v3  }
0x32a: {  	[tilespmem:s1+$0xFFFFFFF0] =	vst v1  }
0x32b: {  	s25 =	simm.s32 $0x0;
	s28 =	rddreg [dreg:$0x10];
	s23 =	simm.s32 $0x1DC00;
	[tilespmem:s1+$0x0] =	vst v2  }
0x32c: {  	[hbm4b:s28+s25] =	stream.linear.scatter [tilespmem:s23], [sflag:$0xB], $0x1000, $0x38;
	[tilespmem:$0x1FC00] =	vst v63  }
0x32d: {  	_ =	swait.ge [sflag:s30], $0x1000  }
0x32e: {  	[sflag:s30] =	ssyncset.done $0x0  }
0x32f: {  	s25 =	rddreg [dreg:$0x1a];
	[sflag:s30] =	ssyncadd.s32 $0xFFFFF000  }
0x330: {  	[tilespmem:s23], [sflag:$0xB] =	stream.linear.gather [spmem:s25], $0x1000, $0x38;
	[tilespmem:$0x1FC00] =	vst v63  }
0x331: {  	_ =	swait.ge [sflag:s30], $0x1000  }
0x332: {  	[sflag:s30] =	ssyncset.done $0x0  }
0x333: {  	s28 =	simm.s32 $0x0;
	[sflag:s30] =	ssyncadd.s32 $0xFFFFF000  }
0x334: {  	v1 =	vld [tilespmem:s28+$0x1CC80];
	_ =	sdelay $0x4  }
0x335: {  	(erf) = vrcp.f32 v1;
	_ =	sdelay $0x3  }
0x336: {  	s21 =	simm.s32 $0x1DC10  }
0x337: {  	v1 =	vld [tilespmem:s21+$0xFFFFFFF0]  }
0x338: {  	v2 =	vld [tilespmem:s21+$0x0];
	_ =	sdelay $0x2  }
0x339: {  	v3 =	vpop (erf)  }
0x33a: {  	v1 =	vmul.f32 v3, v1  }
0x33b: {  	v2 =	vmul.f32 v2, v3  }
0x33c: {  	[tilespmem:s21+$0xFFFFFFF0] =	vst v1  }
0x33d: {  	s25 =	simm.s32 $0x10;
	s23 =	simm.s32 $0x80;
	[tilespmem:s21+$0x0] =	vst v2  }
.LBB2_36:
0x33e: {  	p0 =	sne.s32 s23, $0x1FC0;
	v1 =	vld [tilespmem:s25+$0x1CC80];
	_ =	sdelay $0x4  }
0x33f: {  	(erf) = vrcp.f32 v1;
	_ =	sdelay $0x2  }
0x340: {  	s21 =	sadd.s32 $0x20, s21  }
0x341: {  	v1 =	vld [tilespmem:s21+$0xFFFFFFF0]  }
0x342: {  	v2 =	vld [tilespmem:s21+$0x0];
	_ =	sdelay $0x3  }
.Ltmp17:
0x343: {  	v3 =	vpop (erf);
	(pc) =	sbr.rel @p0 .LBB2_36-.Ltmp17, $3  }
0x344: {  	v1 =	vmul.f32 v3, v1;
	v2 =	vmul.f32 v2, v3;
	_ =	sdelay $0x1  }
0x345: {  	[tilespmem:s21+$0xFFFFFFF0] =	vst v1  }
0x346: {  	s25 =	sshra.s32 s23, $0x2;
	s23 =	sadd.s32 $0x40, s23;
	[tilespmem:s21+$0x0] =	vst v2  }
0x347: {  	v1 =	vld [tilespmem:s25+$0x1CC80];
	_ =	sdelay $0x4  }
0x348: {  	(erf) = vrcp.f32 v1;
	_ =	sdelay $0x3  }
0x349: {  	s1 =	sadd.s32 $0x20, s21  }
0x34a: {  	v1 =	vld [tilespmem:s1+$0xFFFFFFF0]  }
0x34b: {  	v2 =	vld [tilespmem:s1+$0x0];
	_ =	sdelay $0x2  }
0x34c: {  	v3 =	vpop (erf)  }
0x34d: {  	v1 =	vmul.f32 v3, v1  }
0x34e: {  	v2 =	vmul.f32 v2, v3  }
0x34f: {  	[tilespmem:s1+$0xFFFFFFF0] =	vst v1  }
0x350: {  	s25 =	simm.s32 $0x0;
	s28 =	rddreg [dreg:$0x11];
	s23 =	simm.s32 $0x1DC00;
	[tilespmem:s1+$0x0] =	vst v2  }
0x351: {  	[hbm4b:s28+s25] =	stream.linear.scatter [tilespmem:s23], [sflag:$0xB], $0x1000, $0x38;
	[tilespmem:$0x1FC00] =	vst v63  }
0x352: {  	_ =	swait.ge [sflag:s30], $0x1000  }
0x353: {  	[sflag:s30] =	ssyncset.done $0x0  }
0x354: {  	s25 =	rddreg [dreg:$0x1c];
	[sflag:s30] =	ssyncadd.s32 $0xFFFFF000  }
0x355: {  	[tilespmem:s23], [sflag:$0xB] =	stream.linear.gather [spmem:s25], $0xF00, $0x38;
	[tilespmem:$0x1FC00] =	vst v63  }
0x356: {  	_ =	swait.ge [sflag:s30], $0xF00  }
0x357: {  	[sflag:s30] =	ssyncset.done $0x0  }
0x358: {  	s28 =	simm.s32 $0x0;
	[sflag:s30] =	ssyncadd.s32 $0xFFFFF100  }
0x359: {  	v1 =	vld [tilespmem:s28+$0x1D480];
	_ =	sdelay $0x4  }
0x35a: {  	(erf) = vrcp.f32 v1;
	_ =	sdelay $0x3  }
0x35b: {  	s21 =	simm.s32 $0x1DC10  }
0x35c: {  	v1 =	vld [tilespmem:s21+$0xFFFFFFF0]  }
0x35d: {  	v2 =	vld [tilespmem:s21+$0x0];
	_ =	sdelay $0x2  }
0x35e: {  	v3 =	vpop (erf)  }
0x35f: {  	v1 =	vmul.f32 v3, v1  }
0x360: {  	v2 =	vmul.f32 v2, v3  }
0x361: {  	[tilespmem:s21+$0xFFFFFFF0] =	vst v1  }
0x362: {  	s25 =	simm.s32 $0x10;
	s23 =	simm.s32 $0x80;
	[tilespmem:s21+$0x0] =	vst v2  }
.LBB2_38:
0x363: {  	p0 =	sne.s32 s23, $0x1DC0;
	v1 =	vld [tilespmem:s25+$0x1D480];
	_ =	sdelay $0x4  }
0x364: {  	(erf) = vrcp.f32 v1;
	_ =	sdelay $0x2  }
0x365: {  	s21 =	sadd.s32 $0x20, s21  }
0x366: {  	v1 =	vld [tilespmem:s21+$0xFFFFFFF0]  }
0x367: {  	v2 =	vld [tilespmem:s21+$0x0];
	_ =	sdelay $0x3  }
.Ltmp18:
0x368: {  	v3 =	vpop (erf);
	(pc) =	sbr.rel @p0 .LBB2_38-.Ltmp18, $3  }
0x369: {  	v1 =	vmul.f32 v3, v1;
	v2 =	vmul.f32 v2, v3;
	_ =	sdelay $0x1  }
0x36a: {  	[tilespmem:s21+$0xFFFFFFF0] =	vst v1  }
0x36b: {  	s25 =	sshra.s32 s23, $0x2;
	s23 =	sadd.s32 $0x40, s23;
	[tilespmem:s21+$0x0] =	vst v2  }
0x36c: {  	v1 =	vld [tilespmem:s25+$0x1D480];
	_ =	sdelay $0x4  }
0x36d: {  	(erf) = vrcp.f32 v1;
	_ =	sdelay $0x3  }
0x36e: {  	s1 =	sadd.s32 $0x20, s21  }
0x36f: {  	v1 =	vld [tilespmem:s1+$0xFFFFFFF0]  }
0x370: {  	v2 =	vld [tilespmem:s1+$0x0];
	_ =	sdelay $0x2  }
0x371: {  	v3 =	vpop (erf)  }
0x372: {  	v1 =	vmul.f32 v3, v1  }
0x373: {  	v2 =	vmul.f32 v2, v3  }
0x374: {  	[tilespmem:s1+$0xFFFFFFF0] =	vst v1  }
0x375: {  	s21 =	rddreg [dreg:$0x12];
	s23 =	simm.s32 $0x1DC00;
	[tilespmem:s1+$0x0] =	vst v2  }
0x376: {  	[hbm4b:s21+s4] =	stream.linear.scatter [tilespmem:s23], [sflag:$0xB], $0xF00, $0x38;
	[tilespmem:$0x1FC00] =	vst v63  }
0x377: {  	_ =	swait.ge [sflag:s30], $0xF00  }
0x378: {  	s25 =	rddreg [dreg:$0x1e]  }
0x379: {  	s28 =	rddreg [dreg:$0x1d];
	s21 =	sadd.s32 $0x1, s25  }
0x37a: {  	p0 =	sne.s32 s21, s28  }
.Ltmp19:
0x37b: {  	_ = 	snop;
	(pc) =	sbr.rel @p0 .LBB2_1-.Ltmp19, $3  }
0x37c: {  	_ =	sdelay $0x1  }
0x37d: {  	[sflag:s30] =	ssyncset.done $0x0  }
0x37e: {  	[sflag:s30] =	ssyncadd.s32 $0xFFFFF100  }
0x37f: {  	_ =	sfence.sel $0x180000  }
0x380: {  	[bflag:$0x0] =	sbarrier.arrive $0xFFFF  }
0x381: {  	_ =	strace $0x9000004A  }
0x382: {  	s0 =	stileid.u32;
	[bflag:$0x2] =	sbarrier.arrive $0xFFFF  }
0x383: {  	p0 =	sne.s32 s0, $0x0;
	s0 =	rddreg [dreg:$0x4]  }
0x384: {  	s0 =	sadd.s32 @!p0 $0x100000, s0  }
0x385: {  	[sflag:s0] =	ssyncadd.tile.s32 @!p0 $0x1;
	_ =	shalt  }
.Lfunc_end2:
_tile_overlayer_lowered:
.L_overlay_start_2:
0x386: {  	(tag) =	ssettag $0x2  }
0x387: {  	s0 =	rddreg [dreg:$0x0];
	s2 =	stileid.u32  }
0x388: {  	s1 =	rddreg [dreg:$0x1];
	p0 =	sne.s32 s2, $0x0  }
0x389: {  	s3 =	rddreg [dreg:$0x2];
	[bflag:$0x3] =	sbarrier.arrive $0xFFFF;
	s2 =	simm.s32 @!p0 $0x1C0B  }
0x38a: {  	[timem:s3], [sflag:s2] =	dma.local @!p0 [hbm:s0], s1  }
0x38b: {  	s0 =	simm.s32 @!p0 $0xB  }
0x38c: {  	_ =	swait.ge @!p0 [sflag:s0], s1  }
0x38d: {  	s1 =	ssub.s32 @!p0 $0x0, s1;
	[sflag:s0] =	ssyncset.done @!p0 $0x0  }
0x38e: {  	[sflag:s0] =	ssyncadd.s32 @!p0 s1  }
0x38f: {  	[bflag:$0x3] =	sbarrier.arrive $0xFFFF  }
0x390: {  	_ =	shalt  }

</sc_bundles>
